<compile_context>
chip_gen: v7x
topology: tpu7x:2x2x1
jax: 0.10.2.dev20260603
libtpu: 0.0.44.dev20260713+nightly
codegen_flags: <defaults>
</compile_context>

<pallas_src>
import functools

import jax
import jax.numpy as jnp
from jax import lax
from jax.experimental import pallas as pl
from jax.experimental.pallas import tpu as pltpu
from jax.experimental.pallas import tpu_sc as plsc

NC = 2
NS = 16
NW = NC * NS
L = 16

K = 16
NBUF = 2


def _build_sc_call(B, T, D, R):
    RPW = (B * R) // NW
    WPB = NW // B
    CH = RPW // K
    mesh = plsc.VectorSubcoreMesh(
        core_axis_name="c", subcore_axis_name="s",
        num_cores=NC, num_subcores=NS)

    @functools.partial(
        pl.kernel,
        mesh=mesh,
        out_type=jax.ShapeDtypeStruct(((R + 1) * B, D), jnp.float32),
        scratch_types=[
            pltpu.VMEM((RPW,), jnp.int32),
            pltpu.VMEM((RPW,), jnp.int32),
            pltpu.VMEM((RPW,), jnp.int32),
            pltpu.VMEM((NBUF, K, D), jnp.float32),
            pltpu.VMEM((NBUF, K, D), jnp.float32),
            pltpu.VMEM((NBUF, K, D), jnp.float32),
            pltpu.VMEM((K,), jnp.int32),
            pltpu.VMEM((K,), jnp.int32),
            pltpu.VMEM((L,), jnp.int32),
            pltpu.VMEM((L, D), jnp.float32),
            pltpu.VMEM((D,), jnp.float32),
            pltpu.VMEM((D,), jnp.float32),
            pltpu.SemaphoreType.DMA,
            pltpu.SemaphoreType.DMA,
            pltpu.SemaphoreType.DMA,
            pltpu.SemaphoreType.DMA,
            pltpu.SemaphoreType.DMA,
            pltpu.SemaphoreType.DMA,
            pltpu.SemaphoreType.DMA,
        ],
    )
    def sc_call(data_hbm, pos_hbm, idx_hbm, gt_hbm, out_hbm,
                idx_all, didx, pidx, bufA, bufB, bufC,
                oidx0, oidx1, gt_oidx, gtrows, gtbuf, posbuf,
                sA0, sA1, sB0, sB1, sW0, sW1, sG):
        sA = (sA0, sA1)
        sB = (sB0, sB1)
        sW = (sW0, sW1)
        oidx = (oidx0, oidx1)
        w = lax.axis_index("s") * NC + lax.axis_index("c")
        b = w // WPB
        half = w % WPB
        out_row0 = 1 + half * RPW

        pltpu.sync_copy(idx_hbm.at[b, pl.ds(half * RPW, RPW)], idx_all)

        def idx_body(t, carry):
            sl = pl.ds(t * L, L)
            v = idx_all[sl]
            didx[sl] = v + b * T
            pidx[sl] = v + 1
            return carry
        lax.fori_loop(0, RPW // L, idx_body, None)

        @pl.when(half == 0)
        def _():
            pltpu.sync_copy(gt_hbm.at[0], gtbuf)
            pltpu.sync_copy(pos_hbm.at[0], posbuf)
            gt_oidx[pl.ds(0, L)] = lax.iota(jnp.int32, L) * 0 + b

            def gt_body(i, carry):
                for j in range(D // L):
                    sl = pl.ds(j * L, L)
                    gtrows[i, sl] = gtbuf[sl] + posbuf[sl]
                return carry
            lax.fori_loop(0, L, gt_body, None)
            pltpu.async_copy(gtrows, out_hbm.at[gt_oidx], sG)

        def issue_gathers(c, s):
            pltpu.async_copy(
                data_hbm.at[didx.at[pl.ds(c * K, K)]], bufA.at[s], sA[s])
            pltpu.async_copy(
                pos_hbm.at[pidx.at[pl.ds(c * K, K)]], bufB.at[s], sB[s])

        for s in range(NBUF):
            issue_gathers(s, s)

        def outer(g, carry):
            for s in range(NBUF):
                c = g * NBUF + s
                pltpu.make_async_copy(
                    data_hbm.at[didx.at[pl.ds(c * K, K)]],
                    bufA.at[s], sA[s]).wait()
                pltpu.make_async_copy(
                    pos_hbm.at[pidx.at[pl.ds(c * K, K)]],
                    bufB.at[s], sB[s]).wait()

                @pl.when(g > 0)
                def _():
                    pltpu.make_async_copy(
                        bufC.at[s], out_hbm.at[oidx[s]], sW[s]).wait()

                def row_body(i, rc):
                    for j in range(D // L):
                        sl = pl.ds(j * L, L)
                        bufC[s, i, sl] = bufA[s, i, sl] + bufB[s, i, sl]
                    return rc
                lax.fori_loop(0, K, row_body, None)

                for t in range(K // L):
                    sl = pl.ds(t * L, L)
                    oidx[s][sl] = ((out_row0 + c * K + t * L) * B + b
                                   ) + lax.iota(jnp.int32, L) * B
                pltpu.async_copy(bufC.at[s], out_hbm.at[oidx[s]], sW[s])

                @pl.when(c + NBUF < CH)
                def _():
                    issue_gathers(c + NBUF, s)
            return carry
        lax.fori_loop(0, CH // NBUF, outer, None)

        for s in range(NBUF):
            pltpu.make_async_copy(
                bufC.at[s], out_hbm.at[oidx[s]], sW[s]).wait()

        @pl.when(half == 0)
        def _():
            pltpu.make_async_copy(gtrows, out_hbm.at[gt_oidx], sG).wait()

    return sc_call


@jax.jit
def kernel(data, temporal_pos_enc, remain_idx, global_token):
    B, T, D = data.shape
    R = remain_idx.shape[1]
    data_flat = data.reshape(B * T, D)
    pos = temporal_pos_enc[:T + 1]
    idx2d = remain_idx.astype(jnp.int32)
    sc_call = _build_sc_call(B, T, D, R)
    out_rb = sc_call(data_flat, pos, idx2d, global_token)
    return out_rb.reshape(R + 1, B, D).transpose(1, 0, 2)

# --- scband reference (transcript-rebuilt; emitter-appended) ---
"""Pipeline reference for scband-temporal-remain-4715874091542 (READ-ONLY COPY).

The authoritative reference and input builder live on the scoring server;
editing this copy changes nothing except your own understanding.
"""

import jax, jax.numpy as jnp
import numpy as np


def setup_inputs(seed: int = 0) -> dict:
    key = jax.random.key(seed)
    k1, k2, k3, k4 = jax.random.split(key, 4)
    B, T, D = 16, 2048, 1024
    R = 1024
    data = jax.random.normal(k1, (B, T, D), dtype=jnp.float32)
    temporal_pos_enc = jax.random.normal(k2, (T + 1, D), dtype=jnp.float32)
    remain_idx = jax.random.randint(k3, (B, R), 0, T, dtype=jnp.int64)
    global_token = jax.random.uniform(k4, (1, D), dtype=jnp.float32)
    return {
        'data': data,
        'temporal_pos_enc': temporal_pos_enc,
        'remain_idx': remain_idx,
        'global_token': global_token,
    }


def reference(data, temporal_pos_enc, remain_idx, global_token):
    B, T, D = data.shape
    R = remain_idx.shape[1]
    pos_enc = temporal_pos_enc[:T + 1, :]
    data = data + pos_enc[1:, :]
    idx = jnp.broadcast_to(remain_idx[:, :, None], (B, R, D))
    gathered = jnp.take_along_axis(data, idx, axis=1)
    gt = global_token[None, :, :]  # (1, 1, D)
    gt = jnp.broadcast_to(gt, (B, 1, D))
    gt = gt + pos_enc[0, :]
    out = jnp.concatenate([gt, gathered], axis=1)
    return out

if __name__ == "__main__":
    import jax
    _d = setup_inputs()
    print(jax.jit(kernel)(*tuple(_d.values())))

</pallas_src>

<mosaic_0001>
#map = affine_map<(d0, d1) -> (0, 0)>
module attributes {stable_mosaic.version = 14 : i64} {
  func.func @sc_call(%arg0: i32, %arg1: i32, %arg2: memref<32768x1024xf32, #tpu.memory_space<hbm>>, %arg3: memref<2049x1024xf32, #tpu.memory_space<hbm>>, %arg4: memref<16x1024xi32, #tpu.memory_space<hbm>>, %arg5: memref<1x1024xf32, #tpu.memory_space<hbm>>, %arg6: memref<16400x1024xf32, #tpu.memory_space<hbm>>, %arg7: memref<512xi32, #tpu.memory_space<vmem>>, %arg8: memref<512xi32, #tpu.memory_space<vmem>>, %arg9: memref<512xi32, #tpu.memory_space<vmem>>, %arg10: memref<2x16x1024xf32, #tpu.memory_space<vmem>>, %arg11: memref<2x16x1024xf32, #tpu.memory_space<vmem>>, %arg12: memref<2x16x1024xf32, #tpu.memory_space<vmem>>, %arg13: memref<16xi32, #tpu.memory_space<vmem>>, %arg14: memref<16xi32, #tpu.memory_space<vmem>>, %arg15: memref<16xi32, #tpu.memory_space<vmem>>, %arg16: memref<16x1024xf32, #tpu.memory_space<vmem>>, %arg17: memref<1024xf32, #tpu.memory_space<vmem>>, %arg18: memref<1024xf32, #tpu.memory_space<vmem>>, %arg19: memref<!tpu.dma_semaphore, #tpu.memory_space<semaphore_mem>>, %arg20: memref<!tpu.dma_semaphore, #tpu.memory_space<semaphore_mem>>, %arg21: memref<!tpu.dma_semaphore, #tpu.memory_space<semaphore_mem>>, %arg22: memref<!tpu.dma_semaphore, #tpu.memory_space<semaphore_mem>>, %arg23: memref<!tpu.dma_semaphore, #tpu.memory_space<semaphore_mem>>, %arg24: memref<!tpu.dma_semaphore, #tpu.memory_space<semaphore_mem>>, %arg25: memref<!tpu.dma_semaphore, #tpu.memory_space<semaphore_mem>>) attributes {dimension_semantics = [#tpu.dimension_semantics<core_parallel>, #tpu.dimension_semantics<subcore_parallel>], iteration_bounds = array<i64: 2, 16>, scalar_prefetch = 0 : i64, scratch_operands = 19 : i64, tpu.core_type = #tpu.core_type<sc_vector_subcore>, window_params = [{transform_indices = #map}, {transform_indices = #map}, {transform_indices = #map}, {transform_indices = #map}, {transform_indices = #map}]} {
    %mul3A = arith.constant 2 : i32
    %mul3A_0 = arith.muli %arg1, %mul3A : i32
    %add3A = arith.addi %mul3A_0, %arg0 : i32
    %jit3A = arith.constant 2 : i32
    %div3A = arith.divsi %add3A, %jit3A : i32
    %sign3A = arith.constant 0 : i32
    %sign3A_1 = arith.cmpi sgt, %add3A, %sign3A : i32
    %sign3A_2 = arith.extui %sign3A_1 : i1 to i32
    %sign3A_3 = arith.constant 0 : i32
    %sign3A_4 = arith.cmpi slt, %add3A, %sign3A_3 : i32
    %sign3A_5 = arith.extui %sign3A_4 : i1 to i32
    %sign3A_6 = arith.subi %sign3A_2, %sign3A_5 : i32
    %sign3A_7 = arith.constant 0 : i32
    %sign3A_8 = arith.cmpi sgt, %jit3A, %sign3A_7 : i32
    %sign3A_9 = arith.extui %sign3A_8 : i1 to i32
    %sign3A_10 = arith.constant 0 : i32
    %sign3A_11 = arith.cmpi slt, %jit3A, %sign3A_10 : i32
    %sign3A_12 = arith.extui %sign3A_11 : i1 to i32
    %sign3A_13 = arith.subi %sign3A_9, %sign3A_12 : i32
    %ne3A = arith.cmpi ne, %sign3A_6, %sign3A_13 : i32
    %rem3A = arith.remsi %add3A, %jit3A : i32
    %ne3A_14 = arith.constant 0 : i32
    %ne3A_15 = arith.cmpi ne, %rem3A, %ne3A_14 : i32
    %and3A = arith.andi %ne3A, %ne3A_15 : i1
    %sub3A = arith.constant 1 : i32
    %sub3A_16 = arith.subi %div3A, %sub3A : i32
    %select_n3A = arith.select %and3A, %sub3A_16, %div3A : i32
    %jit3A_17 = arith.constant 2 : i32
    %eq3A = arith.constant 0 : i32
    %eq3A_18 = arith.cmpi eq, %jit3A_17, %eq3A : i32
    %jit3A_19 = arith.constant 1 : i32
    %select_n3A_20 = arith.select %eq3A_18, %jit3A_19, %jit3A_17 : i32
    %rem3A_21 = arith.remsi %add3A, %select_n3A_20 : i32
    %ne3A_22 = arith.constant 0 : i32
    %ne3A_23 = arith.cmpi ne, %rem3A_21, %ne3A_22 : i32
    %lt3A = arith.constant 0 : i32
    %lt3A_24 = arith.cmpi slt, %rem3A_21, %lt3A : i32
    %lt3A_25 = arith.constant 0 : i32
    %lt3A_26 = arith.cmpi slt, %select_n3A_20, %lt3A_25 : i32
    %ne3A_27 = arith.xori %lt3A_24, %lt3A_26 : i1
    %and3A_28 = arith.andi %ne3A_27, %ne3A_23 : i1
    %add3A_29 = arith.addi %rem3A_21, %select_n3A_20 : i32
    %select_n3A_30 = arith.select %and3A_28, %add3A_29, %rem3A_21 : i32
    %mul3A_31 = arith.constant 512 : i32
    %mul3A_32 = arith.muli %select_n3A_30, %mul3A_31 : i32
    %add3A_33 = arith.constant 1 : i32
    %add3A_34 = arith.addi %add3A_33, %mul3A_32 : i32
    %mul3A_35 = arith.constant 512 : i32
    %mul3A_36 = arith.muli %select_n3A_30, %mul3A_35 : i32
    "tpu.region"() ({
      %run_scoped3A = tpu.sem_alloc : memref<!tpu.dma_semaphore, #tpu.memory_space<semaphore_mem>>
      %dma_start3A_108 = tpu.memref_slice %arg4[%select_n3A, %mul3A_36] : memref<16x1024xi32, #tpu.memory_space<hbm>> -> memref<1x512xi32, #tpu.memory_space<hbm>>
      %dma_start3A_109 = tpu.memref_squeeze %dma_start3A_108 : memref<1x512xi32, #tpu.memory_space<hbm>> -> memref<512xi32, #tpu.memory_space<hbm>>
      %dma_start3A_110 = tpu.memref_slice %arg4[%select_n3A, %mul3A_36] : memref<16x1024xi32, #tpu.memory_space<hbm>> -> memref<1x512xi32, #tpu.memory_space<hbm>>
      %dma_start3A_111 = tpu.memref_squeeze %dma_start3A_110 : memref<1x512xi32, #tpu.memory_space<hbm>> -> memref<512xi32, #tpu.memory_space<hbm>>
      tpu.enqueue_dma source(%dma_start3A_111 : memref<512xi32, #tpu.memory_space<hbm>>) target(%arg7 : memref<512xi32, #tpu.memory_space<vmem>>) target_semaphore(%run_scoped3A : memref<!tpu.dma_semaphore, #tpu.memory_space<semaphore_mem>>)
      %dma_wait3A_112 = tpu.memref_slice %arg4[%select_n3A, %mul3A_36] : memref<16x1024xi32, #tpu.memory_space<hbm>> -> memref<1x512xi32, #tpu.memory_space<hbm>>
      %dma_wait3A_113 = tpu.memref_squeeze %dma_wait3A_112 : memref<1x512xi32, #tpu.memory_space<hbm>> -> memref<512xi32, #tpu.memory_space<hbm>>
      %dma_wait3A_114 = tpu.memref_slice %arg4[%select_n3A, %mul3A_36] : memref<16x1024xi32, #tpu.memory_space<hbm>> -> memref<1x512xi32, #tpu.memory_space<hbm>>
      %dma_wait3A_115 = tpu.memref_squeeze %dma_wait3A_114 : memref<1x512xi32, #tpu.memory_space<hbm>> -> memref<512xi32, #tpu.memory_space<hbm>>
      tpu.wait_dma2 semaphore(%run_scoped3A : memref<!tpu.dma_semaphore, #tpu.memory_space<semaphore_mem>>) src(%dma_wait3A_115 : memref<512xi32, #tpu.memory_space<hbm>>) dst(%arg7 : memref<512xi32, #tpu.memory_space<vmem>>)
      tpu.yield
    }) : () -> ()
    %scan3A = arith.constant 0 : i32
    %scan3A_37 = arith.constant 32 : i32
    %scan3A_38 = arith.addi %scan3A, %scan3A_37 : i32
    %scan3A_39 = arith.constant 1 : i32
    scf.for %scan3A_108 = %scan3A to %scan3A_38 step %scan3A_39  : i32 {
      %mul3A_109 = arith.constant 16 : i32
      %mul3A_110 = arith.muli %scan3A_108, %mul3A_109 : i32
      %get3A = arith.index_cast %mul3A_110 : i32 to index
      %get3A_111 = tpu.vector_load %arg7[%get3A] {strides = array<i32>} : memref<512xi32, #tpu.memory_space<vmem>>, vector<16xi32>,
      %get3A_112 = vector.shape_cast %get3A_111 : vector<16xi32> to vector<16xi32>
      %mul3A_113 = arith.constant 2048 : i32
      %mul3A_114 = arith.muli %select_n3A, %mul3A_113 : i32
      %add3A_115 = vector.broadcast %mul3A_114 : i32 to vector<16xi32>
      %add3A_116 = arith.addi %get3A_112, %add3A_115 : vector<16xi32>
      %swap3A = arith.index_cast %mul3A_110 : i32 to index
      %swap3A_117 = tpu.vector_load %arg8[%swap3A] {strides = array<i32>} : memref<512xi32, #tpu.memory_space<vmem>>, vector<16xi32>,
      %swap3A_118 = vector.shape_cast %swap3A_117 : vector<16xi32> to vector<16xi32>
      %swap3A_119 = vector.shape_cast %add3A_116 : vector<16xi32> to vector<16xi32>
      tpu.vector_store %arg8[%swap3A], %swap3A_119 {strides = array<i32>} : memref<512xi32, #tpu.memory_space<vmem>>, vector<16xi32>,
      %add3A_120 = arith.constant 1 : i32
      %add3A_121 = vector.broadcast %add3A_120 : i32 to vector<16xi32>
      %add3A_122 = arith.addi %get3A_112, %add3A_121 : vector<16xi32>
      %swap3A_123 = arith.index_cast %mul3A_110 : i32 to index
      %swap3A_124 = tpu.vector_load %arg9[%swap3A_123] {strides = array<i32>} : memref<512xi32, #tpu.memory_space<vmem>>, vector<16xi32>,
      %swap3A_125 = vector.shape_cast %swap3A_124 : vector<16xi32> to vector<16xi32>
      %swap3A_126 = vector.shape_cast %add3A_122 : vector<16xi32> to vector<16xi32>
      tpu.vector_store %arg9[%swap3A_123], %swap3A_126 {strides = array<i32>} : memref<512xi32, #tpu.memory_space<vmem>>, vector<16xi32>,
    }
    %scan3A_40 = arith.constant 32 : i32
    %eq3A_41 = arith.constant 0 : i32
    %eq3A_42 = arith.cmpi eq, %select_n3A_30, %eq3A_41 : i32
    %convert_element_type3A = arith.extui %eq3A_42 : i1 to i32
    %cond3A = arith.constant 0 : i32
    %cond3A_43 = arith.cmpi ne, %convert_element_type3A, %cond3A : i32
    scf.if %cond3A_43 {
      %run_scoped3A = arith.constant 0 : i32
      "tpu.region"() ({
        %run_scoped3A_125 = tpu.sem_alloc : memref<!tpu.dma_semaphore, #tpu.memory_space<semaphore_mem>>
        %dma_start3A_126 = arith.constant 0 : i32
        %dma_start3A_127 = tpu.memref_slice %arg5[%run_scoped3A, %dma_start3A_126] : memref<1x1024xf32, #tpu.memory_space<hbm>> -> memref<1x1024xf32, #tpu.memory_space<hbm>>
        %dma_start3A_128 = tpu.memref_squeeze %dma_start3A_127 : memref<1x1024xf32, #tpu.memory_space<hbm>> -> memref<1024xf32, #tpu.memory_space<hbm>>
        %dma_start3A_129 = arith.constant 0 : i32
        %dma_start3A_130 = tpu.memref_slice %arg5[%run_scoped3A, %dma_start3A_129] : memref<1x1024xf32, #tpu.memory_space<hbm>> -> memref<1x1024xf32, #tpu.memory_space<hbm>>
        %dma_start3A_131 = tpu.memref_squeeze %dma_start3A_130 : memref<1x1024xf32, #tpu.memory_space<hbm>> -> memref<1024xf32, #tpu.memory_space<hbm>>
        tpu.enqueue_dma source(%dma_start3A_131 : memref<1024xf32, #tpu.memory_space<hbm>>) target(%arg17 : memref<1024xf32, #tpu.memory_space<vmem>>) target_semaphore(%run_scoped3A_125 : memref<!tpu.dma_semaphore, #tpu.memory_space<semaphore_mem>>)
        %dma_wait3A_132 = arith.constant 0 : i32
        %dma_wait3A_133 = tpu.memref_slice %arg5[%run_scoped3A, %dma_wait3A_132] : memref<1x1024xf32, #tpu.memory_space<hbm>> -> memref<1x1024xf32, #tpu.memory_space<hbm>>
        %dma_wait3A_134 = tpu.memref_squeeze %dma_wait3A_133 : memref<1x1024xf32, #tpu.memory_space<hbm>> -> memref<1024xf32, #tpu.memory_space<hbm>>
        %dma_wait3A_135 = arith.constant 0 : i32
        %dma_wait3A_136 = tpu.memref_slice %arg5[%run_scoped3A, %dma_wait3A_135] : memref<1x1024xf32, #tpu.memory_space<hbm>> -> memref<1x1024xf32, #tpu.memory_space<hbm>>
        %dma_wait3A_137 = tpu.memref_squeeze %dma_wait3A_136 : memref<1x1024xf32, #tpu.memory_space<hbm>> -> memref<1024xf32, #tpu.memory_space<hbm>>
        tpu.wait_dma2 semaphore(%run_scoped3A_125 : memref<!tpu.dma_semaphore, #tpu.memory_space<semaphore_mem>>) src(%dma_wait3A_137 : memref<1024xf32, #tpu.memory_space<hbm>>) dst(%arg17 : memref<1024xf32, #tpu.memory_space<vmem>>)
        tpu.yield
      }) : () -> ()
      %run_scoped3A_108 = arith.constant 0 : i32
      "tpu.region"() ({
        %run_scoped3A_125 = tpu.sem_alloc : memref<!tpu.dma_semaphore, #tpu.memory_space<semaphore_mem>>
        %dma_start3A_126 = arith.constant 0 : i32
        %dma_start3A_127 = tpu.memref_slice %arg3[%run_scoped3A_108, %dma_start3A_126] : memref<2049x1024xf32, #tpu.memory_space<hbm>> -> memref<1x1024xf32, #tpu.memory_space<hbm>>
        %dma_start3A_128 = tpu.memref_squeeze %dma_start3A_127 : memref<1x1024xf32, #tpu.memory_space<hbm>> -> memref<1024xf32, #tpu.memory_space<hbm>>
        %dma_start3A_129 = arith.constant 0 : i32
        %dma_start3A_130 = tpu.memref_slice %arg3[%run_scoped3A_108, %dma_start3A_129] : memref<2049x1024xf32, #tpu.memory_space<hbm>> -> memref<1x1024xf32, #tpu.memory_space<hbm>>
        %dma_start3A_131 = tpu.memref_squeeze %dma_start3A_130 : memref<1x1024xf32, #tpu.memory_space<hbm>> -> memref<1024xf32, #tpu.memory_space<hbm>>
        tpu.enqueue_dma source(%dma_start3A_131 : memref<1024xf32, #tpu.memory_space<hbm>>) target(%arg18 : memref<1024xf32, #tpu.memory_space<vmem>>) target_semaphore(%run_scoped3A_125 : memref<!tpu.dma_semaphore, #tpu.memory_space<semaphore_mem>>)
        %dma_wait3A_132 = arith.constant 0 : i32
        %dma_wait3A_133 = tpu.memref_slice %arg3[%run_scoped3A_108, %dma_wait3A_132] : memref<2049x1024xf32, #tpu.memory_space<hbm>> -> memref<1x1024xf32, #tpu.memory_space<hbm>>
        %dma_wait3A_134 = tpu.memref_squeeze %dma_wait3A_133 : memref<1x1024xf32, #tpu.memory_space<hbm>> -> memref<1024xf32, #tpu.memory_space<hbm>>
        %dma_wait3A_135 = arith.constant 0 : i32
        %dma_wait3A_136 = tpu.memref_slice %arg3[%run_scoped3A_108, %dma_wait3A_135] : memref<2049x1024xf32, #tpu.memory_space<hbm>> -> memref<1x1024xf32, #tpu.memory_space<hbm>>
        %dma_wait3A_137 = tpu.memref_squeeze %dma_wait3A_136 : memref<1x1024xf32, #tpu.memory_space<hbm>> -> memref<1024xf32, #tpu.memory_space<hbm>>
        tpu.wait_dma2 semaphore(%run_scoped3A_125 : memref<!tpu.dma_semaphore, #tpu.memory_space<semaphore_mem>>) src(%dma_wait3A_137 : memref<1024xf32, #tpu.memory_space<hbm>>) dst(%arg18 : memref<1024xf32, #tpu.memory_space<vmem>>)
        tpu.yield
      }) : () -> ()
      %iota3A = tpu.iota {dimensions = array<i32: 0>} : vector<16xi32>
      %mul3A_109 = arith.constant 0 : i32
      %mul3A_110 = vector.broadcast %mul3A_109 : i32 to vector<16xi32>
      %mul3A_111 = arith.muli %iota3A, %mul3A_110 : vector<16xi32>
      %add3A_112 = vector.broadcast %select_n3A : i32 to vector<16xi32>
      %add3A_113 = arith.addi %mul3A_111, %add3A_112 : vector<16xi32>
      %swap3A = arith.constant 0 : index
      %swap3A_114 = tpu.vector_load %arg15[%swap3A] {strides = array<i32>} : memref<16xi32, #tpu.memory_space<vmem>>, vector<16xi32>,
      %swap3A_115 = vector.shape_cast %swap3A_114 : vector<16xi32> to vector<16xi32>
      %swap3A_116 = vector.shape_cast %add3A_113 : vector<16xi32> to vector<16xi32>
      tpu.vector_store %arg15[%swap3A], %swap3A_116 {strides = array<i32>} : memref<16xi32, #tpu.memory_space<vmem>>, vector<16xi32>,
      %scan3A_117 = arith.constant 0 : i32
      %scan3A_118 = arith.constant 16 : i32
      %scan3A_119 = arith.addi %scan3A_117, %scan3A_118 : i32
      %scan3A_120 = arith.constant 1 : i32
      scf.for %scan3A_125 = %scan3A_117 to %scan3A_119 step %scan3A_120  : i32 {
        %get3A = arith.constant 0 : index
        %get3A_126 = tpu.vector_load %arg17[%get3A] {strides = array<i32>} : memref<1024xf32, #tpu.memory_space<vmem>>, vector<16xf32>,
        %get3A_127 = vector.shape_cast %get3A_126 : vector<16xf32> to vector<16xf32>
        %get3A_128 = arith.constant 0 : index
        %get3A_129 = tpu.vector_load %arg18[%get3A_128] {strides = array<i32>} : memref<1024xf32, #tpu.memory_space<vmem>>, vector<16xf32>,
        %get3A_130 = vector.shape_cast %get3A_129 : vector<16xf32> to vector<16xf32>
        %add3A_131 = arith.addf %get3A_127, %get3A_130 : vector<16xf32>
        %swap3A_132 = arith.index_cast %scan3A_125 : i32 to index
        %swap3A_133 = arith.constant 0 : index
        %swap3A_134 = tpu.vector_load %arg16[%swap3A_132, %swap3A_133] {strides = array<i32>} : memref<16x1024xf32, #tpu.memory_space<vmem>>, vector<1x16xf32>,
        %swap3A_135 = vector.shape_cast %swap3A_134 : vector<1x16xf32> to vector<16xf32>
        %swap3A_136 = vector.shape_cast %add3A_131 : vector<16xf32> to vector<1x16xf32>
        tpu.vector_store %arg16[%swap3A_132, %swap3A_133], %swap3A_136 {strides = array<i32>} : memref<16x1024xf32, #tpu.memory_space<vmem>>, vector<1x16xf32>,
        %get3A_137 = arith.constant 16 : index
        %get3A_138 = tpu.vector_load %arg17[%get3A_137] {strides = array<i32>} : memref<1024xf32, #tpu.memory_space<vmem>>, vector<16xf32>,
        %get3A_139 = vector.shape_cast %get3A_138 : vector<16xf32> to vector<16xf32>
        %get3A_140 = arith.constant 16 : index
        %get3A_141 = tpu.vector_load %arg18[%get3A_140] {strides = array<i32>} : memref<1024xf32, #tpu.memory_space<vmem>>, vector<16xf32>,
        %get3A_142 = vector.shape_cast %get3A_141 : vector<16xf32> to vector<16xf32>
        %add3A_143 = arith.addf %get3A_139, %get3A_142 : vector<16xf32>
        %swap3A_144 = arith.index_cast %scan3A_125 : i32 to index
        %swap3A_145 = arith.constant 16 : index
        %swap3A_146 = tpu.vector_load %arg16[%swap3A_144, %swap3A_145] {strides = array<i32>} : memref<16x1024xf32, #tpu.memory_space<vmem>>, vector<1x16xf32>,
        %swap3A_147 = vector.shape_cast %swap3A_146 : vector<1x16xf32> to vector<16xf32>
        %swap3A_148 = vector.shape_cast %add3A_143 : vector<16xf32> to vector<1x16xf32>
        tpu.vector_store %arg16[%swap3A_144, %swap3A_145], %swap3A_148 {strides = array<i32>} : memref<16x1024xf32, #tpu.memory_space<vmem>>, vector<1x16xf32>,
        %get3A_149 = arith.constant 32 : index
        %get3A_150 = tpu.vector_load %arg17[%get3A_149] {strides = array<i32>} : memref<1024xf32, #tpu.memory_space<vmem>>, vector<16xf32>,
        %get3A_151 = vector.shape_cast %get3A_150 : vector<16xf32> to vector<16xf32>
        %get3A_152 = arith.constant 32 : index
        %get3A_153 = tpu.vector_load %arg18[%get3A_152] {strides = array<i32>} : memref<1024xf32, #tpu.memory_space<vmem>>, vector<16xf32>,
        %get3A_154 = vector.shape_cast %get3A_153 : vector<16xf32> to vector<16xf32>
        %add3A_155 = arith.addf %get3A_151, %get3A_154 : vector<16xf32>
        %swap3A_156 = arith.index_cast %scan3A_125 : i32 to index
        %swap3A_157 = arith.constant 32 : index
        %swap3A_158 = tpu.vector_load %arg16[%swap3A_156, %swap3A_157] {strides = array<i32>} : memref<16x1024xf32, #tpu.memory_space<vmem>>, vector<1x16xf32>,
        %swap3A_159 = vector.shape_cast %swap3A_158 : vector<1x16xf32> to vector<16xf32>
        %swap3A_160 = vector.shape_cast %add3A_155 : vector<16xf32> to vector<1x16xf32>
        tpu.vector_store %arg16[%swap3A_156, %swap3A_157], %swap3A_160 {strides = array<i32>} : memref<16x1024xf32, #tpu.memory_space<vmem>>, vector<1x16xf32>,
        %get3A_161 = arith.constant 48 : index
        %get3A_162 = tpu.vector_load %arg17[%get3A_161] {strides = array<i32>} : memref<1024xf32, #tpu.memory_space<vmem>>, vector<16xf32>,
        %get3A_163 = vector.shape_cast %get3A_162 : vector<16xf32> to vector<16xf32>
        %get3A_164 = arith.constant 48 : index
        %get3A_165 = tpu.vector_load %arg18[%get3A_164] {strides = array<i32>} : memref<1024xf32, #tpu.memory_space<vmem>>, vector<16xf32>,
        %get3A_166 = vector.shape_cast %get3A_165 : vector<16xf32> to vector<16xf32>
        %add3A_167 = arith.addf %get3A_163, %get3A_166 : vector<16xf32>
        %swap3A_168 = arith.index_cast %scan3A_125 : i32 to index
        %swap3A_169 = arith.constant 48 : index
        %swap3A_170 = tpu.vector_load %arg16[%swap3A_168, %swap3A_169] {strides = array<i32>} : memref<16x1024xf32, #tpu.memory_space<vmem>>, vector<1x16xf32>,
        %swap3A_171 = vector.shape_cast %swap3A_170 : vector<1x16xf32> to vector<16xf32>
        %swap3A_172 = vector.shape_cast %add3A_167 : vector<16xf32> to vector<1x16xf32>
        tpu.vector_store %arg16[%swap3A_168, %swap3A_169], %swap3A_172 {strides = array<i32>} : memref<16x1024xf32, #tpu.memory_space<vmem>>, vector<1x16xf32>,
        %get3A_173 = arith.constant 64 : index
        %get3A_174 = tpu.vector_load %arg17[%get3A_173] {strides = array<i32>} : memref<1024xf32, #tpu.memory_space<vmem>>, vector<16xf32>,
        %get3A_175 = vector.shape_cast %get3A_174 : vector<16xf32> to vector<16xf32>
        %get3A_176 = arith.constant 64 : index
        %get3A_177 = tpu.vector_load %arg18[%get3A_176] {strides = array<i32>} : memref<1024xf32, #tpu.memory_space<vmem>>, vector<16xf32>,
        %get3A_178 = vector.shape_cast %get3A_177 : vector<16xf32> to vector<16xf32>
        %add3A_179 = arith.addf %get3A_175, %get3A_178 : vector<16xf32>
        %swap3A_180 = arith.index_cast %scan3A_125 : i32 to index
        %swap3A_181 = arith.constant 64 : index
        %swap3A_182 = tpu.vector_load %arg16[%swap3A_180, %swap3A_181] {strides = array<i32>} : memref<16x1024xf32, #tpu.memory_space<vmem>>, vector<1x16xf32>,
        %swap3A_183 = vector.shape_cast %swap3A_182 : vector<1x16xf32> to vector<16xf32>
        %swap3A_184 = vector.shape_cast %add3A_179 : vector<16xf32> to vector<1x16xf32>
        tpu.vector_store %arg16[%swap3A_180, %swap3A_181], %swap3A_184 {strides = array<i32>} : memref<16x1024xf32, #tpu.memory_space<vmem>>, vector<1x16xf32>,
        %get3A_185 = arith.constant 80 : index
        %get3A_186 = tpu.vector_load %arg17[%get3A_185] {strides = array<i32>} : memref<1024xf32, #tpu.memory_space<vmem>>, vector<16xf32>,
        %get3A_187 = vector.shape_cast %get3A_186 : vector<16xf32> to vector<16xf32>
        %get3A_188 = arith.constant 80 : index
        %get3A_189 = tpu.vector_load %arg18[%get3A_188] {strides = array<i32>} : memref<1024xf32, #tpu.memory_space<vmem>>, vector<16xf32>,
        %get3A_190 = vector.shape_cast %get3A_189 : vector<16xf32> to vector<16xf32>
        %add3A_191 = arith.addf %get3A_187, %get3A_190 : vector<16xf32>
        %swap3A_192 = arith.index_cast %scan3A_125 : i32 to index
        %swap3A_193 = arith.constant 80 : index
        %swap3A_194 = tpu.vector_load %arg16[%swap3A_192, %swap3A_193] {strides = array<i32>} : memref<16x1024xf32, #tpu.memory_space<vmem>>, vector<1x16xf32>,
        %swap3A_195 = vector.shape_cast %swap3A_194 : vector<1x16xf32> to vector<16xf32>
        %swap3A_196 = vector.shape_cast %add3A_191 : vector<16xf32> to vector<1x16xf32>
        tpu.vector_store %arg16[%swap3A_192, %swap3A_193], %swap3A_196 {strides = array<i32>} : memref<16x1024xf32, #tpu.memory_space<vmem>>, vector<1x16xf32>,
        %get3A_197 = arith.constant 96 : index
        %get3A_198 = tpu.vector_load %arg17[%get3A_197] {strides = array<i32>} : memref<1024xf32, #tpu.memory_space<vmem>>, vector<16xf32>,
        %get3A_199 = vector.shape_cast %get3A_198 : vector<16xf32> to vector<16xf32>
        %get3A_200 = arith.constant 96 : index
        %get3A_201 = tpu.vector_load %arg18[%get3A_200] {strides = array<i32>} : memref<1024xf32, #tpu.memory_space<vmem>>, vector<16xf32>,
        %get3A_202 = vector.shape_cast %get3A_201 : vector<16xf32> to vector<16xf32>
        %add3A_203 = arith.addf %get3A_199, %get3A_202 : vector<16xf32>
        %swap3A_204 = arith.index_cast %scan3A_125 : i32 to index
        %swap3A_205 = arith.constant 96 : index
        %swap3A_206 = tpu.vector_load %arg16[%swap3A_204, %swap3A_205] {strides = array<i32>} : memref<16x1024xf32, #tpu.memory_space<vmem>>, vector<1x16xf32>,
        %swap3A_207 = vector.shape_cast %swap3A_206 : vector<1x16xf32> to vector<16xf32>
        %swap3A_208 = vector.shape_cast %add3A_203 : vector<16xf32> to vector<1x16xf32>
        tpu.vector_store %arg16[%swap3A_204, %swap3A_205], %swap3A_208 {strides = array<i32>} : memref<16x1024xf32, #tpu.memory_space<vmem>>, vector<1x16xf32>,
        %get3A_209 = arith.constant 112 : index
        %get3A_210 = tpu.vector_load %arg17[%get3A_209] {strides = array<i32>} : memref<1024xf32, #tpu.memory_space<vmem>>, vector<16xf32>,
        %get3A_211 = vector.shape_cast %get3A_210 : vector<16xf32> to vector<16xf32>
        %get3A_212 = arith.constant 112 : index
        %get3A_213 = tpu.vector_load %arg18[%get3A_212] {strides = array<i32>} : memref<1024xf32, #tpu.memory_space<vmem>>, vector<16xf32>,
        %get3A_214 = vector.shape_cast %get3A_213 : vector<16xf32> to vector<16xf32>
        %add3A_215 = arith.addf %get3A_211, %get3A_214 : vector<16xf32>
        %swap3A_216 = arith.index_cast %scan3A_125 : i32 to index
        %swap3A_217 = arith.constant 112 : index
        %swap3A_218 = tpu.vector_load %arg16[%swap3A_216, %swap3A_217] {strides = array<i32>} : memref<16x1024xf32, #tpu.memory_space<vmem>>, vector<1x16xf32>,
        %swap3A_219 = vector.shape_cast %swap3A_218 : vector<1x16xf32> to vector<16xf32>
        %swap3A_220 = vector.shape_cast %add3A_215 : vector<16xf32> to vector<1x16xf32>
        tpu.vector_store %arg16[%swap3A_216, %swap3A_217], %swap3A_220 {strides = array<i32>} : memref<16x1024xf32, #tpu.memory_space<vmem>>, vector<1x16xf32>,
        %get3A_221 = arith.constant 128 : index
        %get3A_222 = tpu.vector_load %arg17[%get3A_221] {strides = array<i32>} : memref<1024xf32, #tpu.memory_space<vmem>>, vector<16xf32>,
        %get3A_223 = vector.shape_cast %get3A_222 : vector<16xf32> to vector<16xf32>
        %get3A_224 = arith.constant 128 : index
        %get3A_225 = tpu.vector_load %arg18[%get3A_224] {strides = array<i32>} : memref<1024xf32, #tpu.memory_space<vmem>>, vector<16xf32>,
        %get3A_226 = vector.shape_cast %get3A_225 : vector<16xf32> to vector<16xf32>
        %add3A_227 = arith.addf %get3A_223, %get3A_226 : vector<16xf32>
        %swap3A_228 = arith.index_cast %scan3A_125 : i32 to index
        %swap3A_229 = arith.constant 128 : index
        %swap3A_230 = tpu.vector_load %arg16[%swap3A_228, %swap3A_229] {strides = array<i32>} : memref<16x1024xf32, #tpu.memory_space<vmem>>, vector<1x16xf32>,
        %swap3A_231 = vector.shape_cast %swap3A_230 : vector<1x16xf32> to vector<16xf32>
        %swap3A_232 = vector.shape_cast %add3A_227 : vector<16xf32> to vector<1x16xf32>
        tpu.vector_store %arg16[%swap3A_228, %swap3A_229], %swap3A_232 {strides = array<i32>} : memref<16x1024xf32, #tpu.memory_space<vmem>>, vector<1x16xf32>,
        %get3A_233 = arith.constant 144 : index
        %get3A_234 = tpu.vector_load %arg17[%get3A_233] {strides = array<i32>} : memref<1024xf32, #tpu.memory_space<vmem>>, vector<16xf32>,
        %get3A_235 = vector.shape_cast %get3A_234 : vector<16xf32> to vector<16xf32>
        %get3A_236 = arith.constant 144 : index
        %get3A_237 = tpu.vector_load %arg18[%get3A_236] {strides = array<i32>} : memref<1024xf32, #tpu.memory_space<vmem>>, vector<16xf32>,
        %get3A_238 = vector.shape_cast %get3A_237 : vector<16xf32> to vector<16xf32>
        %add3A_239 = arith.addf %get3A_235, %get3A_238 : vector<16xf32>
        %swap3A_240 = arith.index_cast %scan3A_125 : i32 to index
        %swap3A_241 = arith.constant 144 : index
        %swap3A_242 = tpu.vector_load %arg16[%swap3A_240, %swap3A_241] {strides = array<i32>} : memref<16x1024xf32, #tpu.memory_space<vmem>>, vector<1x16xf32>,
        %swap3A_243 = vector.shape_cast %swap3A_242 : vector<1x16xf32> to vector<16xf32>
        %swap3A_244 = vector.shape_cast %add3A_239 : vector<16xf32> to vector<1x16xf32>
        tpu.vector_store %arg16[%swap3A_240, %swap3A_241], %swap3A_244 {strides = array<i32>} : memref<16x1024xf32, #tpu.memory_space<vmem>>, vector<1x16xf32>,
        %get3A_245 = arith.constant 160 : index
        %get3A_246 = tpu.vector_load %arg17[%get3A_245] {strides = array<i32>} : memref<1024xf32, #tpu.memory_space<vmem>>, vector<16xf32>,
        %get3A_247 = vector.shape_cast %get3A_246 : vector<16xf32> to vector<16xf32>
        %get3A_248 = arith.constant 160 : index
        %get3A_249 = tpu.vector_load %arg18[%get3A_248] {strides = array<i32>} : memref<1024xf32, #tpu.memory_space<vmem>>, vector<16xf32>,
        %get3A_250 = vector.shape_cast %get3A_249 : vector<16xf32> to vector<16xf32>
        %add3A_251 = arith.addf %get3A_247, %get3A_250 : vector<16xf32>
        %swap3A_252 = arith.index_cast %scan3A_125 : i32 to index
        %swap3A_253 = arith.constant 160 : index
        %swap3A_254 = tpu.vector_load %arg16[%swap3A_252, %swap3A_253] {strides = array<i32>} : memref<16x1024xf32, #tpu.memory_space<vmem>>, vector<1x16xf32>,
        %swap3A_255 = vector.shape_cast %swap3A_254 : vector<1x16xf32> to vector<16xf32>
        %swap3A_256 = vector.shape_cast %add3A_251 : vector<16xf32> to vector<1x16xf32>
        tpu.vector_store %arg16[%swap3A_252, %swap3A_253], %swap3A_256 {strides = array<i32>} : memref<16x1024xf32, #tpu.memory_space<vmem>>, vector<1x16xf32>,
        %get3A_257 = arith.constant 176 : index
        %get3A_258 = tpu.vector_load %arg17[%get3A_257] {strides = array<i32>} : memref<1024xf32, #tpu.memory_space<vmem>>, vector<16xf32>,
        %get3A_259 = vector.shape_cast %get3A_258 : vector<16xf32> to vector<16xf32>
        %get3A_260 = arith.constant 176 : index
        %get3A_261 = tpu.vector_load %arg18[%get3A_260] {strides = array<i32>} : memref<1024xf32, #tpu.memory_space<vmem>>, vector<16xf32>,
        %get3A_262 = vector.shape_cast %get3A_261 : vector<16xf32> to vector<16xf32>
        %add3A_263 = arith.addf %get3A_259, %get3A_262 : vector<16xf32>
        %swap3A_264 = arith.index_cast %scan3A_125 : i32 to index
        %swap3A_265 = arith.constant 176 : index
        %swap3A_266 = tpu.vector_load %arg16[%swap3A_264, %swap3A_265] {strides = array<i32>} : memref<16x1024xf32, #tpu.memory_space<vmem>>, vector<1x16xf32>,
        %swap3A_267 = vector.shape_cast %swap3A_266 : vector<1x16xf32> to vector<16xf32>
        %swap3A_268 = vector.shape_cast %add3A_263 : vector<16xf32> to vector<1x16xf32>
        tpu.vector_store %arg16[%swap3A_264, %swap3A_265], %swap3A_268 {strides = array<i32>} : memref<16x1024xf32, #tpu.memory_space<vmem>>, vector<1x16xf32>,
        %get3A_269 = arith.constant 192 : index
        %get3A_270 = tpu.vector_load %arg17[%get3A_269] {strides = array<i32>} : memref<1024xf32, #tpu.memory_space<vmem>>, vector<16xf32>,
        %get3A_271 = vector.shape_cast %get3A_270 : vector<16xf32> to vector<16xf32>
        %get3A_272 = arith.constant 192 : index
        %get3A_273 = tpu.vector_load %arg18[%get3A_272] {strides = array<i32>} : memref<1024xf32, #tpu.memory_space<vmem>>, vector<16xf32>,
        %get3A_274 = vector.shape_cast %get3A_273 : vector<16xf32> to vector<16xf32>
        %add3A_275 = arith.addf %get3A_271, %get3A_274 : vector<16xf32>
        %swap3A_276 = arith.index_cast %scan3A_125 : i32 to index
        %swap3A_277 = arith.constant 192 : index
        %swap3A_278 = tpu.vector_load %arg16[%swap3A_276, %swap3A_277] {strides = array<i32>} : memref<16x1024xf32, #tpu.memory_space<vmem>>, vector<1x16xf32>,
        %swap3A_279 = vector.shape_cast %swap3A_278 : vector<1x16xf32> to vector<16xf32>
        %swap3A_280 = vector.shape_cast %add3A_275 : vector<16xf32> to vector<1x16xf32>
        tpu.vector_store %arg16[%swap3A_276, %swap3A_277], %swap3A_280 {strides = array<i32>} : memref<16x1024xf32, #tpu.memory_space<vmem>>, vector<1x16xf32>,
        %get3A_281 = arith.constant 208 : index
        %get3A_282 = tpu.vector_load %arg17[%get3A_281] {strides = array<i32>} : memref<1024xf32, #tpu.memory_space<vmem>>, vector<16xf32>,
        %get3A_283 = vector.shape_cast %get3A_282 : vector<16xf32> to vector<16xf32>
        %get3A_284 = arith.constant 208 : index
        %get3A_285 = tpu.vector_load %arg18[%get3A_284] {strides = array<i32>} : memref<1024xf32, #tpu.memory_space<vmem>>, vector<16xf32>,
        %get3A_286 = vector.shape_cast %get3A_285 : vector<16xf32> to vector<16xf32>
        %add3A_287 = arith.addf %get3A_283, %get3A_286 : vector<16xf32>
        %swap3A_288 = arith.index_cast %scan3A_125 : i32 to index
        %swap3A_289 = arith.constant 208 : index
        %swap3A_290 = tpu.vector_load %arg16[%swap3A_288, %swap3A_289] {strides = array<i32>} : memref<16x1024xf32, #tpu.memory_space<vmem>>, vector<1x16xf32>,
        %swap3A_291 = vector.shape_cast %swap3A_290 : vector<1x16xf32> to vector<16xf32>
        %swap3A_292 = vector.shape_cast %add3A_287 : vector<16xf32> to vector<1x16xf32>
        tpu.vector_store %arg16[%swap3A_288, %swap3A_289], %swap3A_292 {strides = array<i32>} : memref<16x1024xf32, #tpu.memory_space<vmem>>, vector<1x16xf32>,
        %get3A_293 = arith.constant 224 : index
        %get3A_294 = tpu.vector_load %arg17[%get3A_293] {strides = array<i32>} : memref<1024xf32, #tpu.memory_space<vmem>>, vector<16xf32>,
        %get3A_295 = vector.shape_cast %get3A_294 : vector<16xf32> to vector<16xf32>
        %get3A_296 = arith.constant 224 : index
        %get3A_297 = tpu.vector_load %arg18[%get3A_296] {strides = array<i32>} : memref<1024xf32, #tpu.memory_space<vmem>>, vector<16xf32>,
        %get3A_298 = vector.shape_cast %get3A_297 : vector<16xf32> to vector<16xf32>
        %add3A_299 = arith.addf %get3A_295, %get3A_298 : vector<16xf32>
        %swap3A_300 = arith.index_cast %scan3A_125 : i32 to index
        %swap3A_301 = arith.constant 224 : index
        %swap3A_302 = tpu.vector_load %arg16[%swap3A_300, %swap3A_301] {strides = array<i32>} : memref<16x1024xf32, #tpu.memory_space<vmem>>, vector<1x16xf32>,
        %swap3A_303 = vector.shape_cast %swap3A_302 : vector<1x16xf32> to vector<16xf32>
        %swap3A_304 = vector.shape_cast %add3A_299 : vector<16xf32> to vector<1x16xf32>
        tpu.vector_store %arg16[%swap3A_300, %swap3A_301], %swap3A_304 {strides = array<i32>} : memref<16x1024xf32, #tpu.memory_space<vmem>>, vector<1x16xf32>,
        %get3A_305 = arith.constant 240 : index
        %get3A_306 = tpu.vector_load %arg17[%get3A_305] {strides = array<i32>} : memref<1024xf32, #tpu.memory_space<vmem>>, vector<16xf32>,
        %get3A_307 = vector.shape_cast %get3A_306 : vector<16xf32> to vector<16xf32>
        %get3A_308 = arith.constant 240 : index
        %get3A_309 = tpu.vector_load %arg18[%get3A_308] {strides = array<i32>} : memref<1024xf32, #tpu.memory_space<vmem>>, vector<16xf32>,
        %get3A_310 = vector.shape_cast %get3A_309 : vector<16xf32> to vector<16xf32>
        %add3A_311 = arith.addf %get3A_307, %get3A_310 : vector<16xf32>
        %swap3A_312 = arith.index_cast %scan3A_125 : i32 to index
        %swap3A_313 = arith.constant 240 : index
        %swap3A_314 = tpu.vector_load %arg16[%swap3A_312, %swap3A_313] {strides = array<i32>} : memref<16x1024xf32, #tpu.memory_space<vmem>>, vector<1x16xf32>,
        %swap3A_315 = vector.shape_cast %swap3A_314 : vector<1x16xf32> to vector<16xf32>
        %swap3A_316 = vector.shape_cast %add3A_311 : vector<16xf32> to vector<1x16xf32>
        tpu.vector_store %arg16[%swap3A_312, %swap3A_313], %swap3A_316 {strides = array<i32>} : memref<16x1024xf32, #tpu.memory_space<vmem>>, vector<1x16xf32>,
        %get3A_317 = arith.constant 256 : index
        %get3A_318 = tpu.vector_load %arg17[%get3A_317] {strides = array<i32>} : memref<1024xf32, #tpu.memory_space<vmem>>, vector<16xf32>,
        %get3A_319 = vector.shape_cast %get3A_318 : vector<16xf32> to vector<16xf32>
        %get3A_320 = arith.constant 256 : index
        %get3A_321 = tpu.vector_load %arg18[%get3A_320] {strides = array<i32>} : memref<1024xf32, #tpu.memory_space<vmem>>, vector<16xf32>,
        %get3A_322 = vector.shape_cast %get3A_321 : vector<16xf32> to vector<16xf32>
        %add3A_323 = arith.addf %get3A_319, %get3A_322 : vector<16xf32>
        %swap3A_324 = arith.index_cast %scan3A_125 : i32 to index
        %swap3A_325 = arith.constant 256 : index
        %swap3A_326 = tpu.vector_load %arg16[%swap3A_324, %swap3A_325] {strides = array<i32>} : memref<16x1024xf32, #tpu.memory_space<vmem>>, vector<1x16xf32>,
        %swap3A_327 = vector.shape_cast %swap3A_326 : vector<1x16xf32> to vector<16xf32>
        %swap3A_328 = vector.shape_cast %add3A_323 : vector<16xf32> to vector<1x16xf32>
        tpu.vector_store %arg16[%swap3A_324, %swap3A_325], %swap3A_328 {strides = array<i32>} : memref<16x1024xf32, #tpu.memory_space<vmem>>, vector<1x16xf32>,
        %get3A_329 = arith.constant 272 : index
        %get3A_330 = tpu.vector_load %arg17[%get3A_329] {strides = array<i32>} : memref<1024xf32, #tpu.memory_space<vmem>>, vector<16xf32>,
        %get3A_331 = vector.shape_cast %get3A_330 : vector<16xf32> to vector<16xf32>
        %get3A_332 = arith.constant 272 : index
        %get3A_333 = tpu.vector_load %arg18[%get3A_332] {strides = array<i32>} : memref<1024xf32, #tpu.memory_space<vmem>>, vector<16xf32>,
        %get3A_334 = vector.shape_cast %get3A_333 : vector<16xf32> to vector<16xf32>
        %add3A_335 = arith.addf %get3A_331, %get3A_334 : vector<16xf32>
        %swap3A_336 = arith.index_cast %scan3A_125 : i32 to index
        %swap3A_337 = arith.constant 272 : index
        %swap3A_338 = tpu.vector_load %arg16[%swap3A_336, %swap3A_337] {strides = array<i32>} : memref<16x1024xf32, #tpu.memory_space<vmem>>, vector<1x16xf32>,
        %swap3A_339 = vector.shape_cast %swap3A_338 : vector<1x16xf32> to vector<16xf32>
        %swap3A_340 = vector.shape_cast %add3A_335 : vector<16xf32> to vector<1x16xf32>
        tpu.vector_store %arg16[%swap3A_336, %swap3A_337], %swap3A_340 {strides = array<i32>} : memref<16x1024xf32, #tpu.memory_space<vmem>>, vector<1x16xf32>,
        %get3A_341 = arith.constant 288 : index
        %get3A_342 = tpu.vector_load %arg17[%get3A_341] {strides = array<i32>} : memref<1024xf32, #tpu.memory_space<vmem>>, vector<16xf32>,
        %get3A_343 = vector.shape_cast %get3A_342 : vector<16xf32> to vector<16xf32>
        %get3A_344 = arith.constant 288 : index
        %get3A_345 = tpu.vector_load %arg18[%get3A_344] {strides = array<i32>} : memref<1024xf32, #tpu.memory_space<vmem>>, vector<16xf32>,
        %get3A_346 = vector.shape_cast %get3A_345 : vector<16xf32> to vector<16xf32>
        %add3A_347 = arith.addf %get3A_343, %get3A_346 : vector<16xf32>
        %swap3A_348 = arith.index_cast %scan3A_125 : i32 to index
        %swap3A_349 = arith.constant 288 : index
        %swap3A_350 = tpu.vector_load %arg16[%swap3A_348, %swap3A_349] {strides = array<i32>} : memref<16x1024xf32, #tpu.memory_space<vmem>>, vector<1x16xf32>,
        %swap3A_351 = vector.shape_cast %swap3A_350 : vector<1x16xf32> to vector<16xf32>
        %swap3A_352 = vector.shape_cast %add3A_347 : vector<16xf32> to vector<1x16xf32>
        tpu.vector_store %arg16[%swap3A_348, %swap3A_349], %swap3A_352 {strides = array<i32>} : memref<16x1024xf32, #tpu.memory_space<vmem>>, vector<1x16xf32>,
        %get3A_353 = arith.constant 304 : index
        %get3A_354 = tpu.vector_load %arg17[%get3A_353] {strides = array<i32>} : memref<1024xf32, #tpu.memory_space<vmem>>, vector<16xf32>,
        %get3A_355 = vector.shape_cast %get3A_354 : vector<16xf32> to vector<16xf32>
        %get3A_356 = arith.constant 304 : index
        %get3A_357 = tpu.vector_load %arg18[%get3A_356] {strides = array<i32>} : memref<1024xf32, #tpu.memory_space<vmem>>, vector<16xf32>,
        %get3A_358 = vector.shape_cast %get3A_357 : vector<16xf32> to vector<16xf32>
        %add3A_359 = arith.addf %get3A_355, %get3A_358 : vector<16xf32>
        %swap3A_360 = arith.index_cast %scan3A_125 : i32 to index
        %swap3A_361 = arith.constant 304 : index
        %swap3A_362 = tpu.vector_load %arg16[%swap3A_360, %swap3A_361] {strides = array<i32>} : memref<16x1024xf32, #tpu.memory_space<vmem>>, vector<1x16xf32>,
        %swap3A_363 = vector.shape_cast %swap3A_362 : vector<1x16xf32> to vector<16xf32>
        %swap3A_364 = vector.shape_cast %add3A_359 : vector<16xf32> to vector<1x16xf32>
        tpu.vector_store %arg16[%swap3A_360, %swap3A_361], %swap3A_364 {strides = array<i32>} : memref<16x1024xf32, #tpu.memory_space<vmem>>, vector<1x16xf32>,
        %get3A_365 = arith.constant 320 : index
        %get3A_366 = tpu.vector_load %arg17[%get3A_365] {strides = array<i32>} : memref<1024xf32, #tpu.memory_space<vmem>>, vector<16xf32>,
        %get3A_367 = vector.shape_cast %get3A_366 : vector<16xf32> to vector<16xf32>
        %get3A_368 = arith.constant 320 : index
        %get3A_369 = tpu.vector_load %arg18[%get3A_368] {strides = array<i32>} : memref<1024xf32, #tpu.memory_space<vmem>>, vector<16xf32>,
        %get3A_370 = vector.shape_cast %get3A_369 : vector<16xf32> to vector<16xf32>
        %add3A_371 = arith.addf %get3A_367, %get3A_370 : vector<16xf32>
        %swap3A_372 = arith.index_cast %scan3A_125 : i32 to index
        %swap3A_373 = arith.constant 320 : index
        %swap3A_374 = tpu.vector_load %arg16[%swap3A_372, %swap3A_373] {strides = array<i32>} : memref<16x1024xf32, #tpu.memory_space<vmem>>, vector<1x16xf32>,
        %swap3A_375 = vector.shape_cast %swap3A_374 : vector<1x16xf32> to vector<16xf32>
        %swap3A_376 = vector.shape_cast %add3A_371 : vector<16xf32> to vector<1x16xf32>
        tpu.vector_store %arg16[%swap3A_372, %swap3A_373], %swap3A_376 {strides = array<i32>} : memref<16x1024xf32, #tpu.memory_space<vmem>>, vector<1x16xf32>,
        %get3A_377 = arith.constant 336 : index
        %get3A_378 = tpu.vector_load %arg17[%get3A_377] {strides = array<i32>} : memref<1024xf32, #tpu.memory_space<vmem>>, vector<16xf32>,
        %get3A_379 = vector.shape_cast %get3A_378 : vector<16xf32> to vector<16xf32>
        %get3A_380 = arith.constant 336 : index
        %get3A_381 = tpu.vector_load %arg18[%get3A_380] {strides = array<i32>} : memref<1024xf32, #tpu.memory_space<vmem>>, vector<16xf32>,
        %get3A_382 = vector.shape_cast %get3A_381 : vector<16xf32> to vector<16xf32>
        %add3A_383 = arith.addf %get3A_379, %get3A_382 : vector<16xf32>
        %swap3A_384 = arith.index_cast %scan3A_125 : i32 to index
        %swap3A_385 = arith.constant 336 : index
        %swap3A_386 = tpu.vector_load %arg16[%swap3A_384, %swap3A_385] {strides = array<i32>} : memref<16x1024xf32, #tpu.memory_space<vmem>>, vector<1x16xf32>,
        %swap3A_387 = vector.shape_cast %swap3A_386 : vector<1x16xf32> to vector<16xf32>
        %swap3A_388 = vector.shape_cast %add3A_383 : vector<16xf32> to vector<1x16xf32>
        tpu.vector_store %arg16[%swap3A_384, %swap3A_385], %swap3A_388 {strides = array<i32>} : memref<16x1024xf32, #tpu.memory_space<vmem>>, vector<1x16xf32>,
        %get3A_389 = arith.constant 352 : index
        %get3A_390 = tpu.vector_load %arg17[%get3A_389] {strides = array<i32>} : memref<1024xf32, #tpu.memory_space<vmem>>, vector<16xf32>,
        %get3A_391 = vector.shape_cast %get3A_390 : vector<16xf32> to vector<16xf32>
        %get3A_392 = arith.constant 352 : index
        %get3A_393 = tpu.vector_load %arg18[%get3A_392] {strides = array<i32>} : memref<1024xf32, #tpu.memory_space<vmem>>, vector<16xf32>,
        %get3A_394 = vector.shape_cast %get3A_393 : vector<16xf32> to vector<16xf32>
        %add3A_395 = arith.addf %get3A_391, %get3A_394 : vector<16xf32>
        %swap3A_396 = arith.index_cast %scan3A_125 : i32 to index
        %swap3A_397 = arith.constant 352 : index
        %swap3A_398 = tpu.vector_load %arg16[%swap3A_396, %swap3A_397] {strides = array<i32>} : memref<16x1024xf32, #tpu.memory_space<vmem>>, vector<1x16xf32>,
        %swap3A_399 = vector.shape_cast %swap3A_398 : vector<1x16xf32> to vector<16xf32>
        %swap3A_400 = vector.shape_cast %add3A_395 : vector<16xf32> to vector<1x16xf32>
        tpu.vector_store %arg16[%swap3A_396, %swap3A_397], %swap3A_400 {strides = array<i32>} : memref<16x1024xf32, #tpu.memory_space<vmem>>, vector<1x16xf32>,
        %get3A_401 = arith.constant 368 : index
        %get3A_402 = tpu.vector_load %arg17[%get3A_401] {strides = array<i32>} : memref<1024xf32, #tpu.memory_space<vmem>>, vector<16xf32>,
        %get3A_403 = vector.shape_cast %get3A_402 : vector<16xf32> to vector<16xf32>
        %get3A_404 = arith.constant 368 : index
        %get3A_405 = tpu.vector_load %arg18[%get3A_404] {strides = array<i32>} : memref<1024xf32, #tpu.memory_space<vmem>>, vector<16xf32>,
        %get3A_406 = vector.shape_cast %get3A_405 : vector<16xf32> to vector<16xf32>
        %add3A_407 = arith.addf %get3A_403, %get3A_406 : vector<16xf32>
        %swap3A_408 = arith.index_cast %scan3A_125 : i32 to index
        %swap3A_409 = arith.constant 368 : index
        %swap3A_410 = tpu.vector_load %arg16[%swap3A_408, %swap3A_409] {strides = array<i32>} : memref<16x1024xf32, #tpu.memory_space<vmem>>, vector<1x16xf32>,
        %swap3A_411 = vector.shape_cast %swap3A_410 : vector<1x16xf32> to vector<16xf32>
        %swap3A_412 = vector.shape_cast %add3A_407 : vector<16xf32> to vector<1x16xf32>
        tpu.vector_store %arg16[%swap3A_408, %swap3A_409], %swap3A_412 {strides = array<i32>} : memref<16x1024xf32, #tpu.memory_space<vmem>>, vector<1x16xf32>,
        %get3A_413 = arith.constant 384 : index
        %get3A_414 = tpu.vector_load %arg17[%get3A_413] {strides = array<i32>} : memref<1024xf32, #tpu.memory_space<vmem>>, vector<16xf32>,
        %get3A_415 = vector.shape_cast %get3A_414 : vector<16xf32> to vector<16xf32>
        %get3A_416 = arith.constant 384 : index
        %get3A_417 = tpu.vector_load %arg18[%get3A_416] {strides = array<i32>} : memref<1024xf32, #tpu.memory_space<vmem>>, vector<16xf32>,
        %get3A_418 = vector.shape_cast %get3A_417 : vector<16xf32> to vector<16xf32>
        %add3A_419 = arith.addf %get3A_415, %get3A_418 : vector<16xf32>
        %swap3A_420 = arith.index_cast %scan3A_125 : i32 to index
        %swap3A_421 = arith.constant 384 : index
        %swap3A_422 = tpu.vector_load %arg16[%swap3A_420, %swap3A_421] {strides = array<i32>} : memref<16x1024xf32, #tpu.memory_space<vmem>>, vector<1x16xf32>,
        %swap3A_423 = vector.shape_cast %swap3A_422 : vector<1x16xf32> to vector<16xf32>
        %swap3A_424 = vector.shape_cast %add3A_419 : vector<16xf32> to vector<1x16xf32>
        tpu.vector_store %arg16[%swap3A_420, %swap3A_421], %swap3A_424 {strides = array<i32>} : memref<16x1024xf32, #tpu.memory_space<vmem>>, vector<1x16xf32>,
        %get3A_425 = arith.constant 400 : index
        %get3A_426 = tpu.vector_load %arg17[%get3A_425] {strides = array<i32>} : memref<1024xf32, #tpu.memory_space<vmem>>, vector<16xf32>,
        %get3A_427 = vector.shape_cast %get3A_426 : vector<16xf32> to vector<16xf32>
        %get3A_428 = arith.constant 400 : index
        %get3A_429 = tpu.vector_load %arg18[%get3A_428] {strides = array<i32>} : memref<1024xf32, #tpu.memory_space<vmem>>, vector<16xf32>,
        %get3A_430 = vector.shape_cast %get3A_429 : vector<16xf32> to vector<16xf32>
        %add3A_431 = arith.addf %get3A_427, %get3A_430 : vector<16xf32>
        %swap3A_432 = arith.index_cast %scan3A_125 : i32 to index
        %swap3A_433 = arith.constant 400 : index
        %swap3A_434 = tpu.vector_load %arg16[%swap3A_432, %swap3A_433] {strides = array<i32>} : memref<16x1024xf32, #tpu.memory_space<vmem>>, vector<1x16xf32>,
        %swap3A_435 = vector.shape_cast %swap3A_434 : vector<1x16xf32> to vector<16xf32>
        %swap3A_436 = vector.shape_cast %add3A_431 : vector<16xf32> to vector<1x16xf32>
        tpu.vector_store %arg16[%swap3A_432, %swap3A_433], %swap3A_436 {strides = array<i32>} : memref<16x1024xf32, #tpu.memory_space<vmem>>, vector<1x16xf32>,
        %get3A_437 = arith.constant 416 : index
        %get3A_438 = tpu.vector_load %arg17[%get3A_437] {strides = array<i32>} : memref<1024xf32, #tpu.memory_space<vmem>>, vector<16xf32>,
        %get3A_439 = vector.shape_cast %get3A_438 : vector<16xf32> to vector<16xf32>
        %get3A_440 = arith.constant 416 : index
        %get3A_441 = tpu.vector_load %arg18[%get3A_440] {strides = array<i32>} : memref<1024xf32, #tpu.memory_space<vmem>>, vector<16xf32>,
        %get3A_442 = vector.shape_cast %get3A_441 : vector<16xf32> to vector<16xf32>
        %add3A_443 = arith.addf %get3A_439, %get3A_442 : vector<16xf32>
        %swap3A_444 = arith.index_cast %scan3A_125 : i32 to index
        %swap3A_445 = arith.constant 416 : index
        %swap3A_446 = tpu.vector_load %arg16[%swap3A_444, %swap3A_445] {strides = array<i32>} : memref<16x1024xf32, #tpu.memory_space<vmem>>, vector<1x16xf32>,
        %swap3A_447 = vector.shape_cast %swap3A_446 : vector<1x16xf32> to vector<16xf32>
        %swap3A_448 = vector.shape_cast %add3A_443 : vector<16xf32> to vector<1x16xf32>
        tpu.vector_store %arg16[%swap3A_444, %swap3A_445], %swap3A_448 {strides = array<i32>} : memref<16x1024xf32, #tpu.memory_space<vmem>>, vector<1x16xf32>,
        %get3A_449 = arith.constant 432 : index
        %get3A_450 = tpu.vector_load %arg17[%get3A_449] {strides = array<i32>} : memref<1024xf32, #tpu.memory_space<vmem>>, vector<16xf32>,
        %get3A_451 = vector.shape_cast %get3A_450 : vector<16xf32> to vector<16xf32>
        %get3A_452 = arith.constant 432 : index
        %get3A_453 = tpu.vector_load %arg18[%get3A_452] {strides = array<i32>} : memref<1024xf32, #tpu.memory_space<vmem>>, vector<16xf32>,
        %get3A_454 = vector.shape_cast %get3A_453 : vector<16xf32> to vector<16xf32>
        %add3A_455 = arith.addf %get3A_451, %get3A_454 : vector<16xf32>
        %swap3A_456 = arith.index_cast %scan3A_125 : i32 to index
        %swap3A_457 = arith.constant 432 : index
        %swap3A_458 = tpu.vector_load %arg16[%swap3A_456, %swap3A_457] {strides = array<i32>} : memref<16x1024xf32, #tpu.memory_space<vmem>>, vector<1x16xf32>,
        %swap3A_459 = vector.shape_cast %swap3A_458 : vector<1x16xf32> to vector<16xf32>
        %swap3A_460 = vector.shape_cast %add3A_455 : vector<16xf32> to vector<1x16xf32>
        tpu.vector_store %arg16[%swap3A_456, %swap3A_457], %swap3A_460 {strides = array<i32>} : memref<16x1024xf32, #tpu.memory_space<vmem>>, vector<1x16xf32>,
        %get3A_461 = arith.constant 448 : index
        %get3A_462 = tpu.vector_load %arg17[%get3A_461] {strides = array<i32>} : memref<1024xf32, #tpu.memory_space<vmem>>, vector<16xf32>,
        %get3A_463 = vector.shape_cast %get3A_462 : vector<16xf32> to vector<16xf32>
        %get3A_464 = arith.constant 448 : index
        %get3A_465 = tpu.vector_load %arg18[%get3A_464] {strides = array<i32>} : memref<1024xf32, #tpu.memory_space<vmem>>, vector<16xf32>,
        %get3A_466 = vector.shape_cast %get3A_465 : vector<16xf32> to vector<16xf32>
        %add3A_467 = arith.addf %get3A_463, %get3A_466 : vector<16xf32>
        %swap3A_468 = arith.index_cast %scan3A_125 : i32 to index
        %swap3A_469 = arith.constant 448 : index
        %swap3A_470 = tpu.vector_load %arg16[%swap3A_468, %swap3A_469] {strides = array<i32>} : memref<16x1024xf32, #tpu.memory_space<vmem>>, vector<1x16xf32>,
        %swap3A_471 = vector.shape_cast %swap3A_470 : vector<1x16xf32> to vector<16xf32>
        %swap3A_472 = vector.shape_cast %add3A_467 : vector<16xf32> to vector<1x16xf32>
        tpu.vector_store %arg16[%swap3A_468, %swap3A_469], %swap3A_472 {strides = array<i32>} : memref<16x1024xf32, #tpu.memory_space<vmem>>, vector<1x16xf32>,
        %get3A_473 = arith.constant 464 : index
        %get3A_474 = tpu.vector_load %arg17[%get3A_473] {strides = array<i32>} : memref<1024xf32, #tpu.memory_space<vmem>>, vector<16xf32>,
        %get3A_475 = vector.shape_cast %get3A_474 : vector<16xf32> to vector<16xf32>
        %get3A_476 = arith.constant 464 : index
        %get3A_477 = tpu.vector_load %arg18[%get3A_476] {strides = array<i32>} : memref<1024xf32, #tpu.memory_space<vmem>>, vector<16xf32>,
        %get3A_478 = vector.shape_cast %get3A_477 : vector<16xf32> to vector<16xf32>
        %add3A_479 = arith.addf %get3A_475, %get3A_478 : vector<16xf32>
        %swap3A_480 = arith.index_cast %scan3A_125 : i32 to index
        %swap3A_481 = arith.constant 464 : index
        %swap3A_482 = tpu.vector_load %arg16[%swap3A_480, %swap3A_481] {strides = array<i32>} : memref<16x1024xf32, #tpu.memory_space<vmem>>, vector<1x16xf32>,
        %swap3A_483 = vector.shape_cast %swap3A_482 : vector<1x16xf32> to vector<16xf32>
        %swap3A_484 = vector.shape_cast %add3A_479 : vector<16xf32> to vector<1x16xf32>
        tpu.vector_store %arg16[%swap3A_480, %swap3A_481], %swap3A_484 {strides = array<i32>} : memref<16x1024xf32, #tpu.memory_space<vmem>>, vector<1x16xf32>,
        %get3A_485 = arith.constant 480 : index
        %get3A_486 = tpu.vector_load %arg17[%get3A_485] {strides = array<i32>} : memref<1024xf32, #tpu.memory_space<vmem>>, vector<16xf32>,
        %get3A_487 = vector.shape_cast %get3A_486 : vector<16xf32> to vector<16xf32>
        %get3A_488 = arith.constant 480 : index
        %get3A_489 = tpu.vector_load %arg18[%get3A_488] {strides = array<i32>} : memref<1024xf32, #tpu.memory_space<vmem>>, vector<16xf32>,
        %get3A_490 = vector.shape_cast %get3A_489 : vector<16xf32> to vector<16xf32>
        %add3A_491 = arith.addf %get3A_487, %get3A_490 : vector<16xf32>
        %swap3A_492 = arith.index_cast %scan3A_125 : i32 to index
        %swap3A_493 = arith.constant 480 : index
        %swap3A_494 = tpu.vector_load %arg16[%swap3A_492, %swap3A_493] {strides = array<i32>} : memref<16x1024xf32, #tpu.memory_space<vmem>>, vector<1x16xf32>,
        %swap3A_495 = vector.shape_cast %swap3A_494 : vector<1x16xf32> to vector<16xf32>
        %swap3A_496 = vector.shape_cast %add3A_491 : vector<16xf32> to vector<1x16xf32>
        tpu.vector_store %arg16[%swap3A_492, %swap3A_493], %swap3A_496 {strides = array<i32>} : memref<16x1024xf32, #tpu.memory_space<vmem>>, vector<1x16xf32>,
        %get3A_497 = arith.constant 496 : index
        %get3A_498 = tpu.vector_load %arg17[%get3A_497] {strides = array<i32>} : memref<1024xf32, #tpu.memory_space<vmem>>, vector<16xf32>,
        %get3A_499 = vector.shape_cast %get3A_498 : vector<16xf32> to vector<16xf32>
        %get3A_500 = arith.constant 496 : index
        %get3A_501 = tpu.vector_load %arg18[%get3A_500] {strides = array<i32>} : memref<1024xf32, #tpu.memory_space<vmem>>, vector<16xf32>,
        %get3A_502 = vector.shape_cast %get3A_501 : vector<16xf32> to vector<16xf32>
        %add3A_503 = arith.addf %get3A_499, %get3A_502 : vector<16xf32>
        %swap3A_504 = arith.index_cast %scan3A_125 : i32 to index
        %swap3A_505 = arith.constant 496 : index
        %swap3A_506 = tpu.vector_load %arg16[%swap3A_504, %swap3A_505] {strides = array<i32>} : memref<16x1024xf32, #tpu.memory_space<vmem>>, vector<1x16xf32>,
        %swap3A_507 = vector.shape_cast %swap3A_506 : vector<1x16xf32> to vector<16xf32>
        %swap3A_508 = vector.shape_cast %add3A_503 : vector<16xf32> to vector<1x16xf32>
        tpu.vector_store %arg16[%swap3A_504, %swap3A_505], %swap3A_508 {strides = array<i32>} : memref<16x1024xf32, #tpu.memory_space<vmem>>, vector<1x16xf32>,
        %get3A_509 = arith.constant 512 : index
        %get3A_510 = tpu.vector_load %arg17[%get3A_509] {strides = array<i32>} : memref<1024xf32, #tpu.memory_space<vmem>>, vector<16xf32>,
        %get3A_511 = vector.shape_cast %get3A_510 : vector<16xf32> to vector<16xf32>
        %get3A_512 = arith.constant 512 : index
        %get3A_513 = tpu.vector_load %arg18[%get3A_512] {strides = array<i32>} : memref<1024xf32, #tpu.memory_space<vmem>>, vector<16xf32>,
        %get3A_514 = vector.shape_cast %get3A_513 : vector<16xf32> to vector<16xf32>
        %add3A_515 = arith.addf %get3A_511, %get3A_514 : vector<16xf32>
        %swap3A_516 = arith.index_cast %scan3A_125 : i32 to index
        %swap3A_517 = arith.constant 512 : index
        %swap3A_518 = tpu.vector_load %arg16[%swap3A_516, %swap3A_517] {strides = array<i32>} : memref<16x1024xf32, #tpu.memory_space<vmem>>, vector<1x16xf32>,
        %swap3A_519 = vector.shape_cast %swap3A_518 : vector<1x16xf32> to vector<16xf32>
        %swap3A_520 = vector.shape_cast %add3A_515 : vector<16xf32> to vector<1x16xf32>
        tpu.vector_store %arg16[%swap3A_516, %swap3A_517], %swap3A_520 {strides = array<i32>} : memref<16x1024xf32, #tpu.memory_space<vmem>>, vector<1x16xf32>,
        %get3A_521 = arith.constant 528 : index
        %get3A_522 = tpu.vector_load %arg17[%get3A_521] {strides = array<i32>} : memref<1024xf32, #tpu.memory_space<vmem>>, vector<16xf32>,
        %get3A_523 = vector.shape_cast %get3A_522 : vector<16xf32> to vector<16xf32>
        %get3A_524 = arith.constant 528 : index
        %get3A_525 = tpu.vector_load %arg18[%get3A_524] {strides = array<i32>} : memref<1024xf32, #tpu.memory_space<vmem>>, vector<16xf32>,
        %get3A_526 = vector.shape_cast %get3A_525 : vector<16xf32> to vector<16xf32>
        %add3A_527 = arith.addf %get3A_523, %get3A_526 : vector<16xf32>
        %swap3A_528 = arith.index_cast %scan3A_125 : i32 to index
        %swap3A_529 = arith.constant 528 : index
        %swap3A_530 = tpu.vector_load %arg16[%swap3A_528, %swap3A_529] {strides = array<i32>} : memref<16x1024xf32, #tpu.memory_space<vmem>>, vector<1x16xf32>,
        %swap3A_531 = vector.shape_cast %swap3A_530 : vector<1x16xf32> to vector<16xf32>
        %swap3A_532 = vector.shape_cast %add3A_527 : vector<16xf32> to vector<1x16xf32>
        tpu.vector_store %arg16[%swap3A_528, %swap3A_529], %swap3A_532 {strides = array<i32>} : memref<16x1024xf32, #tpu.memory_space<vmem>>, vector<1x16xf32>,
        %get3A_533 = arith.constant 544 : index
        %get3A_534 = tpu.vector_load %arg17[%get3A_533] {strides = array<i32>} : memref<1024xf32, #tpu.memory_space<vmem>>, vector<16xf32>,
        %get3A_535 = vector.shape_cast %get3A_534 : vector<16xf32> to vector<16xf32>
        %get3A_536 = arith.constant 544 : index
        %get3A_537 = tpu.vector_load %arg18[%get3A_536] {strides = array<i32>} : memref<1024xf32, #tpu.memory_space<vmem>>, vector<16xf32>,
        %get3A_538 = vector.shape_cast %get3A_537 : vector<16xf32> to vector<16xf32>
        %add3A_539 = arith.addf %get3A_535, %get3A_538 : vector<16xf32>
        %swap3A_540 = arith.index_cast %scan3A_125 : i32 to index
        %swap3A_541 = arith.constant 544 : index
        %swap3A_542 = tpu.vector_load %arg16[%swap3A_540, %swap3A_541] {strides = array<i32>} : memref<16x1024xf32, #tpu.memory_space<vmem>>, vector<1x16xf32>,
        %swap3A_543 = vector.shape_cast %swap3A_542 : vector<1x16xf32> to vector<16xf32>
        %swap3A_544 = vector.shape_cast %add3A_539 : vector<16xf32> to vector<1x16xf32>
        tpu.vector_store %arg16[%swap3A_540, %swap3A_541], %swap3A_544 {strides = array<i32>} : memref<16x1024xf32, #tpu.memory_space<vmem>>, vector<1x16xf32>,
        %get3A_545 = arith.constant 560 : index
        %get3A_546 = tpu.vector_load %arg17[%get3A_545] {strides = array<i32>} : memref<1024xf32, #tpu.memory_space<vmem>>, vector<16xf32>,
        %get3A_547 = vector.shape_cast %get3A_546 : vector<16xf32> to vector<16xf32>
        %get3A_548 = arith.constant 560 : index
        %get3A_549 = tpu.vector_load %arg18[%get3A_548] {strides = array<i32>} : memref<1024xf32, #tpu.memory_space<vmem>>, vector<16xf32>,
        %get3A_550 = vector.shape_cast %get3A_549 : vector<16xf32> to vector<16xf32>
        %add3A_551 = arith.addf %get3A_547, %get3A_550 : vector<16xf32>
        %swap3A_552 = arith.index_cast %scan3A_125 : i32 to index
        %swap3A_553 = arith.constant 560 : index
        %swap3A_554 = tpu.vector_load %arg16[%swap3A_552, %swap3A_553] {strides = array<i32>} : memref<16x1024xf32, #tpu.memory_space<vmem>>, vector<1x16xf32>,
        %swap3A_555 = vector.shape_cast %swap3A_554 : vector<1x16xf32> to vector<16xf32>
        %swap3A_556 = vector.shape_cast %add3A_551 : vector<16xf32> to vector<1x16xf32>
        tpu.vector_store %arg16[%swap3A_552, %swap3A_553], %swap3A_556 {strides = array<i32>} : memref<16x1024xf32, #tpu.memory_space<vmem>>, vector<1x16xf32>,
        %get3A_557 = arith.constant 576 : index
        %get3A_558 = tpu.vector_load %arg17[%get3A_557] {strides = array<i32>} : memref<1024xf32, #tpu.memory_space<vmem>>, vector<16xf32>,
        %get3A_559 = vector.shape_cast %get3A_558 : vector<16xf32> to vector<16xf32>
        %get3A_560 = arith.constant 576 : index
        %get3A_561 = tpu.vector_load %arg18[%get3A_560] {strides = array<i32>} : memref<1024xf32, #tpu.memory_space<vmem>>, vector<16xf32>,
        %get3A_562 = vector.shape_cast %get3A_561 : vector<16xf32> to vector<16xf32>
        %add3A_563 = arith.addf %get3A_559, %get3A_562 : vector<16xf32>
        %swap3A_564 = arith.index_cast %scan3A_125 : i32 to index
        %swap3A_565 = arith.constant 576 : index
        %swap3A_566 = tpu.vector_load %arg16[%swap3A_564, %swap3A_565] {strides = array<i32>} : memref<16x1024xf32, #tpu.memory_space<vmem>>, vector<1x16xf32>,
        %swap3A_567 = vector.shape_cast %swap3A_566 : vector<1x16xf32> to vector<16xf32>
        %swap3A_568 = vector.shape_cast %add3A_563 : vector<16xf32> to vector<1x16xf32>
        tpu.vector_store %arg16[%swap3A_564, %swap3A_565], %swap3A_568 {strides = array<i32>} : memref<16x1024xf32, #tpu.memory_space<vmem>>, vector<1x16xf32>,
        %get3A_569 = arith.constant 592 : index
        %get3A_570 = tpu.vector_load %arg17[%get3A_569] {strides = array<i32>} : memref<1024xf32, #tpu.memory_space<vmem>>, vector<16xf32>,
        %get3A_571 = vector.shape_cast %get3A_570 : vector<16xf32> to vector<16xf32>
        %get3A_572 = arith.constant 592 : index
        %get3A_573 = tpu.vector_load %arg18[%get3A_572] {strides = array<i32>} : memref<1024xf32, #tpu.memory_space<vmem>>, vector<16xf32>,
        %get3A_574 = vector.shape_cast %get3A_573 : vector<16xf32> to vector<16xf32>
        %add3A_575 = arith.addf %get3A_571, %get3A_574 : vector<16xf32>
        %swap3A_576 = arith.index_cast %scan3A_125 : i32 to index
        %swap3A_577 = arith.constant 592 : index
        %swap3A_578 = tpu.vector_load %arg16[%swap3A_576, %swap3A_577] {strides = array<i32>} : memref<16x1024xf32, #tpu.memory_space<vmem>>, vector<1x16xf32>,
        %swap3A_579 = vector.shape_cast %swap3A_578 : vector<1x16xf32> to vector<16xf32>
        %swap3A_580 = vector.shape_cast %add3A_575 : vector<16xf32> to vector<1x16xf32>
        tpu.vector_store %arg16[%swap3A_576, %swap3A_577], %swap3A_580 {strides = array<i32>} : memref<16x1024xf32, #tpu.memory_space<vmem>>, vector<1x16xf32>,
        %get3A_581 = arith.constant 608 : index
        %get3A_582 = tpu.vector_load %arg17[%get3A_581] {strides = array<i32>} : memref<1024xf32, #tpu.memory_space<vmem>>, vector<16xf32>,
        %get3A_583 = vector.shape_cast %get3A_582 : vector<16xf32> to vector<16xf32>
        %get3A_584 = arith.constant 608 : index
        %get3A_585 = tpu.vector_load %arg18[%get3A_584] {strides = array<i32>} : memref<1024xf32, #tpu.memory_space<vmem>>, vector<16xf32>,
        %get3A_586 = vector.shape_cast %get3A_585 : vector<16xf32> to vector<16xf32>
        %add3A_587 = arith.addf %get3A_583, %get3A_586 : vector<16xf32>
        %swap3A_588 = arith.index_cast %scan3A_125 : i32 to index
        %swap3A_589 = arith.constant 608 : index
        %swap3A_590 = tpu.vector_load %arg16[%swap3A_588, %swap3A_589] {strides = array<i32>} : memref<16x1024xf32, #tpu.memory_space<vmem>>, vector<1x16xf32>,
        %swap3A_591 = vector.shape_cast %swap3A_590 : vector<1x16xf32> to vector<16xf32>
        %swap3A_592 = vector.shape_cast %add3A_587 : vector<16xf32> to vector<1x16xf32>
        tpu.vector_store %arg16[%swap3A_588, %swap3A_589], %swap3A_592 {strides = array<i32>} : memref<16x1024xf32, #tpu.memory_space<vmem>>, vector<1x16xf32>,
        %get3A_593 = arith.constant 624 : index
        %get3A_594 = tpu.vector_load %arg17[%get3A_593] {strides = array<i32>} : memref<1024xf32, #tpu.memory_space<vmem>>, vector<16xf32>,
        %get3A_595 = vector.shape_cast %get3A_594 : vector<16xf32> to vector<16xf32>
        %get3A_596 = arith.constant 624 : index
        %get3A_597 = tpu.vector_load %arg18[%get3A_596] {strides = array<i32>} : memref<1024xf32, #tpu.memory_space<vmem>>, vector<16xf32>,
        %get3A_598 = vector.shape_cast %get3A_597 : vector<16xf32> to vector<16xf32>
        %add3A_599 = arith.addf %get3A_595, %get3A_598 : vector<16xf32>
        %swap3A_600 = arith.index_cast %scan3A_125 : i32 to index
        %swap3A_601 = arith.constant 624 : index
        %swap3A_602 = tpu.vector_load %arg16[%swap3A_600, %swap3A_601] {strides = array<i32>} : memref<16x1024xf32, #tpu.memory_space<vmem>>, vector<1x16xf32>,
        %swap3A_603 = vector.shape_cast %swap3A_602 : vector<1x16xf32> to vector<16xf32>
        %swap3A_604 = vector.shape_cast %add3A_599 : vector<16xf32> to vector<1x16xf32>
        tpu.vector_store %arg16[%swap3A_600, %swap3A_601], %swap3A_604 {strides = array<i32>} : memref<16x1024xf32, #tpu.memory_space<vmem>>, vector<1x16xf32>,
        %get3A_605 = arith.constant 640 : index
        %get3A_606 = tpu.vector_load %arg17[%get3A_605] {strides = array<i32>} : memref<1024xf32, #tpu.memory_space<vmem>>, vector<16xf32>,
        %get3A_607 = vector.shape_cast %get3A_606 : vector<16xf32> to vector<16xf32>
        %get3A_608 = arith.constant 640 : index
        %get3A_609 = tpu.vector_load %arg18[%get3A_608] {strides = array<i32>} : memref<1024xf32, #tpu.memory_space<vmem>>, vector<16xf32>,
        %get3A_610 = vector.shape_cast %get3A_609 : vector<16xf32> to vector<16xf32>
        %add3A_611 = arith.addf %get3A_607, %get3A_610 : vector<16xf32>
        %swap3A_612 = arith.index_cast %scan3A_125 : i32 to index
        %swap3A_613 = arith.constant 640 : index
        %swap3A_614 = tpu.vector_load %arg16[%swap3A_612, %swap3A_613] {strides = array<i32>} : memref<16x1024xf32, #tpu.memory_space<vmem>>, vector<1x16xf32>,
        %swap3A_615 = vector.shape_cast %swap3A_614 : vector<1x16xf32> to vector<16xf32>
        %swap3A_616 = vector.shape_cast %add3A_611 : vector<16xf32> to vector<1x16xf32>
        tpu.vector_store %arg16[%swap3A_612, %swap3A_613], %swap3A_616 {strides = array<i32>} : memref<16x1024xf32, #tpu.memory_space<vmem>>, vector<1x16xf32>,
        %get3A_617 = arith.constant 656 : index
        %get3A_618 = tpu.vector_load %arg17[%get3A_617] {strides = array<i32>} : memref<1024xf32, #tpu.memory_space<vmem>>, vector<16xf32>,
        %get3A_619 = vector.shape_cast %get3A_618 : vector<16xf32> to vector<16xf32>
        %get3A_620 = arith.constant 656 : index
        %get3A_621 = tpu.vector_load %arg18[%get3A_620] {strides = array<i32>} : memref<1024xf32, #tpu.memory_space<vmem>>, vector<16xf32>,
        %get3A_622 = vector.shape_cast %get3A_621 : vector<16xf32> to vector<16xf32>
        %add3A_623 = arith.addf %get3A_619, %get3A_622 : vector<16xf32>
        %swap3A_624 = arith.index_cast %scan3A_125 : i32 to index
        %swap3A_625 = arith.constant 656 : index
        %swap3A_626 = tpu.vector_load %arg16[%swap3A_624, %swap3A_625] {strides = array<i32>} : memref<16x1024xf32, #tpu.memory_space<vmem>>, vector<1x16xf32>,
        %swap3A_627 = vector.shape_cast %swap3A_626 : vector<1x16xf32> to vector<16xf32>
        %swap3A_628 = vector.shape_cast %add3A_623 : vector<16xf32> to vector<1x16xf32>
        tpu.vector_store %arg16[%swap3A_624, %swap3A_625], %swap3A_628 {strides = array<i32>} : memref<16x1024xf32, #tpu.memory_space<vmem>>, vector<1x16xf32>,
        %get3A_629 = arith.constant 672 : index
        %get3A_630 = tpu.vector_load %arg17[%get3A_629] {strides = array<i32>} : memref<1024xf32, #tpu.memory_space<vmem>>, vector<16xf32>,
        %get3A_631 = vector.shape_cast %get3A_630 : vector<16xf32> to vector<16xf32>
        %get3A_632 = arith.constant 672 : index
        %get3A_633 = tpu.vector_load %arg18[%get3A_632] {strides = array<i32>} : memref<1024xf32, #tpu.memory_space<vmem>>, vector<16xf32>,
        %get3A_634 = vector.shape_cast %get3A_633 : vector<16xf32> to vector<16xf32>
        %add3A_635 = arith.addf %get3A_631, %get3A_634 : vector<16xf32>
        %swap3A_636 = arith.index_cast %scan3A_125 : i32 to index
        %swap3A_637 = arith.constant 672 : index
        %swap3A_638 = tpu.vector_load %arg16[%swap3A_636, %swap3A_637] {strides = array<i32>} : memref<16x1024xf32, #tpu.memory_space<vmem>>, vector<1x16xf32>,
        %swap3A_639 = vector.shape_cast %swap3A_638 : vector<1x16xf32> to vector<16xf32>
        %swap3A_640 = vector.shape_cast %add3A_635 : vector<16xf32> to vector<1x16xf32>
        tpu.vector_store %arg16[%swap3A_636, %swap3A_637], %swap3A_640 {strides = array<i32>} : memref<16x1024xf32, #tpu.memory_space<vmem>>, vector<1x16xf32>,
        %get3A_641 = arith.constant 688 : index
        %get3A_642 = tpu.vector_load %arg17[%get3A_641] {strides = array<i32>} : memref<1024xf32, #tpu.memory_space<vmem>>, vector<16xf32>,
        %get3A_643 = vector.shape_cast %get3A_642 : vector<16xf32> to vector<16xf32>
        %get3A_644 = arith.constant 688 : index
        %get3A_645 = tpu.vector_load %arg18[%get3A_644] {strides = array<i32>} : memref<1024xf32, #tpu.memory_space<vmem>>, vector<16xf32>,
        %get3A_646 = vector.shape_cast %get3A_645 : vector<16xf32> to vector<16xf32>
        %add3A_647 = arith.addf %get3A_643, %get3A_646 : vector<16xf32>
        %swap3A_648 = arith.index_cast %scan3A_125 : i32 to index
        %swap3A_649 = arith.constant 688 : index
        %swap3A_650 = tpu.vector_load %arg16[%swap3A_648, %swap3A_649] {strides = array<i32>} : memref<16x1024xf32, #tpu.memory_space<vmem>>, vector<1x16xf32>,
        %swap3A_651 = vector.shape_cast %swap3A_650 : vector<1x16xf32> to vector<16xf32>
        %swap3A_652 = vector.shape_cast %add3A_647 : vector<16xf32> to vector<1x16xf32>
        tpu.vector_store %arg16[%swap3A_648, %swap3A_649], %swap3A_652 {strides = array<i32>} : memref<16x1024xf32, #tpu.memory_space<vmem>>, vector<1x16xf32>,
        %get3A_653 = arith.constant 704 : index
        %get3A_654 = tpu.vector_load %arg17[%get3A_653] {strides = array<i32>} : memref<1024xf32, #tpu.memory_space<vmem>>, vector<16xf32>,
        %get3A_655 = vector.shape_cast %get3A_654 : vector<16xf32> to vector<16xf32>
        %get3A_656 = arith.constant 704 : index
        %get3A_657 = tpu.vector_load %arg18[%get3A_656] {strides = array<i32>} : memref<1024xf32, #tpu.memory_space<vmem>>, vector<16xf32>,
        %get3A_658 = vector.shape_cast %get3A_657 : vector<16xf32> to vector<16xf32>
        %add3A_659 = arith.addf %get3A_655, %get3A_658 : vector<16xf32>
        %swap3A_660 = arith.index_cast %scan3A_125 : i32 to index
        %swap3A_661 = arith.constant 704 : index
        %swap3A_662 = tpu.vector_load %arg16[%swap3A_660, %swap3A_661] {strides = array<i32>} : memref<16x1024xf32, #tpu.memory_space<vmem>>, vector<1x16xf32>,
        %swap3A_663 = vector.shape_cast %swap3A_662 : vector<1x16xf32> to vector<16xf32>
        %swap3A_664 = vector.shape_cast %add3A_659 : vector<16xf32> to vector<1x16xf32>
        tpu.vector_store %arg16[%swap3A_660, %swap3A_661], %swap3A_664 {strides = array<i32>} : memref<16x1024xf32, #tpu.memory_space<vmem>>, vector<1x16xf32>,
        %get3A_665 = arith.constant 720 : index
        %get3A_666 = tpu.vector_load %arg17[%get3A_665] {strides = array<i32>} : memref<1024xf32, #tpu.memory_space<vmem>>, vector<16xf32>,
        %get3A_667 = vector.shape_cast %get3A_666 : vector<16xf32> to vector<16xf32>
        %get3A_668 = arith.constant 720 : index
        %get3A_669 = tpu.vector_load %arg18[%get3A_668] {strides = array<i32>} : memref<1024xf32, #tpu.memory_space<vmem>>, vector<16xf32>,
        %get3A_670 = vector.shape_cast %get3A_669 : vector<16xf32> to vector<16xf32>
        %add3A_671 = arith.addf %get3A_667, %get3A_670 : vector<16xf32>
        %swap3A_672 = arith.index_cast %scan3A_125 : i32 to index
        %swap3A_673 = arith.constant 720 : index
        %swap3A_674 = tpu.vector_load %arg16[%swap3A_672, %swap3A_673] {strides = array<i32>} : memref<16x1024xf32, #tpu.memory_space<vmem>>, vector<1x16xf32>,
        %swap3A_675 = vector.shape_cast %swap3A_674 : vector<1x16xf32> to vector<16xf32>
        %swap3A_676 = vector.shape_cast %add3A_671 : vector<16xf32> to vector<1x16xf32>
        tpu.vector_store %arg16[%swap3A_672, %swap3A_673], %swap3A_676 {strides = array<i32>} : memref<16x1024xf32, #tpu.memory_space<vmem>>, vector<1x16xf32>,
        %get3A_677 = arith.constant 736 : index
        %get3A_678 = tpu.vector_load %arg17[%get3A_677] {strides = array<i32>} : memref<1024xf32, #tpu.memory_space<vmem>>, vector<16xf32>,
        %get3A_679 = vector.shape_cast %get3A_678 : vector<16xf32> to vector<16xf32>
        %get3A_680 = arith.constant 736 : index
        %get3A_681 = tpu.vector_load %arg18[%get3A_680] {strides = array<i32>} : memref<1024xf32, #tpu.memory_space<vmem>>, vector<16xf32>,
        %get3A_682 = vector.shape_cast %get3A_681 : vector<16xf32> to vector<16xf32>
        %add3A_683 = arith.addf %get3A_679, %get3A_682 : vector<16xf32>
        %swap3A_684 = arith.index_cast %scan3A_125 : i32 to index
        %swap3A_685 = arith.constant 736 : index
        %swap3A_686 = tpu.vector_load %arg16[%swap3A_684, %swap3A_685] {strides = array<i32>} : memref<16x1024xf32, #tpu.memory_space<vmem>>, vector<1x16xf32>,
        %swap3A_687 = vector.shape_cast %swap3A_686 : vector<1x16xf32> to vector<16xf32>
        %swap3A_688 = vector.shape_cast %add3A_683 : vector<16xf32> to vector<1x16xf32>
        tpu.vector_store %arg16[%swap3A_684, %swap3A_685], %swap3A_688 {strides = array<i32>} : memref<16x1024xf32, #tpu.memory_space<vmem>>, vector<1x16xf32>,
        %get3A_689 = arith.constant 752 : index
        %get3A_690 = tpu.vector_load %arg17[%get3A_689] {strides = array<i32>} : memref<1024xf32, #tpu.memory_space<vmem>>, vector<16xf32>,
        %get3A_691 = vector.shape_cast %get3A_690 : vector<16xf32> to vector<16xf32>
        %get3A_692 = arith.constant 752 : index
        %get3A_693 = tpu.vector_load %arg18[%get3A_692] {strides = array<i32>} : memref<1024xf32, #tpu.memory_space<vmem>>, vector<16xf32>,
        %get3A_694 = vector.shape_cast %get3A_693 : vector<16xf32> to vector<16xf32>
        %add3A_695 = arith.addf %get3A_691, %get3A_694 : vector<16xf32>
        %swap3A_696 = arith.index_cast %scan3A_125 : i32 to index
        %swap3A_697 = arith.constant 752 : index
        %swap3A_698 = tpu.vector_load %arg16[%swap3A_696, %swap3A_697] {strides = array<i32>} : memref<16x1024xf32, #tpu.memory_space<vmem>>, vector<1x16xf32>,
        %swap3A_699 = vector.shape_cast %swap3A_698 : vector<1x16xf32> to vector<16xf32>
        %swap3A_700 = vector.shape_cast %add3A_695 : vector<16xf32> to vector<1x16xf32>
        tpu.vector_store %arg16[%swap3A_696, %swap3A_697], %swap3A_700 {strides = array<i32>} : memref<16x1024xf32, #tpu.memory_space<vmem>>, vector<1x16xf32>,
        %get3A_701 = arith.constant 768 : index
        %get3A_702 = tpu.vector_load %arg17[%get3A_701] {strides = array<i32>} : memref<1024xf32, #tpu.memory_space<vmem>>, vector<16xf32>,
        %get3A_703 = vector.shape_cast %get3A_702 : vector<16xf32> to vector<16xf32>
        %get3A_704 = arith.constant 768 : index
        %get3A_705 = tpu.vector_load %arg18[%get3A_704] {strides = array<i32>} : memref<1024xf32, #tpu.memory_space<vmem>>, vector<16xf32>,
        %get3A_706 = vector.shape_cast %get3A_705 : vector<16xf32> to vector<16xf32>
        %add3A_707 = arith.addf %get3A_703, %get3A_706 : vector<16xf32>
        %swap3A_708 = arith.index_cast %scan3A_125 : i32 to index
        %swap3A_709 = arith.constant 768 : index
        %swap3A_710 = tpu.vector_load %arg16[%swap3A_708, %swap3A_709] {strides = array<i32>} : memref<16x1024xf32, #tpu.memory_space<vmem>>, vector<1x16xf32>,
        %swap3A_711 = vector.shape_cast %swap3A_710 : vector<1x16xf32> to vector<16xf32>
        %swap3A_712 = vector.shape_cast %add3A_707 : vector<16xf32> to vector<1x16xf32>
        tpu.vector_store %arg16[%swap3A_708, %swap3A_709], %swap3A_712 {strides = array<i32>} : memref<16x1024xf32, #tpu.memory_space<vmem>>, vector<1x16xf32>,
        %get3A_713 = arith.constant 784 : index
        %get3A_714 = tpu.vector_load %arg17[%get3A_713] {strides = array<i32>} : memref<1024xf32, #tpu.memory_space<vmem>>, vector<16xf32>,
        %get3A_715 = vector.shape_cast %get3A_714 : vector<16xf32> to vector<16xf32>
        %get3A_716 = arith.constant 784 : index
        %get3A_717 = tpu.vector_load %arg18[%get3A_716] {strides = array<i32>} : memref<1024xf32, #tpu.memory_space<vmem>>, vector<16xf32>,
        %get3A_718 = vector.shape_cast %get3A_717 : vector<16xf32> to vector<16xf32>
        %add3A_719 = arith.addf %get3A_715, %get3A_718 : vector<16xf32>
        %swap3A_720 = arith.index_cast %scan3A_125 : i32 to index
        %swap3A_721 = arith.constant 784 : index
        %swap3A_722 = tpu.vector_load %arg16[%swap3A_720, %swap3A_721] {strides = array<i32>} : memref<16x1024xf32, #tpu.memory_space<vmem>>, vector<1x16xf32>,
        %swap3A_723 = vector.shape_cast %swap3A_722 : vector<1x16xf32> to vector<16xf32>
        %swap3A_724 = vector.shape_cast %add3A_719 : vector<16xf32> to vector<1x16xf32>
        tpu.vector_store %arg16[%swap3A_720, %swap3A_721], %swap3A_724 {strides = array<i32>} : memref<16x1024xf32, #tpu.memory_space<vmem>>, vector<1x16xf32>,
        %get3A_725 = arith.constant 800 : index
        %get3A_726 = tpu.vector_load %arg17[%get3A_725] {strides = array<i32>} : memref<1024xf32, #tpu.memory_space<vmem>>, vector<16xf32>,
        %get3A_727 = vector.shape_cast %get3A_726 : vector<16xf32> to vector<16xf32>
        %get3A_728 = arith.constant 800 : index
        %get3A_729 = tpu.vector_load %arg18[%get3A_728] {strides = array<i32>} : memref<1024xf32, #tpu.memory_space<vmem>>, vector<16xf32>,
        %get3A_730 = vector.shape_cast %get3A_729 : vector<16xf32> to vector<16xf32>
        %add3A_731 = arith.addf %get3A_727, %get3A_730 : vector<16xf32>
        %swap3A_732 = arith.index_cast %scan3A_125 : i32 to index
        %swap3A_733 = arith.constant 800 : index
        %swap3A_734 = tpu.vector_load %arg16[%swap3A_732, %swap3A_733] {strides = array<i32>} : memref<16x1024xf32, #tpu.memory_space<vmem>>, vector<1x16xf32>,
        %swap3A_735 = vector.shape_cast %swap3A_734 : vector<1x16xf32> to vector<16xf32>
        %swap3A_736 = vector.shape_cast %add3A_731 : vector<16xf32> to vector<1x16xf32>
        tpu.vector_store %arg16[%swap3A_732, %swap3A_733], %swap3A_736 {strides = array<i32>} : memref<16x1024xf32, #tpu.memory_space<vmem>>, vector<1x16xf32>,
        %get3A_737 = arith.constant 816 : index
        %get3A_738 = tpu.vector_load %arg17[%get3A_737] {strides = array<i32>} : memref<1024xf32, #tpu.memory_space<vmem>>, vector<16xf32>,
        %get3A_739 = vector.shape_cast %get3A_738 : vector<16xf32> to vector<16xf32>
        %get3A_740 = arith.constant 816 : index
        %get3A_741 = tpu.vector_load %arg18[%get3A_740] {strides = array<i32>} : memref<1024xf32, #tpu.memory_space<vmem>>, vector<16xf32>,
        %get3A_742 = vector.shape_cast %get3A_741 : vector<16xf32> to vector<16xf32>
        %add3A_743 = arith.addf %get3A_739, %get3A_742 : vector<16xf32>
        %swap3A_744 = arith.index_cast %scan3A_125 : i32 to index
        %swap3A_745 = arith.constant 816 : index
        %swap3A_746 = tpu.vector_load %arg16[%swap3A_744, %swap3A_745] {strides = array<i32>} : memref<16x1024xf32, #tpu.memory_space<vmem>>, vector<1x16xf32>,
        %swap3A_747 = vector.shape_cast %swap3A_746 : vector<1x16xf32> to vector<16xf32>
        %swap3A_748 = vector.shape_cast %add3A_743 : vector<16xf32> to vector<1x16xf32>
        tpu.vector_store %arg16[%swap3A_744, %swap3A_745], %swap3A_748 {strides = array<i32>} : memref<16x1024xf32, #tpu.memory_space<vmem>>, vector<1x16xf32>,
        %get3A_749 = arith.constant 832 : index
        %get3A_750 = tpu.vector_load %arg17[%get3A_749] {strides = array<i32>} : memref<1024xf32, #tpu.memory_space<vmem>>, vector<16xf32>,
        %get3A_751 = vector.shape_cast %get3A_750 : vector<16xf32> to vector<16xf32>
        %get3A_752 = arith.constant 832 : index
        %get3A_753 = tpu.vector_load %arg18[%get3A_752] {strides = array<i32>} : memref<1024xf32, #tpu.memory_space<vmem>>, vector<16xf32>,
        %get3A_754 = vector.shape_cast %get3A_753 : vector<16xf32> to vector<16xf32>
        %add3A_755 = arith.addf %get3A_751, %get3A_754 : vector<16xf32>
        %swap3A_756 = arith.index_cast %scan3A_125 : i32 to index
        %swap3A_757 = arith.constant 832 : index
        %swap3A_758 = tpu.vector_load %arg16[%swap3A_756, %swap3A_757] {strides = array<i32>} : memref<16x1024xf32, #tpu.memory_space<vmem>>, vector<1x16xf32>,
        %swap3A_759 = vector.shape_cast %swap3A_758 : vector<1x16xf32> to vector<16xf32>
        %swap3A_760 = vector.shape_cast %add3A_755 : vector<16xf32> to vector<1x16xf32>
        tpu.vector_store %arg16[%swap3A_756, %swap3A_757], %swap3A_760 {strides = array<i32>} : memref<16x1024xf32, #tpu.memory_space<vmem>>, vector<1x16xf32>,
        %get3A_761 = arith.constant 848 : index
        %get3A_762 = tpu.vector_load %arg17[%get3A_761] {strides = array<i32>} : memref<1024xf32, #tpu.memory_space<vmem>>, vector<16xf32>,
        %get3A_763 = vector.shape_cast %get3A_762 : vector<16xf32> to vector<16xf32>
        %get3A_764 = arith.constant 848 : index
        %get3A_765 = tpu.vector_load %arg18[%get3A_764] {strides = array<i32>} : memref<1024xf32, #tpu.memory_space<vmem>>, vector<16xf32>,
        %get3A_766 = vector.shape_cast %get3A_765 : vector<16xf32> to vector<16xf32>
        %add3A_767 = arith.addf %get3A_763, %get3A_766 : vector<16xf32>
        %swap3A_768 = arith.index_cast %scan3A_125 : i32 to index
        %swap3A_769 = arith.constant 848 : index
        %swap3A_770 = tpu.vector_load %arg16[%swap3A_768, %swap3A_769] {strides = array<i32>} : memref<16x1024xf32, #tpu.memory_space<vmem>>, vector<1x16xf32>,
        %swap3A_771 = vector.shape_cast %swap3A_770 : vector<1x16xf32> to vector<16xf32>
        %swap3A_772 = vector.shape_cast %add3A_767 : vector<16xf32> to vector<1x16xf32>
        tpu.vector_store %arg16[%swap3A_768, %swap3A_769], %swap3A_772 {strides = array<i32>} : memref<16x1024xf32, #tpu.memory_space<vmem>>, vector<1x16xf32>,
        %get3A_773 = arith.constant 864 : index
        %get3A_774 = tpu.vector_load %arg17[%get3A_773] {strides = array<i32>} : memref<1024xf32, #tpu.memory_space<vmem>>, vector<16xf32>,
        %get3A_775 = vector.shape_cast %get3A_774 : vector<16xf32> to vector<16xf32>
        %get3A_776 = arith.constant 864 : index
        %get3A_777 = tpu.vector_load %arg18[%get3A_776] {strides = array<i32>} : memref<1024xf32, #tpu.memory_space<vmem>>, vector<16xf32>,
        %get3A_778 = vector.shape_cast %get3A_777 : vector<16xf32> to vector<16xf32>
        %add3A_779 = arith.addf %get3A_775, %get3A_778 : vector<16xf32>
        %swap3A_780 = arith.index_cast %scan3A_125 : i32 to index
        %swap3A_781 = arith.constant 864 : index
        %swap3A_782 = tpu.vector_load %arg16[%swap3A_780, %swap3A_781] {strides = array<i32>} : memref<16x1024xf32, #tpu.memory_space<vmem>>, vector<1x16xf32>,
        %swap3A_783 = vector.shape_cast %swap3A_782 : vector<1x16xf32> to vector<16xf32>
        %swap3A_784 = vector.shape_cast %add3A_779 : vector<16xf32> to vector<1x16xf32>
        tpu.vector_store %arg16[%swap3A_780, %swap3A_781], %swap3A_784 {strides = array<i32>} : memref<16x1024xf32, #tpu.memory_space<vmem>>, vector<1x16xf32>,
        %get3A_785 = arith.constant 880 : index
        %get3A_786 = tpu.vector_load %arg17[%get3A_785] {strides = array<i32>} : memref<1024xf32, #tpu.memory_space<vmem>>, vector<16xf32>,
        %get3A_787 = vector.shape_cast %get3A_786 : vector<16xf32> to vector<16xf32>
        %get3A_788 = arith.constant 880 : index
        %get3A_789 = tpu.vector_load %arg18[%get3A_788] {strides = array<i32>} : memref<1024xf32, #tpu.memory_space<vmem>>, vector<16xf32>,
        %get3A_790 = vector.shape_cast %get3A_789 : vector<16xf32> to vector<16xf32>
        %add3A_791 = arith.addf %get3A_787, %get3A_790 : vector<16xf32>
        %swap3A_792 = arith.index_cast %scan3A_125 : i32 to index
        %swap3A_793 = arith.constant 880 : index
        %swap3A_794 = tpu.vector_load %arg16[%swap3A_792, %swap3A_793] {strides = array<i32>} : memref<16x1024xf32, #tpu.memory_space<vmem>>, vector<1x16xf32>,
        %swap3A_795 = vector.shape_cast %swap3A_794 : vector<1x16xf32> to vector<16xf32>
        %swap3A_796 = vector.shape_cast %add3A_791 : vector<16xf32> to vector<1x16xf32>
        tpu.vector_store %arg16[%swap3A_792, %swap3A_793], %swap3A_796 {strides = array<i32>} : memref<16x1024xf32, #tpu.memory_space<vmem>>, vector<1x16xf32>,
        %get3A_797 = arith.constant 896 : index
        %get3A_798 = tpu.vector_load %arg17[%get3A_797] {strides = array<i32>} : memref<1024xf32, #tpu.memory_space<vmem>>, vector<16xf32>,
        %get3A_799 = vector.shape_cast %get3A_798 : vector<16xf32> to vector<16xf32>
        %get3A_800 = arith.constant 896 : index
        %get3A_801 = tpu.vector_load %arg18[%get3A_800] {strides = array<i32>} : memref<1024xf32, #tpu.memory_space<vmem>>, vector<16xf32>,
        %get3A_802 = vector.shape_cast %get3A_801 : vector<16xf32> to vector<16xf32>
        %add3A_803 = arith.addf %get3A_799, %get3A_802 : vector<16xf32>
        %swap3A_804 = arith.index_cast %scan3A_125 : i32 to index
        %swap3A_805 = arith.constant 896 : index
        %swap3A_806 = tpu.vector_load %arg16[%swap3A_804, %swap3A_805] {strides = array<i32>} : memref<16x1024xf32, #tpu.memory_space<vmem>>, vector<1x16xf32>,
        %swap3A_807 = vector.shape_cast %swap3A_806 : vector<1x16xf32> to vector<16xf32>
        %swap3A_808 = vector.shape_cast %add3A_803 : vector<16xf32> to vector<1x16xf32>
        tpu.vector_store %arg16[%swap3A_804, %swap3A_805], %swap3A_808 {strides = array<i32>} : memref<16x1024xf32, #tpu.memory_space<vmem>>, vector<1x16xf32>,
        %get3A_809 = arith.constant 912 : index
        %get3A_810 = tpu.vector_load %arg17[%get3A_809] {strides = array<i32>} : memref<1024xf32, #tpu.memory_space<vmem>>, vector<16xf32>,
        %get3A_811 = vector.shape_cast %get3A_810 : vector<16xf32> to vector<16xf32>
        %get3A_812 = arith.constant 912 : index
        %get3A_813 = tpu.vector_load %arg18[%get3A_812] {strides = array<i32>} : memref<1024xf32, #tpu.memory_space<vmem>>, vector<16xf32>,
        %get3A_814 = vector.shape_cast %get3A_813 : vector<16xf32> to vector<16xf32>
        %add3A_815 = arith.addf %get3A_811, %get3A_814 : vector<16xf32>
        %swap3A_816 = arith.index_cast %scan3A_125 : i32 to index
        %swap3A_817 = arith.constant 912 : index
        %swap3A_818 = tpu.vector_load %arg16[%swap3A_816, %swap3A_817] {strides = array<i32>} : memref<16x1024xf32, #tpu.memory_space<vmem>>, vector<1x16xf32>,
        %swap3A_819 = vector.shape_cast %swap3A_818 : vector<1x16xf32> to vector<16xf32>
        %swap3A_820 = vector.shape_cast %add3A_815 : vector<16xf32> to vector<1x16xf32>
        tpu.vector_store %arg16[%swap3A_816, %swap3A_817], %swap3A_820 {strides = array<i32>} : memref<16x1024xf32, #tpu.memory_space<vmem>>, vector<1x16xf32>,
        %get3A_821 = arith.constant 928 : index
        %get3A_822 = tpu.vector_load %arg17[%get3A_821] {strides = array<i32>} : memref<1024xf32, #tpu.memory_space<vmem>>, vector<16xf32>,
        %get3A_823 = vector.shape_cast %get3A_822 : vector<16xf32> to vector<16xf32>
        %get3A_824 = arith.constant 928 : index
        %get3A_825 = tpu.vector_load %arg18[%get3A_824] {strides = array<i32>} : memref<1024xf32, #tpu.memory_space<vmem>>, vector<16xf32>,
        %get3A_826 = vector.shape_cast %get3A_825 : vector<16xf32> to vector<16xf32>
        %add3A_827 = arith.addf %get3A_823, %get3A_826 : vector<16xf32>
        %swap3A_828 = arith.index_cast %scan3A_125 : i32 to index
        %swap3A_829 = arith.constant 928 : index
        %swap3A_830 = tpu.vector_load %arg16[%swap3A_828, %swap3A_829] {strides = array<i32>} : memref<16x1024xf32, #tpu.memory_space<vmem>>, vector<1x16xf32>,
        %swap3A_831 = vector.shape_cast %swap3A_830 : vector<1x16xf32> to vector<16xf32>
        %swap3A_832 = vector.shape_cast %add3A_827 : vector<16xf32> to vector<1x16xf32>
        tpu.vector_store %arg16[%swap3A_828, %swap3A_829], %swap3A_832 {strides = array<i32>} : memref<16x1024xf32, #tpu.memory_space<vmem>>, vector<1x16xf32>,
        %get3A_833 = arith.constant 944 : index
        %get3A_834 = tpu.vector_load %arg17[%get3A_833] {strides = array<i32>} : memref<1024xf32, #tpu.memory_space<vmem>>, vector<16xf32>,
        %get3A_835 = vector.shape_cast %get3A_834 : vector<16xf32> to vector<16xf32>
        %get3A_836 = arith.constant 944 : index
        %get3A_837 = tpu.vector_load %arg18[%get3A_836] {strides = array<i32>} : memref<1024xf32, #tpu.memory_space<vmem>>, vector<16xf32>,
        %get3A_838 = vector.shape_cast %get3A_837 : vector<16xf32> to vector<16xf32>
        %add3A_839 = arith.addf %get3A_835, %get3A_838 : vector<16xf32>
        %swap3A_840 = arith.index_cast %scan3A_125 : i32 to index
        %swap3A_841 = arith.constant 944 : index
        %swap3A_842 = tpu.vector_load %arg16[%swap3A_840, %swap3A_841] {strides = array<i32>} : memref<16x1024xf32, #tpu.memory_space<vmem>>, vector<1x16xf32>,
        %swap3A_843 = vector.shape_cast %swap3A_842 : vector<1x16xf32> to vector<16xf32>
        %swap3A_844 = vector.shape_cast %add3A_839 : vector<16xf32> to vector<1x16xf32>
        tpu.vector_store %arg16[%swap3A_840, %swap3A_841], %swap3A_844 {strides = array<i32>} : memref<16x1024xf32, #tpu.memory_space<vmem>>, vector<1x16xf32>,
        %get3A_845 = arith.constant 960 : index
        %get3A_846 = tpu.vector_load %arg17[%get3A_845] {strides = array<i32>} : memref<1024xf32, #tpu.memory_space<vmem>>, vector<16xf32>,
        %get3A_847 = vector.shape_cast %get3A_846 : vector<16xf32> to vector<16xf32>
        %get3A_848 = arith.constant 960 : index
        %get3A_849 = tpu.vector_load %arg18[%get3A_848] {strides = array<i32>} : memref<1024xf32, #tpu.memory_space<vmem>>, vector<16xf32>,
        %get3A_850 = vector.shape_cast %get3A_849 : vector<16xf32> to vector<16xf32>
        %add3A_851 = arith.addf %get3A_847, %get3A_850 : vector<16xf32>
        %swap3A_852 = arith.index_cast %scan3A_125 : i32 to index
        %swap3A_853 = arith.constant 960 : index
        %swap3A_854 = tpu.vector_load %arg16[%swap3A_852, %swap3A_853] {strides = array<i32>} : memref<16x1024xf32, #tpu.memory_space<vmem>>, vector<1x16xf32>,
        %swap3A_855 = vector.shape_cast %swap3A_854 : vector<1x16xf32> to vector<16xf32>
        %swap3A_856 = vector.shape_cast %add3A_851 : vector<16xf32> to vector<1x16xf32>
        tpu.vector_store %arg16[%swap3A_852, %swap3A_853], %swap3A_856 {strides = array<i32>} : memref<16x1024xf32, #tpu.memory_space<vmem>>, vector<1x16xf32>,
        %get3A_857 = arith.constant 976 : index
        %get3A_858 = tpu.vector_load %arg17[%get3A_857] {strides = array<i32>} : memref<1024xf32, #tpu.memory_space<vmem>>, vector<16xf32>,
        %get3A_859 = vector.shape_cast %get3A_858 : vector<16xf32> to vector<16xf32>
        %get3A_860 = arith.constant 976 : index
        %get3A_861 = tpu.vector_load %arg18[%get3A_860] {strides = array<i32>} : memref<1024xf32, #tpu.memory_space<vmem>>, vector<16xf32>,
        %get3A_862 = vector.shape_cast %get3A_861 : vector<16xf32> to vector<16xf32>
        %add3A_863 = arith.addf %get3A_859, %get3A_862 : vector<16xf32>
        %swap3A_864 = arith.index_cast %scan3A_125 : i32 to index
        %swap3A_865 = arith.constant 976 : index
        %swap3A_866 = tpu.vector_load %arg16[%swap3A_864, %swap3A_865] {strides = array<i32>} : memref<16x1024xf32, #tpu.memory_space<vmem>>, vector<1x16xf32>,
        %swap3A_867 = vector.shape_cast %swap3A_866 : vector<1x16xf32> to vector<16xf32>
        %swap3A_868 = vector.shape_cast %add3A_863 : vector<16xf32> to vector<1x16xf32>
        tpu.vector_store %arg16[%swap3A_864, %swap3A_865], %swap3A_868 {strides = array<i32>} : memref<16x1024xf32, #tpu.memory_space<vmem>>, vector<1x16xf32>,
        %get3A_869 = arith.constant 992 : index
        %get3A_870 = tpu.vector_load %arg17[%get3A_869] {strides = array<i32>} : memref<1024xf32, #tpu.memory_space<vmem>>, vector<16xf32>,
        %get3A_871 = vector.shape_cast %get3A_870 : vector<16xf32> to vector<16xf32>
        %get3A_872 = arith.constant 992 : index
        %get3A_873 = tpu.vector_load %arg18[%get3A_872] {strides = array<i32>} : memref<1024xf32, #tpu.memory_space<vmem>>, vector<16xf32>,
        %get3A_874 = vector.shape_cast %get3A_873 : vector<16xf32> to vector<16xf32>
        %add3A_875 = arith.addf %get3A_871, %get3A_874 : vector<16xf32>
        %swap3A_876 = arith.index_cast %scan3A_125 : i32 to index
        %swap3A_877 = arith.constant 992 : index
        %swap3A_878 = tpu.vector_load %arg16[%swap3A_876, %swap3A_877] {strides = array<i32>} : memref<16x1024xf32, #tpu.memory_space<vmem>>, vector<1x16xf32>,
        %swap3A_879 = vector.shape_cast %swap3A_878 : vector<1x16xf32> to vector<16xf32>
        %swap3A_880 = vector.shape_cast %add3A_875 : vector<16xf32> to vector<1x16xf32>
        tpu.vector_store %arg16[%swap3A_876, %swap3A_877], %swap3A_880 {strides = array<i32>} : memref<16x1024xf32, #tpu.memory_space<vmem>>, vector<1x16xf32>,
        %get3A_881 = arith.constant 1008 : index
        %get3A_882 = tpu.vector_load %arg17[%get3A_881] {strides = array<i32>} : memref<1024xf32, #tpu.memory_space<vmem>>, vector<16xf32>,
        %get3A_883 = vector.shape_cast %get3A_882 : vector<16xf32> to vector<16xf32>
        %get3A_884 = arith.constant 1008 : index
        %get3A_885 = tpu.vector_load %arg18[%get3A_884] {strides = array<i32>} : memref<1024xf32, #tpu.memory_space<vmem>>, vector<16xf32>,
        %get3A_886 = vector.shape_cast %get3A_885 : vector<16xf32> to vector<16xf32>
        %add3A_887 = arith.addf %get3A_883, %get3A_886 : vector<16xf32>
        %swap3A_888 = arith.index_cast %scan3A_125 : i32 to index
        %swap3A_889 = arith.constant 1008 : index
        %swap3A_890 = tpu.vector_load %arg16[%swap3A_888, %swap3A_889] {strides = array<i32>} : memref<16x1024xf32, #tpu.memory_space<vmem>>, vector<1x16xf32>,
        %swap3A_891 = vector.shape_cast %swap3A_890 : vector<1x16xf32> to vector<16xf32>
        %swap3A_892 = vector.shape_cast %add3A_887 : vector<16xf32> to vector<1x16xf32>
        tpu.vector_store %arg16[%swap3A_888, %swap3A_889], %swap3A_892 {strides = array<i32>} : memref<16x1024xf32, #tpu.memory_space<vmem>>, vector<1x16xf32>,
      }
      %scan3A_121 = arith.constant 16 : i32
      %dma_start3A_122 = arith.constant 0 : i32
      %dma_start3A_123 = arith.constant 0 : i32
      %dma_start3A_124 = tpu.memref_slice %arg6[%dma_start3A_122, %dma_start3A_123] : memref<16400x1024xf32, #tpu.memory_space<hbm>> -> memref<16400x1024xf32, #tpu.memory_space<hbm>>
      tpu.enqueue_indirect_dma source(%arg16 : memref<16x1024xf32, #tpu.memory_space<vmem>>) target(%dma_start3A_124 : memref<16400x1024xf32, #tpu.memory_space<hbm>>) offsets(%arg15 : memref<16xi32, #tpu.memory_space<vmem>>) semaphore(%arg25 : memref<!tpu.dma_semaphore, #tpu.memory_space<semaphore_mem>>)
    } else {
    }
    %dma_start3A = arith.constant 0 : i32
    %dma_start3A_44 = arith.constant 0 : i32
    %dma_start3A_45 = arith.constant 0 : i32
    %dma_start3A_46 = tpu.memref_slice %arg10[%dma_start3A, %dma_start3A_44, %dma_start3A_45] : memref<2x16x1024xf32, #tpu.memory_space<vmem>> -> memref<1x16x1024xf32, #tpu.memory_space<vmem>>
    %dma_start3A_47 = tpu.memref_squeeze %dma_start3A_46 : memref<1x16x1024xf32, #tpu.memory_space<vmem>> -> memref<16x1024xf32, #tpu.memory_space<vmem>>
    %dma_start3A_48 = arith.constant 0 : i32
    %dma_start3A_49 = tpu.memref_slice %arg8[%dma_start3A_48] : memref<512xi32, #tpu.memory_space<vmem>> -> memref<16xi32, #tpu.memory_space<vmem>>
    %dma_start3A_50 = arith.constant 0 : i32
    %dma_start3A_51 = arith.constant 0 : i32
    %dma_start3A_52 = tpu.memref_slice %arg2[%dma_start3A_50, %dma_start3A_51] : memref<32768x1024xf32, #tpu.memory_space<hbm>> -> memref<32768x1024xf32, #tpu.memory_space<hbm>>
    tpu.enqueue_indirect_dma source(%dma_start3A_52 : memref<32768x1024xf32, #tpu.memory_space<hbm>>) target(%dma_start3A_47 : memref<16x1024xf32, #tpu.memory_space<vmem>>) offsets(%dma_start3A_49 : memref<16xi32, #tpu.memory_space<vmem>>) semaphore(%arg19 : memref<!tpu.dma_semaphore, #tpu.memory_space<semaphore_mem>>)
    %dma_start3A_53 = arith.constant 0 : i32
    %dma_start3A_54 = arith.constant 0 : i32
    %dma_start3A_55 = arith.constant 0 : i32
    %dma_start3A_56 = tpu.memref_slice %arg11[%dma_start3A_53, %dma_start3A_54, %dma_start3A_55] : memref<2x16x1024xf32, #tpu.memory_space<vmem>> -> memref<1x16x1024xf32, #tpu.memory_space<vmem>>
    %dma_start3A_57 = tpu.memref_squeeze %dma_start3A_56 : memref<1x16x1024xf32, #tpu.memory_space<vmem>> -> memref<16x1024xf32, #tpu.memory_space<vmem>>
    %dma_start3A_58 = arith.constant 0 : i32
    %dma_start3A_59 = tpu.memref_slice %arg9[%dma_start3A_58] : memref<512xi32, #tpu.memory_space<vmem>> -> memref<16xi32, #tpu.memory_space<vmem>>
    %dma_start3A_60 = arith.constant 0 : i32
    %dma_start3A_61 = arith.constant 0 : i32
    %dma_start3A_62 = tpu.memref_slice %arg3[%dma_start3A_60, %dma_start3A_61] : memref<2049x1024xf32, #tpu.memory_space<hbm>> -> memref<2049x1024xf32, #tpu.memory_space<hbm>>
    tpu.enqueue_indirect_dma source(%dma_start3A_62 : memref<2049x1024xf32, #tpu.memory_space<hbm>>) target(%dma_start3A_57 : memref<16x1024xf32, #tpu.memory_space<vmem>>) offsets(%dma_start3A_59 : memref<16xi32, #tpu.memory_space<vmem>>) semaphore(%arg21 : memref<!tpu.dma_semaphore, #tpu.memory_space<semaphore_mem>>)
    %dma_start3A_63 = arith.constant 1 : i32
    %dma_start3A_64 = arith.constant 0 : i32
    %dma_start3A_65 = arith.constant 0 : i32
    %dma_start3A_66 = tpu.memref_slice %arg10[%dma_start3A_63, %dma_start3A_64, %dma_start3A_65] : memref<2x16x1024xf32, #tpu.memory_space<vmem>> -> memref<1x16x1024xf32, #tpu.memory_space<vmem>>
    %dma_start3A_67 = tpu.memref_squeeze %dma_start3A_66 : memref<1x16x1024xf32, #tpu.memory_space<vmem>> -> memref<16x1024xf32, #tpu.memory_space<vmem>>
    %dma_start3A_68 = arith.constant 16 : i32
    %dma_start3A_69 = tpu.memref_slice %arg8[%dma_start3A_68] : memref<512xi32, #tpu.memory_space<vmem>> -> memref<16xi32, #tpu.memory_space<vmem>>
    %dma_start3A_70 = arith.constant 0 : i32
    %dma_start3A_71 = arith.constant 0 : i32
    %dma_start3A_72 = tpu.memref_slice %arg2[%dma_start3A_70, %dma_start3A_71] : memref<32768x1024xf32, #tpu.memory_space<hbm>> -> memref<32768x1024xf32, #tpu.memory_space<hbm>>
    tpu.enqueue_indirect_dma source(%dma_start3A_72 : memref<32768x1024xf32, #tpu.memory_space<hbm>>) target(%dma_start3A_67 : memref<16x1024xf32, #tpu.memory_space<vmem>>) offsets(%dma_start3A_69 : memref<16xi32, #tpu.memory_space<vmem>>) semaphore(%arg20 : memref<!tpu.dma_semaphore, #tpu.memory_space<semaphore_mem>>)
    %dma_start3A_73 = arith.constant 1 : i32
    %dma_start3A_74 = arith.constant 0 : i32
    %dma_start3A_75 = arith.constant 0 : i32
    %dma_start3A_76 = tpu.memref_slice %arg11[%dma_start3A_73, %dma_start3A_74, %dma_start3A_75] : memref<2x16x1024xf32, #tpu.memory_space<vmem>> -> memref<1x16x1024xf32, #tpu.memory_space<vmem>>
    %dma_start3A_77 = tpu.memref_squeeze %dma_start3A_76 : memref<1x16x1024xf32, #tpu.memory_space<vmem>> -> memref<16x1024xf32, #tpu.memory_space<vmem>>
    %dma_start3A_78 = arith.constant 16 : i32
    %dma_start3A_79 = tpu.memref_slice %arg9[%dma_start3A_78] : memref<512xi32, #tpu.memory_space<vmem>> -> memref<16xi32, #tpu.memory_space<vmem>>
    %dma_start3A_80 = arith.constant 0 : i32
    %dma_start3A_81 = arith.constant 0 : i32
    %dma_start3A_82 = tpu.memref_slice %arg3[%dma_start3A_80, %dma_start3A_81] : memref<2049x1024xf32, #tpu.memory_space<hbm>> -> memref<2049x1024xf32, #tpu.memory_space<hbm>>
    tpu.enqueue_indirect_dma source(%dma_start3A_82 : memref<2049x1024xf32, #tpu.memory_space<hbm>>) target(%dma_start3A_77 : memref<16x1024xf32, #tpu.memory_space<vmem>>) offsets(%dma_start3A_79 : memref<16xi32, #tpu.memory_space<vmem>>) semaphore(%arg22 : memref<!tpu.dma_semaphore, #tpu.memory_space<semaphore_mem>>)
    %scan3A_83 = arith.constant 0 : i32
    %scan3A_84 = arith.constant 16 : i32
    %scan3A_85 = arith.addi %scan3A_83, %scan3A_84 : i32
    %scan3A_86 = arith.constant 1 : i32
    scf.for %scan3A_108 = %scan3A_83 to %scan3A_85 step %scan3A_86  : i32 {
      %mul3A_109 = arith.constant 2 : i32
      %mul3A_110 = arith.muli %scan3A_108, %mul3A_109 : i32
      %add3A_111 = arith.constant 0 : i32
      %add3A_112 = arith.addi %mul3A_110, %add3A_111 : i32
      %mul3A_113 = arith.constant 16 : i32
      %mul3A_114 = arith.muli %add3A_112, %mul3A_113 : i32
      %dma_wait3A_115 = arith.constant 0 : i32
      %dma_wait3A_116 = arith.constant 0 : i32
      %dma_wait3A_117 = arith.constant 0 : i32
      %dma_wait3A_118 = tpu.memref_slice %arg10[%dma_wait3A_115, %dma_wait3A_116, %dma_wait3A_117] : memref<2x16x1024xf32, #tpu.memory_space<vmem>> -> memref<1x16x1024xf32, #tpu.memory_space<vmem>>
      %dma_wait3A_119 = tpu.memref_squeeze %dma_wait3A_118 : memref<1x16x1024xf32, #tpu.memory_space<vmem>> -> memref<16x1024xf32, #tpu.memory_space<vmem>>
      %dma_wait3A_120 = tpu.memref_slice %arg8[%mul3A_114] : memref<512xi32, #tpu.memory_space<vmem>> -> memref<16xi32, #tpu.memory_space<vmem>>
      %dma_wait3A_121 = arith.constant 0 : i32
      %dma_wait3A_122 = arith.constant 0 : i32
      %dma_wait3A_123 = tpu.memref_slice %arg2[%dma_wait3A_121, %dma_wait3A_122] : memref<32768x1024xf32, #tpu.memory_space<hbm>> -> memref<32768x1024xf32, #tpu.memory_space<hbm>>
      tpu.wait_indirect_dma semaphore(%arg19 : memref<!tpu.dma_semaphore, #tpu.memory_space<semaphore_mem>>) src(%dma_wait3A_123 : memref<32768x1024xf32, #tpu.memory_space<hbm>>) dst(%dma_wait3A_119 : memref<16x1024xf32, #tpu.memory_space<vmem>>)
      %mul3A_124 = arith.constant 16 : i32
      %mul3A_125 = arith.muli %add3A_112, %mul3A_124 : i32
      %dma_wait3A_126 = arith.constant 0 : i32
      %dma_wait3A_127 = arith.constant 0 : i32
      %dma_wait3A_128 = arith.constant 0 : i32
      %dma_wait3A_129 = tpu.memref_slice %arg11[%dma_wait3A_126, %dma_wait3A_127, %dma_wait3A_128] : memref<2x16x1024xf32, #tpu.memory_space<vmem>> -> memref<1x16x1024xf32, #tpu.memory_space<vmem>>
      %dma_wait3A_130 = tpu.memref_squeeze %dma_wait3A_129 : memref<1x16x1024xf32, #tpu.memory_space<vmem>> -> memref<16x1024xf32, #tpu.memory_space<vmem>>
      %dma_wait3A_131 = tpu.memref_slice %arg9[%mul3A_125] : memref<512xi32, #tpu.memory_space<vmem>> -> memref<16xi32, #tpu.memory_space<vmem>>
      %dma_wait3A_132 = arith.constant 0 : i32
      %dma_wait3A_133 = arith.constant 0 : i32
      %dma_wait3A_134 = tpu.memref_slice %arg3[%dma_wait3A_132, %dma_wait3A_133] : memref<2049x1024xf32, #tpu.memory_space<hbm>> -> memref<2049x1024xf32, #tpu.memory_space<hbm>>
      tpu.wait_indirect_dma semaphore(%arg21 : memref<!tpu.dma_semaphore, #tpu.memory_space<semaphore_mem>>) src(%dma_wait3A_134 : memref<2049x1024xf32, #tpu.memory_space<hbm>>) dst(%dma_wait3A_130 : memref<16x1024xf32, #tpu.memory_space<vmem>>)
      %gt3A = arith.constant 0 : i32
      %gt3A_135 = arith.cmpi sgt, %scan3A_108, %gt3A : i32
      %convert_element_type3A_136 = arith.extui %gt3A_135 : i1 to i32
      %cond3A_137 = arith.constant 0 : i32
      %cond3A_138 = arith.cmpi ne, %convert_element_type3A_136, %cond3A_137 : i32
      scf.if %cond3A_138 {
        %dma_wait3A_244 = arith.constant 0 : i32
        %dma_wait3A_245 = arith.constant 0 : i32
        %dma_wait3A_246 = arith.constant 0 : i32
        %dma_wait3A_247 = tpu.memref_slice %arg12[%dma_wait3A_244, %dma_wait3A_245, %dma_wait3A_246] : memref<2x16x1024xf32, #tpu.memory_space<vmem>> -> memref<1x16x1024xf32, #tpu.memory_space<vmem>>
        %dma_wait3A_248 = tpu.memref_squeeze %dma_wait3A_247 : memref<1x16x1024xf32, #tpu.memory_space<vmem>> -> memref<16x1024xf32, #tpu.memory_space<vmem>>
        %dma_wait3A_249 = arith.constant 0 : i32
        %dma_wait3A_250 = arith.constant 0 : i32
        %dma_wait3A_251 = tpu.memref_slice %arg6[%dma_wait3A_249, %dma_wait3A_250] : memref<16400x1024xf32, #tpu.memory_space<hbm>> -> memref<16400x1024xf32, #tpu.memory_space<hbm>>
        tpu.wait_indirect_dma semaphore(%arg23 : memref<!tpu.dma_semaphore, #tpu.memory_space<semaphore_mem>>) src(%dma_wait3A_248 : memref<16x1024xf32, #tpu.memory_space<vmem>>) dst(%dma_wait3A_251 : memref<16400x1024xf32, #tpu.memory_space<hbm>>)
      } else {
      }
      %scan3A_139 = arith.constant 0 : i32
      %scan3A_140 = arith.constant 16 : i32
      %scan3A_141 = arith.addi %scan3A_139, %scan3A_140 : i32
      %scan3A_142 = arith.constant 1 : i32
      scf.for %scan3A_244 = %scan3A_139 to %scan3A_141 step %scan3A_142  : i32 {
        %get3A = arith.constant 0 : i32
        %get3A_245 = arith.index_cast %get3A : i32 to index
        %get3A_246 = arith.index_cast %scan3A_244 : i32 to index
        %get3A_247 = arith.constant 0 : index
        %get3A_248 = tpu.vector_load %arg10[%get3A_245, %get3A_246, %get3A_247] {strides = array<i32>} : memref<2x16x1024xf32, #tpu.memory_space<vmem>>, vector<1x1x16xf32>,
        %get3A_249 = vector.shape_cast %get3A_248 : vector<1x1x16xf32> to vector<16xf32>
        %get3A_250 = arith.constant 0 : i32
        %get3A_251 = arith.index_cast %get3A_250 : i32 to index
        %get3A_252 = arith.index_cast %scan3A_244 : i32 to index
        %get3A_253 = arith.constant 0 : index
        %get3A_254 = tpu.vector_load %arg11[%get3A_251, %get3A_252, %get3A_253] {strides = array<i32>} : memref<2x16x1024xf32, #tpu.memory_space<vmem>>, vector<1x1x16xf32>,
        %get3A_255 = vector.shape_cast %get3A_254 : vector<1x1x16xf32> to vector<16xf32>
        %add3A_256 = arith.addf %get3A_249, %get3A_255 : vector<16xf32>
        %swap3A_257 = arith.constant 0 : i32
        %swap3A_258 = arith.index_cast %swap3A_257 : i32 to index
        %swap3A_259 = arith.index_cast %scan3A_244 : i32 to index
        %swap3A_260 = arith.constant 0 : index
        %swap3A_261 = tpu.vector_load %arg12[%swap3A_258, %swap3A_259, %swap3A_260] {strides = array<i32>} : memref<2x16x1024xf32, #tpu.memory_space<vmem>>, vector<1x1x16xf32>,
        %swap3A_262 = vector.shape_cast %swap3A_261 : vector<1x1x16xf32> to vector<16xf32>
        %swap3A_263 = vector.shape_cast %add3A_256 : vector<16xf32> to vector<1x1x16xf32>
        tpu.vector_store %arg12[%swap3A_258, %swap3A_259, %swap3A_260], %swap3A_263 {strides = array<i32>} : memref<2x16x1024xf32, #tpu.memory_space<vmem>>, vector<1x1x16xf32>,
        %get3A_264 = arith.constant 0 : i32
        %get3A_265 = arith.index_cast %get3A_264 : i32 to index
        %get3A_266 = arith.index_cast %scan3A_244 : i32 to index
        %get3A_267 = arith.constant 16 : index
        %get3A_268 = tpu.vector_load %arg10[%get3A_265, %get3A_266, %get3A_267] {strides = array<i32>} : memref<2x16x1024xf32, #tpu.memory_space<vmem>>, vector<1x1x16xf32>,
        %get3A_269 = vector.shape_cast %get3A_268 : vector<1x1x16xf32> to vector<16xf32>
        %get3A_270 = arith.constant 0 : i32
        %get3A_271 = arith.index_cast %get3A_270 : i32 to index
        %get3A_272 = arith.index_cast %scan3A_244 : i32 to index
        %get3A_273 = arith.constant 16 : index
        %get3A_274 = tpu.vector_load %arg11[%get3A_271, %get3A_272, %get3A_273] {strides = array<i32>} : memref<2x16x1024xf32, #tpu.memory_space<vmem>>, vector<1x1x16xf32>,
        %get3A_275 = vector.shape_cast %get3A_274 : vector<1x1x16xf32> to vector<16xf32>
        %add3A_276 = arith.addf %get3A_269, %get3A_275 : vector<16xf32>
        %swap3A_277 = arith.constant 0 : i32
        %swap3A_278 = arith.index_cast %swap3A_277 : i32 to index
        %swap3A_279 = arith.index_cast %scan3A_244 : i32 to index
        %swap3A_280 = arith.constant 16 : index
        %swap3A_281 = tpu.vector_load %arg12[%swap3A_278, %swap3A_279, %swap3A_280] {strides = array<i32>} : memref<2x16x1024xf32, #tpu.memory_space<vmem>>, vector<1x1x16xf32>,
        %swap3A_282 = vector.shape_cast %swap3A_281 : vector<1x1x16xf32> to vector<16xf32>
        %swap3A_283 = vector.shape_cast %add3A_276 : vector<16xf32> to vector<1x1x16xf32>
        tpu.vector_store %arg12[%swap3A_278, %swap3A_279, %swap3A_280], %swap3A_283 {strides = array<i32>} : memref<2x16x1024xf32, #tpu.memory_space<vmem>>, vector<1x1x16xf32>,
        %get3A_284 = arith.constant 0 : i32
        %get3A_285 = arith.index_cast %get3A_284 : i32 to index
        %get3A_286 = arith.index_cast %scan3A_244 : i32 to index
        %get3A_287 = arith.constant 32 : index
        %get3A_288 = tpu.vector_load %arg10[%get3A_285, %get3A_286, %get3A_287] {strides = array<i32>} : memref<2x16x1024xf32, #tpu.memory_space<vmem>>, vector<1x1x16xf32>,
        %get3A_289 = vector.shape_cast %get3A_288 : vector<1x1x16xf32> to vector<16xf32>
        %get3A_290 = arith.constant 0 : i32
        %get3A_291 = arith.index_cast %get3A_290 : i32 to index
        %get3A_292 = arith.index_cast %scan3A_244 : i32 to index
        %get3A_293 = arith.constant 32 : index
        %get3A_294 = tpu.vector_load %arg11[%get3A_291, %get3A_292, %get3A_293] {strides = array<i32>} : memref<2x16x1024xf32, #tpu.memory_space<vmem>>, vector<1x1x16xf32>,
        %get3A_295 = vector.shape_cast %get3A_294 : vector<1x1x16xf32> to vector<16xf32>
        %add3A_296 = arith.addf %get3A_289, %get3A_295 : vector<16xf32>
        %swap3A_297 = arith.constant 0 : i32
        %swap3A_298 = arith.index_cast %swap3A_297 : i32 to index
        %swap3A_299 = arith.index_cast %scan3A_244 : i32 to index
        %swap3A_300 = arith.constant 32 : index
        %swap3A_301 = tpu.vector_load %arg12[%swap3A_298, %swap3A_299, %swap3A_300] {strides = array<i32>} : memref<2x16x1024xf32, #tpu.memory_space<vmem>>, vector<1x1x16xf32>,
        %swap3A_302 = vector.shape_cast %swap3A_301 : vector<1x1x16xf32> to vector<16xf32>
        %swap3A_303 = vector.shape_cast %add3A_296 : vector<16xf32> to vector<1x1x16xf32>
        tpu.vector_store %arg12[%swap3A_298, %swap3A_299, %swap3A_300], %swap3A_303 {strides = array<i32>} : memref<2x16x1024xf32, #tpu.memory_space<vmem>>, vector<1x1x16xf32>,
        %get3A_304 = arith.constant 0 : i32
        %get3A_305 = arith.index_cast %get3A_304 : i32 to index
        %get3A_306 = arith.index_cast %scan3A_244 : i32 to index
        %get3A_307 = arith.constant 48 : index
        %get3A_308 = tpu.vector_load %arg10[%get3A_305, %get3A_306, %get3A_307] {strides = array<i32>} : memref<2x16x1024xf32, #tpu.memory_space<vmem>>, vector<1x1x16xf32>,
        %get3A_309 = vector.shape_cast %get3A_308 : vector<1x1x16xf32> to vector<16xf32>
        %get3A_310 = arith.constant 0 : i32
        %get3A_311 = arith.index_cast %get3A_310 : i32 to index
        %get3A_312 = arith.index_cast %scan3A_244 : i32 to index
        %get3A_313 = arith.constant 48 : index
        %get3A_314 = tpu.vector_load %arg11[%get3A_311, %get3A_312, %get3A_313] {strides = array<i32>} : memref<2x16x1024xf32, #tpu.memory_space<vmem>>, vector<1x1x16xf32>,
        %get3A_315 = vector.shape_cast %get3A_314 : vector<1x1x16xf32> to vector<16xf32>
        %add3A_316 = arith.addf %get3A_309, %get3A_315 : vector<16xf32>
        %swap3A_317 = arith.constant 0 : i32
        %swap3A_318 = arith.index_cast %swap3A_317 : i32 to index
        %swap3A_319 = arith.index_cast %scan3A_244 : i32 to index
        %swap3A_320 = arith.constant 48 : index
        %swap3A_321 = tpu.vector_load %arg12[%swap3A_318, %swap3A_319, %swap3A_320] {strides = array<i32>} : memref<2x16x1024xf32, #tpu.memory_space<vmem>>, vector<1x1x16xf32>,
        %swap3A_322 = vector.shape_cast %swap3A_321 : vector<1x1x16xf32> to vector<16xf32>
        %swap3A_323 = vector.shape_cast %add3A_316 : vector<16xf32> to vector<1x1x16xf32>
        tpu.vector_store %arg12[%swap3A_318, %swap3A_319, %swap3A_320], %swap3A_323 {strides = array<i32>} : memref<2x16x1024xf32, #tpu.memory_space<vmem>>, vector<1x1x16xf32>,
        %get3A_324 = arith.constant 0 : i32
        %get3A_325 = arith.index_cast %get3A_324 : i32 to index
        %get3A_326 = arith.index_cast %scan3A_244 : i32 to index
        %get3A_327 = arith.constant 64 : index
        %get3A_328 = tpu.vector_load %arg10[%get3A_325, %get3A_326, %get3A_327] {strides = array<i32>} : memref<2x16x1024xf32, #tpu.memory_space<vmem>>, vector<1x1x16xf32>,
        %get3A_329 = vector.shape_cast %get3A_328 : vector<1x1x16xf32> to vector<16xf32>
        %get3A_330 = arith.constant 0 : i32
        %get3A_331 = arith.index_cast %get3A_330 : i32 to index
        %get3A_332 = arith.index_cast %scan3A_244 : i32 to index
        %get3A_333 = arith.constant 64 : index
        %get3A_334 = tpu.vector_load %arg11[%get3A_331, %get3A_332, %get3A_333] {strides = array<i32>} : memref<2x16x1024xf32, #tpu.memory_space<vmem>>, vector<1x1x16xf32>,
        %get3A_335 = vector.shape_cast %get3A_334 : vector<1x1x16xf32> to vector<16xf32>
        %add3A_336 = arith.addf %get3A_329, %get3A_335 : vector<16xf32>
        %swap3A_337 = arith.constant 0 : i32
        %swap3A_338 = arith.index_cast %swap3A_337 : i32 to index
        %swap3A_339 = arith.index_cast %scan3A_244 : i32 to index
        %swap3A_340 = arith.constant 64 : index
        %swap3A_341 = tpu.vector_load %arg12[%swap3A_338, %swap3A_339, %swap3A_340] {strides = array<i32>} : memref<2x16x1024xf32, #tpu.memory_space<vmem>>, vector<1x1x16xf32>,
        %swap3A_342 = vector.shape_cast %swap3A_341 : vector<1x1x16xf32> to vector<16xf32>
        %swap3A_343 = vector.shape_cast %add3A_336 : vector<16xf32> to vector<1x1x16xf32>
        tpu.vector_store %arg12[%swap3A_338, %swap3A_339, %swap3A_340], %swap3A_343 {strides = array<i32>} : memref<2x16x1024xf32, #tpu.memory_space<vmem>>, vector<1x1x16xf32>,
        %get3A_344 = arith.constant 0 : i32
        %get3A_345 = arith.index_cast %get3A_344 : i32 to index
        %get3A_346 = arith.index_cast %scan3A_244 : i32 to index
        %get3A_347 = arith.constant 80 : index
        %get3A_348 = tpu.vector_load %arg10[%get3A_345, %get3A_346, %get3A_347] {strides = array<i32>} : memref<2x16x1024xf32, #tpu.memory_space<vmem>>, vector<1x1x16xf32>,
        %get3A_349 = vector.shape_cast %get3A_348 : vector<1x1x16xf32> to vector<16xf32>
        %get3A_350 = arith.constant 0 : i32
        %get3A_351 = arith.index_cast %get3A_350 : i32 to index
        %get3A_352 = arith.index_cast %scan3A_244 : i32 to index
        %get3A_353 = arith.constant 80 : index
        %get3A_354 = tpu.vector_load %arg11[%get3A_351, %get3A_352, %get3A_353] {strides = array<i32>} : memref<2x16x1024xf32, #tpu.memory_space<vmem>>, vector<1x1x16xf32>,
        %get3A_355 = vector.shape_cast %get3A_354 : vector<1x1x16xf32> to vector<16xf32>
        %add3A_356 = arith.addf %get3A_349, %get3A_355 : vector<16xf32>
        %swap3A_357 = arith.constant 0 : i32
        %swap3A_358 = arith.index_cast %swap3A_357 : i32 to index
        %swap3A_359 = arith.index_cast %scan3A_244 : i32 to index
        %swap3A_360 = arith.constant 80 : index
        %swap3A_361 = tpu.vector_load %arg12[%swap3A_358, %swap3A_359, %swap3A_360] {strides = array<i32>} : memref<2x16x1024xf32, #tpu.memory_space<vmem>>, vector<1x1x16xf32>,
        %swap3A_362 = vector.shape_cast %swap3A_361 : vector<1x1x16xf32> to vector<16xf32>
        %swap3A_363 = vector.shape_cast %add3A_356 : vector<16xf32> to vector<1x1x16xf32>
        tpu.vector_store %arg12[%swap3A_358, %swap3A_359, %swap3A_360], %swap3A_363 {strides = array<i32>} : memref<2x16x1024xf32, #tpu.memory_space<vmem>>, vector<1x1x16xf32>,
        %get3A_364 = arith.constant 0 : i32
        %get3A_365 = arith.index_cast %get3A_364 : i32 to index
        %get3A_366 = arith.index_cast %scan3A_244 : i32 to index
        %get3A_367 = arith.constant 96 : index
        %get3A_368 = tpu.vector_load %arg10[%get3A_365, %get3A_366, %get3A_367] {strides = array<i32>} : memref<2x16x1024xf32, #tpu.memory_space<vmem>>, vector<1x1x16xf32>,
        %get3A_369 = vector.shape_cast %get3A_368 : vector<1x1x16xf32> to vector<16xf32>
        %get3A_370 = arith.constant 0 : i32
        %get3A_371 = arith.index_cast %get3A_370 : i32 to index
        %get3A_372 = arith.index_cast %scan3A_244 : i32 to index
        %get3A_373 = arith.constant 96 : index
        %get3A_374 = tpu.vector_load %arg11[%get3A_371, %get3A_372, %get3A_373] {strides = array<i32>} : memref<2x16x1024xf32, #tpu.memory_space<vmem>>, vector<1x1x16xf32>,
        %get3A_375 = vector.shape_cast %get3A_374 : vector<1x1x16xf32> to vector<16xf32>
        %add3A_376 = arith.addf %get3A_369, %get3A_375 : vector<16xf32>
        %swap3A_377 = arith.constant 0 : i32
        %swap3A_378 = arith.index_cast %swap3A_377 : i32 to index
        %swap3A_379 = arith.index_cast %scan3A_244 : i32 to index
        %swap3A_380 = arith.constant 96 : index
        %swap3A_381 = tpu.vector_load %arg12[%swap3A_378, %swap3A_379, %swap3A_380] {strides = array<i32>} : memref<2x16x1024xf32, #tpu.memory_space<vmem>>, vector<1x1x16xf32>,
        %swap3A_382 = vector.shape_cast %swap3A_381 : vector<1x1x16xf32> to vector<16xf32>
        %swap3A_383 = vector.shape_cast %add3A_376 : vector<16xf32> to vector<1x1x16xf32>
        tpu.vector_store %arg12[%swap3A_378, %swap3A_379, %swap3A_380], %swap3A_383 {strides = array<i32>} : memref<2x16x1024xf32, #tpu.memory_space<vmem>>, vector<1x1x16xf32>,
        %get3A_384 = arith.constant 0 : i32
        %get3A_385 = arith.index_cast %get3A_384 : i32 to index
        %get3A_386 = arith.index_cast %scan3A_244 : i32 to index
        %get3A_387 = arith.constant 112 : index
        %get3A_388 = tpu.vector_load %arg10[%get3A_385, %get3A_386, %get3A_387] {strides = array<i32>} : memref<2x16x1024xf32, #tpu.memory_space<vmem>>, vector<1x1x16xf32>,
        %get3A_389 = vector.shape_cast %get3A_388 : vector<1x1x16xf32> to vector<16xf32>
        %get3A_390 = arith.constant 0 : i32
        %get3A_391 = arith.index_cast %get3A_390 : i32 to index
        %get3A_392 = arith.index_cast %scan3A_244 : i32 to index
        %get3A_393 = arith.constant 112 : index
        %get3A_394 = tpu.vector_load %arg11[%get3A_391, %get3A_392, %get3A_393] {strides = array<i32>} : memref<2x16x1024xf32, #tpu.memory_space<vmem>>, vector<1x1x16xf32>,
        %get3A_395 = vector.shape_cast %get3A_394 : vector<1x1x16xf32> to vector<16xf32>
        %add3A_396 = arith.addf %get3A_389, %get3A_395 : vector<16xf32>
        %swap3A_397 = arith.constant 0 : i32
        %swap3A_398 = arith.index_cast %swap3A_397 : i32 to index
        %swap3A_399 = arith.index_cast %scan3A_244 : i32 to index
        %swap3A_400 = arith.constant 112 : index
        %swap3A_401 = tpu.vector_load %arg12[%swap3A_398, %swap3A_399, %swap3A_400] {strides = array<i32>} : memref<2x16x1024xf32, #tpu.memory_space<vmem>>, vector<1x1x16xf32>,
        %swap3A_402 = vector.shape_cast %swap3A_401 : vector<1x1x16xf32> to vector<16xf32>
        %swap3A_403 = vector.shape_cast %add3A_396 : vector<16xf32> to vector<1x1x16xf32>
        tpu.vector_store %arg12[%swap3A_398, %swap3A_399, %swap3A_400], %swap3A_403 {strides = array<i32>} : memref<2x16x1024xf32, #tpu.memory_space<vmem>>, vector<1x1x16xf32>,
        %get3A_404 = arith.constant 0 : i32
        %get3A_405 = arith.index_cast %get3A_404 : i32 to index
        %get3A_406 = arith.index_cast %scan3A_244 : i32 to index
        %get3A_407 = arith.constant 128 : index
        %get3A_408 = tpu.vector_load %arg10[%get3A_405, %get3A_406, %get3A_407] {strides = array<i32>} : memref<2x16x1024xf32, #tpu.memory_space<vmem>>, vector<1x1x16xf32>,
        %get3A_409 = vector.shape_cast %get3A_408 : vector<1x1x16xf32> to vector<16xf32>
        %get3A_410 = arith.constant 0 : i32
        %get3A_411 = arith.index_cast %get3A_410 : i32 to index
        %get3A_412 = arith.index_cast %scan3A_244 : i32 to index
        %get3A_413 = arith.constant 128 : index
        %get3A_414 = tpu.vector_load %arg11[%get3A_411, %get3A_412, %get3A_413] {strides = array<i32>} : memref<2x16x1024xf32, #tpu.memory_space<vmem>>, vector<1x1x16xf32>,
        %get3A_415 = vector.shape_cast %get3A_414 : vector<1x1x16xf32> to vector<16xf32>
        %add3A_416 = arith.addf %get3A_409, %get3A_415 : vector<16xf32>
        %swap3A_417 = arith.constant 0 : i32
        %swap3A_418 = arith.index_cast %swap3A_417 : i32 to index
        %swap3A_419 = arith.index_cast %scan3A_244 : i32 to index
        %swap3A_420 = arith.constant 128 : index
        %swap3A_421 = tpu.vector_load %arg12[%swap3A_418, %swap3A_419, %swap3A_420] {strides = array<i32>} : memref<2x16x1024xf32, #tpu.memory_space<vmem>>, vector<1x1x16xf32>,
        %swap3A_422 = vector.shape_cast %swap3A_421 : vector<1x1x16xf32> to vector<16xf32>
        %swap3A_423 = vector.shape_cast %add3A_416 : vector<16xf32> to vector<1x1x16xf32>
        tpu.vector_store %arg12[%swap3A_418, %swap3A_419, %swap3A_420], %swap3A_423 {strides = array<i32>} : memref<2x16x1024xf32, #tpu.memory_space<vmem>>, vector<1x1x16xf32>,
        %get3A_424 = arith.constant 0 : i32
        %get3A_425 = arith.index_cast %get3A_424 : i32 to index
        %get3A_426 = arith.index_cast %scan3A_244 : i32 to index
        %get3A_427 = arith.constant 144 : index
        %get3A_428 = tpu.vector_load %arg10[%get3A_425, %get3A_426, %get3A_427] {strides = array<i32>} : memref<2x16x1024xf32, #tpu.memory_space<vmem>>, vector<1x1x16xf32>,
        %get3A_429 = vector.shape_cast %get3A_428 : vector<1x1x16xf32> to vector<16xf32>
        %get3A_430 = arith.constant 0 : i32
        %get3A_431 = arith.index_cast %get3A_430 : i32 to index
        %get3A_432 = arith.index_cast %scan3A_244 : i32 to index
        %get3A_433 = arith.constant 144 : index
        %get3A_434 = tpu.vector_load %arg11[%get3A_431, %get3A_432, %get3A_433] {strides = array<i32>} : memref<2x16x1024xf32, #tpu.memory_space<vmem>>, vector<1x1x16xf32>,
        %get3A_435 = vector.shape_cast %get3A_434 : vector<1x1x16xf32> to vector<16xf32>
        %add3A_436 = arith.addf %get3A_429, %get3A_435 : vector<16xf32>
        %swap3A_437 = arith.constant 0 : i32
        %swap3A_438 = arith.index_cast %swap3A_437 : i32 to index
        %swap3A_439 = arith.index_cast %scan3A_244 : i32 to index
        %swap3A_440 = arith.constant 144 : index
        %swap3A_441 = tpu.vector_load %arg12[%swap3A_438, %swap3A_439, %swap3A_440] {strides = array<i32>} : memref<2x16x1024xf32, #tpu.memory_space<vmem>>, vector<1x1x16xf32>,
        %swap3A_442 = vector.shape_cast %swap3A_441 : vector<1x1x16xf32> to vector<16xf32>
        %swap3A_443 = vector.shape_cast %add3A_436 : vector<16xf32> to vector<1x1x16xf32>
        tpu.vector_store %arg12[%swap3A_438, %swap3A_439, %swap3A_440], %swap3A_443 {strides = array<i32>} : memref<2x16x1024xf32, #tpu.memory_space<vmem>>, vector<1x1x16xf32>,
        %get3A_444 = arith.constant 0 : i32
        %get3A_445 = arith.index_cast %get3A_444 : i32 to index
        %get3A_446 = arith.index_cast %scan3A_244 : i32 to index
        %get3A_447 = arith.constant 160 : index
        %get3A_448 = tpu.vector_load %arg10[%get3A_445, %get3A_446, %get3A_447] {strides = array<i32>} : memref<2x16x1024xf32, #tpu.memory_space<vmem>>, vector<1x1x16xf32>,
        %get3A_449 = vector.shape_cast %get3A_448 : vector<1x1x16xf32> to vector<16xf32>
        %get3A_450 = arith.constant 0 : i32
        %get3A_451 = arith.index_cast %get3A_450 : i32 to index
        %get3A_452 = arith.index_cast %scan3A_244 : i32 to index
        %get3A_453 = arith.constant 160 : index
        %get3A_454 = tpu.vector_load %arg11[%get3A_451, %get3A_452, %get3A_453] {strides = array<i32>} : memref<2x16x1024xf32, #tpu.memory_space<vmem>>, vector<1x1x16xf32>,
        %get3A_455 = vector.shape_cast %get3A_454 : vector<1x1x16xf32> to vector<16xf32>
        %add3A_456 = arith.addf %get3A_449, %get3A_455 : vector<16xf32>
        %swap3A_457 = arith.constant 0 : i32
        %swap3A_458 = arith.index_cast %swap3A_457 : i32 to index
        %swap3A_459 = arith.index_cast %scan3A_244 : i32 to index
        %swap3A_460 = arith.constant 160 : index
        %swap3A_461 = tpu.vector_load %arg12[%swap3A_458, %swap3A_459, %swap3A_460] {strides = array<i32>} : memref<2x16x1024xf32, #tpu.memory_space<vmem>>, vector<1x1x16xf32>,
        %swap3A_462 = vector.shape_cast %swap3A_461 : vector<1x1x16xf32> to vector<16xf32>
        %swap3A_463 = vector.shape_cast %add3A_456 : vector<16xf32> to vector<1x1x16xf32>
        tpu.vector_store %arg12[%swap3A_458, %swap3A_459, %swap3A_460], %swap3A_463 {strides = array<i32>} : memref<2x16x1024xf32, #tpu.memory_space<vmem>>, vector<1x1x16xf32>,
        %get3A_464 = arith.constant 0 : i32
        %get3A_465 = arith.index_cast %get3A_464 : i32 to index
        %get3A_466 = arith.index_cast %scan3A_244 : i32 to index
        %get3A_467 = arith.constant 176 : index
        %get3A_468 = tpu.vector_load %arg10[%get3A_465, %get3A_466, %get3A_467] {strides = array<i32>} : memref<2x16x1024xf32, #tpu.memory_space<vmem>>, vector<1x1x16xf32>,
        %get3A_469 = vector.shape_cast %get3A_468 : vector<1x1x16xf32> to vector<16xf32>
        %get3A_470 = arith.constant 0 : i32
        %get3A_471 = arith.index_cast %get3A_470 : i32 to index
        %get3A_472 = arith.index_cast %scan3A_244 : i32 to index
        %get3A_473 = arith.constant 176 : index
        %get3A_474 = tpu.vector_load %arg11[%get3A_471, %get3A_472, %get3A_473] {strides = array<i32>} : memref<2x16x1024xf32, #tpu.memory_space<vmem>>, vector<1x1x16xf32>,
        %get3A_475 = vector.shape_cast %get3A_474 : vector<1x1x16xf32> to vector<16xf32>
        %add3A_476 = arith.addf %get3A_469, %get3A_475 : vector<16xf32>
        %swap3A_477 = arith.constant 0 : i32
        %swap3A_478 = arith.index_cast %swap3A_477 : i32 to index
        %swap3A_479 = arith.index_cast %scan3A_244 : i32 to index
        %swap3A_480 = arith.constant 176 : index
        %swap3A_481 = tpu.vector_load %arg12[%swap3A_478, %swap3A_479, %swap3A_480] {strides = array<i32>} : memref<2x16x1024xf32, #tpu.memory_space<vmem>>, vector<1x1x16xf32>,
        %swap3A_482 = vector.shape_cast %swap3A_481 : vector<1x1x16xf32> to vector<16xf32>
        %swap3A_483 = vector.shape_cast %add3A_476 : vector<16xf32> to vector<1x1x16xf32>
        tpu.vector_store %arg12[%swap3A_478, %swap3A_479, %swap3A_480], %swap3A_483 {strides = array<i32>} : memref<2x16x1024xf32, #tpu.memory_space<vmem>>, vector<1x1x16xf32>,
        %get3A_484 = arith.constant 0 : i32
        %get3A_485 = arith.index_cast %get3A_484 : i32 to index
        %get3A_486 = arith.index_cast %scan3A_244 : i32 to index
        %get3A_487 = arith.constant 192 : index
        %get3A_488 = tpu.vector_load %arg10[%get3A_485, %get3A_486, %get3A_487] {strides = array<i32>} : memref<2x16x1024xf32, #tpu.memory_space<vmem>>, vector<1x1x16xf32>,
        %get3A_489 = vector.shape_cast %get3A_488 : vector<1x1x16xf32> to vector<16xf32>
        %get3A_490 = arith.constant 0 : i32
        %get3A_491 = arith.index_cast %get3A_490 : i32 to index
        %get3A_492 = arith.index_cast %scan3A_244 : i32 to index
        %get3A_493 = arith.constant 192 : index
        %get3A_494 = tpu.vector_load %arg11[%get3A_491, %get3A_492, %get3A_493] {strides = array<i32>} : memref<2x16x1024xf32, #tpu.memory_space<vmem>>, vector<1x1x16xf32>,
        %get3A_495 = vector.shape_cast %get3A_494 : vector<1x1x16xf32> to vector<16xf32>
        %add3A_496 = arith.addf %get3A_489, %get3A_495 : vector<16xf32>
        %swap3A_497 = arith.constant 0 : i32
        %swap3A_498 = arith.index_cast %swap3A_497 : i32 to index
        %swap3A_499 = arith.index_cast %scan3A_244 : i32 to index
        %swap3A_500 = arith.constant 192 : index
        %swap3A_501 = tpu.vector_load %arg12[%swap3A_498, %swap3A_499, %swap3A_500] {strides = array<i32>} : memref<2x16x1024xf32, #tpu.memory_space<vmem>>, vector<1x1x16xf32>,
        %swap3A_502 = vector.shape_cast %swap3A_501 : vector<1x1x16xf32> to vector<16xf32>
        %swap3A_503 = vector.shape_cast %add3A_496 : vector<16xf32> to vector<1x1x16xf32>
        tpu.vector_store %arg12[%swap3A_498, %swap3A_499, %swap3A_500], %swap3A_503 {strides = array<i32>} : memref<2x16x1024xf32, #tpu.memory_space<vmem>>, vector<1x1x16xf32>,
        %get3A_504 = arith.constant 0 : i32
        %get3A_505 = arith.index_cast %get3A_504 : i32 to index
        %get3A_506 = arith.index_cast %scan3A_244 : i32 to index
        %get3A_507 = arith.constant 208 : index
        %get3A_508 = tpu.vector_load %arg10[%get3A_505, %get3A_506, %get3A_507] {strides = array<i32>} : memref<2x16x1024xf32, #tpu.memory_space<vmem>>, vector<1x1x16xf32>,
        %get3A_509 = vector.shape_cast %get3A_508 : vector<1x1x16xf32> to vector<16xf32>
        %get3A_510 = arith.constant 0 : i32
        %get3A_511 = arith.index_cast %get3A_510 : i32 to index
        %get3A_512 = arith.index_cast %scan3A_244 : i32 to index
        %get3A_513 = arith.constant 208 : index
        %get3A_514 = tpu.vector_load %arg11[%get3A_511, %get3A_512, %get3A_513] {strides = array<i32>} : memref<2x16x1024xf32, #tpu.memory_space<vmem>>, vector<1x1x16xf32>,
        %get3A_515 = vector.shape_cast %get3A_514 : vector<1x1x16xf32> to vector<16xf32>
        %add3A_516 = arith.addf %get3A_509, %get3A_515 : vector<16xf32>
        %swap3A_517 = arith.constant 0 : i32
        %swap3A_518 = arith.index_cast %swap3A_517 : i32 to index
        %swap3A_519 = arith.index_cast %scan3A_244 : i32 to index
        %swap3A_520 = arith.constant 208 : index
        %swap3A_521 = tpu.vector_load %arg12[%swap3A_518, %swap3A_519, %swap3A_520] {strides = array<i32>} : memref<2x16x1024xf32, #tpu.memory_space<vmem>>, vector<1x1x16xf32>,
        %swap3A_522 = vector.shape_cast %swap3A_521 : vector<1x1x16xf32> to vector<16xf32>
        %swap3A_523 = vector.shape_cast %add3A_516 : vector<16xf32> to vector<1x1x16xf32>
        tpu.vector_store %arg12[%swap3A_518, %swap3A_519, %swap3A_520], %swap3A_523 {strides = array<i32>} : memref<2x16x1024xf32, #tpu.memory_space<vmem>>, vector<1x1x16xf32>,
        %get3A_524 = arith.constant 0 : i32
        %get3A_525 = arith.index_cast %get3A_524 : i32 to index
        %get3A_526 = arith.index_cast %scan3A_244 : i32 to index
        %get3A_527 = arith.constant 224 : index
        %get3A_528 = tpu.vector_load %arg10[%get3A_525, %get3A_526, %get3A_527] {strides = array<i32>} : memref<2x16x1024xf32, #tpu.memory_space<vmem>>, vector<1x1x16xf32>,
        %get3A_529 = vector.shape_cast %get3A_528 : vector<1x1x16xf32> to vector<16xf32>
        %get3A_530 = arith.constant 0 : i32
        %get3A_531 = arith.index_cast %get3A_530 : i32 to index
        %get3A_532 = arith.index_cast %scan3A_244 : i32 to index
        %get3A_533 = arith.constant 224 : index
        %get3A_534 = tpu.vector_load %arg11[%get3A_531, %get3A_532, %get3A_533] {strides = array<i32>} : memref<2x16x1024xf32, #tpu.memory_space<vmem>>, vector<1x1x16xf32>,
        %get3A_535 = vector.shape_cast %get3A_534 : vector<1x1x16xf32> to vector<16xf32>
        %add3A_536 = arith.addf %get3A_529, %get3A_535 : vector<16xf32>
        %swap3A_537 = arith.constant 0 : i32
        %swap3A_538 = arith.index_cast %swap3A_537 : i32 to index
        %swap3A_539 = arith.index_cast %scan3A_244 : i32 to index
        %swap3A_540 = arith.constant 224 : index
        %swap3A_541 = tpu.vector_load %arg12[%swap3A_538, %swap3A_539, %swap3A_540] {strides = array<i32>} : memref<2x16x1024xf32, #tpu.memory_space<vmem>>, vector<1x1x16xf32>,
        %swap3A_542 = vector.shape_cast %swap3A_541 : vector<1x1x16xf32> to vector<16xf32>
        %swap3A_543 = vector.shape_cast %add3A_536 : vector<16xf32> to vector<1x1x16xf32>
        tpu.vector_store %arg12[%swap3A_538, %swap3A_539, %swap3A_540], %swap3A_543 {strides = array<i32>} : memref<2x16x1024xf32, #tpu.memory_space<vmem>>, vector<1x1x16xf32>,
        %get3A_544 = arith.constant 0 : i32
        %get3A_545 = arith.index_cast %get3A_544 : i32 to index
        %get3A_546 = arith.index_cast %scan3A_244 : i32 to index
        %get3A_547 = arith.constant 240 : index
        %get3A_548 = tpu.vector_load %arg10[%get3A_545, %get3A_546, %get3A_547] {strides = array<i32>} : memref<2x16x1024xf32, #tpu.memory_space<vmem>>, vector<1x1x16xf32>,
        %get3A_549 = vector.shape_cast %get3A_548 : vector<1x1x16xf32> to vector<16xf32>
        %get3A_550 = arith.constant 0 : i32
        %get3A_551 = arith.index_cast %get3A_550 : i32 to index
        %get3A_552 = arith.index_cast %scan3A_244 : i32 to index
        %get3A_553 = arith.constant 240 : index
        %get3A_554 = tpu.vector_load %arg11[%get3A_551, %get3A_552, %get3A_553] {strides = array<i32>} : memref<2x16x1024xf32, #tpu.memory_space<vmem>>, vector<1x1x16xf32>,
        %get3A_555 = vector.shape_cast %get3A_554 : vector<1x1x16xf32> to vector<16xf32>
        %add3A_556 = arith.addf %get3A_549, %get3A_555 : vector<16xf32>
        %swap3A_557 = arith.constant 0 : i32
        %swap3A_558 = arith.index_cast %swap3A_557 : i32 to index
        %swap3A_559 = arith.index_cast %scan3A_244 : i32 to index
        %swap3A_560 = arith.constant 240 : index
        %swap3A_561 = tpu.vector_load %arg12[%swap3A_558, %swap3A_559, %swap3A_560] {strides = array<i32>} : memref<2x16x1024xf32, #tpu.memory_space<vmem>>, vector<1x1x16xf32>,
        %swap3A_562 = vector.shape_cast %swap3A_561 : vector<1x1x16xf32> to vector<16xf32>
        %swap3A_563 = vector.shape_cast %add3A_556 : vector<16xf32> to vector<1x1x16xf32>
        tpu.vector_store %arg12[%swap3A_558, %swap3A_559, %swap3A_560], %swap3A_563 {strides = array<i32>} : memref<2x16x1024xf32, #tpu.memory_space<vmem>>, vector<1x1x16xf32>,
        %get3A_564 = arith.constant 0 : i32
        %get3A_565 = arith.index_cast %get3A_564 : i32 to index
        %get3A_566 = arith.index_cast %scan3A_244 : i32 to index
        %get3A_567 = arith.constant 256 : index
        %get3A_568 = tpu.vector_load %arg10[%get3A_565, %get3A_566, %get3A_567] {strides = array<i32>} : memref<2x16x1024xf32, #tpu.memory_space<vmem>>, vector<1x1x16xf32>,
        %get3A_569 = vector.shape_cast %get3A_568 : vector<1x1x16xf32> to vector<16xf32>
        %get3A_570 = arith.constant 0 : i32
        %get3A_571 = arith.index_cast %get3A_570 : i32 to index
        %get3A_572 = arith.index_cast %scan3A_244 : i32 to index
        %get3A_573 = arith.constant 256 : index
        %get3A_574 = tpu.vector_load %arg11[%get3A_571, %get3A_572, %get3A_573] {strides = array<i32>} : memref<2x16x1024xf32, #tpu.memory_space<vmem>>, vector<1x1x16xf32>,
        %get3A_575 = vector.shape_cast %get3A_574 : vector<1x1x16xf32> to vector<16xf32>
        %add3A_576 = arith.addf %get3A_569, %get3A_575 : vector<16xf32>
        %swap3A_577 = arith.constant 0 : i32
        %swap3A_578 = arith.index_cast %swap3A_577 : i32 to index
        %swap3A_579 = arith.index_cast %scan3A_244 : i32 to index
        %swap3A_580 = arith.constant 256 : index
        %swap3A_581 = tpu.vector_load %arg12[%swap3A_578, %swap3A_579, %swap3A_580] {strides = array<i32>} : memref<2x16x1024xf32, #tpu.memory_space<vmem>>, vector<1x1x16xf32>,
        %swap3A_582 = vector.shape_cast %swap3A_581 : vector<1x1x16xf32> to vector<16xf32>
        %swap3A_583 = vector.shape_cast %add3A_576 : vector<16xf32> to vector<1x1x16xf32>
        tpu.vector_store %arg12[%swap3A_578, %swap3A_579, %swap3A_580], %swap3A_583 {strides = array<i32>} : memref<2x16x1024xf32, #tpu.memory_space<vmem>>, vector<1x1x16xf32>,
        %get3A_584 = arith.constant 0 : i32
        %get3A_585 = arith.index_cast %get3A_584 : i32 to index
        %get3A_586 = arith.index_cast %scan3A_244 : i32 to index
        %get3A_587 = arith.constant 272 : index
        %get3A_588 = tpu.vector_load %arg10[%get3A_585, %get3A_586, %get3A_587] {strides = array<i32>} : memref<2x16x1024xf32, #tpu.memory_space<vmem>>, vector<1x1x16xf32>,
        %get3A_589 = vector.shape_cast %get3A_588 : vector<1x1x16xf32> to vector<16xf32>
        %get3A_590 = arith.constant 0 : i32
        %get3A_591 = arith.index_cast %get3A_590 : i32 to index
        %get3A_592 = arith.index_cast %scan3A_244 : i32 to index
        %get3A_593 = arith.constant 272 : index
        %get3A_594 = tpu.vector_load %arg11[%get3A_591, %get3A_592, %get3A_593] {strides = array<i32>} : memref<2x16x1024xf32, #tpu.memory_space<vmem>>, vector<1x1x16xf32>,
        %get3A_595 = vector.shape_cast %get3A_594 : vector<1x1x16xf32> to vector<16xf32>
        %add3A_596 = arith.addf %get3A_589, %get3A_595 : vector<16xf32>
        %swap3A_597 = arith.constant 0 : i32
        %swap3A_598 = arith.index_cast %swap3A_597 : i32 to index
        %swap3A_599 = arith.index_cast %scan3A_244 : i32 to index
        %swap3A_600 = arith.constant 272 : index
        %swap3A_601 = tpu.vector_load %arg12[%swap3A_598, %swap3A_599, %swap3A_600] {strides = array<i32>} : memref<2x16x1024xf32, #tpu.memory_space<vmem>>, vector<1x1x16xf32>,
        %swap3A_602 = vector.shape_cast %swap3A_601 : vector<1x1x16xf32> to vector<16xf32>
        %swap3A_603 = vector.shape_cast %add3A_596 : vector<16xf32> to vector<1x1x16xf32>
        tpu.vector_store %arg12[%swap3A_598, %swap3A_599, %swap3A_600], %swap3A_603 {strides = array<i32>} : memref<2x16x1024xf32, #tpu.memory_space<vmem>>, vector<1x1x16xf32>,
        %get3A_604 = arith.constant 0 : i32
        %get3A_605 = arith.index_cast %get3A_604 : i32 to index
        %get3A_606 = arith.index_cast %scan3A_244 : i32 to index
        %get3A_607 = arith.constant 288 : index
        %get3A_608 = tpu.vector_load %arg10[%get3A_605, %get3A_606, %get3A_607] {strides = array<i32>} : memref<2x16x1024xf32, #tpu.memory_space<vmem>>, vector<1x1x16xf32>,
        %get3A_609 = vector.shape_cast %get3A_608 : vector<1x1x16xf32> to vector<16xf32>
        %get3A_610 = arith.constant 0 : i32
        %get3A_611 = arith.index_cast %get3A_610 : i32 to index
        %get3A_612 = arith.index_cast %scan3A_244 : i32 to index
        %get3A_613 = arith.constant 288 : index
        %get3A_614 = tpu.vector_load %arg11[%get3A_611, %get3A_612, %get3A_613] {strides = array<i32>} : memref<2x16x1024xf32, #tpu.memory_space<vmem>>, vector<1x1x16xf32>,
        %get3A_615 = vector.shape_cast %get3A_614 : vector<1x1x16xf32> to vector<16xf32>
        %add3A_616 = arith.addf %get3A_609, %get3A_615 : vector<16xf32>
        %swap3A_617 = arith.constant 0 : i32
        %swap3A_618 = arith.index_cast %swap3A_617 : i32 to index
        %swap3A_619 = arith.index_cast %scan3A_244 : i32 to index
        %swap3A_620 = arith.constant 288 : index
        %swap3A_621 = tpu.vector_load %arg12[%swap3A_618, %swap3A_619, %swap3A_620] {strides = array<i32>} : memref<2x16x1024xf32, #tpu.memory_space<vmem>>, vector<1x1x16xf32>,
        %swap3A_622 = vector.shape_cast %swap3A_621 : vector<1x1x16xf32> to vector<16xf32>
        %swap3A_623 = vector.shape_cast %add3A_616 : vector<16xf32> to vector<1x1x16xf32>
        tpu.vector_store %arg12[%swap3A_618, %swap3A_619, %swap3A_620], %swap3A_623 {strides = array<i32>} : memref<2x16x1024xf32, #tpu.memory_space<vmem>>, vector<1x1x16xf32>,
        %get3A_624 = arith.constant 0 : i32
        %get3A_625 = arith.index_cast %get3A_624 : i32 to index
        %get3A_626 = arith.index_cast %scan3A_244 : i32 to index
        %get3A_627 = arith.constant 304 : index
        %get3A_628 = tpu.vector_load %arg10[%get3A_625, %get3A_626, %get3A_627] {strides = array<i32>} : memref<2x16x1024xf32, #tpu.memory_space<vmem>>, vector<1x1x16xf32>,
        %get3A_629 = vector.shape_cast %get3A_628 : vector<1x1x16xf32> to vector<16xf32>
        %get3A_630 = arith.constant 0 : i32
        %get3A_631 = arith.index_cast %get3A_630 : i32 to index
        %get3A_632 = arith.index_cast %scan3A_244 : i32 to index
        %get3A_633 = arith.constant 304 : index
        %get3A_634 = tpu.vector_load %arg11[%get3A_631, %get3A_632, %get3A_633] {strides = array<i32>} : memref<2x16x1024xf32, #tpu.memory_space<vmem>>, vector<1x1x16xf32>,
        %get3A_635 = vector.shape_cast %get3A_634 : vector<1x1x16xf32> to vector<16xf32>
        %add3A_636 = arith.addf %get3A_629, %get3A_635 : vector<16xf32>
        %swap3A_637 = arith.constant 0 : i32
        %swap3A_638 = arith.index_cast %swap3A_637 : i32 to index
        %swap3A_639 = arith.index_cast %scan3A_244 : i32 to index
        %swap3A_640 = arith.constant 304 : index
        %swap3A_641 = tpu.vector_load %arg12[%swap3A_638, %swap3A_639, %swap3A_640] {strides = array<i32>} : memref<2x16x1024xf32, #tpu.memory_space<vmem>>, vector<1x1x16xf32>,
        %swap3A_642 = vector.shape_cast %swap3A_641 : vector<1x1x16xf32> to vector<16xf32>
        %swap3A_643 = vector.shape_cast %add3A_636 : vector<16xf32> to vector<1x1x16xf32>
        tpu.vector_store %arg12[%swap3A_638, %swap3A_639, %swap3A_640], %swap3A_643 {strides = array<i32>} : memref<2x16x1024xf32, #tpu.memory_space<vmem>>, vector<1x1x16xf32>,
        %get3A_644 = arith.constant 0 : i32
        %get3A_645 = arith.index_cast %get3A_644 : i32 to index
        %get3A_646 = arith.index_cast %scan3A_244 : i32 to index
        %get3A_647 = arith.constant 320 : index
        %get3A_648 = tpu.vector_load %arg10[%get3A_645, %get3A_646, %get3A_647] {strides = array<i32>} : memref<2x16x1024xf32, #tpu.memory_space<vmem>>, vector<1x1x16xf32>,
        %get3A_649 = vector.shape_cast %get3A_648 : vector<1x1x16xf32> to vector<16xf32>
        %get3A_650 = arith.constant 0 : i32
        %get3A_651 = arith.index_cast %get3A_650 : i32 to index
        %get3A_652 = arith.index_cast %scan3A_244 : i32 to index
        %get3A_653 = arith.constant 320 : index
        %get3A_654 = tpu.vector_load %arg11[%get3A_651, %get3A_652, %get3A_653] {strides = array<i32>} : memref<2x16x1024xf32, #tpu.memory_space<vmem>>, vector<1x1x16xf32>,
        %get3A_655 = vector.shape_cast %get3A_654 : vector<1x1x16xf32> to vector<16xf32>
        %add3A_656 = arith.addf %get3A_649, %get3A_655 : vector<16xf32>
        %swap3A_657 = arith.constant 0 : i32
        %swap3A_658 = arith.index_cast %swap3A_657 : i32 to index
        %swap3A_659 = arith.index_cast %scan3A_244 : i32 to index
        %swap3A_660 = arith.constant 320 : index
        %swap3A_661 = tpu.vector_load %arg12[%swap3A_658, %swap3A_659, %swap3A_660] {strides = array<i32>} : memref<2x16x1024xf32, #tpu.memory_space<vmem>>, vector<1x1x16xf32>,
        %swap3A_662 = vector.shape_cast %swap3A_661 : vector<1x1x16xf32> to vector<16xf32>
        %swap3A_663 = vector.shape_cast %add3A_656 : vector<16xf32> to vector<1x1x16xf32>
        tpu.vector_store %arg12[%swap3A_658, %swap3A_659, %swap3A_660], %swap3A_663 {strides = array<i32>} : memref<2x16x1024xf32, #tpu.memory_space<vmem>>, vector<1x1x16xf32>,
        %get3A_664 = arith.constant 0 : i32
        %get3A_665 = arith.index_cast %get3A_664 : i32 to index
        %get3A_666 = arith.index_cast %scan3A_244 : i32 to index
        %get3A_667 = arith.constant 336 : index
        %get3A_668 = tpu.vector_load %arg10[%get3A_665, %get3A_666, %get3A_667] {strides = array<i32>} : memref<2x16x1024xf32, #tpu.memory_space<vmem>>, vector<1x1x16xf32>,
        %get3A_669 = vector.shape_cast %get3A_668 : vector<1x1x16xf32> to vector<16xf32>
        %get3A_670 = arith.constant 0 : i32
        %get3A_671 = arith.index_cast %get3A_670 : i32 to index
        %get3A_672 = arith.index_cast %scan3A_244 : i32 to index
        %get3A_673 = arith.constant 336 : index
        %get3A_674 = tpu.vector_load %arg11[%get3A_671, %get3A_672, %get3A_673] {strides = array<i32>} : memref<2x16x1024xf32, #tpu.memory_space<vmem>>, vector<1x1x16xf32>,
        %get3A_675 = vector.shape_cast %get3A_674 : vector<1x1x16xf32> to vector<16xf32>
        %add3A_676 = arith.addf %get3A_669, %get3A_675 : vector<16xf32>
        %swap3A_677 = arith.constant 0 : i32
        %swap3A_678 = arith.index_cast %swap3A_677 : i32 to index
        %swap3A_679 = arith.index_cast %scan3A_244 : i32 to index
        %swap3A_680 = arith.constant 336 : index
        %swap3A_681 = tpu.vector_load %arg12[%swap3A_678, %swap3A_679, %swap3A_680] {strides = array<i32>} : memref<2x16x1024xf32, #tpu.memory_space<vmem>>, vector<1x1x16xf32>,
        %swap3A_682 = vector.shape_cast %swap3A_681 : vector<1x1x16xf32> to vector<16xf32>
        %swap3A_683 = vector.shape_cast %add3A_676 : vector<16xf32> to vector<1x1x16xf32>
        tpu.vector_store %arg12[%swap3A_678, %swap3A_679, %swap3A_680], %swap3A_683 {strides = array<i32>} : memref<2x16x1024xf32, #tpu.memory_space<vmem>>, vector<1x1x16xf32>,
        %get3A_684 = arith.constant 0 : i32
        %get3A_685 = arith.index_cast %get3A_684 : i32 to index
        %get3A_686 = arith.index_cast %scan3A_244 : i32 to index
        %get3A_687 = arith.constant 352 : index
        %get3A_688 = tpu.vector_load %arg10[%get3A_685, %get3A_686, %get3A_687] {strides = array<i32>} : memref<2x16x1024xf32, #tpu.memory_space<vmem>>, vector<1x1x16xf32>,
        %get3A_689 = vector.shape_cast %get3A_688 : vector<1x1x16xf32> to vector<16xf32>
        %get3A_690 = arith.constant 0 : i32
        %get3A_691 = arith.index_cast %get3A_690 : i32 to index
        %get3A_692 = arith.index_cast %scan3A_244 : i32 to index
        %get3A_693 = arith.constant 352 : index
        %get3A_694 = tpu.vector_load %arg11[%get3A_691, %get3A_692, %get3A_693] {strides = array<i32>} : memref<2x16x1024xf32, #tpu.memory_space<vmem>>, vector<1x1x16xf32>,
        %get3A_695 = vector.shape_cast %get3A_694 : vector<1x1x16xf32> to vector<16xf32>
        %add3A_696 = arith.addf %get3A_689, %get3A_695 : vector<16xf32>
        %swap3A_697 = arith.constant 0 : i32
        %swap3A_698 = arith.index_cast %swap3A_697 : i32 to index
        %swap3A_699 = arith.index_cast %scan3A_244 : i32 to index
        %swap3A_700 = arith.constant 352 : index
        %swap3A_701 = tpu.vector_load %arg12[%swap3A_698, %swap3A_699, %swap3A_700] {strides = array<i32>} : memref<2x16x1024xf32, #tpu.memory_space<vmem>>, vector<1x1x16xf32>,
        %swap3A_702 = vector.shape_cast %swap3A_701 : vector<1x1x16xf32> to vector<16xf32>
        %swap3A_703 = vector.shape_cast %add3A_696 : vector<16xf32> to vector<1x1x16xf32>
        tpu.vector_store %arg12[%swap3A_698, %swap3A_699, %swap3A_700], %swap3A_703 {strides = array<i32>} : memref<2x16x1024xf32, #tpu.memory_space<vmem>>, vector<1x1x16xf32>,
        %get3A_704 = arith.constant 0 : i32
        %get3A_705 = arith.index_cast %get3A_704 : i32 to index
        %get3A_706 = arith.index_cast %scan3A_244 : i32 to index
        %get3A_707 = arith.constant 368 : index
        %get3A_708 = tpu.vector_load %arg10[%get3A_705, %get3A_706, %get3A_707] {strides = array<i32>} : memref<2x16x1024xf32, #tpu.memory_space<vmem>>, vector<1x1x16xf32>,
        %get3A_709 = vector.shape_cast %get3A_708 : vector<1x1x16xf32> to vector<16xf32>
        %get3A_710 = arith.constant 0 : i32
        %get3A_711 = arith.index_cast %get3A_710 : i32 to index
        %get3A_712 = arith.index_cast %scan3A_244 : i32 to index
        %get3A_713 = arith.constant 368 : index
        %get3A_714 = tpu.vector_load %arg11[%get3A_711, %get3A_712, %get3A_713] {strides = array<i32>} : memref<2x16x1024xf32, #tpu.memory_space<vmem>>, vector<1x1x16xf32>,
        %get3A_715 = vector.shape_cast %get3A_714 : vector<1x1x16xf32> to vector<16xf32>
        %add3A_716 = arith.addf %get3A_709, %get3A_715 : vector<16xf32>
        %swap3A_717 = arith.constant 0 : i32
        %swap3A_718 = arith.index_cast %swap3A_717 : i32 to index
        %swap3A_719 = arith.index_cast %scan3A_244 : i32 to index
        %swap3A_720 = arith.constant 368 : index
        %swap3A_721 = tpu.vector_load %arg12[%swap3A_718, %swap3A_719, %swap3A_720] {strides = array<i32>} : memref<2x16x1024xf32, #tpu.memory_space<vmem>>, vector<1x1x16xf32>,
        %swap3A_722 = vector.shape_cast %swap3A_721 : vector<1x1x16xf32> to vector<16xf32>
        %swap3A_723 = vector.shape_cast %add3A_716 : vector<16xf32> to vector<1x1x16xf32>
        tpu.vector_store %arg12[%swap3A_718, %swap3A_719, %swap3A_720], %swap3A_723 {strides = array<i32>} : memref<2x16x1024xf32, #tpu.memory_space<vmem>>, vector<1x1x16xf32>,
        %get3A_724 = arith.constant 0 : i32
        %get3A_725 = arith.index_cast %get3A_724 : i32 to index
        %get3A_726 = arith.index_cast %scan3A_244 : i32 to index
        %get3A_727 = arith.constant 384 : index
        %get3A_728 = tpu.vector_load %arg10[%get3A_725, %get3A_726, %get3A_727] {strides = array<i32>} : memref<2x16x1024xf32, #tpu.memory_space<vmem>>, vector<1x1x16xf32>,
        %get3A_729 = vector.shape_cast %get3A_728 : vector<1x1x16xf32> to vector<16xf32>
        %get3A_730 = arith.constant 0 : i32
        %get3A_731 = arith.index_cast %get3A_730 : i32 to index
        %get3A_732 = arith.index_cast %scan3A_244 : i32 to index
        %get3A_733 = arith.constant 384 : index
        %get3A_734 = tpu.vector_load %arg11[%get3A_731, %get3A_732, %get3A_733] {strides = array<i32>} : memref<2x16x1024xf32, #tpu.memory_space<vmem>>, vector<1x1x16xf32>,
        %get3A_735 = vector.shape_cast %get3A_734 : vector<1x1x16xf32> to vector<16xf32>
        %add3A_736 = arith.addf %get3A_729, %get3A_735 : vector<16xf32>
        %swap3A_737 = arith.constant 0 : i32
        %swap3A_738 = arith.index_cast %swap3A_737 : i32 to index
        %swap3A_739 = arith.index_cast %scan3A_244 : i32 to index
        %swap3A_740 = arith.constant 384 : index
        %swap3A_741 = tpu.vector_load %arg12[%swap3A_738, %swap3A_739, %swap3A_740] {strides = array<i32>} : memref<2x16x1024xf32, #tpu.memory_space<vmem>>, vector<1x1x16xf32>,
        %swap3A_742 = vector.shape_cast %swap3A_741 : vector<1x1x16xf32> to vector<16xf32>
        %swap3A_743 = vector.shape_cast %add3A_736 : vector<16xf32> to vector<1x1x16xf32>
        tpu.vector_store %arg12[%swap3A_738, %swap3A_739, %swap3A_740], %swap3A_743 {strides = array<i32>} : memref<2x16x1024xf32, #tpu.memory_space<vmem>>, vector<1x1x16xf32>,
        %get3A_744 = arith.constant 0 : i32
        %get3A_745 = arith.index_cast %get3A_744 : i32 to index
        %get3A_746 = arith.index_cast %scan3A_244 : i32 to index
        %get3A_747 = arith.constant 400 : index
        %get3A_748 = tpu.vector_load %arg10[%get3A_745, %get3A_746, %get3A_747] {strides = array<i32>} : memref<2x16x1024xf32, #tpu.memory_space<vmem>>, vector<1x1x16xf32>,
        %get3A_749 = vector.shape_cast %get3A_748 : vector<1x1x16xf32> to vector<16xf32>
        %get3A_750 = arith.constant 0 : i32
        %get3A_751 = arith.index_cast %get3A_750 : i32 to index
        %get3A_752 = arith.index_cast %scan3A_244 : i32 to index
        %get3A_753 = arith.constant 400 : index
        %get3A_754 = tpu.vector_load %arg11[%get3A_751, %get3A_752, %get3A_753] {strides = array<i32>} : memref<2x16x1024xf32, #tpu.memory_space<vmem>>, vector<1x1x16xf32>,
        %get3A_755 = vector.shape_cast %get3A_754 : vector<1x1x16xf32> to vector<16xf32>
        %add3A_756 = arith.addf %get3A_749, %get3A_755 : vector<16xf32>
        %swap3A_757 = arith.constant 0 : i32
        %swap3A_758 = arith.index_cast %swap3A_757 : i32 to index
        %swap3A_759 = arith.index_cast %scan3A_244 : i32 to index
        %swap3A_760 = arith.constant 400 : index
        %swap3A_761 = tpu.vector_load %arg12[%swap3A_758, %swap3A_759, %swap3A_760] {strides = array<i32>} : memref<2x16x1024xf32, #tpu.memory_space<vmem>>, vector<1x1x16xf32>,
        %swap3A_762 = vector.shape_cast %swap3A_761 : vector<1x1x16xf32> to vector<16xf32>
        %swap3A_763 = vector.shape_cast %add3A_756 : vector<16xf32> to vector<1x1x16xf32>
        tpu.vector_store %arg12[%swap3A_758, %swap3A_759, %swap3A_760], %swap3A_763 {strides = array<i32>} : memref<2x16x1024xf32, #tpu.memory_space<vmem>>, vector<1x1x16xf32>,
        %get3A_764 = arith.constant 0 : i32
        %get3A_765 = arith.index_cast %get3A_764 : i32 to index
        %get3A_766 = arith.index_cast %scan3A_244 : i32 to index
        %get3A_767 = arith.constant 416 : index
        %get3A_768 = tpu.vector_load %arg10[%get3A_765, %get3A_766, %get3A_767] {strides = array<i32>} : memref<2x16x1024xf32, #tpu.memory_space<vmem>>, vector<1x1x16xf32>,
        %get3A_769 = vector.shape_cast %get3A_768 : vector<1x1x16xf32> to vector<16xf32>
        %get3A_770 = arith.constant 0 : i32
        %get3A_771 = arith.index_cast %get3A_770 : i32 to index
        %get3A_772 = arith.index_cast %scan3A_244 : i32 to index
        %get3A_773 = arith.constant 416 : index
        %get3A_774 = tpu.vector_load %arg11[%get3A_771, %get3A_772, %get3A_773] {strides = array<i32>} : memref<2x16x1024xf32, #tpu.memory_space<vmem>>, vector<1x1x16xf32>,
        %get3A_775 = vector.shape_cast %get3A_774 : vector<1x1x16xf32> to vector<16xf32>
        %add3A_776 = arith.addf %get3A_769, %get3A_775 : vector<16xf32>
        %swap3A_777 = arith.constant 0 : i32
        %swap3A_778 = arith.index_cast %swap3A_777 : i32 to index
        %swap3A_779 = arith.index_cast %scan3A_244 : i32 to index
        %swap3A_780 = arith.constant 416 : index
        %swap3A_781 = tpu.vector_load %arg12[%swap3A_778, %swap3A_779, %swap3A_780] {strides = array<i32>} : memref<2x16x1024xf32, #tpu.memory_space<vmem>>, vector<1x1x16xf32>,
        %swap3A_782 = vector.shape_cast %swap3A_781 : vector<1x1x16xf32> to vector<16xf32>
        %swap3A_783 = vector.shape_cast %add3A_776 : vector<16xf32> to vector<1x1x16xf32>
        tpu.vector_store %arg12[%swap3A_778, %swap3A_779, %swap3A_780], %swap3A_783 {strides = array<i32>} : memref<2x16x1024xf32, #tpu.memory_space<vmem>>, vector<1x1x16xf32>,
        %get3A_784 = arith.constant 0 : i32
        %get3A_785 = arith.index_cast %get3A_784 : i32 to index
        %get3A_786 = arith.index_cast %scan3A_244 : i32 to index
        %get3A_787 = arith.constant 432 : index
        %get3A_788 = tpu.vector_load %arg10[%get3A_785, %get3A_786, %get3A_787] {strides = array<i32>} : memref<2x16x1024xf32, #tpu.memory_space<vmem>>, vector<1x1x16xf32>,
        %get3A_789 = vector.shape_cast %get3A_788 : vector<1x1x16xf32> to vector<16xf32>
        %get3A_790 = arith.constant 0 : i32
        %get3A_791 = arith.index_cast %get3A_790 : i32 to index
        %get3A_792 = arith.index_cast %scan3A_244 : i32 to index
        %get3A_793 = arith.constant 432 : index
        %get3A_794 = tpu.vector_load %arg11[%get3A_791, %get3A_792, %get3A_793] {strides = array<i32>} : memref<2x16x1024xf32, #tpu.memory_space<vmem>>, vector<1x1x16xf32>,
        %get3A_795 = vector.shape_cast %get3A_794 : vector<1x1x16xf32> to vector<16xf32>
        %add3A_796 = arith.addf %get3A_789, %get3A_795 : vector<16xf32>
        %swap3A_797 = arith.constant 0 : i32
        %swap3A_798 = arith.index_cast %swap3A_797 : i32 to index
        %swap3A_799 = arith.index_cast %scan3A_244 : i32 to index
        %swap3A_800 = arith.constant 432 : index
        %swap3A_801 = tpu.vector_load %arg12[%swap3A_798, %swap3A_799, %swap3A_800] {strides = array<i32>} : memref<2x16x1024xf32, #tpu.memory_space<vmem>>, vector<1x1x16xf32>,
        %swap3A_802 = vector.shape_cast %swap3A_801 : vector<1x1x16xf32> to vector<16xf32>
        %swap3A_803 = vector.shape_cast %add3A_796 : vector<16xf32> to vector<1x1x16xf32>
        tpu.vector_store %arg12[%swap3A_798, %swap3A_799, %swap3A_800], %swap3A_803 {strides = array<i32>} : memref<2x16x1024xf32, #tpu.memory_space<vmem>>, vector<1x1x16xf32>,
        %get3A_804 = arith.constant 0 : i32
        %get3A_805 = arith.index_cast %get3A_804 : i32 to index
        %get3A_806 = arith.index_cast %scan3A_244 : i32 to index
        %get3A_807 = arith.constant 448 : index
        %get3A_808 = tpu.vector_load %arg10[%get3A_805, %get3A_806, %get3A_807] {strides = array<i32>} : memref<2x16x1024xf32, #tpu.memory_space<vmem>>, vector<1x1x16xf32>,
        %get3A_809 = vector.shape_cast %get3A_808 : vector<1x1x16xf32> to vector<16xf32>
        %get3A_810 = arith.constant 0 : i32
        %get3A_811 = arith.index_cast %get3A_810 : i32 to index
        %get3A_812 = arith.index_cast %scan3A_244 : i32 to index
        %get3A_813 = arith.constant 448 : index
        %get3A_814 = tpu.vector_load %arg11[%get3A_811, %get3A_812, %get3A_813] {strides = array<i32>} : memref<2x16x1024xf32, #tpu.memory_space<vmem>>, vector<1x1x16xf32>,
        %get3A_815 = vector.shape_cast %get3A_814 : vector<1x1x16xf32> to vector<16xf32>
        %add3A_816 = arith.addf %get3A_809, %get3A_815 : vector<16xf32>
        %swap3A_817 = arith.constant 0 : i32
        %swap3A_818 = arith.index_cast %swap3A_817 : i32 to index
        %swap3A_819 = arith.index_cast %scan3A_244 : i32 to index
        %swap3A_820 = arith.constant 448 : index
        %swap3A_821 = tpu.vector_load %arg12[%swap3A_818, %swap3A_819, %swap3A_820] {strides = array<i32>} : memref<2x16x1024xf32, #tpu.memory_space<vmem>>, vector<1x1x16xf32>,
        %swap3A_822 = vector.shape_cast %swap3A_821 : vector<1x1x16xf32> to vector<16xf32>
        %swap3A_823 = vector.shape_cast %add3A_816 : vector<16xf32> to vector<1x1x16xf32>
        tpu.vector_store %arg12[%swap3A_818, %swap3A_819, %swap3A_820], %swap3A_823 {strides = array<i32>} : memref<2x16x1024xf32, #tpu.memory_space<vmem>>, vector<1x1x16xf32>,
        %get3A_824 = arith.constant 0 : i32
        %get3A_825 = arith.index_cast %get3A_824 : i32 to index
        %get3A_826 = arith.index_cast %scan3A_244 : i32 to index
        %get3A_827 = arith.constant 464 : index
        %get3A_828 = tpu.vector_load %arg10[%get3A_825, %get3A_826, %get3A_827] {strides = array<i32>} : memref<2x16x1024xf32, #tpu.memory_space<vmem>>, vector<1x1x16xf32>,
        %get3A_829 = vector.shape_cast %get3A_828 : vector<1x1x16xf32> to vector<16xf32>
        %get3A_830 = arith.constant 0 : i32
        %get3A_831 = arith.index_cast %get3A_830 : i32 to index
        %get3A_832 = arith.index_cast %scan3A_244 : i32 to index
        %get3A_833 = arith.constant 464 : index
        %get3A_834 = tpu.vector_load %arg11[%get3A_831, %get3A_832, %get3A_833] {strides = array<i32>} : memref<2x16x1024xf32, #tpu.memory_space<vmem>>, vector<1x1x16xf32>,
        %get3A_835 = vector.shape_cast %get3A_834 : vector<1x1x16xf32> to vector<16xf32>
        %add3A_836 = arith.addf %get3A_829, %get3A_835 : vector<16xf32>
        %swap3A_837 = arith.constant 0 : i32
        %swap3A_838 = arith.index_cast %swap3A_837 : i32 to index
        %swap3A_839 = arith.index_cast %scan3A_244 : i32 to index
        %swap3A_840 = arith.constant 464 : index
        %swap3A_841 = tpu.vector_load %arg12[%swap3A_838, %swap3A_839, %swap3A_840] {strides = array<i32>} : memref<2x16x1024xf32, #tpu.memory_space<vmem>>, vector<1x1x16xf32>,
        %swap3A_842 = vector.shape_cast %swap3A_841 : vector<1x1x16xf32> to vector<16xf32>
        %swap3A_843 = vector.shape_cast %add3A_836 : vector<16xf32> to vector<1x1x16xf32>
        tpu.vector_store %arg12[%swap3A_838, %swap3A_839, %swap3A_840], %swap3A_843 {strides = array<i32>} : memref<2x16x1024xf32, #tpu.memory_space<vmem>>, vector<1x1x16xf32>,
        %get3A_844 = arith.constant 0 : i32
        %get3A_845 = arith.index_cast %get3A_844 : i32 to index
        %get3A_846 = arith.index_cast %scan3A_244 : i32 to index
        %get3A_847 = arith.constant 480 : index
        %get3A_848 = tpu.vector_load %arg10[%get3A_845, %get3A_846, %get3A_847] {strides = array<i32>} : memref<2x16x1024xf32, #tpu.memory_space<vmem>>, vector<1x1x16xf32>,
        %get3A_849 = vector.shape_cast %get3A_848 : vector<1x1x16xf32> to vector<16xf32>
        %get3A_850 = arith.constant 0 : i32
        %get3A_851 = arith.index_cast %get3A_850 : i32 to index
        %get3A_852 = arith.index_cast %scan3A_244 : i32 to index
        %get3A_853 = arith.constant 480 : index
        %get3A_854 = tpu.vector_load %arg11[%get3A_851, %get3A_852, %get3A_853] {strides = array<i32>} : memref<2x16x1024xf32, #tpu.memory_space<vmem>>, vector<1x1x16xf32>,
        %get3A_855 = vector.shape_cast %get3A_854 : vector<1x1x16xf32> to vector<16xf32>
        %add3A_856 = arith.addf %get3A_849, %get3A_855 : vector<16xf32>
        %swap3A_857 = arith.constant 0 : i32
        %swap3A_858 = arith.index_cast %swap3A_857 : i32 to index
        %swap3A_859 = arith.index_cast %scan3A_244 : i32 to index
        %swap3A_860 = arith.constant 480 : index
        %swap3A_861 = tpu.vector_load %arg12[%swap3A_858, %swap3A_859, %swap3A_860] {strides = array<i32>} : memref<2x16x1024xf32, #tpu.memory_space<vmem>>, vector<1x1x16xf32>,
        %swap3A_862 = vector.shape_cast %swap3A_861 : vector<1x1x16xf32> to vector<16xf32>
        %swap3A_863 = vector.shape_cast %add3A_856 : vector<16xf32> to vector<1x1x16xf32>
        tpu.vector_store %arg12[%swap3A_858, %swap3A_859, %swap3A_860], %swap3A_863 {strides = array<i32>} : memref<2x16x1024xf32, #tpu.memory_space<vmem>>, vector<1x1x16xf32>,
        %get3A_864 = arith.constant 0 : i32
        %get3A_865 = arith.index_cast %get3A_864 : i32 to index
        %get3A_866 = arith.index_cast %scan3A_244 : i32 to index
        %get3A_867 = arith.constant 496 : index
        %get3A_868 = tpu.vector_load %arg10[%get3A_865, %get3A_866, %get3A_867] {strides = array<i32>} : memref<2x16x1024xf32, #tpu.memory_space<vmem>>, vector<1x1x16xf32>,
        %get3A_869 = vector.shape_cast %get3A_868 : vector<1x1x16xf32> to vector<16xf32>
        %get3A_870 = arith.constant 0 : i32
        %get3A_871 = arith.index_cast %get3A_870 : i32 to index
        %get3A_872 = arith.index_cast %scan3A_244 : i32 to index
        %get3A_873 = arith.constant 496 : index
        %get3A_874 = tpu.vector_load %arg11[%get3A_871, %get3A_872, %get3A_873] {strides = array<i32>} : memref<2x16x1024xf32, #tpu.memory_space<vmem>>, vector<1x1x16xf32>,
        %get3A_875 = vector.shape_cast %get3A_874 : vector<1x1x16xf32> to vector<16xf32>
        %add3A_876 = arith.addf %get3A_869, %get3A_875 : vector<16xf32>
        %swap3A_877 = arith.constant 0 : i32
        %swap3A_878 = arith.index_cast %swap3A_877 : i32 to index
        %swap3A_879 = arith.index_cast %scan3A_244 : i32 to index
        %swap3A_880 = arith.constant 496 : index
        %swap3A_881 = tpu.vector_load %arg12[%swap3A_878, %swap3A_879, %swap3A_880] {strides = array<i32>} : memref<2x16x1024xf32, #tpu.memory_space<vmem>>, vector<1x1x16xf32>,
        %swap3A_882 = vector.shape_cast %swap3A_881 : vector<1x1x16xf32> to vector<16xf32>
        %swap3A_883 = vector.shape_cast %add3A_876 : vector<16xf32> to vector<1x1x16xf32>
        tpu.vector_store %arg12[%swap3A_878, %swap3A_879, %swap3A_880], %swap3A_883 {strides = array<i32>} : memref<2x16x1024xf32, #tpu.memory_space<vmem>>, vector<1x1x16xf32>,
        %get3A_884 = arith.constant 0 : i32
        %get3A_885 = arith.index_cast %get3A_884 : i32 to index
        %get3A_886 = arith.index_cast %scan3A_244 : i32 to index
        %get3A_887 = arith.constant 512 : index
        %get3A_888 = tpu.vector_load %arg10[%get3A_885, %get3A_886, %get3A_887] {strides = array<i32>} : memref<2x16x1024xf32, #tpu.memory_space<vmem>>, vector<1x1x16xf32>,
        %get3A_889 = vector.shape_cast %get3A_888 : vector<1x1x16xf32> to vector<16xf32>
        %get3A_890 = arith.constant 0 : i32
        %get3A_891 = arith.index_cast %get3A_890 : i32 to index
        %get3A_892 = arith.index_cast %scan3A_244 : i32 to index
        %get3A_893 = arith.constant 512 : index
        %get3A_894 = tpu.vector_load %arg11[%get3A_891, %get3A_892, %get3A_893] {strides = array<i32>} : memref<2x16x1024xf32, #tpu.memory_space<vmem>>, vector<1x1x16xf32>,
        %get3A_895 = vector.shape_cast %get3A_894 : vector<1x1x16xf32> to vector<16xf32>
        %add3A_896 = arith.addf %get3A_889, %get3A_895 : vector<16xf32>
        %swap3A_897 = arith.constant 0 : i32
        %swap3A_898 = arith.index_cast %swap3A_897 : i32 to index
        %swap3A_899 = arith.index_cast %scan3A_244 : i32 to index
        %swap3A_900 = arith.constant 512 : index
        %swap3A_901 = tpu.vector_load %arg12[%swap3A_898, %swap3A_899, %swap3A_900] {strides = array<i32>} : memref<2x16x1024xf32, #tpu.memory_space<vmem>>, vector<1x1x16xf32>,
        %swap3A_902 = vector.shape_cast %swap3A_901 : vector<1x1x16xf32> to vector<16xf32>
        %swap3A_903 = vector.shape_cast %add3A_896 : vector<16xf32> to vector<1x1x16xf32>
        tpu.vector_store %arg12[%swap3A_898, %swap3A_899, %swap3A_900], %swap3A_903 {strides = array<i32>} : memref<2x16x1024xf32, #tpu.memory_space<vmem>>, vector<1x1x16xf32>,
        %get3A_904 = arith.constant 0 : i32
        %get3A_905 = arith.index_cast %get3A_904 : i32 to index
        %get3A_906 = arith.index_cast %scan3A_244 : i32 to index
        %get3A_907 = arith.constant 528 : index
        %get3A_908 = tpu.vector_load %arg10[%get3A_905, %get3A_906, %get3A_907] {strides = array<i32>} : memref<2x16x1024xf32, #tpu.memory_space<vmem>>, vector<1x1x16xf32>,
        %get3A_909 = vector.shape_cast %get3A_908 : vector<1x1x16xf32> to vector<16xf32>
        %get3A_910 = arith.constant 0 : i32
        %get3A_911 = arith.index_cast %get3A_910 : i32 to index
        %get3A_912 = arith.index_cast %scan3A_244 : i32 to index
        %get3A_913 = arith.constant 528 : index
        %get3A_914 = tpu.vector_load %arg11[%get3A_911, %get3A_912, %get3A_913] {strides = array<i32>} : memref<2x16x1024xf32, #tpu.memory_space<vmem>>, vector<1x1x16xf32>,
        %get3A_915 = vector.shape_cast %get3A_914 : vector<1x1x16xf32> to vector<16xf32>
        %add3A_916 = arith.addf %get3A_909, %get3A_915 : vector<16xf32>
        %swap3A_917 = arith.constant 0 : i32
        %swap3A_918 = arith.index_cast %swap3A_917 : i32 to index
        %swap3A_919 = arith.index_cast %scan3A_244 : i32 to index
        %swap3A_920 = arith.constant 528 : index
        %swap3A_921 = tpu.vector_load %arg12[%swap3A_918, %swap3A_919, %swap3A_920] {strides = array<i32>} : memref<2x16x1024xf32, #tpu.memory_space<vmem>>, vector<1x1x16xf32>,
        %swap3A_922 = vector.shape_cast %swap3A_921 : vector<1x1x16xf32> to vector<16xf32>
        %swap3A_923 = vector.shape_cast %add3A_916 : vector<16xf32> to vector<1x1x16xf32>
        tpu.vector_store %arg12[%swap3A_918, %swap3A_919, %swap3A_920], %swap3A_923 {strides = array<i32>} : memref<2x16x1024xf32, #tpu.memory_space<vmem>>, vector<1x1x16xf32>,
        %get3A_924 = arith.constant 0 : i32
        %get3A_925 = arith.index_cast %get3A_924 : i32 to index
        %get3A_926 = arith.index_cast %scan3A_244 : i32 to index
        %get3A_927 = arith.constant 544 : index
        %get3A_928 = tpu.vector_load %arg10[%get3A_925, %get3A_926, %get3A_927] {strides = array<i32>} : memref<2x16x1024xf32, #tpu.memory_space<vmem>>, vector<1x1x16xf32>,
        %get3A_929 = vector.shape_cast %get3A_928 : vector<1x1x16xf32> to vector<16xf32>
        %get3A_930 = arith.constant 0 : i32
        %get3A_931 = arith.index_cast %get3A_930 : i32 to index
        %get3A_932 = arith.index_cast %scan3A_244 : i32 to index
        %get3A_933 = arith.constant 544 : index
        %get3A_934 = tpu.vector_load %arg11[%get3A_931, %get3A_932, %get3A_933] {strides = array<i32>} : memref<2x16x1024xf32, #tpu.memory_space<vmem>>, vector<1x1x16xf32>,
        %get3A_935 = vector.shape_cast %get3A_934 : vector<1x1x16xf32> to vector<16xf32>
        %add3A_936 = arith.addf %get3A_929, %get3A_935 : vector<16xf32>
        %swap3A_937 = arith.constant 0 : i32
        %swap3A_938 = arith.index_cast %swap3A_937 : i32 to index
        %swap3A_939 = arith.index_cast %scan3A_244 : i32 to index
        %swap3A_940 = arith.constant 544 : index
        %swap3A_941 = tpu.vector_load %arg12[%swap3A_938, %swap3A_939, %swap3A_940] {strides = array<i32>} : memref<2x16x1024xf32, #tpu.memory_space<vmem>>, vector<1x1x16xf32>,
        %swap3A_942 = vector.shape_cast %swap3A_941 : vector<1x1x16xf32> to vector<16xf32>
        %swap3A_943 = vector.shape_cast %add3A_936 : vector<16xf32> to vector<1x1x16xf32>
        tpu.vector_store %arg12[%swap3A_938, %swap3A_939, %swap3A_940], %swap3A_943 {strides = array<i32>} : memref<2x16x1024xf32, #tpu.memory_space<vmem>>, vector<1x1x16xf32>,
        %get3A_944 = arith.constant 0 : i32
        %get3A_945 = arith.index_cast %get3A_944 : i32 to index
        %get3A_946 = arith.index_cast %scan3A_244 : i32 to index
        %get3A_947 = arith.constant 560 : index
        %get3A_948 = tpu.vector_load %arg10[%get3A_945, %get3A_946, %get3A_947] {strides = array<i32>} : memref<2x16x1024xf32, #tpu.memory_space<vmem>>, vector<1x1x16xf32>,
        %get3A_949 = vector.shape_cast %get3A_948 : vector<1x1x16xf32> to vector<16xf32>
        %get3A_950 = arith.constant 0 : i32
        %get3A_951 = arith.index_cast %get3A_950 : i32 to index
        %get3A_952 = arith.index_cast %scan3A_244 : i32 to index
        %get3A_953 = arith.constant 560 : index
        %get3A_954 = tpu.vector_load %arg11[%get3A_951, %get3A_952, %get3A_953] {strides = array<i32>} : memref<2x16x1024xf32, #tpu.memory_space<vmem>>, vector<1x1x16xf32>,
        %get3A_955 = vector.shape_cast %get3A_954 : vector<1x1x16xf32> to vector<16xf32>
        %add3A_956 = arith.addf %get3A_949, %get3A_955 : vector<16xf32>
        %swap3A_957 = arith.constant 0 : i32
        %swap3A_958 = arith.index_cast %swap3A_957 : i32 to index
        %swap3A_959 = arith.index_cast %scan3A_244 : i32 to index
        %swap3A_960 = arith.constant 560 : index
        %swap3A_961 = tpu.vector_load %arg12[%swap3A_958, %swap3A_959, %swap3A_960] {strides = array<i32>} : memref<2x16x1024xf32, #tpu.memory_space<vmem>>, vector<1x1x16xf32>,
        %swap3A_962 = vector.shape_cast %swap3A_961 : vector<1x1x16xf32> to vector<16xf32>
        %swap3A_963 = vector.shape_cast %add3A_956 : vector<16xf32> to vector<1x1x16xf32>
        tpu.vector_store %arg12[%swap3A_958, %swap3A_959, %swap3A_960], %swap3A_963 {strides = array<i32>} : memref<2x16x1024xf32, #tpu.memory_space<vmem>>, vector<1x1x16xf32>,
        %get3A_964 = arith.constant 0 : i32
        %get3A_965 = arith.index_cast %get3A_964 : i32 to index
        %get3A_966 = arith.index_cast %scan3A_244 : i32 to index
        %get3A_967 = arith.constant 576 : index
        %get3A_968 = tpu.vector_load %arg10[%get3A_965, %get3A_966, %get3A_967] {strides = array<i32>} : memref<2x16x1024xf32, #tpu.memory_space<vmem>>, vector<1x1x16xf32>,
        %get3A_969 = vector.shape_cast %get3A_968 : vector<1x1x16xf32> to vector<16xf32>
        %get3A_970 = arith.constant 0 : i32
        %get3A_971 = arith.index_cast %get3A_970 : i32 to index
        %get3A_972 = arith.index_cast %scan3A_244 : i32 to index
        %get3A_973 = arith.constant 576 : index
        %get3A_974 = tpu.vector_load %arg11[%get3A_971, %get3A_972, %get3A_973] {strides = array<i32>} : memref<2x16x1024xf32, #tpu.memory_space<vmem>>, vector<1x1x16xf32>,
        %get3A_975 = vector.shape_cast %get3A_974 : vector<1x1x16xf32> to vector<16xf32>
        %add3A_976 = arith.addf %get3A_969, %get3A_975 : vector<16xf32>
        %swap3A_977 = arith.constant 0 : i32
        %swap3A_978 = arith.index_cast %swap3A_977 : i32 to index
        %swap3A_979 = arith.index_cast %scan3A_244 : i32 to index
        %swap3A_980 = arith.constant 576 : index
        %swap3A_981 = tpu.vector_load %arg12[%swap3A_978, %swap3A_979, %swap3A_980] {strides = array<i32>} : memref<2x16x1024xf32, #tpu.memory_space<vmem>>, vector<1x1x16xf32>,
        %swap3A_982 = vector.shape_cast %swap3A_981 : vector<1x1x16xf32> to vector<16xf32>
        %swap3A_983 = vector.shape_cast %add3A_976 : vector<16xf32> to vector<1x1x16xf32>
        tpu.vector_store %arg12[%swap3A_978, %swap3A_979, %swap3A_980], %swap3A_983 {strides = array<i32>} : memref<2x16x1024xf32, #tpu.memory_space<vmem>>, vector<1x1x16xf32>,
        %get3A_984 = arith.constant 0 : i32
        %get3A_985 = arith.index_cast %get3A_984 : i32 to index
        %get3A_986 = arith.index_cast %scan3A_244 : i32 to index
        %get3A_987 = arith.constant 592 : index
        %get3A_988 = tpu.vector_load %arg10[%get3A_985, %get3A_986, %get3A_987] {strides = array<i32>} : memref<2x16x1024xf32, #tpu.memory_space<vmem>>, vector<1x1x16xf32>,
        %get3A_989 = vector.shape_cast %get3A_988 : vector<1x1x16xf32> to vector<16xf32>
        %get3A_990 = arith.constant 0 : i32
        %get3A_991 = arith.index_cast %get3A_990 : i32 to index
        %get3A_992 = arith.index_cast %scan3A_244 : i32 to index
        %get3A_993 = arith.constant 592 : index
        %get3A_994 = tpu.vector_load %arg11[%get3A_991, %get3A_992, %get3A_993] {strides = array<i32>} : memref<2x16x1024xf32, #tpu.memory_space<vmem>>, vector<1x1x16xf32>,
        %get3A_995 = vector.shape_cast %get3A_994 : vector<1x1x16xf32> to vector<16xf32>
        %add3A_996 = arith.addf %get3A_989, %get3A_995 : vector<16xf32>
        %swap3A_997 = arith.constant 0 : i32
        %swap3A_998 = arith.index_cast %swap3A_997 : i32 to index
        %swap3A_999 = arith.index_cast %scan3A_244 : i32 to index
        %swap3A_1000 = arith.constant 592 : index
        %swap3A_1001 = tpu.vector_load %arg12[%swap3A_998, %swap3A_999, %swap3A_1000] {strides = array<i32>} : memref<2x16x1024xf32, #tpu.memory_space<vmem>>, vector<1x1x16xf32>,
        %swap3A_1002 = vector.shape_cast %swap3A_1001 : vector<1x1x16xf32> to vector<16xf32>
        %swap3A_1003 = vector.shape_cast %add3A_996 : vector<16xf32> to vector<1x1x16xf32>
        tpu.vector_store %arg12[%swap3A_998, %swap3A_999, %swap3A_1000], %swap3A_1003 {strides = array<i32>} : memref<2x16x1024xf32, #tpu.memory_space<vmem>>, vector<1x1x16xf32>,
        %get3A_1004 = arith.constant 0 : i32
        %get3A_1005 = arith.index_cast %get3A_1004 : i32 to index
        %get3A_1006 = arith.index_cast %scan3A_244 : i32 to index
        %get3A_1007 = arith.constant 608 : index
        %get3A_1008 = tpu.vector_load %arg10[%get3A_1005, %get3A_1006, %get3A_1007] {strides = array<i32>} : memref<2x16x1024xf32, #tpu.memory_space<vmem>>, vector<1x1x16xf32>,
        %get3A_1009 = vector.shape_cast %get3A_1008 : vector<1x1x16xf32> to vector<16xf32>
        %get3A_1010 = arith.constant 0 : i32
        %get3A_1011 = arith.index_cast %get3A_1010 : i32 to index
        %get3A_1012 = arith.index_cast %scan3A_244 : i32 to index
        %get3A_1013 = arith.constant 608 : index
        %get3A_1014 = tpu.vector_load %arg11[%get3A_1011, %get3A_1012, %get3A_1013] {strides = array<i32>} : memref<2x16x1024xf32, #tpu.memory_space<vmem>>, vector<1x1x16xf32>,
        %get3A_1015 = vector.shape_cast %get3A_1014 : vector<1x1x16xf32> to vector<16xf32>
        %add3A_1016 = arith.addf %get3A_1009, %get3A_1015 : vector<16xf32>
        %swap3A_1017 = arith.constant 0 : i32
        %swap3A_1018 = arith.index_cast %swap3A_1017 : i32 to index
        %swap3A_1019 = arith.index_cast %scan3A_244 : i32 to index
        %swap3A_1020 = arith.constant 608 : index
        %swap3A_1021 = tpu.vector_load %arg12[%swap3A_1018, %swap3A_1019, %swap3A_1020] {strides = array<i32>} : memref<2x16x1024xf32, #tpu.memory_space<vmem>>, vector<1x1x16xf32>,
        %swap3A_1022 = vector.shape_cast %swap3A_1021 : vector<1x1x16xf32> to vector<16xf32>
        %swap3A_1023 = vector.shape_cast %add3A_1016 : vector<16xf32> to vector<1x1x16xf32>
        tpu.vector_store %arg12[%swap3A_1018, %swap3A_1019, %swap3A_1020], %swap3A_1023 {strides = array<i32>} : memref<2x16x1024xf32, #tpu.memory_space<vmem>>, vector<1x1x16xf32>,
        %get3A_1024 = arith.constant 0 : i32
        %get3A_1025 = arith.index_cast %get3A_1024 : i32 to index
        %get3A_1026 = arith.index_cast %scan3A_244 : i32 to index
        %get3A_1027 = arith.constant 624 : index
        %get3A_1028 = tpu.vector_load %arg10[%get3A_1025, %get3A_1026, %get3A_1027] {strides = array<i32>} : memref<2x16x1024xf32, #tpu.memory_space<vmem>>, vector<1x1x16xf32>,
        %get3A_1029 = vector.shape_cast %get3A_1028 : vector<1x1x16xf32> to vector<16xf32>
        %get3A_1030 = arith.constant 0 : i32
        %get3A_1031 = arith.index_cast %get3A_1030 : i32 to index
        %get3A_1032 = arith.index_cast %scan3A_244 : i32 to index
        %get3A_1033 = arith.constant 624 : index
        %get3A_1034 = tpu.vector_load %arg11[%get3A_1031, %get3A_1032, %get3A_1033] {strides = array<i32>} : memref<2x16x1024xf32, #tpu.memory_space<vmem>>, vector<1x1x16xf32>,
        %get3A_1035 = vector.shape_cast %get3A_1034 : vector<1x1x16xf32> to vector<16xf32>
        %add3A_1036 = arith.addf %get3A_1029, %get3A_1035 : vector<16xf32>
        %swap3A_1037 = arith.constant 0 : i32
        %swap3A_1038 = arith.index_cast %swap3A_1037 : i32 to index
        %swap3A_1039 = arith.index_cast %scan3A_244 : i32 to index
        %swap3A_1040 = arith.constant 624 : index
        %swap3A_1041 = tpu.vector_load %arg12[%swap3A_1038, %swap3A_1039, %swap3A_1040] {strides = array<i32>} : memref<2x16x1024xf32, #tpu.memory_space<vmem>>, vector<1x1x16xf32>,
        %swap3A_1042 = vector.shape_cast %swap3A_1041 : vector<1x1x16xf32> to vector<16xf32>
        %swap3A_1043 = vector.shape_cast %add3A_1036 : vector<16xf32> to vector<1x1x16xf32>
        tpu.vector_store %arg12[%swap3A_1038, %swap3A_1039, %swap3A_1040], %swap3A_1043 {strides = array<i32>} : memref<2x16x1024xf32, #tpu.memory_space<vmem>>, vector<1x1x16xf32>,
        %get3A_1044 = arith.constant 0 : i32
        %get3A_1045 = arith.index_cast %get3A_1044 : i32 to index
        %get3A_1046 = arith.index_cast %scan3A_244 : i32 to index
        %get3A_1047 = arith.constant 640 : index
        %get3A_1048 = tpu.vector_load %arg10[%get3A_1045, %get3A_1046, %get3A_1047] {strides = array<i32>} : memref<2x16x1024xf32, #tpu.memory_space<vmem>>, vector<1x1x16xf32>,
        %get3A_1049 = vector.shape_cast %get3A_1048 : vector<1x1x16xf32> to vector<16xf32>
        %get3A_1050 = arith.constant 0 : i32
        %get3A_1051 = arith.index_cast %get3A_1050 : i32 to index
        %get3A_1052 = arith.index_cast %scan3A_244 : i32 to index
        %get3A_1053 = arith.constant 640 : index
        %get3A_1054 = tpu.vector_load %arg11[%get3A_1051, %get3A_1052, %get3A_1053] {strides = array<i32>} : memref<2x16x1024xf32, #tpu.memory_space<vmem>>, vector<1x1x16xf32>,
        %get3A_1055 = vector.shape_cast %get3A_1054 : vector<1x1x16xf32> to vector<16xf32>
        %add3A_1056 = arith.addf %get3A_1049, %get3A_1055 : vector<16xf32>
        %swap3A_1057 = arith.constant 0 : i32
        %swap3A_1058 = arith.index_cast %swap3A_1057 : i32 to index
        %swap3A_1059 = arith.index_cast %scan3A_244 : i32 to index
        %swap3A_1060 = arith.constant 640 : index
        %swap3A_1061 = tpu.vector_load %arg12[%swap3A_1058, %swap3A_1059, %swap3A_1060] {strides = array<i32>} : memref<2x16x1024xf32, #tpu.memory_space<vmem>>, vector<1x1x16xf32>,
        %swap3A_1062 = vector.shape_cast %swap3A_1061 : vector<1x1x16xf32> to vector<16xf32>
        %swap3A_1063 = vector.shape_cast %add3A_1056 : vector<16xf32> to vector<1x1x16xf32>
        tpu.vector_store %arg12[%swap3A_1058, %swap3A_1059, %swap3A_1060], %swap3A_1063 {strides = array<i32>} : memref<2x16x1024xf32, #tpu.memory_space<vmem>>, vector<1x1x16xf32>,
        %get3A_1064 = arith.constant 0 : i32
        %get3A_1065 = arith.index_cast %get3A_1064 : i32 to index
        %get3A_1066 = arith.index_cast %scan3A_244 : i32 to index
        %get3A_1067 = arith.constant 656 : index
        %get3A_1068 = tpu.vector_load %arg10[%get3A_1065, %get3A_1066, %get3A_1067] {strides = array<i32>} : memref<2x16x1024xf32, #tpu.memory_space<vmem>>, vector<1x1x16xf32>,
        %get3A_1069 = vector.shape_cast %get3A_1068 : vector<1x1x16xf32> to vector<16xf32>
        %get3A_1070 = arith.constant 0 : i32
        %get3A_1071 = arith.index_cast %get3A_1070 : i32 to index
        %get3A_1072 = arith.index_cast %scan3A_244 : i32 to index
        %get3A_1073 = arith.constant 656 : index
        %get3A_1074 = tpu.vector_load %arg11[%get3A_1071, %get3A_1072, %get3A_1073] {strides = array<i32>} : memref<2x16x1024xf32, #tpu.memory_space<vmem>>, vector<1x1x16xf32>,
        %get3A_1075 = vector.shape_cast %get3A_1074 : vector<1x1x16xf32> to vector<16xf32>
        %add3A_1076 = arith.addf %get3A_1069, %get3A_1075 : vector<16xf32>
        %swap3A_1077 = arith.constant 0 : i32
        %swap3A_1078 = arith.index_cast %swap3A_1077 : i32 to index
        %swap3A_1079 = arith.index_cast %scan3A_244 : i32 to index
        %swap3A_1080 = arith.constant 656 : index
        %swap3A_1081 = tpu.vector_load %arg12[%swap3A_1078, %swap3A_1079, %swap3A_1080] {strides = array<i32>} : memref<2x16x1024xf32, #tpu.memory_space<vmem>>, vector<1x1x16xf32>,
        %swap3A_1082 = vector.shape_cast %swap3A_1081 : vector<1x1x16xf32> to vector<16xf32>
        %swap3A_1083 = vector.shape_cast %add3A_1076 : vector<16xf32> to vector<1x1x16xf32>
        tpu.vector_store %arg12[%swap3A_1078, %swap3A_1079, %swap3A_1080], %swap3A_1083 {strides = array<i32>} : memref<2x16x1024xf32, #tpu.memory_space<vmem>>, vector<1x1x16xf32>,
        %get3A_1084 = arith.constant 0 : i32
        %get3A_1085 = arith.index_cast %get3A_1084 : i32 to index
        %get3A_1086 = arith.index_cast %scan3A_244 : i32 to index
        %get3A_1087 = arith.constant 672 : index
        %get3A_1088 = tpu.vector_load %arg10[%get3A_1085, %get3A_1086, %get3A_1087] {strides = array<i32>} : memref<2x16x1024xf32, #tpu.memory_space<vmem>>, vector<1x1x16xf32>,
        %get3A_1089 = vector.shape_cast %get3A_1088 : vector<1x1x16xf32> to vector<16xf32>
        %get3A_1090 = arith.constant 0 : i32
        %get3A_1091 = arith.index_cast %get3A_1090 : i32 to index
        %get3A_1092 = arith.index_cast %scan3A_244 : i32 to index
        %get3A_1093 = arith.constant 672 : index
        %get3A_1094 = tpu.vector_load %arg11[%get3A_1091, %get3A_1092, %get3A_1093] {strides = array<i32>} : memref<2x16x1024xf32, #tpu.memory_space<vmem>>, vector<1x1x16xf32>,
        %get3A_1095 = vector.shape_cast %get3A_1094 : vector<1x1x16xf32> to vector<16xf32>
        %add3A_1096 = arith.addf %get3A_1089, %get3A_1095 : vector<16xf32>
        %swap3A_1097 = arith.constant 0 : i32
        %swap3A_1098 = arith.index_cast %swap3A_1097 : i32 to index
        %swap3A_1099 = arith.index_cast %scan3A_244 : i32 to index
        %swap3A_1100 = arith.constant 672 : index
        %swap3A_1101 = tpu.vector_load %arg12[%swap3A_1098, %swap3A_1099, %swap3A_1100] {strides = array<i32>} : memref<2x16x1024xf32, #tpu.memory_space<vmem>>, vector<1x1x16xf32>,
        %swap3A_1102 = vector.shape_cast %swap3A_1101 : vector<1x1x16xf32> to vector<16xf32>
        %swap3A_1103 = vector.shape_cast %add3A_1096 : vector<16xf32> to vector<1x1x16xf32>
        tpu.vector_store %arg12[%swap3A_1098, %swap3A_1099, %swap3A_1100], %swap3A_1103 {strides = array<i32>} : memref<2x16x1024xf32, #tpu.memory_space<vmem>>, vector<1x1x16xf32>,
        %get3A_1104 = arith.constant 0 : i32
        %get3A_1105 = arith.index_cast %get3A_1104 : i32 to index
        %get3A_1106 = arith.index_cast %scan3A_244 : i32 to index
        %get3A_1107 = arith.constant 688 : index
        %get3A_1108 = tpu.vector_load %arg10[%get3A_1105, %get3A_1106, %get3A_1107] {strides = array<i32>} : memref<2x16x1024xf32, #tpu.memory_space<vmem>>, vector<1x1x16xf32>,
        %get3A_1109 = vector.shape_cast %get3A_1108 : vector<1x1x16xf32> to vector<16xf32>
        %get3A_1110 = arith.constant 0 : i32
        %get3A_1111 = arith.index_cast %get3A_1110 : i32 to index
        %get3A_1112 = arith.index_cast %scan3A_244 : i32 to index
        %get3A_1113 = arith.constant 688 : index
        %get3A_1114 = tpu.vector_load %arg11[%get3A_1111, %get3A_1112, %get3A_1113] {strides = array<i32>} : memref<2x16x1024xf32, #tpu.memory_space<vmem>>, vector<1x1x16xf32>,
        %get3A_1115 = vector.shape_cast %get3A_1114 : vector<1x1x16xf32> to vector<16xf32>
        %add3A_1116 = arith.addf %get3A_1109, %get3A_1115 : vector<16xf32>
        %swap3A_1117 = arith.constant 0 : i32
        %swap3A_1118 = arith.index_cast %swap3A_1117 : i32 to index
        %swap3A_1119 = arith.index_cast %scan3A_244 : i32 to index
        %swap3A_1120 = arith.constant 688 : index
        %swap3A_1121 = tpu.vector_load %arg12[%swap3A_1118, %swap3A_1119, %swap3A_1120] {strides = array<i32>} : memref<2x16x1024xf32, #tpu.memory_space<vmem>>, vector<1x1x16xf32>,
        %swap3A_1122 = vector.shape_cast %swap3A_1121 : vector<1x1x16xf32> to vector<16xf32>
        %swap3A_1123 = vector.shape_cast %add3A_1116 : vector<16xf32> to vector<1x1x16xf32>
        tpu.vector_store %arg12[%swap3A_1118, %swap3A_1119, %swap3A_1120], %swap3A_1123 {strides = array<i32>} : memref<2x16x1024xf32, #tpu.memory_space<vmem>>, vector<1x1x16xf32>,
        %get3A_1124 = arith.constant 0 : i32
        %get3A_1125 = arith.index_cast %get3A_1124 : i32 to index
        %get3A_1126 = arith.index_cast %scan3A_244 : i32 to index
        %get3A_1127 = arith.constant 704 : index
        %get3A_1128 = tpu.vector_load %arg10[%get3A_1125, %get3A_1126, %get3A_1127] {strides = array<i32>} : memref<2x16x1024xf32, #tpu.memory_space<vmem>>, vector<1x1x16xf32>,
        %get3A_1129 = vector.shape_cast %get3A_1128 : vector<1x1x16xf32> to vector<16xf32>
        %get3A_1130 = arith.constant 0 : i32
        %get3A_1131 = arith.index_cast %get3A_1130 : i32 to index
        %get3A_1132 = arith.index_cast %scan3A_244 : i32 to index
        %get3A_1133 = arith.constant 704 : index
        %get3A_1134 = tpu.vector_load %arg11[%get3A_1131, %get3A_1132, %get3A_1133] {strides = array<i32>} : memref<2x16x1024xf32, #tpu.memory_space<vmem>>, vector<1x1x16xf32>,
        %get3A_1135 = vector.shape_cast %get3A_1134 : vector<1x1x16xf32> to vector<16xf32>
        %add3A_1136 = arith.addf %get3A_1129, %get3A_1135 : vector<16xf32>
        %swap3A_1137 = arith.constant 0 : i32
        %swap3A_1138 = arith.index_cast %swap3A_1137 : i32 to index
        %swap3A_1139 = arith.index_cast %scan3A_244 : i32 to index
        %swap3A_1140 = arith.constant 704 : index
        %swap3A_1141 = tpu.vector_load %arg12[%swap3A_1138, %swap3A_1139, %swap3A_1140] {strides = array<i32>} : memref<2x16x1024xf32, #tpu.memory_space<vmem>>, vector<1x1x16xf32>,
        %swap3A_1142 = vector.shape_cast %swap3A_1141 : vector<1x1x16xf32> to vector<16xf32>
        %swap3A_1143 = vector.shape_cast %add3A_1136 : vector<16xf32> to vector<1x1x16xf32>
        tpu.vector_store %arg12[%swap3A_1138, %swap3A_1139, %swap3A_1140], %swap3A_1143 {strides = array<i32>} : memref<2x16x1024xf32, #tpu.memory_space<vmem>>, vector<1x1x16xf32>,
        %get3A_1144 = arith.constant 0 : i32
        %get3A_1145 = arith.index_cast %get3A_1144 : i32 to index
        %get3A_1146 = arith.index_cast %scan3A_244 : i32 to index
        %get3A_1147 = arith.constant 720 : index
        %get3A_1148 = tpu.vector_load %arg10[%get3A_1145, %get3A_1146, %get3A_1147] {strides = array<i32>} : memref<2x16x1024xf32, #tpu.memory_space<vmem>>, vector<1x1x16xf32>,
        %get3A_1149 = vector.shape_cast %get3A_1148 : vector<1x1x16xf32> to vector<16xf32>
        %get3A_1150 = arith.constant 0 : i32
        %get3A_1151 = arith.index_cast %get3A_1150 : i32 to index
        %get3A_1152 = arith.index_cast %scan3A_244 : i32 to index
        %get3A_1153 = arith.constant 720 : index
        %get3A_1154 = tpu.vector_load %arg11[%get3A_1151, %get3A_1152, %get3A_1153] {strides = array<i32>} : memref<2x16x1024xf32, #tpu.memory_space<vmem>>, vector<1x1x16xf32>,
        %get3A_1155 = vector.shape_cast %get3A_1154 : vector<1x1x16xf32> to vector<16xf32>
        %add3A_1156 = arith.addf %get3A_1149, %get3A_1155 : vector<16xf32>
        %swap3A_1157 = arith.constant 0 : i32
        %swap3A_1158 = arith.index_cast %swap3A_1157 : i32 to index
        %swap3A_1159 = arith.index_cast %scan3A_244 : i32 to index
        %swap3A_1160 = arith.constant 720 : index
        %swap3A_1161 = tpu.vector_load %arg12[%swap3A_1158, %swap3A_1159, %swap3A_1160] {strides = array<i32>} : memref<2x16x1024xf32, #tpu.memory_space<vmem>>, vector<1x1x16xf32>,
        %swap3A_1162 = vector.shape_cast %swap3A_1161 : vector<1x1x16xf32> to vector<16xf32>
        %swap3A_1163 = vector.shape_cast %add3A_1156 : vector<16xf32> to vector<1x1x16xf32>
        tpu.vector_store %arg12[%swap3A_1158, %swap3A_1159, %swap3A_1160], %swap3A_1163 {strides = array<i32>} : memref<2x16x1024xf32, #tpu.memory_space<vmem>>, vector<1x1x16xf32>,
        %get3A_1164 = arith.constant 0 : i32
        %get3A_1165 = arith.index_cast %get3A_1164 : i32 to index
        %get3A_1166 = arith.index_cast %scan3A_244 : i32 to index
        %get3A_1167 = arith.constant 736 : index
        %get3A_1168 = tpu.vector_load %arg10[%get3A_1165, %get3A_1166, %get3A_1167] {strides = array<i32>} : memref<2x16x1024xf32, #tpu.memory_space<vmem>>, vector<1x1x16xf32>,
        %get3A_1169 = vector.shape_cast %get3A_1168 : vector<1x1x16xf32> to vector<16xf32>
        %get3A_1170 = arith.constant 0 : i32
        %get3A_1171 = arith.index_cast %get3A_1170 : i32 to index
        %get3A_1172 = arith.index_cast %scan3A_244 : i32 to index
        %get3A_1173 = arith.constant 736 : index
        %get3A_1174 = tpu.vector_load %arg11[%get3A_1171, %get3A_1172, %get3A_1173] {strides = array<i32>} : memref<2x16x1024xf32, #tpu.memory_space<vmem>>, vector<1x1x16xf32>,
        %get3A_1175 = vector.shape_cast %get3A_1174 : vector<1x1x16xf32> to vector<16xf32>
        %add3A_1176 = arith.addf %get3A_1169, %get3A_1175 : vector<16xf32>
        %swap3A_1177 = arith.constant 0 : i32
        %swap3A_1178 = arith.index_cast %swap3A_1177 : i32 to index
        %swap3A_1179 = arith.index_cast %scan3A_244 : i32 to index
        %swap3A_1180 = arith.constant 736 : index
        %swap3A_1181 = tpu.vector_load %arg12[%swap3A_1178, %swap3A_1179, %swap3A_1180] {strides = array<i32>} : memref<2x16x1024xf32, #tpu.memory_space<vmem>>, vector<1x1x16xf32>,
        %swap3A_1182 = vector.shape_cast %swap3A_1181 : vector<1x1x16xf32> to vector<16xf32>
        %swap3A_1183 = vector.shape_cast %add3A_1176 : vector<16xf32> to vector<1x1x16xf32>
        tpu.vector_store %arg12[%swap3A_1178, %swap3A_1179, %swap3A_1180], %swap3A_1183 {strides = array<i32>} : memref<2x16x1024xf32, #tpu.memory_space<vmem>>, vector<1x1x16xf32>,
        %get3A_1184 = arith.constant 0 : i32
        %get3A_1185 = arith.index_cast %get3A_1184 : i32 to index
        %get3A_1186 = arith.index_cast %scan3A_244 : i32 to index
        %get3A_1187 = arith.constant 752 : index
        %get3A_1188 = tpu.vector_load %arg10[%get3A_1185, %get3A_1186, %get3A_1187] {strides = array<i32>} : memref<2x16x1024xf32, #tpu.memory_space<vmem>>, vector<1x1x16xf32>,
        %get3A_1189 = vector.shape_cast %get3A_1188 : vector<1x1x16xf32> to vector<16xf32>
        %get3A_1190 = arith.constant 0 : i32
        %get3A_1191 = arith.index_cast %get3A_1190 : i32 to index
        %get3A_1192 = arith.index_cast %scan3A_244 : i32 to index
        %get3A_1193 = arith.constant 752 : index
        %get3A_1194 = tpu.vector_load %arg11[%get3A_1191, %get3A_1192, %get3A_1193] {strides = array<i32>} : memref<2x16x1024xf32, #tpu.memory_space<vmem>>, vector<1x1x16xf32>,
        %get3A_1195 = vector.shape_cast %get3A_1194 : vector<1x1x16xf32> to vector<16xf32>
        %add3A_1196 = arith.addf %get3A_1189, %get3A_1195 : vector<16xf32>
        %swap3A_1197 = arith.constant 0 : i32
        %swap3A_1198 = arith.index_cast %swap3A_1197 : i32 to index
        %swap3A_1199 = arith.index_cast %scan3A_244 : i32 to index
        %swap3A_1200 = arith.constant 752 : index
        %swap3A_1201 = tpu.vector_load %arg12[%swap3A_1198, %swap3A_1199, %swap3A_1200] {strides = array<i32>} : memref<2x16x1024xf32, #tpu.memory_space<vmem>>, vector<1x1x16xf32>,
        %swap3A_1202 = vector.shape_cast %swap3A_1201 : vector<1x1x16xf32> to vector<16xf32>
        %swap3A_1203 = vector.shape_cast %add3A_1196 : vector<16xf32> to vector<1x1x16xf32>
        tpu.vector_store %arg12[%swap3A_1198, %swap3A_1199, %swap3A_1200], %swap3A_1203 {strides = array<i32>} : memref<2x16x1024xf32, #tpu.memory_space<vmem>>, vector<1x1x16xf32>,
        %get3A_1204 = arith.constant 0 : i32
        %get3A_1205 = arith.index_cast %get3A_1204 : i32 to index
        %get3A_1206 = arith.index_cast %scan3A_244 : i32 to index
        %get3A_1207 = arith.constant 768 : index
        %get3A_1208 = tpu.vector_load %arg10[%get3A_1205, %get3A_1206, %get3A_1207] {strides = array<i32>} : memref<2x16x1024xf32, #tpu.memory_space<vmem>>, vector<1x1x16xf32>,
        %get3A_1209 = vector.shape_cast %get3A_1208 : vector<1x1x16xf32> to vector<16xf32>
        %get3A_1210 = arith.constant 0 : i32
        %get3A_1211 = arith.index_cast %get3A_1210 : i32 to index
        %get3A_1212 = arith.index_cast %scan3A_244 : i32 to index
        %get3A_1213 = arith.constant 768 : index
        %get3A_1214 = tpu.vector_load %arg11[%get3A_1211, %get3A_1212, %get3A_1213] {strides = array<i32>} : memref<2x16x1024xf32, #tpu.memory_space<vmem>>, vector<1x1x16xf32>,
        %get3A_1215 = vector.shape_cast %get3A_1214 : vector<1x1x16xf32> to vector<16xf32>
        %add3A_1216 = arith.addf %get3A_1209, %get3A_1215 : vector<16xf32>
        %swap3A_1217 = arith.constant 0 : i32
        %swap3A_1218 = arith.index_cast %swap3A_1217 : i32 to index
        %swap3A_1219 = arith.index_cast %scan3A_244 : i32 to index
        %swap3A_1220 = arith.constant 768 : index
        %swap3A_1221 = tpu.vector_load %arg12[%swap3A_1218, %swap3A_1219, %swap3A_1220] {strides = array<i32>} : memref<2x16x1024xf32, #tpu.memory_space<vmem>>, vector<1x1x16xf32>,
        %swap3A_1222 = vector.shape_cast %swap3A_1221 : vector<1x1x16xf32> to vector<16xf32>
        %swap3A_1223 = vector.shape_cast %add3A_1216 : vector<16xf32> to vector<1x1x16xf32>
        tpu.vector_store %arg12[%swap3A_1218, %swap3A_1219, %swap3A_1220], %swap3A_1223 {strides = array<i32>} : memref<2x16x1024xf32, #tpu.memory_space<vmem>>, vector<1x1x16xf32>,
        %get3A_1224 = arith.constant 0 : i32
        %get3A_1225 = arith.index_cast %get3A_1224 : i32 to index
        %get3A_1226 = arith.index_cast %scan3A_244 : i32 to index
        %get3A_1227 = arith.constant 784 : index
        %get3A_1228 = tpu.vector_load %arg10[%get3A_1225, %get3A_1226, %get3A_1227] {strides = array<i32>} : memref<2x16x1024xf32, #tpu.memory_space<vmem>>, vector<1x1x16xf32>,
        %get3A_1229 = vector.shape_cast %get3A_1228 : vector<1x1x16xf32> to vector<16xf32>
        %get3A_1230 = arith.constant 0 : i32
        %get3A_1231 = arith.index_cast %get3A_1230 : i32 to index
        %get3A_1232 = arith.index_cast %scan3A_244 : i32 to index
        %get3A_1233 = arith.constant 784 : index
        %get3A_1234 = tpu.vector_load %arg11[%get3A_1231, %get3A_1232, %get3A_1233] {strides = array<i32>} : memref<2x16x1024xf32, #tpu.memory_space<vmem>>, vector<1x1x16xf32>,
        %get3A_1235 = vector.shape_cast %get3A_1234 : vector<1x1x16xf32> to vector<16xf32>
        %add3A_1236 = arith.addf %get3A_1229, %get3A_1235 : vector<16xf32>
        %swap3A_1237 = arith.constant 0 : i32
        %swap3A_1238 = arith.index_cast %swap3A_1237 : i32 to index
        %swap3A_1239 = arith.index_cast %scan3A_244 : i32 to index
        %swap3A_1240 = arith.constant 784 : index
        %swap3A_1241 = tpu.vector_load %arg12[%swap3A_1238, %swap3A_1239, %swap3A_1240] {strides = array<i32>} : memref<2x16x1024xf32, #tpu.memory_space<vmem>>, vector<1x1x16xf32>,
        %swap3A_1242 = vector.shape_cast %swap3A_1241 : vector<1x1x16xf32> to vector<16xf32>
        %swap3A_1243 = vector.shape_cast %add3A_1236 : vector<16xf32> to vector<1x1x16xf32>
        tpu.vector_store %arg12[%swap3A_1238, %swap3A_1239, %swap3A_1240], %swap3A_1243 {strides = array<i32>} : memref<2x16x1024xf32, #tpu.memory_space<vmem>>, vector<1x1x16xf32>,
        %get3A_1244 = arith.constant 0 : i32
        %get3A_1245 = arith.index_cast %get3A_1244 : i32 to index
        %get3A_1246 = arith.index_cast %scan3A_244 : i32 to index
        %get3A_1247 = arith.constant 800 : index
        %get3A_1248 = tpu.vector_load %arg10[%get3A_1245, %get3A_1246, %get3A_1247] {strides = array<i32>} : memref<2x16x1024xf32, #tpu.memory_space<vmem>>, vector<1x1x16xf32>,
        %get3A_1249 = vector.shape_cast %get3A_1248 : vector<1x1x16xf32> to vector<16xf32>
        %get3A_1250 = arith.constant 0 : i32
        %get3A_1251 = arith.index_cast %get3A_1250 : i32 to index
        %get3A_1252 = arith.index_cast %scan3A_244 : i32 to index
        %get3A_1253 = arith.constant 800 : index
        %get3A_1254 = tpu.vector_load %arg11[%get3A_1251, %get3A_1252, %get3A_1253] {strides = array<i32>} : memref<2x16x1024xf32, #tpu.memory_space<vmem>>, vector<1x1x16xf32>,
        %get3A_1255 = vector.shape_cast %get3A_1254 : vector<1x1x16xf32> to vector<16xf32>
        %add3A_1256 = arith.addf %get3A_1249, %get3A_1255 : vector<16xf32>
        %swap3A_1257 = arith.constant 0 : i32
        %swap3A_1258 = arith.index_cast %swap3A_1257 : i32 to index
        %swap3A_1259 = arith.index_cast %scan3A_244 : i32 to index
        %swap3A_1260 = arith.constant 800 : index
        %swap3A_1261 = tpu.vector_load %arg12[%swap3A_1258, %swap3A_1259, %swap3A_1260] {strides = array<i32>} : memref<2x16x1024xf32, #tpu.memory_space<vmem>>, vector<1x1x16xf32>,
        %swap3A_1262 = vector.shape_cast %swap3A_1261 : vector<1x1x16xf32> to vector<16xf32>
        %swap3A_1263 = vector.shape_cast %add3A_1256 : vector<16xf32> to vector<1x1x16xf32>
        tpu.vector_store %arg12[%swap3A_1258, %swap3A_1259, %swap3A_1260], %swap3A_1263 {strides = array<i32>} : memref<2x16x1024xf32, #tpu.memory_space<vmem>>, vector<1x1x16xf32>,
        %get3A_1264 = arith.constant 0 : i32
        %get3A_1265 = arith.index_cast %get3A_1264 : i32 to index
        %get3A_1266 = arith.index_cast %scan3A_244 : i32 to index
        %get3A_1267 = arith.constant 816 : index
        %get3A_1268 = tpu.vector_load %arg10[%get3A_1265, %get3A_1266, %get3A_1267] {strides = array<i32>} : memref<2x16x1024xf32, #tpu.memory_space<vmem>>, vector<1x1x16xf32>,
        %get3A_1269 = vector.shape_cast %get3A_1268 : vector<1x1x16xf32> to vector<16xf32>
        %get3A_1270 = arith.constant 0 : i32
        %get3A_1271 = arith.index_cast %get3A_1270 : i32 to index
        %get3A_1272 = arith.index_cast %scan3A_244 : i32 to index
        %get3A_1273 = arith.constant 816 : index
        %get3A_1274 = tpu.vector_load %arg11[%get3A_1271, %get3A_1272, %get3A_1273] {strides = array<i32>} : memref<2x16x1024xf32, #tpu.memory_space<vmem>>, vector<1x1x16xf32>,
        %get3A_1275 = vector.shape_cast %get3A_1274 : vector<1x1x16xf32> to vector<16xf32>
        %add3A_1276 = arith.addf %get3A_1269, %get3A_1275 : vector<16xf32>
        %swap3A_1277 = arith.constant 0 : i32
        %swap3A_1278 = arith.index_cast %swap3A_1277 : i32 to index
        %swap3A_1279 = arith.index_cast %scan3A_244 : i32 to index
        %swap3A_1280 = arith.constant 816 : index
        %swap3A_1281 = tpu.vector_load %arg12[%swap3A_1278, %swap3A_1279, %swap3A_1280] {strides = array<i32>} : memref<2x16x1024xf32, #tpu.memory_space<vmem>>, vector<1x1x16xf32>,
        %swap3A_1282 = vector.shape_cast %swap3A_1281 : vector<1x1x16xf32> to vector<16xf32>
        %swap3A_1283 = vector.shape_cast %add3A_1276 : vector<16xf32> to vector<1x1x16xf32>
        tpu.vector_store %arg12[%swap3A_1278, %swap3A_1279, %swap3A_1280], %swap3A_1283 {strides = array<i32>} : memref<2x16x1024xf32, #tpu.memory_space<vmem>>, vector<1x1x16xf32>,
        %get3A_1284 = arith.constant 0 : i32
        %get3A_1285 = arith.index_cast %get3A_1284 : i32 to index
        %get3A_1286 = arith.index_cast %scan3A_244 : i32 to index
        %get3A_1287 = arith.constant 832 : index
        %get3A_1288 = tpu.vector_load %arg10[%get3A_1285, %get3A_1286, %get3A_1287] {strides = array<i32>} : memref<2x16x1024xf32, #tpu.memory_space<vmem>>, vector<1x1x16xf32>,
        %get3A_1289 = vector.shape_cast %get3A_1288 : vector<1x1x16xf32> to vector<16xf32>
        %get3A_1290 = arith.constant 0 : i32
        %get3A_1291 = arith.index_cast %get3A_1290 : i32 to index
        %get3A_1292 = arith.index_cast %scan3A_244 : i32 to index
        %get3A_1293 = arith.constant 832 : index
        %get3A_1294 = tpu.vector_load %arg11[%get3A_1291, %get3A_1292, %get3A_1293] {strides = array<i32>} : memref<2x16x1024xf32, #tpu.memory_space<vmem>>, vector<1x1x16xf32>,
        %get3A_1295 = vector.shape_cast %get3A_1294 : vector<1x1x16xf32> to vector<16xf32>
        %add3A_1296 = arith.addf %get3A_1289, %get3A_1295 : vector<16xf32>
        %swap3A_1297 = arith.constant 0 : i32
        %swap3A_1298 = arith.index_cast %swap3A_1297 : i32 to index
        %swap3A_1299 = arith.index_cast %scan3A_244 : i32 to index
        %swap3A_1300 = arith.constant 832 : index
        %swap3A_1301 = tpu.vector_load %arg12[%swap3A_1298, %swap3A_1299, %swap3A_1300] {strides = array<i32>} : memref<2x16x1024xf32, #tpu.memory_space<vmem>>, vector<1x1x16xf32>,
        %swap3A_1302 = vector.shape_cast %swap3A_1301 : vector<1x1x16xf32> to vector<16xf32>
        %swap3A_1303 = vector.shape_cast %add3A_1296 : vector<16xf32> to vector<1x1x16xf32>
        tpu.vector_store %arg12[%swap3A_1298, %swap3A_1299, %swap3A_1300], %swap3A_1303 {strides = array<i32>} : memref<2x16x1024xf32, #tpu.memory_space<vmem>>, vector<1x1x16xf32>,
        %get3A_1304 = arith.constant 0 : i32
        %get3A_1305 = arith.index_cast %get3A_1304 : i32 to index
        %get3A_1306 = arith.index_cast %scan3A_244 : i32 to index
        %get3A_1307 = arith.constant 848 : index
        %get3A_1308 = tpu.vector_load %arg10[%get3A_1305, %get3A_1306, %get3A_1307] {strides = array<i32>} : memref<2x16x1024xf32, #tpu.memory_space<vmem>>, vector<1x1x16xf32>,
        %get3A_1309 = vector.shape_cast %get3A_1308 : vector<1x1x16xf32> to vector<16xf32>
        %get3A_1310 = arith.constant 0 : i32
        %get3A_1311 = arith.index_cast %get3A_1310 : i32 to index
        %get3A_1312 = arith.index_cast %scan3A_244 : i32 to index
        %get3A_1313 = arith.constant 848 : index
        %get3A_1314 = tpu.vector_load %arg11[%get3A_1311, %get3A_1312, %get3A_1313] {strides = array<i32>} : memref<2x16x1024xf32, #tpu.memory_space<vmem>>, vector<1x1x16xf32>,
        %get3A_1315 = vector.shape_cast %get3A_1314 : vector<1x1x16xf32> to vector<16xf32>
        %add3A_1316 = arith.addf %get3A_1309, %get3A_1315 : vector<16xf32>
        %swap3A_1317 = arith.constant 0 : i32
        %swap3A_1318 = arith.index_cast %swap3A_1317 : i32 to index
        %swap3A_1319 = arith.index_cast %scan3A_244 : i32 to index
        %swap3A_1320 = arith.constant 848 : index
        %swap3A_1321 = tpu.vector_load %arg12[%swap3A_1318, %swap3A_1319, %swap3A_1320] {strides = array<i32>} : memref<2x16x1024xf32, #tpu.memory_space<vmem>>, vector<1x1x16xf32>,
        %swap3A_1322 = vector.shape_cast %swap3A_1321 : vector<1x1x16xf32> to vector<16xf32>
        %swap3A_1323 = vector.shape_cast %add3A_1316 : vector<16xf32> to vector<1x1x16xf32>
        tpu.vector_store %arg12[%swap3A_1318, %swap3A_1319, %swap3A_1320], %swap3A_1323 {strides = array<i32>} : memref<2x16x1024xf32, #tpu.memory_space<vmem>>, vector<1x1x16xf32>,
        %get3A_1324 = arith.constant 0 : i32
        %get3A_1325 = arith.index_cast %get3A_1324 : i32 to index
        %get3A_1326 = arith.index_cast %scan3A_244 : i32 to index
        %get3A_1327 = arith.constant 864 : index
        %get3A_1328 = tpu.vector_load %arg10[%get3A_1325, %get3A_1326, %get3A_1327] {strides = array<i32>} : memref<2x16x1024xf32, #tpu.memory_space<vmem>>, vector<1x1x16xf32>,
        %get3A_1329 = vector.shape_cast %get3A_1328 : vector<1x1x16xf32> to vector<16xf32>
        %get3A_1330 = arith.constant 0 : i32
        %get3A_1331 = arith.index_cast %get3A_1330 : i32 to index
        %get3A_1332 = arith.index_cast %scan3A_244 : i32 to index
        %get3A_1333 = arith.constant 864 : index
        %get3A_1334 = tpu.vector_load %arg11[%get3A_1331, %get3A_1332, %get3A_1333] {strides = array<i32>} : memref<2x16x1024xf32, #tpu.memory_space<vmem>>, vector<1x1x16xf32>,
        %get3A_1335 = vector.shape_cast %get3A_1334 : vector<1x1x16xf32> to vector<16xf32>
        %add3A_1336 = arith.addf %get3A_1329, %get3A_1335 : vector<16xf32>
        %swap3A_1337 = arith.constant 0 : i32
        %swap3A_1338 = arith.index_cast %swap3A_1337 : i32 to index
        %swap3A_1339 = arith.index_cast %scan3A_244 : i32 to index
        %swap3A_1340 = arith.constant 864 : index
        %swap3A_1341 = tpu.vector_load %arg12[%swap3A_1338, %swap3A_1339, %swap3A_1340] {strides = array<i32>} : memref<2x16x1024xf32, #tpu.memory_space<vmem>>, vector<1x1x16xf32>,
        %swap3A_1342 = vector.shape_cast %swap3A_1341 : vector<1x1x16xf32> to vector<16xf32>
        %swap3A_1343 = vector.shape_cast %add3A_1336 : vector<16xf32> to vector<1x1x16xf32>
        tpu.vector_store %arg12[%swap3A_1338, %swap3A_1339, %swap3A_1340], %swap3A_1343 {strides = array<i32>} : memref<2x16x1024xf32, #tpu.memory_space<vmem>>, vector<1x1x16xf32>,
        %get3A_1344 = arith.constant 0 : i32
        %get3A_1345 = arith.index_cast %get3A_1344 : i32 to index
        %get3A_1346 = arith.index_cast %scan3A_244 : i32 to index
        %get3A_1347 = arith.constant 880 : index
        %get3A_1348 = tpu.vector_load %arg10[%get3A_1345, %get3A_1346, %get3A_1347] {strides = array<i32>} : memref<2x16x1024xf32, #tpu.memory_space<vmem>>, vector<1x1x16xf32>,
        %get3A_1349 = vector.shape_cast %get3A_1348 : vector<1x1x16xf32> to vector<16xf32>
        %get3A_1350 = arith.constant 0 : i32
        %get3A_1351 = arith.index_cast %get3A_1350 : i32 to index
        %get3A_1352 = arith.index_cast %scan3A_244 : i32 to index
        %get3A_1353 = arith.constant 880 : index
        %get3A_1354 = tpu.vector_load %arg11[%get3A_1351, %get3A_1352, %get3A_1353] {strides = array<i32>} : memref<2x16x1024xf32, #tpu.memory_space<vmem>>, vector<1x1x16xf32>,
        %get3A_1355 = vector.shape_cast %get3A_1354 : vector<1x1x16xf32> to vector<16xf32>
        %add3A_1356 = arith.addf %get3A_1349, %get3A_1355 : vector<16xf32>
        %swap3A_1357 = arith.constant 0 : i32
        %swap3A_1358 = arith.index_cast %swap3A_1357 : i32 to index
        %swap3A_1359 = arith.index_cast %scan3A_244 : i32 to index
        %swap3A_1360 = arith.constant 880 : index
        %swap3A_1361 = tpu.vector_load %arg12[%swap3A_1358, %swap3A_1359, %swap3A_1360] {strides = array<i32>} : memref<2x16x1024xf32, #tpu.memory_space<vmem>>, vector<1x1x16xf32>,
        %swap3A_1362 = vector.shape_cast %swap3A_1361 : vector<1x1x16xf32> to vector<16xf32>
        %swap3A_1363 = vector.shape_cast %add3A_1356 : vector<16xf32> to vector<1x1x16xf32>
        tpu.vector_store %arg12[%swap3A_1358, %swap3A_1359, %swap3A_1360], %swap3A_1363 {strides = array<i32>} : memref<2x16x1024xf32, #tpu.memory_space<vmem>>, vector<1x1x16xf32>,
        %get3A_1364 = arith.constant 0 : i32
        %get3A_1365 = arith.index_cast %get3A_1364 : i32 to index
        %get3A_1366 = arith.index_cast %scan3A_244 : i32 to index
        %get3A_1367 = arith.constant 896 : index
        %get3A_1368 = tpu.vector_load %arg10[%get3A_1365, %get3A_1366, %get3A_1367] {strides = array<i32>} : memref<2x16x1024xf32, #tpu.memory_space<vmem>>, vector<1x1x16xf32>,
        %get3A_1369 = vector.shape_cast %get3A_1368 : vector<1x1x16xf32> to vector<16xf32>
        %get3A_1370 = arith.constant 0 : i32
        %get3A_1371 = arith.index_cast %get3A_1370 : i32 to index
        %get3A_1372 = arith.index_cast %scan3A_244 : i32 to index
        %get3A_1373 = arith.constant 896 : index
        %get3A_1374 = tpu.vector_load %arg11[%get3A_1371, %get3A_1372, %get3A_1373] {strides = array<i32>} : memref<2x16x1024xf32, #tpu.memory_space<vmem>>, vector<1x1x16xf32>,
        %get3A_1375 = vector.shape_cast %get3A_1374 : vector<1x1x16xf32> to vector<16xf32>
        %add3A_1376 = arith.addf %get3A_1369, %get3A_1375 : vector<16xf32>
        %swap3A_1377 = arith.constant 0 : i32
        %swap3A_1378 = arith.index_cast %swap3A_1377 : i32 to index
        %swap3A_1379 = arith.index_cast %scan3A_244 : i32 to index
        %swap3A_1380 = arith.constant 896 : index
        %swap3A_1381 = tpu.vector_load %arg12[%swap3A_1378, %swap3A_1379, %swap3A_1380] {strides = array<i32>} : memref<2x16x1024xf32, #tpu.memory_space<vmem>>, vector<1x1x16xf32>,
        %swap3A_1382 = vector.shape_cast %swap3A_1381 : vector<1x1x16xf32> to vector<16xf32>
        %swap3A_1383 = vector.shape_cast %add3A_1376 : vector<16xf32> to vector<1x1x16xf32>
        tpu.vector_store %arg12[%swap3A_1378, %swap3A_1379, %swap3A_1380], %swap3A_1383 {strides = array<i32>} : memref<2x16x1024xf32, #tpu.memory_space<vmem>>, vector<1x1x16xf32>,
        %get3A_1384 = arith.constant 0 : i32
        %get3A_1385 = arith.index_cast %get3A_1384 : i32 to index
        %get3A_1386 = arith.index_cast %scan3A_244 : i32 to index
        %get3A_1387 = arith.constant 912 : index
        %get3A_1388 = tpu.vector_load %arg10[%get3A_1385, %get3A_1386, %get3A_1387] {strides = array<i32>} : memref<2x16x1024xf32, #tpu.memory_space<vmem>>, vector<1x1x16xf32>,
        %get3A_1389 = vector.shape_cast %get3A_1388 : vector<1x1x16xf32> to vector<16xf32>
        %get3A_1390 = arith.constant 0 : i32
        %get3A_1391 = arith.index_cast %get3A_1390 : i32 to index
        %get3A_1392 = arith.index_cast %scan3A_244 : i32 to index
        %get3A_1393 = arith.constant 912 : index
        %get3A_1394 = tpu.vector_load %arg11[%get3A_1391, %get3A_1392, %get3A_1393] {strides = array<i32>} : memref<2x16x1024xf32, #tpu.memory_space<vmem>>, vector<1x1x16xf32>,
        %get3A_1395 = vector.shape_cast %get3A_1394 : vector<1x1x16xf32> to vector<16xf32>
        %add3A_1396 = arith.addf %get3A_1389, %get3A_1395 : vector<16xf32>
        %swap3A_1397 = arith.constant 0 : i32
        %swap3A_1398 = arith.index_cast %swap3A_1397 : i32 to index
        %swap3A_1399 = arith.index_cast %scan3A_244 : i32 to index
        %swap3A_1400 = arith.constant 912 : index
        %swap3A_1401 = tpu.vector_load %arg12[%swap3A_1398, %swap3A_1399, %swap3A_1400] {strides = array<i32>} : memref<2x16x1024xf32, #tpu.memory_space<vmem>>, vector<1x1x16xf32>,
        %swap3A_1402 = vector.shape_cast %swap3A_1401 : vector<1x1x16xf32> to vector<16xf32>
        %swap3A_1403 = vector.shape_cast %add3A_1396 : vector<16xf32> to vector<1x1x16xf32>
        tpu.vector_store %arg12[%swap3A_1398, %swap3A_1399, %swap3A_1400], %swap3A_1403 {strides = array<i32>} : memref<2x16x1024xf32, #tpu.memory_space<vmem>>, vector<1x1x16xf32>,
        %get3A_1404 = arith.constant 0 : i32
        %get3A_1405 = arith.index_cast %get3A_1404 : i32 to index
        %get3A_1406 = arith.index_cast %scan3A_244 : i32 to index
        %get3A_1407 = arith.constant 928 : index
        %get3A_1408 = tpu.vector_load %arg10[%get3A_1405, %get3A_1406, %get3A_1407] {strides = array<i32>} : memref<2x16x1024xf32, #tpu.memory_space<vmem>>, vector<1x1x16xf32>,
        %get3A_1409 = vector.shape_cast %get3A_1408 : vector<1x1x16xf32> to vector<16xf32>
        %get3A_1410 = arith.constant 0 : i32
        %get3A_1411 = arith.index_cast %get3A_1410 : i32 to index
        %get3A_1412 = arith.index_cast %scan3A_244 : i32 to index
        %get3A_1413 = arith.constant 928 : index
        %get3A_1414 = tpu.vector_load %arg11[%get3A_1411, %get3A_1412, %get3A_1413] {strides = array<i32>} : memref<2x16x1024xf32, #tpu.memory_space<vmem>>, vector<1x1x16xf32>,
        %get3A_1415 = vector.shape_cast %get3A_1414 : vector<1x1x16xf32> to vector<16xf32>
        %add3A_1416 = arith.addf %get3A_1409, %get3A_1415 : vector<16xf32>
        %swap3A_1417 = arith.constant 0 : i32
        %swap3A_1418 = arith.index_cast %swap3A_1417 : i32 to index
        %swap3A_1419 = arith.index_cast %scan3A_244 : i32 to index
        %swap3A_1420 = arith.constant 928 : index
        %swap3A_1421 = tpu.vector_load %arg12[%swap3A_1418, %swap3A_1419, %swap3A_1420] {strides = array<i32>} : memref<2x16x1024xf32, #tpu.memory_space<vmem>>, vector<1x1x16xf32>,
        %swap3A_1422 = vector.shape_cast %swap3A_1421 : vector<1x1x16xf32> to vector<16xf32>
        %swap3A_1423 = vector.shape_cast %add3A_1416 : vector<16xf32> to vector<1x1x16xf32>
        tpu.vector_store %arg12[%swap3A_1418, %swap3A_1419, %swap3A_1420], %swap3A_1423 {strides = array<i32>} : memref<2x16x1024xf32, #tpu.memory_space<vmem>>, vector<1x1x16xf32>,
        %get3A_1424 = arith.constant 0 : i32
        %get3A_1425 = arith.index_cast %get3A_1424 : i32 to index
        %get3A_1426 = arith.index_cast %scan3A_244 : i32 to index
        %get3A_1427 = arith.constant 944 : index
        %get3A_1428 = tpu.vector_load %arg10[%get3A_1425, %get3A_1426, %get3A_1427] {strides = array<i32>} : memref<2x16x1024xf32, #tpu.memory_space<vmem>>, vector<1x1x16xf32>,
        %get3A_1429 = vector.shape_cast %get3A_1428 : vector<1x1x16xf32> to vector<16xf32>
        %get3A_1430 = arith.constant 0 : i32
        %get3A_1431 = arith.index_cast %get3A_1430 : i32 to index
        %get3A_1432 = arith.index_cast %scan3A_244 : i32 to index
        %get3A_1433 = arith.constant 944 : index
        %get3A_1434 = tpu.vector_load %arg11[%get3A_1431, %get3A_1432, %get3A_1433] {strides = array<i32>} : memref<2x16x1024xf32, #tpu.memory_space<vmem>>, vector<1x1x16xf32>,
        %get3A_1435 = vector.shape_cast %get3A_1434 : vector<1x1x16xf32> to vector<16xf32>
        %add3A_1436 = arith.addf %get3A_1429, %get3A_1435 : vector<16xf32>
        %swap3A_1437 = arith.constant 0 : i32
        %swap3A_1438 = arith.index_cast %swap3A_1437 : i32 to index
        %swap3A_1439 = arith.index_cast %scan3A_244 : i32 to index
        %swap3A_1440 = arith.constant 944 : index
        %swap3A_1441 = tpu.vector_load %arg12[%swap3A_1438, %swap3A_1439, %swap3A_1440] {strides = array<i32>} : memref<2x16x1024xf32, #tpu.memory_space<vmem>>, vector<1x1x16xf32>,
        %swap3A_1442 = vector.shape_cast %swap3A_1441 : vector<1x1x16xf32> to vector<16xf32>
        %swap3A_1443 = vector.shape_cast %add3A_1436 : vector<16xf32> to vector<1x1x16xf32>
        tpu.vector_store %arg12[%swap3A_1438, %swap3A_1439, %swap3A_1440], %swap3A_1443 {strides = array<i32>} : memref<2x16x1024xf32, #tpu.memory_space<vmem>>, vector<1x1x16xf32>,
        %get3A_1444 = arith.constant 0 : i32
        %get3A_1445 = arith.index_cast %get3A_1444 : i32 to index
        %get3A_1446 = arith.index_cast %scan3A_244 : i32 to index
        %get3A_1447 = arith.constant 960 : index
        %get3A_1448 = tpu.vector_load %arg10[%get3A_1445, %get3A_1446, %get3A_1447] {strides = array<i32>} : memref<2x16x1024xf32, #tpu.memory_space<vmem>>, vector<1x1x16xf32>,
        %get3A_1449 = vector.shape_cast %get3A_1448 : vector<1x1x16xf32> to vector<16xf32>
        %get3A_1450 = arith.constant 0 : i32
        %get3A_1451 = arith.index_cast %get3A_1450 : i32 to index
        %get3A_1452 = arith.index_cast %scan3A_244 : i32 to index
        %get3A_1453 = arith.constant 960 : index
        %get3A_1454 = tpu.vector_load %arg11[%get3A_1451, %get3A_1452, %get3A_1453] {strides = array<i32>} : memref<2x16x1024xf32, #tpu.memory_space<vmem>>, vector<1x1x16xf32>,
        %get3A_1455 = vector.shape_cast %get3A_1454 : vector<1x1x16xf32> to vector<16xf32>
        %add3A_1456 = arith.addf %get3A_1449, %get3A_1455 : vector<16xf32>
        %swap3A_1457 = arith.constant 0 : i32
        %swap3A_1458 = arith.index_cast %swap3A_1457 : i32 to index
        %swap3A_1459 = arith.index_cast %scan3A_244 : i32 to index
        %swap3A_1460 = arith.constant 960 : index
        %swap3A_1461 = tpu.vector_load %arg12[%swap3A_1458, %swap3A_1459, %swap3A_1460] {strides = array<i32>} : memref<2x16x1024xf32, #tpu.memory_space<vmem>>, vector<1x1x16xf32>,
        %swap3A_1462 = vector.shape_cast %swap3A_1461 : vector<1x1x16xf32> to vector<16xf32>
        %swap3A_1463 = vector.shape_cast %add3A_1456 : vector<16xf32> to vector<1x1x16xf32>
        tpu.vector_store %arg12[%swap3A_1458, %swap3A_1459, %swap3A_1460], %swap3A_1463 {strides = array<i32>} : memref<2x16x1024xf32, #tpu.memory_space<vmem>>, vector<1x1x16xf32>,
        %get3A_1464 = arith.constant 0 : i32
        %get3A_1465 = arith.index_cast %get3A_1464 : i32 to index
        %get3A_1466 = arith.index_cast %scan3A_244 : i32 to index
        %get3A_1467 = arith.constant 976 : index
        %get3A_1468 = tpu.vector_load %arg10[%get3A_1465, %get3A_1466, %get3A_1467] {strides = array<i32>} : memref<2x16x1024xf32, #tpu.memory_space<vmem>>, vector<1x1x16xf32>,
        %get3A_1469 = vector.shape_cast %get3A_1468 : vector<1x1x16xf32> to vector<16xf32>
        %get3A_1470 = arith.constant 0 : i32
        %get3A_1471 = arith.index_cast %get3A_1470 : i32 to index
        %get3A_1472 = arith.index_cast %scan3A_244 : i32 to index
        %get3A_1473 = arith.constant 976 : index
        %get3A_1474 = tpu.vector_load %arg11[%get3A_1471, %get3A_1472, %get3A_1473] {strides = array<i32>} : memref<2x16x1024xf32, #tpu.memory_space<vmem>>, vector<1x1x16xf32>,
        %get3A_1475 = vector.shape_cast %get3A_1474 : vector<1x1x16xf32> to vector<16xf32>
        %add3A_1476 = arith.addf %get3A_1469, %get3A_1475 : vector<16xf32>
        %swap3A_1477 = arith.constant 0 : i32
        %swap3A_1478 = arith.index_cast %swap3A_1477 : i32 to index
        %swap3A_1479 = arith.index_cast %scan3A_244 : i32 to index
        %swap3A_1480 = arith.constant 976 : index
        %swap3A_1481 = tpu.vector_load %arg12[%swap3A_1478, %swap3A_1479, %swap3A_1480] {strides = array<i32>} : memref<2x16x1024xf32, #tpu.memory_space<vmem>>, vector<1x1x16xf32>,
        %swap3A_1482 = vector.shape_cast %swap3A_1481 : vector<1x1x16xf32> to vector<16xf32>
        %swap3A_1483 = vector.shape_cast %add3A_1476 : vector<16xf32> to vector<1x1x16xf32>
        tpu.vector_store %arg12[%swap3A_1478, %swap3A_1479, %swap3A_1480], %swap3A_1483 {strides = array<i32>} : memref<2x16x1024xf32, #tpu.memory_space<vmem>>, vector<1x1x16xf32>,
        %get3A_1484 = arith.constant 0 : i32
        %get3A_1485 = arith.index_cast %get3A_1484 : i32 to index
        %get3A_1486 = arith.index_cast %scan3A_244 : i32 to index
        %get3A_1487 = arith.constant 992 : index
        %get3A_1488 = tpu.vector_load %arg10[%get3A_1485, %get3A_1486, %get3A_1487] {strides = array<i32>} : memref<2x16x1024xf32, #tpu.memory_space<vmem>>, vector<1x1x16xf32>,
        %get3A_1489 = vector.shape_cast %get3A_1488 : vector<1x1x16xf32> to vector<16xf32>
        %get3A_1490 = arith.constant 0 : i32
        %get3A_1491 = arith.index_cast %get3A_1490 : i32 to index
        %get3A_1492 = arith.index_cast %scan3A_244 : i32 to index
        %get3A_1493 = arith.constant 992 : index
        %get3A_1494 = tpu.vector_load %arg11[%get3A_1491, %get3A_1492, %get3A_1493] {strides = array<i32>} : memref<2x16x1024xf32, #tpu.memory_space<vmem>>, vector<1x1x16xf32>,
        %get3A_1495 = vector.shape_cast %get3A_1494 : vector<1x1x16xf32> to vector<16xf32>
        %add3A_1496 = arith.addf %get3A_1489, %get3A_1495 : vector<16xf32>
        %swap3A_1497 = arith.constant 0 : i32
        %swap3A_1498 = arith.index_cast %swap3A_1497 : i32 to index
        %swap3A_1499 = arith.index_cast %scan3A_244 : i32 to index
        %swap3A_1500 = arith.constant 992 : index
        %swap3A_1501 = tpu.vector_load %arg12[%swap3A_1498, %swap3A_1499, %swap3A_1500] {strides = array<i32>} : memref<2x16x1024xf32, #tpu.memory_space<vmem>>, vector<1x1x16xf32>,
        %swap3A_1502 = vector.shape_cast %swap3A_1501 : vector<1x1x16xf32> to vector<16xf32>
        %swap3A_1503 = vector.shape_cast %add3A_1496 : vector<16xf32> to vector<1x1x16xf32>
        tpu.vector_store %arg12[%swap3A_1498, %swap3A_1499, %swap3A_1500], %swap3A_1503 {strides = array<i32>} : memref<2x16x1024xf32, #tpu.memory_space<vmem>>, vector<1x1x16xf32>,
        %get3A_1504 = arith.constant 0 : i32
        %get3A_1505 = arith.index_cast %get3A_1504 : i32 to index
        %get3A_1506 = arith.index_cast %scan3A_244 : i32 to index
        %get3A_1507 = arith.constant 1008 : index
        %get3A_1508 = tpu.vector_load %arg10[%get3A_1505, %get3A_1506, %get3A_1507] {strides = array<i32>} : memref<2x16x1024xf32, #tpu.memory_space<vmem>>, vector<1x1x16xf32>,
        %get3A_1509 = vector.shape_cast %get3A_1508 : vector<1x1x16xf32> to vector<16xf32>
        %get3A_1510 = arith.constant 0 : i32
        %get3A_1511 = arith.index_cast %get3A_1510 : i32 to index
        %get3A_1512 = arith.index_cast %scan3A_244 : i32 to index
        %get3A_1513 = arith.constant 1008 : index
        %get3A_1514 = tpu.vector_load %arg11[%get3A_1511, %get3A_1512, %get3A_1513] {strides = array<i32>} : memref<2x16x1024xf32, #tpu.memory_space<vmem>>, vector<1x1x16xf32>,
        %get3A_1515 = vector.shape_cast %get3A_1514 : vector<1x1x16xf32> to vector<16xf32>
        %add3A_1516 = arith.addf %get3A_1509, %get3A_1515 : vector<16xf32>
        %swap3A_1517 = arith.constant 0 : i32
        %swap3A_1518 = arith.index_cast %swap3A_1517 : i32 to index
        %swap3A_1519 = arith.index_cast %scan3A_244 : i32 to index
        %swap3A_1520 = arith.constant 1008 : index
        %swap3A_1521 = tpu.vector_load %arg12[%swap3A_1518, %swap3A_1519, %swap3A_1520] {strides = array<i32>} : memref<2x16x1024xf32, #tpu.memory_space<vmem>>, vector<1x1x16xf32>,
        %swap3A_1522 = vector.shape_cast %swap3A_1521 : vector<1x1x16xf32> to vector<16xf32>
        %swap3A_1523 = vector.shape_cast %add3A_1516 : vector<16xf32> to vector<1x1x16xf32>
        tpu.vector_store %arg12[%swap3A_1518, %swap3A_1519, %swap3A_1520], %swap3A_1523 {strides = array<i32>} : memref<2x16x1024xf32, #tpu.memory_space<vmem>>, vector<1x1x16xf32>,
      }
      %scan3A_143 = arith.constant 16 : i32
      %mul3A_144 = arith.constant 16 : i32
      %mul3A_145 = arith.muli %add3A_112, %mul3A_144 : i32
      %add3A_146 = arith.addi %add3A_34, %mul3A_145 : i32
      %add3A_147 = arith.constant 0 : i32
      %add3A_148 = arith.addi %add3A_146, %add3A_147 : i32
      %mul3A_149 = arith.constant 16 : i32
      %mul3A_150 = arith.muli %add3A_148, %mul3A_149 : i32
      %add3A_151 = arith.addi %mul3A_150, %select_n3A : i32
      %iota3A = tpu.iota {dimensions = array<i32: 0>} : vector<16xi32>
      %mul3A_152 = arith.constant 16 : i32
      %mul3A_153 = vector.broadcast %mul3A_152 : i32 to vector<16xi32>
      %mul3A_154 = arith.muli %iota3A, %mul3A_153 : vector<16xi32>
      %add3A_155 = vector.broadcast %add3A_151 : i32 to vector<16xi32>
      %add3A_156 = arith.addi %add3A_155, %mul3A_154 : vector<16xi32>
      %swap3A = arith.constant 0 : index
      %swap3A_157 = tpu.vector_load %arg13[%swap3A] {strides = array<i32>} : memref<16xi32, #tpu.memory_space<vmem>>, vector<16xi32>,
      %swap3A_158 = vector.shape_cast %swap3A_157 : vector<16xi32> to vector<16xi32>
      %swap3A_159 = vector.shape_cast %add3A_156 : vector<16xi32> to vector<16xi32>
      tpu.vector_store %arg13[%swap3A], %swap3A_159 {strides = array<i32>} : memref<16xi32, #tpu.memory_space<vmem>>, vector<16xi32>,
      %dma_start3A_160 = arith.constant 0 : i32
      %dma_start3A_161 = arith.constant 0 : i32
      %dma_start3A_162 = arith.constant 0 : i32
      %dma_start3A_163 = tpu.memref_slice %arg12[%dma_start3A_160, %dma_start3A_161, %dma_start3A_162] : memref<2x16x1024xf32, #tpu.memory_space<vmem>> -> memref<1x16x1024xf32, #tpu.memory_space<vmem>>
      %dma_start3A_164 = tpu.memref_squeeze %dma_start3A_163 : memref<1x16x1024xf32, #tpu.memory_space<vmem>> -> memref<16x1024xf32, #tpu.memory_space<vmem>>
      %dma_start3A_165 = arith.constant 0 : i32
      %dma_start3A_166 = arith.constant 0 : i32
      %dma_start3A_167 = tpu.memref_slice %arg6[%dma_start3A_165, %dma_start3A_166] : memref<16400x1024xf32, #tpu.memory_space<hbm>> -> memref<16400x1024xf32, #tpu.memory_space<hbm>>
      tpu.enqueue_indirect_dma source(%dma_start3A_164 : memref<16x1024xf32, #tpu.memory_space<vmem>>) target(%dma_start3A_167 : memref<16400x1024xf32, #tpu.memory_space<hbm>>) offsets(%arg13 : memref<16xi32, #tpu.memory_space<vmem>>) semaphore(%arg23 : memref<!tpu.dma_semaphore, #tpu.memory_space<semaphore_mem>>)
      %add3A_168 = arith.constant 2 : i32
      %add3A_169 = arith.addi %add3A_112, %add3A_168 : i32
      %lt3A_170 = arith.constant 32 : i32
      %lt3A_171 = arith.cmpi slt, %add3A_169, %lt3A_170 : i32
      %convert_element_type3A_172 = arith.extui %lt3A_171 : i1 to i32
      %cond3A_173 = arith.constant 0 : i32
      %cond3A_174 = arith.cmpi ne, %convert_element_type3A_172, %cond3A_173 : i32
      scf.if %cond3A_174 {
        %add3A_244 = arith.constant 2 : i32
        %add3A_245 = arith.addi %add3A_112, %add3A_244 : i32
        %mul3A_246 = arith.constant 16 : i32
        %mul3A_247 = arith.muli %add3A_245, %mul3A_246 : i32
        %dma_start3A_248 = arith.constant 0 : i32
        %dma_start3A_249 = arith.constant 0 : i32
        %dma_start3A_250 = arith.constant 0 : i32
        %dma_start3A_251 = tpu.memref_slice %arg10[%dma_start3A_248, %dma_start3A_249, %dma_start3A_250] : memref<2x16x1024xf32, #tpu.memory_space<vmem>> -> memref<1x16x1024xf32, #tpu.memory_space<vmem>>
        %dma_start3A_252 = tpu.memref_squeeze %dma_start3A_251 : memref<1x16x1024xf32, #tpu.memory_space<vmem>> -> memref<16x1024xf32, #tpu.memory_space<vmem>>
        %dma_start3A_253 = tpu.memref_slice %arg8[%mul3A_247] : memref<512xi32, #tpu.memory_space<vmem>> -> memref<16xi32, #tpu.memory_space<vmem>>
        %dma_start3A_254 = arith.constant 0 : i32
        %dma_start3A_255 = arith.constant 0 : i32
        %dma_start3A_256 = tpu.memref_slice %arg2[%dma_start3A_254, %dma_start3A_255] : memref<32768x1024xf32, #tpu.memory_space<hbm>> -> memref<32768x1024xf32, #tpu.memory_space<hbm>>
        tpu.enqueue_indirect_dma source(%dma_start3A_256 : memref<32768x1024xf32, #tpu.memory_space<hbm>>) target(%dma_start3A_252 : memref<16x1024xf32, #tpu.memory_space<vmem>>) offsets(%dma_start3A_253 : memref<16xi32, #tpu.memory_space<vmem>>) semaphore(%arg19 : memref<!tpu.dma_semaphore, #tpu.memory_space<semaphore_mem>>)
        %mul3A_257 = arith.constant 16 : i32
        %mul3A_258 = arith.muli %add3A_245, %mul3A_257 : i32
        %dma_start3A_259 = arith.constant 0 : i32
        %dma_start3A_260 = arith.constant 0 : i32
        %dma_start3A_261 = arith.constant 0 : i32
        %dma_start3A_262 = tpu.memref_slice %arg11[%dma_start3A_259, %dma_start3A_260, %dma_start3A_261] : memref<2x16x1024xf32, #tpu.memory_space<vmem>> -> memref<1x16x1024xf32, #tpu.memory_space<vmem>>
        %dma_start3A_263 = tpu.memref_squeeze %dma_start3A_262 : memref<1x16x1024xf32, #tpu.memory_space<vmem>> -> memref<16x1024xf32, #tpu.memory_space<vmem>>
        %dma_start3A_264 = tpu.memref_slice %arg9[%mul3A_258] : memref<512xi32, #tpu.memory_space<vmem>> -> memref<16xi32, #tpu.memory_space<vmem>>
        %dma_start3A_265 = arith.constant 0 : i32
        %dma_start3A_266 = arith.constant 0 : i32
        %dma_start3A_267 = tpu.memref_slice %arg3[%dma_start3A_265, %dma_start3A_266] : memref<2049x1024xf32, #tpu.memory_space<hbm>> -> memref<2049x1024xf32, #tpu.memory_space<hbm>>
        tpu.enqueue_indirect_dma source(%dma_start3A_267 : memref<2049x1024xf32, #tpu.memory_space<hbm>>) target(%dma_start3A_263 : memref<16x1024xf32, #tpu.memory_space<vmem>>) offsets(%dma_start3A_264 : memref<16xi32, #tpu.memory_space<vmem>>) semaphore(%arg21 : memref<!tpu.dma_semaphore, #tpu.memory_space<semaphore_mem>>)
      } else {
      }
      %mul3A_175 = arith.constant 2 : i32
      %mul3A_176 = arith.muli %scan3A_108, %mul3A_175 : i32
      %add3A_177 = arith.constant 1 : i32
      %add3A_178 = arith.addi %mul3A_176, %add3A_177 : i32
      %mul3A_179 = arith.constant 16 : i32
      %mul3A_180 = arith.muli %add3A_178, %mul3A_179 : i32
      %dma_wait3A_181 = arith.constant 1 : i32
      %dma_wait3A_182 = arith.constant 0 : i32
      %dma_wait3A_183 = arith.constant 0 : i32
      %dma_wait3A_184 = tpu.memref_slice %arg10[%dma_wait3A_181, %dma_wait3A_182, %dma_wait3A_183] : memref<2x16x1024xf32, #tpu.memory_space<vmem>> -> memref<1x16x1024xf32, #tpu.memory_space<vmem>>
      %dma_wait3A_185 = tpu.memref_squeeze %dma_wait3A_184 : memref<1x16x1024xf32, #tpu.memory_space<vmem>> -> memref<16x1024xf32, #tpu.memory_space<vmem>>
      %dma_wait3A_186 = tpu.memref_slice %arg8[%mul3A_180] : memref<512xi32, #tpu.memory_space<vmem>> -> memref<16xi32, #tpu.memory_space<vmem>>
      %dma_wait3A_187 = arith.constant 0 : i32
      %dma_wait3A_188 = arith.constant 0 : i32
      %dma_wait3A_189 = tpu.memref_slice %arg2[%dma_wait3A_187, %dma_wait3A_188] : memref<32768x1024xf32, #tpu.memory_space<hbm>> -> memref<32768x1024xf32, #tpu.memory_space<hbm>>
      tpu.wait_indirect_dma semaphore(%arg20 : memref<!tpu.dma_semaphore, #tpu.memory_space<semaphore_mem>>) src(%dma_wait3A_189 : memref<32768x1024xf32, #tpu.memory_space<hbm>>) dst(%dma_wait3A_185 : memref<16x1024xf32, #tpu.memory_space<vmem>>)
      %mul3A_190 = arith.constant 16 : i32
      %mul3A_191 = arith.muli %add3A_178, %mul3A_190 : i32
      %dma_wait3A_192 = arith.constant 1 : i32
      %dma_wait3A_193 = arith.constant 0 : i32
      %dma_wait3A_194 = arith.constant 0 : i32
      %dma_wait3A_195 = tpu.memref_slice %arg11[%dma_wait3A_192, %dma_wait3A_193, %dma_wait3A_194] : memref<2x16x1024xf32, #tpu.memory_space<vmem>> -> memref<1x16x1024xf32, #tpu.memory_space<vmem>>
      %dma_wait3A_196 = tpu.memref_squeeze %dma_wait3A_195 : memref<1x16x1024xf32, #tpu.memory_space<vmem>> -> memref<16x1024xf32, #tpu.memory_space<vmem>>
      %dma_wait3A_197 = tpu.memref_slice %arg9[%mul3A_191] : memref<512xi32, #tpu.memory_space<vmem>> -> memref<16xi32, #tpu.memory_space<vmem>>
      %dma_wait3A_198 = arith.constant 0 : i32
      %dma_wait3A_199 = arith.constant 0 : i32
      %dma_wait3A_200 = tpu.memref_slice %arg3[%dma_wait3A_198, %dma_wait3A_199] : memref<2049x1024xf32, #tpu.memory_space<hbm>> -> memref<2049x1024xf32, #tpu.memory_space<hbm>>
      tpu.wait_indirect_dma semaphore(%arg22 : memref<!tpu.dma_semaphore, #tpu.memory_space<semaphore_mem>>) src(%dma_wait3A_200 : memref<2049x1024xf32, #tpu.memory_space<hbm>>) dst(%dma_wait3A_196 : memref<16x1024xf32, #tpu.memory_space<vmem>>)
      %gt3A_201 = arith.constant 0 : i32
      %gt3A_202 = arith.cmpi sgt, %scan3A_108, %gt3A_201 : i32
      %convert_element_type3A_203 = arith.extui %gt3A_202 : i1 to i32
      %cond3A_204 = arith.constant 0 : i32
      %cond3A_205 = arith.cmpi ne, %convert_element_type3A_203, %cond3A_204 : i32
      scf.if %cond3A_205 {
        %dma_wait3A_244 = arith.constant 1 : i32
        %dma_wait3A_245 = arith.constant 0 : i32
        %dma_wait3A_246 = arith.constant 0 : i32
        %dma_wait3A_247 = tpu.memref_slice %arg12[%dma_wait3A_244, %dma_wait3A_245, %dma_wait3A_246] : memref<2x16x1024xf32, #tpu.memory_space<vmem>> -> memref<1x16x1024xf32, #tpu.memory_space<vmem>>
        %dma_wait3A_248 = tpu.memref_squeeze %dma_wait3A_247 : memref<1x16x1024xf32, #tpu.memory_space<vmem>> -> memref<16x1024xf32, #tpu.memory_space<vmem>>
        %dma_wait3A_249 = arith.constant 0 : i32
        %dma_wait3A_250 = arith.constant 0 : i32
        %dma_wait3A_251 = tpu.memref_slice %arg6[%dma_wait3A_249, %dma_wait3A_250] : memref<16400x1024xf32, #tpu.memory_space<hbm>> -> memref<16400x1024xf32, #tpu.memory_space<hbm>>
        tpu.wait_indirect_dma semaphore(%arg24 : memref<!tpu.dma_semaphore, #tpu.memory_space<semaphore_mem>>) src(%dma_wait3A_248 : memref<16x1024xf32, #tpu.memory_space<vmem>>) dst(%dma_wait3A_251 : memref<16400x1024xf32, #tpu.memory_space<hbm>>)
      } else {
      }
      %scan3A_206 = arith.constant 0 : i32
      %scan3A_207 = arith.constant 16 : i32
      %scan3A_208 = arith.addi %scan3A_206, %scan3A_207 : i32
      %scan3A_209 = arith.constant 1 : i32
      scf.for %scan3A_244 = %scan3A_206 to %scan3A_208 step %scan3A_209  : i32 {
        %get3A = arith.constant 1 : i32
        %get3A_245 = arith.index_cast %get3A : i32 to index
        %get3A_246 = arith.index_cast %scan3A_244 : i32 to index
        %get3A_247 = arith.constant 0 : index
        %get3A_248 = tpu.vector_load %arg10[%get3A_245, %get3A_246, %get3A_247] {strides = array<i32>} : memref<2x16x1024xf32, #tpu.memory_space<vmem>>, vector<1x1x16xf32>,
        %get3A_249 = vector.shape_cast %get3A_248 : vector<1x1x16xf32> to vector<16xf32>
        %get3A_250 = arith.constant 1 : i32
        %get3A_251 = arith.index_cast %get3A_250 : i32 to index
        %get3A_252 = arith.index_cast %scan3A_244 : i32 to index
        %get3A_253 = arith.constant 0 : index
        %get3A_254 = tpu.vector_load %arg11[%get3A_251, %get3A_252, %get3A_253] {strides = array<i32>} : memref<2x16x1024xf32, #tpu.memory_space<vmem>>, vector<1x1x16xf32>,
        %get3A_255 = vector.shape_cast %get3A_254 : vector<1x1x16xf32> to vector<16xf32>
        %add3A_256 = arith.addf %get3A_249, %get3A_255 : vector<16xf32>
        %swap3A_257 = arith.constant 1 : i32
        %swap3A_258 = arith.index_cast %swap3A_257 : i32 to index
        %swap3A_259 = arith.index_cast %scan3A_244 : i32 to index
        %swap3A_260 = arith.constant 0 : index
        %swap3A_261 = tpu.vector_load %arg12[%swap3A_258, %swap3A_259, %swap3A_260] {strides = array<i32>} : memref<2x16x1024xf32, #tpu.memory_space<vmem>>, vector<1x1x16xf32>,
        %swap3A_262 = vector.shape_cast %swap3A_261 : vector<1x1x16xf32> to vector<16xf32>
        %swap3A_263 = vector.shape_cast %add3A_256 : vector<16xf32> to vector<1x1x16xf32>
        tpu.vector_store %arg12[%swap3A_258, %swap3A_259, %swap3A_260], %swap3A_263 {strides = array<i32>} : memref<2x16x1024xf32, #tpu.memory_space<vmem>>, vector<1x1x16xf32>,
        %get3A_264 = arith.constant 1 : i32
        %get3A_265 = arith.index_cast %get3A_264 : i32 to index
        %get3A_266 = arith.index_cast %scan3A_244 : i32 to index
        %get3A_267 = arith.constant 16 : index
        %get3A_268 = tpu.vector_load %arg10[%get3A_265, %get3A_266, %get3A_267] {strides = array<i32>} : memref<2x16x1024xf32, #tpu.memory_space<vmem>>, vector<1x1x16xf32>,
        %get3A_269 = vector.shape_cast %get3A_268 : vector<1x1x16xf32> to vector<16xf32>
        %get3A_270 = arith.constant 1 : i32
        %get3A_271 = arith.index_cast %get3A_270 : i32 to index
        %get3A_272 = arith.index_cast %scan3A_244 : i32 to index
        %get3A_273 = arith.constant 16 : index
        %get3A_274 = tpu.vector_load %arg11[%get3A_271, %get3A_272, %get3A_273] {strides = array<i32>} : memref<2x16x1024xf32, #tpu.memory_space<vmem>>, vector<1x1x16xf32>,
        %get3A_275 = vector.shape_cast %get3A_274 : vector<1x1x16xf32> to vector<16xf32>
        %add3A_276 = arith.addf %get3A_269, %get3A_275 : vector<16xf32>
        %swap3A_277 = arith.constant 1 : i32
        %swap3A_278 = arith.index_cast %swap3A_277 : i32 to index
        %swap3A_279 = arith.index_cast %scan3A_244 : i32 to index
        %swap3A_280 = arith.constant 16 : index
        %swap3A_281 = tpu.vector_load %arg12[%swap3A_278, %swap3A_279, %swap3A_280] {strides = array<i32>} : memref<2x16x1024xf32, #tpu.memory_space<vmem>>, vector<1x1x16xf32>,
        %swap3A_282 = vector.shape_cast %swap3A_281 : vector<1x1x16xf32> to vector<16xf32>
        %swap3A_283 = vector.shape_cast %add3A_276 : vector<16xf32> to vector<1x1x16xf32>
        tpu.vector_store %arg12[%swap3A_278, %swap3A_279, %swap3A_280], %swap3A_283 {strides = array<i32>} : memref<2x16x1024xf32, #tpu.memory_space<vmem>>, vector<1x1x16xf32>,
        %get3A_284 = arith.constant 1 : i32
        %get3A_285 = arith.index_cast %get3A_284 : i32 to index
        %get3A_286 = arith.index_cast %scan3A_244 : i32 to index
        %get3A_287 = arith.constant 32 : index
        %get3A_288 = tpu.vector_load %arg10[%get3A_285, %get3A_286, %get3A_287] {strides = array<i32>} : memref<2x16x1024xf32, #tpu.memory_space<vmem>>, vector<1x1x16xf32>,
        %get3A_289 = vector.shape_cast %get3A_288 : vector<1x1x16xf32> to vector<16xf32>
        %get3A_290 = arith.constant 1 : i32
        %get3A_291 = arith.index_cast %get3A_290 : i32 to index
        %get3A_292 = arith.index_cast %scan3A_244 : i32 to index
        %get3A_293 = arith.constant 32 : index
        %get3A_294 = tpu.vector_load %arg11[%get3A_291, %get3A_292, %get3A_293] {strides = array<i32>} : memref<2x16x1024xf32, #tpu.memory_space<vmem>>, vector<1x1x16xf32>,
        %get3A_295 = vector.shape_cast %get3A_294 : vector<1x1x16xf32> to vector<16xf32>
        %add3A_296 = arith.addf %get3A_289, %get3A_295 : vector<16xf32>
        %swap3A_297 = arith.constant 1 : i32
        %swap3A_298 = arith.index_cast %swap3A_297 : i32 to index
        %swap3A_299 = arith.index_cast %scan3A_244 : i32 to index
        %swap3A_300 = arith.constant 32 : index
        %swap3A_301 = tpu.vector_load %arg12[%swap3A_298, %swap3A_299, %swap3A_300] {strides = array<i32>} : memref<2x16x1024xf32, #tpu.memory_space<vmem>>, vector<1x1x16xf32>,
        %swap3A_302 = vector.shape_cast %swap3A_301 : vector<1x1x16xf32> to vector<16xf32>
        %swap3A_303 = vector.shape_cast %add3A_296 : vector<16xf32> to vector<1x1x16xf32>
        tpu.vector_store %arg12[%swap3A_298, %swap3A_299, %swap3A_300], %swap3A_303 {strides = array<i32>} : memref<2x16x1024xf32, #tpu.memory_space<vmem>>, vector<1x1x16xf32>,
        %get3A_304 = arith.constant 1 : i32
        %get3A_305 = arith.index_cast %get3A_304 : i32 to index
        %get3A_306 = arith.index_cast %scan3A_244 : i32 to index
        %get3A_307 = arith.constant 48 : index
        %get3A_308 = tpu.vector_load %arg10[%get3A_305, %get3A_306, %get3A_307] {strides = array<i32>} : memref<2x16x1024xf32, #tpu.memory_space<vmem>>, vector<1x1x16xf32>,
        %get3A_309 = vector.shape_cast %get3A_308 : vector<1x1x16xf32> to vector<16xf32>
        %get3A_310 = arith.constant 1 : i32
        %get3A_311 = arith.index_cast %get3A_310 : i32 to index
        %get3A_312 = arith.index_cast %scan3A_244 : i32 to index
        %get3A_313 = arith.constant 48 : index
        %get3A_314 = tpu.vector_load %arg11[%get3A_311, %get3A_312, %get3A_313] {strides = array<i32>} : memref<2x16x1024xf32, #tpu.memory_space<vmem>>, vector<1x1x16xf32>,
        %get3A_315 = vector.shape_cast %get3A_314 : vector<1x1x16xf32> to vector<16xf32>
        %add3A_316 = arith.addf %get3A_309, %get3A_315 : vector<16xf32>
        %swap3A_317 = arith.constant 1 : i32
        %swap3A_318 = arith.index_cast %swap3A_317 : i32 to index
        %swap3A_319 = arith.index_cast %scan3A_244 : i32 to index
        %swap3A_320 = arith.constant 48 : index
        %swap3A_321 = tpu.vector_load %arg12[%swap3A_318, %swap3A_319, %swap3A_320] {strides = array<i32>} : memref<2x16x1024xf32, #tpu.memory_space<vmem>>, vector<1x1x16xf32>,
        %swap3A_322 = vector.shape_cast %swap3A_321 : vector<1x1x16xf32> to vector<16xf32>
        %swap3A_323 = vector.shape_cast %add3A_316 : vector<16xf32> to vector<1x1x16xf32>
        tpu.vector_store %arg12[%swap3A_318, %swap3A_319, %swap3A_320], %swap3A_323 {strides = array<i32>} : memref<2x16x1024xf32, #tpu.memory_space<vmem>>, vector<1x1x16xf32>,
        %get3A_324 = arith.constant 1 : i32
        %get3A_325 = arith.index_cast %get3A_324 : i32 to index
        %get3A_326 = arith.index_cast %scan3A_244 : i32 to index
        %get3A_327 = arith.constant 64 : index
        %get3A_328 = tpu.vector_load %arg10[%get3A_325, %get3A_326, %get3A_327] {strides = array<i32>} : memref<2x16x1024xf32, #tpu.memory_space<vmem>>, vector<1x1x16xf32>,
        %get3A_329 = vector.shape_cast %get3A_328 : vector<1x1x16xf32> to vector<16xf32>
        %get3A_330 = arith.constant 1 : i32
        %get3A_331 = arith.index_cast %get3A_330 : i32 to index
        %get3A_332 = arith.index_cast %scan3A_244 : i32 to index
        %get3A_333 = arith.constant 64 : index
        %get3A_334 = tpu.vector_load %arg11[%get3A_331, %get3A_332, %get3A_333] {strides = array<i32>} : memref<2x16x1024xf32, #tpu.memory_space<vmem>>, vector<1x1x16xf32>,
        %get3A_335 = vector.shape_cast %get3A_334 : vector<1x1x16xf32> to vector<16xf32>
        %add3A_336 = arith.addf %get3A_329, %get3A_335 : vector<16xf32>
        %swap3A_337 = arith.constant 1 : i32
        %swap3A_338 = arith.index_cast %swap3A_337 : i32 to index
        %swap3A_339 = arith.index_cast %scan3A_244 : i32 to index
        %swap3A_340 = arith.constant 64 : index
        %swap3A_341 = tpu.vector_load %arg12[%swap3A_338, %swap3A_339, %swap3A_340] {strides = array<i32>} : memref<2x16x1024xf32, #tpu.memory_space<vmem>>, vector<1x1x16xf32>,
        %swap3A_342 = vector.shape_cast %swap3A_341 : vector<1x1x16xf32> to vector<16xf32>
        %swap3A_343 = vector.shape_cast %add3A_336 : vector<16xf32> to vector<1x1x16xf32>
        tpu.vector_store %arg12[%swap3A_338, %swap3A_339, %swap3A_340], %swap3A_343 {strides = array<i32>} : memref<2x16x1024xf32, #tpu.memory_space<vmem>>, vector<1x1x16xf32>,
        %get3A_344 = arith.constant 1 : i32
        %get3A_345 = arith.index_cast %get3A_344 : i32 to index
        %get3A_346 = arith.index_cast %scan3A_244 : i32 to index
        %get3A_347 = arith.constant 80 : index
        %get3A_348 = tpu.vector_load %arg10[%get3A_345, %get3A_346, %get3A_347] {strides = array<i32>} : memref<2x16x1024xf32, #tpu.memory_space<vmem>>, vector<1x1x16xf32>,
        %get3A_349 = vector.shape_cast %get3A_348 : vector<1x1x16xf32> to vector<16xf32>
        %get3A_350 = arith.constant 1 : i32
        %get3A_351 = arith.index_cast %get3A_350 : i32 to index
        %get3A_352 = arith.index_cast %scan3A_244 : i32 to index
        %get3A_353 = arith.constant 80 : index
        %get3A_354 = tpu.vector_load %arg11[%get3A_351, %get3A_352, %get3A_353] {strides = array<i32>} : memref<2x16x1024xf32, #tpu.memory_space<vmem>>, vector<1x1x16xf32>,
        %get3A_355 = vector.shape_cast %get3A_354 : vector<1x1x16xf32> to vector<16xf32>
        %add3A_356 = arith.addf %get3A_349, %get3A_355 : vector<16xf32>
        %swap3A_357 = arith.constant 1 : i32
        %swap3A_358 = arith.index_cast %swap3A_357 : i32 to index
        %swap3A_359 = arith.index_cast %scan3A_244 : i32 to index
        %swap3A_360 = arith.constant 80 : index
        %swap3A_361 = tpu.vector_load %arg12[%swap3A_358, %swap3A_359, %swap3A_360] {strides = array<i32>} : memref<2x16x1024xf32, #tpu.memory_space<vmem>>, vector<1x1x16xf32>,
        %swap3A_362 = vector.shape_cast %swap3A_361 : vector<1x1x16xf32> to vector<16xf32>
        %swap3A_363 = vector.shape_cast %add3A_356 : vector<16xf32> to vector<1x1x16xf32>
        tpu.vector_store %arg12[%swap3A_358, %swap3A_359, %swap3A_360], %swap3A_363 {strides = array<i32>} : memref<2x16x1024xf32, #tpu.memory_space<vmem>>, vector<1x1x16xf32>,
        %get3A_364 = arith.constant 1 : i32
        %get3A_365 = arith.index_cast %get3A_364 : i32 to index
        %get3A_366 = arith.index_cast %scan3A_244 : i32 to index
        %get3A_367 = arith.constant 96 : index
        %get3A_368 = tpu.vector_load %arg10[%get3A_365, %get3A_366, %get3A_367] {strides = array<i32>} : memref<2x16x1024xf32, #tpu.memory_space<vmem>>, vector<1x1x16xf32>,
        %get3A_369 = vector.shape_cast %get3A_368 : vector<1x1x16xf32> to vector<16xf32>
        %get3A_370 = arith.constant 1 : i32
        %get3A_371 = arith.index_cast %get3A_370 : i32 to index
        %get3A_372 = arith.index_cast %scan3A_244 : i32 to index
        %get3A_373 = arith.constant 96 : index
        %get3A_374 = tpu.vector_load %arg11[%get3A_371, %get3A_372, %get3A_373] {strides = array<i32>} : memref<2x16x1024xf32, #tpu.memory_space<vmem>>, vector<1x1x16xf32>,
        %get3A_375 = vector.shape_cast %get3A_374 : vector<1x1x16xf32> to vector<16xf32>
        %add3A_376 = arith.addf %get3A_369, %get3A_375 : vector<16xf32>
        %swap3A_377 = arith.constant 1 : i32
        %swap3A_378 = arith.index_cast %swap3A_377 : i32 to index
        %swap3A_379 = arith.index_cast %scan3A_244 : i32 to index
        %swap3A_380 = arith.constant 96 : index
        %swap3A_381 = tpu.vector_load %arg12[%swap3A_378, %swap3A_379, %swap3A_380] {strides = array<i32>} : memref<2x16x1024xf32, #tpu.memory_space<vmem>>, vector<1x1x16xf32>,
        %swap3A_382 = vector.shape_cast %swap3A_381 : vector<1x1x16xf32> to vector<16xf32>
        %swap3A_383 = vector.shape_cast %add3A_376 : vector<16xf32> to vector<1x1x16xf32>
        tpu.vector_store %arg12[%swap3A_378, %swap3A_379, %swap3A_380], %swap3A_383 {strides = array<i32>} : memref<2x16x1024xf32, #tpu.memory_space<vmem>>, vector<1x1x16xf32>,
        %get3A_384 = arith.constant 1 : i32
        %get3A_385 = arith.index_cast %get3A_384 : i32 to index
        %get3A_386 = arith.index_cast %scan3A_244 : i32 to index
        %get3A_387 = arith.constant 112 : index
        %get3A_388 = tpu.vector_load %arg10[%get3A_385, %get3A_386, %get3A_387] {strides = array<i32>} : memref<2x16x1024xf32, #tpu.memory_space<vmem>>, vector<1x1x16xf32>,
        %get3A_389 = vector.shape_cast %get3A_388 : vector<1x1x16xf32> to vector<16xf32>
        %get3A_390 = arith.constant 1 : i32
        %get3A_391 = arith.index_cast %get3A_390 : i32 to index
        %get3A_392 = arith.index_cast %scan3A_244 : i32 to index
        %get3A_393 = arith.constant 112 : index
        %get3A_394 = tpu.vector_load %arg11[%get3A_391, %get3A_392, %get3A_393] {strides = array<i32>} : memref<2x16x1024xf32, #tpu.memory_space<vmem>>, vector<1x1x16xf32>,
        %get3A_395 = vector.shape_cast %get3A_394 : vector<1x1x16xf32> to vector<16xf32>
        %add3A_396 = arith.addf %get3A_389, %get3A_395 : vector<16xf32>
        %swap3A_397 = arith.constant 1 : i32
        %swap3A_398 = arith.index_cast %swap3A_397 : i32 to index
        %swap3A_399 = arith.index_cast %scan3A_244 : i32 to index
        %swap3A_400 = arith.constant 112 : index
        %swap3A_401 = tpu.vector_load %arg12[%swap3A_398, %swap3A_399, %swap3A_400] {strides = array<i32>} : memref<2x16x1024xf32, #tpu.memory_space<vmem>>, vector<1x1x16xf32>,
        %swap3A_402 = vector.shape_cast %swap3A_401 : vector<1x1x16xf32> to vector<16xf32>
        %swap3A_403 = vector.shape_cast %add3A_396 : vector<16xf32> to vector<1x1x16xf32>
        tpu.vector_store %arg12[%swap3A_398, %swap3A_399, %swap3A_400], %swap3A_403 {strides = array<i32>} : memref<2x16x1024xf32, #tpu.memory_space<vmem>>, vector<1x1x16xf32>,
        %get3A_404 = arith.constant 1 : i32
        %get3A_405 = arith.index_cast %get3A_404 : i32 to index
        %get3A_406 = arith.index_cast %scan3A_244 : i32 to index
        %get3A_407 = arith.constant 128 : index
        %get3A_408 = tpu.vector_load %arg10[%get3A_405, %get3A_406, %get3A_407] {strides = array<i32>} : memref<2x16x1024xf32, #tpu.memory_space<vmem>>, vector<1x1x16xf32>,
        %get3A_409 = vector.shape_cast %get3A_408 : vector<1x1x16xf32> to vector<16xf32>
        %get3A_410 = arith.constant 1 : i32
        %get3A_411 = arith.index_cast %get3A_410 : i32 to index
        %get3A_412 = arith.index_cast %scan3A_244 : i32 to index
        %get3A_413 = arith.constant 128 : index
        %get3A_414 = tpu.vector_load %arg11[%get3A_411, %get3A_412, %get3A_413] {strides = array<i32>} : memref<2x16x1024xf32, #tpu.memory_space<vmem>>, vector<1x1x16xf32>,
        %get3A_415 = vector.shape_cast %get3A_414 : vector<1x1x16xf32> to vector<16xf32>
        %add3A_416 = arith.addf %get3A_409, %get3A_415 : vector<16xf32>
        %swap3A_417 = arith.constant 1 : i32
        %swap3A_418 = arith.index_cast %swap3A_417 : i32 to index
        %swap3A_419 = arith.index_cast %scan3A_244 : i32 to index
        %swap3A_420 = arith.constant 128 : index
        %swap3A_421 = tpu.vector_load %arg12[%swap3A_418, %swap3A_419, %swap3A_420] {strides = array<i32>} : memref<2x16x1024xf32, #tpu.memory_space<vmem>>, vector<1x1x16xf32>,
        %swap3A_422 = vector.shape_cast %swap3A_421 : vector<1x1x16xf32> to vector<16xf32>
        %swap3A_423 = vector.shape_cast %add3A_416 : vector<16xf32> to vector<1x1x16xf32>
        tpu.vector_store %arg12[%swap3A_418, %swap3A_419, %swap3A_420], %swap3A_423 {strides = array<i32>} : memref<2x16x1024xf32, #tpu.memory_space<vmem>>, vector<1x1x16xf32>,
        %get3A_424 = arith.constant 1 : i32
        %get3A_425 = arith.index_cast %get3A_424 : i32 to index
        %get3A_426 = arith.index_cast %scan3A_244 : i32 to index
        %get3A_427 = arith.constant 144 : index
        %get3A_428 = tpu.vector_load %arg10[%get3A_425, %get3A_426, %get3A_427] {strides = array<i32>} : memref<2x16x1024xf32, #tpu.memory_space<vmem>>, vector<1x1x16xf32>,
        %get3A_429 = vector.shape_cast %get3A_428 : vector<1x1x16xf32> to vector<16xf32>
        %get3A_430 = arith.constant 1 : i32
        %get3A_431 = arith.index_cast %get3A_430 : i32 to index
        %get3A_432 = arith.index_cast %scan3A_244 : i32 to index
        %get3A_433 = arith.constant 144 : index
        %get3A_434 = tpu.vector_load %arg11[%get3A_431, %get3A_432, %get3A_433] {strides = array<i32>} : memref<2x16x1024xf32, #tpu.memory_space<vmem>>, vector<1x1x16xf32>,
        %get3A_435 = vector.shape_cast %get3A_434 : vector<1x1x16xf32> to vector<16xf32>
        %add3A_436 = arith.addf %get3A_429, %get3A_435 : vector<16xf32>
        %swap3A_437 = arith.constant 1 : i32
        %swap3A_438 = arith.index_cast %swap3A_437 : i32 to index
        %swap3A_439 = arith.index_cast %scan3A_244 : i32 to index
        %swap3A_440 = arith.constant 144 : index
        %swap3A_441 = tpu.vector_load %arg12[%swap3A_438, %swap3A_439, %swap3A_440] {strides = array<i32>} : memref<2x16x1024xf32, #tpu.memory_space<vmem>>, vector<1x1x16xf32>,
        %swap3A_442 = vector.shape_cast %swap3A_441 : vector<1x1x16xf32> to vector<16xf32>
        %swap3A_443 = vector.shape_cast %add3A_436 : vector<16xf32> to vector<1x1x16xf32>
        tpu.vector_store %arg12[%swap3A_438, %swap3A_439, %swap3A_440], %swap3A_443 {strides = array<i32>} : memref<2x16x1024xf32, #tpu.memory_space<vmem>>, vector<1x1x16xf32>,
        %get3A_444 = arith.constant 1 : i32
        %get3A_445 = arith.index_cast %get3A_444 : i32 to index
        %get3A_446 = arith.index_cast %scan3A_244 : i32 to index
        %get3A_447 = arith.constant 160 : index
        %get3A_448 = tpu.vector_load %arg10[%get3A_445, %get3A_446, %get3A_447] {strides = array<i32>} : memref<2x16x1024xf32, #tpu.memory_space<vmem>>, vector<1x1x16xf32>,
        %get3A_449 = vector.shape_cast %get3A_448 : vector<1x1x16xf32> to vector<16xf32>
        %get3A_450 = arith.constant 1 : i32
        %get3A_451 = arith.index_cast %get3A_450 : i32 to index
        %get3A_452 = arith.index_cast %scan3A_244 : i32 to index
        %get3A_453 = arith.constant 160 : index
        %get3A_454 = tpu.vector_load %arg11[%get3A_451, %get3A_452, %get3A_453] {strides = array<i32>} : memref<2x16x1024xf32, #tpu.memory_space<vmem>>, vector<1x1x16xf32>,
        %get3A_455 = vector.shape_cast %get3A_454 : vector<1x1x16xf32> to vector<16xf32>
        %add3A_456 = arith.addf %get3A_449, %get3A_455 : vector<16xf32>
        %swap3A_457 = arith.constant 1 : i32
        %swap3A_458 = arith.index_cast %swap3A_457 : i32 to index
        %swap3A_459 = arith.index_cast %scan3A_244 : i32 to index
        %swap3A_460 = arith.constant 160 : index
        %swap3A_461 = tpu.vector_load %arg12[%swap3A_458, %swap3A_459, %swap3A_460] {strides = array<i32>} : memref<2x16x1024xf32, #tpu.memory_space<vmem>>, vector<1x1x16xf32>,
        %swap3A_462 = vector.shape_cast %swap3A_461 : vector<1x1x16xf32> to vector<16xf32>
        %swap3A_463 = vector.shape_cast %add3A_456 : vector<16xf32> to vector<1x1x16xf32>
        tpu.vector_store %arg12[%swap3A_458, %swap3A_459, %swap3A_460], %swap3A_463 {strides = array<i32>} : memref<2x16x1024xf32, #tpu.memory_space<vmem>>, vector<1x1x16xf32>,
        %get3A_464 = arith.constant 1 : i32
        %get3A_465 = arith.index_cast %get3A_464 : i32 to index
        %get3A_466 = arith.index_cast %scan3A_244 : i32 to index
        %get3A_467 = arith.constant 176 : index
        %get3A_468 = tpu.vector_load %arg10[%get3A_465, %get3A_466, %get3A_467] {strides = array<i32>} : memref<2x16x1024xf32, #tpu.memory_space<vmem>>, vector<1x1x16xf32>,
        %get3A_469 = vector.shape_cast %get3A_468 : vector<1x1x16xf32> to vector<16xf32>
        %get3A_470 = arith.constant 1 : i32
        %get3A_471 = arith.index_cast %get3A_470 : i32 to index
        %get3A_472 = arith.index_cast %scan3A_244 : i32 to index
        %get3A_473 = arith.constant 176 : index
        %get3A_474 = tpu.vector_load %arg11[%get3A_471, %get3A_472, %get3A_473] {strides = array<i32>} : memref<2x16x1024xf32, #tpu.memory_space<vmem>>, vector<1x1x16xf32>,
        %get3A_475 = vector.shape_cast %get3A_474 : vector<1x1x16xf32> to vector<16xf32>
        %add3A_476 = arith.addf %get3A_469, %get3A_475 : vector<16xf32>
        %swap3A_477 = arith.constant 1 : i32
        %swap3A_478 = arith.index_cast %swap3A_477 : i32 to index
        %swap3A_479 = arith.index_cast %scan3A_244 : i32 to index
        %swap3A_480 = arith.constant 176 : index
        %swap3A_481 = tpu.vector_load %arg12[%swap3A_478, %swap3A_479, %swap3A_480] {strides = array<i32>} : memref<2x16x1024xf32, #tpu.memory_space<vmem>>, vector<1x1x16xf32>,
        %swap3A_482 = vector.shape_cast %swap3A_481 : vector<1x1x16xf32> to vector<16xf32>
        %swap3A_483 = vector.shape_cast %add3A_476 : vector<16xf32> to vector<1x1x16xf32>
        tpu.vector_store %arg12[%swap3A_478, %swap3A_479, %swap3A_480], %swap3A_483 {strides = array<i32>} : memref<2x16x1024xf32, #tpu.memory_space<vmem>>, vector<1x1x16xf32>,
        %get3A_484 = arith.constant 1 : i32
        %get3A_485 = arith.index_cast %get3A_484 : i32 to index
        %get3A_486 = arith.index_cast %scan3A_244 : i32 to index
        %get3A_487 = arith.constant 192 : index
        %get3A_488 = tpu.vector_load %arg10[%get3A_485, %get3A_486, %get3A_487] {strides = array<i32>} : memref<2x16x1024xf32, #tpu.memory_space<vmem>>, vector<1x1x16xf32>,
        %get3A_489 = vector.shape_cast %get3A_488 : vector<1x1x16xf32> to vector<16xf32>
        %get3A_490 = arith.constant 1 : i32
        %get3A_491 = arith.index_cast %get3A_490 : i32 to index
        %get3A_492 = arith.index_cast %scan3A_244 : i32 to index
        %get3A_493 = arith.constant 192 : index
        %get3A_494 = tpu.vector_load %arg11[%get3A_491, %get3A_492, %get3A_493] {strides = array<i32>} : memref<2x16x1024xf32, #tpu.memory_space<vmem>>, vector<1x1x16xf32>,
        %get3A_495 = vector.shape_cast %get3A_494 : vector<1x1x16xf32> to vector<16xf32>
        %add3A_496 = arith.addf %get3A_489, %get3A_495 : vector<16xf32>
        %swap3A_497 = arith.constant 1 : i32
        %swap3A_498 = arith.index_cast %swap3A_497 : i32 to index
        %swap3A_499 = arith.index_cast %scan3A_244 : i32 to index
        %swap3A_500 = arith.constant 192 : index
        %swap3A_501 = tpu.vector_load %arg12[%swap3A_498, %swap3A_499, %swap3A_500] {strides = array<i32>} : memref<2x16x1024xf32, #tpu.memory_space<vmem>>, vector<1x1x16xf32>,
        %swap3A_502 = vector.shape_cast %swap3A_501 : vector<1x1x16xf32> to vector<16xf32>
        %swap3A_503 = vector.shape_cast %add3A_496 : vector<16xf32> to vector<1x1x16xf32>
        tpu.vector_store %arg12[%swap3A_498, %swap3A_499, %swap3A_500], %swap3A_503 {strides = array<i32>} : memref<2x16x1024xf32, #tpu.memory_space<vmem>>, vector<1x1x16xf32>,
        %get3A_504 = arith.constant 1 : i32
        %get3A_505 = arith.index_cast %get3A_504 : i32 to index
        %get3A_506 = arith.index_cast %scan3A_244 : i32 to index
        %get3A_507 = arith.constant 208 : index
        %get3A_508 = tpu.vector_load %arg10[%get3A_505, %get3A_506, %get3A_507] {strides = array<i32>} : memref<2x16x1024xf32, #tpu.memory_space<vmem>>, vector<1x1x16xf32>,
        %get3A_509 = vector.shape_cast %get3A_508 : vector<1x1x16xf32> to vector<16xf32>
        %get3A_510 = arith.constant 1 : i32
        %get3A_511 = arith.index_cast %get3A_510 : i32 to index
        %get3A_512 = arith.index_cast %scan3A_244 : i32 to index
        %get3A_513 = arith.constant 208 : index
        %get3A_514 = tpu.vector_load %arg11[%get3A_511, %get3A_512, %get3A_513] {strides = array<i32>} : memref<2x16x1024xf32, #tpu.memory_space<vmem>>, vector<1x1x16xf32>,
        %get3A_515 = vector.shape_cast %get3A_514 : vector<1x1x16xf32> to vector<16xf32>
        %add3A_516 = arith.addf %get3A_509, %get3A_515 : vector<16xf32>
        %swap3A_517 = arith.constant 1 : i32
        %swap3A_518 = arith.index_cast %swap3A_517 : i32 to index
        %swap3A_519 = arith.index_cast %scan3A_244 : i32 to index
        %swap3A_520 = arith.constant 208 : index
        %swap3A_521 = tpu.vector_load %arg12[%swap3A_518, %swap3A_519, %swap3A_520] {strides = array<i32>} : memref<2x16x1024xf32, #tpu.memory_space<vmem>>, vector<1x1x16xf32>,
        %swap3A_522 = vector.shape_cast %swap3A_521 : vector<1x1x16xf32> to vector<16xf32>
        %swap3A_523 = vector.shape_cast %add3A_516 : vector<16xf32> to vector<1x1x16xf32>
        tpu.vector_store %arg12[%swap3A_518, %swap3A_519, %swap3A_520], %swap3A_523 {strides = array<i32>} : memref<2x16x1024xf32, #tpu.memory_space<vmem>>, vector<1x1x16xf32>,
        %get3A_524 = arith.constant 1 : i32
        %get3A_525 = arith.index_cast %get3A_524 : i32 to index
        %get3A_526 = arith.index_cast %scan3A_244 : i32 to index
        %get3A_527 = arith.constant 224 : index
        %get3A_528 = tpu.vector_load %arg10[%get3A_525, %get3A_526, %get3A_527] {strides = array<i32>} : memref<2x16x1024xf32, #tpu.memory_space<vmem>>, vector<1x1x16xf32>,
        %get3A_529 = vector.shape_cast %get3A_528 : vector<1x1x16xf32> to vector<16xf32>
        %get3A_530 = arith.constant 1 : i32
        %get3A_531 = arith.index_cast %get3A_530 : i32 to index
        %get3A_532 = arith.index_cast %scan3A_244 : i32 to index
        %get3A_533 = arith.constant 224 : index
        %get3A_534 = tpu.vector_load %arg11[%get3A_531, %get3A_532, %get3A_533] {strides = array<i32>} : memref<2x16x1024xf32, #tpu.memory_space<vmem>>, vector<1x1x16xf32>,
        %get3A_535 = vector.shape_cast %get3A_534 : vector<1x1x16xf32> to vector<16xf32>
        %add3A_536 = arith.addf %get3A_529, %get3A_535 : vector<16xf32>
        %swap3A_537 = arith.constant 1 : i32
        %swap3A_538 = arith.index_cast %swap3A_537 : i32 to index
        %swap3A_539 = arith.index_cast %scan3A_244 : i32 to index
        %swap3A_540 = arith.constant 224 : index
        %swap3A_541 = tpu.vector_load %arg12[%swap3A_538, %swap3A_539, %swap3A_540] {strides = array<i32>} : memref<2x16x1024xf32, #tpu.memory_space<vmem>>, vector<1x1x16xf32>,
        %swap3A_542 = vector.shape_cast %swap3A_541 : vector<1x1x16xf32> to vector<16xf32>
        %swap3A_543 = vector.shape_cast %add3A_536 : vector<16xf32> to vector<1x1x16xf32>
        tpu.vector_store %arg12[%swap3A_538, %swap3A_539, %swap3A_540], %swap3A_543 {strides = array<i32>} : memref<2x16x1024xf32, #tpu.memory_space<vmem>>, vector<1x1x16xf32>,
        %get3A_544 = arith.constant 1 : i32
        %get3A_545 = arith.index_cast %get3A_544 : i32 to index
        %get3A_546 = arith.index_cast %scan3A_244 : i32 to index
        %get3A_547 = arith.constant 240 : index
        %get3A_548 = tpu.vector_load %arg10[%get3A_545, %get3A_546, %get3A_547] {strides = array<i32>} : memref<2x16x1024xf32, #tpu.memory_space<vmem>>, vector<1x1x16xf32>,
        %get3A_549 = vector.shape_cast %get3A_548 : vector<1x1x16xf32> to vector<16xf32>
        %get3A_550 = arith.constant 1 : i32
        %get3A_551 = arith.index_cast %get3A_550 : i32 to index
        %get3A_552 = arith.index_cast %scan3A_244 : i32 to index
        %get3A_553 = arith.constant 240 : index
        %get3A_554 = tpu.vector_load %arg11[%get3A_551, %get3A_552, %get3A_553] {strides = array<i32>} : memref<2x16x1024xf32, #tpu.memory_space<vmem>>, vector<1x1x16xf32>,
        %get3A_555 = vector.shape_cast %get3A_554 : vector<1x1x16xf32> to vector<16xf32>
        %add3A_556 = arith.addf %get3A_549, %get3A_555 : vector<16xf32>
        %swap3A_557 = arith.constant 1 : i32
        %swap3A_558 = arith.index_cast %swap3A_557 : i32 to index
        %swap3A_559 = arith.index_cast %scan3A_244 : i32 to index
        %swap3A_560 = arith.constant 240 : index
        %swap3A_561 = tpu.vector_load %arg12[%swap3A_558, %swap3A_559, %swap3A_560] {strides = array<i32>} : memref<2x16x1024xf32, #tpu.memory_space<vmem>>, vector<1x1x16xf32>,
        %swap3A_562 = vector.shape_cast %swap3A_561 : vector<1x1x16xf32> to vector<16xf32>
        %swap3A_563 = vector.shape_cast %add3A_556 : vector<16xf32> to vector<1x1x16xf32>
        tpu.vector_store %arg12[%swap3A_558, %swap3A_559, %swap3A_560], %swap3A_563 {strides = array<i32>} : memref<2x16x1024xf32, #tpu.memory_space<vmem>>, vector<1x1x16xf32>,
        %get3A_564 = arith.constant 1 : i32
        %get3A_565 = arith.index_cast %get3A_564 : i32 to index
        %get3A_566 = arith.index_cast %scan3A_244 : i32 to index
        %get3A_567 = arith.constant 256 : index
        %get3A_568 = tpu.vector_load %arg10[%get3A_565, %get3A_566, %get3A_567] {strides = array<i32>} : memref<2x16x1024xf32, #tpu.memory_space<vmem>>, vector<1x1x16xf32>,
        %get3A_569 = vector.shape_cast %get3A_568 : vector<1x1x16xf32> to vector<16xf32>
        %get3A_570 = arith.constant 1 : i32
        %get3A_571 = arith.index_cast %get3A_570 : i32 to index
        %get3A_572 = arith.index_cast %scan3A_244 : i32 to index
        %get3A_573 = arith.constant 256 : index
        %get3A_574 = tpu.vector_load %arg11[%get3A_571, %get3A_572, %get3A_573] {strides = array<i32>} : memref<2x16x1024xf32, #tpu.memory_space<vmem>>, vector<1x1x16xf32>,
        %get3A_575 = vector.shape_cast %get3A_574 : vector<1x1x16xf32> to vector<16xf32>
        %add3A_576 = arith.addf %get3A_569, %get3A_575 : vector<16xf32>
        %swap3A_577 = arith.constant 1 : i32
        %swap3A_578 = arith.index_cast %swap3A_577 : i32 to index
        %swap3A_579 = arith.index_cast %scan3A_244 : i32 to index
        %swap3A_580 = arith.constant 256 : index
        %swap3A_581 = tpu.vector_load %arg12[%swap3A_578, %swap3A_579, %swap3A_580] {strides = array<i32>} : memref<2x16x1024xf32, #tpu.memory_space<vmem>>, vector<1x1x16xf32>,
        %swap3A_582 = vector.shape_cast %swap3A_581 : vector<1x1x16xf32> to vector<16xf32>
        %swap3A_583 = vector.shape_cast %add3A_576 : vector<16xf32> to vector<1x1x16xf32>
        tpu.vector_store %arg12[%swap3A_578, %swap3A_579, %swap3A_580], %swap3A_583 {strides = array<i32>} : memref<2x16x1024xf32, #tpu.memory_space<vmem>>, vector<1x1x16xf32>,
        %get3A_584 = arith.constant 1 : i32
        %get3A_585 = arith.index_cast %get3A_584 : i32 to index
        %get3A_586 = arith.index_cast %scan3A_244 : i32 to index
        %get3A_587 = arith.constant 272 : index
        %get3A_588 = tpu.vector_load %arg10[%get3A_585, %get3A_586, %get3A_587] {strides = array<i32>} : memref<2x16x1024xf32, #tpu.memory_space<vmem>>, vector<1x1x16xf32>,
        %get3A_589 = vector.shape_cast %get3A_588 : vector<1x1x16xf32> to vector<16xf32>
        %get3A_590 = arith.constant 1 : i32
        %get3A_591 = arith.index_cast %get3A_590 : i32 to index
        %get3A_592 = arith.index_cast %scan3A_244 : i32 to index
        %get3A_593 = arith.constant 272 : index
        %get3A_594 = tpu.vector_load %arg11[%get3A_591, %get3A_592, %get3A_593] {strides = array<i32>} : memref<2x16x1024xf32, #tpu.memory_space<vmem>>, vector<1x1x16xf32>,
        %get3A_595 = vector.shape_cast %get3A_594 : vector<1x1x16xf32> to vector<16xf32>
        %add3A_596 = arith.addf %get3A_589, %get3A_595 : vector<16xf32>
        %swap3A_597 = arith.constant 1 : i32
        %swap3A_598 = arith.index_cast %swap3A_597 : i32 to index
        %swap3A_599 = arith.index_cast %scan3A_244 : i32 to index
        %swap3A_600 = arith.constant 272 : index
        %swap3A_601 = tpu.vector_load %arg12[%swap3A_598, %swap3A_599, %swap3A_600] {strides = array<i32>} : memref<2x16x1024xf32, #tpu.memory_space<vmem>>, vector<1x1x16xf32>,
        %swap3A_602 = vector.shape_cast %swap3A_601 : vector<1x1x16xf32> to vector<16xf32>
        %swap3A_603 = vector.shape_cast %add3A_596 : vector<16xf32> to vector<1x1x16xf32>
        tpu.vector_store %arg12[%swap3A_598, %swap3A_599, %swap3A_600], %swap3A_603 {strides = array<i32>} : memref<2x16x1024xf32, #tpu.memory_space<vmem>>, vector<1x1x16xf32>,
        %get3A_604 = arith.constant 1 : i32
        %get3A_605 = arith.index_cast %get3A_604 : i32 to index
        %get3A_606 = arith.index_cast %scan3A_244 : i32 to index
        %get3A_607 = arith.constant 288 : index
        %get3A_608 = tpu.vector_load %arg10[%get3A_605, %get3A_606, %get3A_607] {strides = array<i32>} : memref<2x16x1024xf32, #tpu.memory_space<vmem>>, vector<1x1x16xf32>,
        %get3A_609 = vector.shape_cast %get3A_608 : vector<1x1x16xf32> to vector<16xf32>
        %get3A_610 = arith.constant 1 : i32
        %get3A_611 = arith.index_cast %get3A_610 : i32 to index
        %get3A_612 = arith.index_cast %scan3A_244 : i32 to index
        %get3A_613 = arith.constant 288 : index
        %get3A_614 = tpu.vector_load %arg11[%get3A_611, %get3A_612, %get3A_613] {strides = array<i32>} : memref<2x16x1024xf32, #tpu.memory_space<vmem>>, vector<1x1x16xf32>,
        %get3A_615 = vector.shape_cast %get3A_614 : vector<1x1x16xf32> to vector<16xf32>
        %add3A_616 = arith.addf %get3A_609, %get3A_615 : vector<16xf32>
        %swap3A_617 = arith.constant 1 : i32
        %swap3A_618 = arith.index_cast %swap3A_617 : i32 to index
        %swap3A_619 = arith.index_cast %scan3A_244 : i32 to index
        %swap3A_620 = arith.constant 288 : index
        %swap3A_621 = tpu.vector_load %arg12[%swap3A_618, %swap3A_619, %swap3A_620] {strides = array<i32>} : memref<2x16x1024xf32, #tpu.memory_space<vmem>>, vector<1x1x16xf32>,
        %swap3A_622 = vector.shape_cast %swap3A_621 : vector<1x1x16xf32> to vector<16xf32>
        %swap3A_623 = vector.shape_cast %add3A_616 : vector<16xf32> to vector<1x1x16xf32>
        tpu.vector_store %arg12[%swap3A_618, %swap3A_619, %swap3A_620], %swap3A_623 {strides = array<i32>} : memref<2x16x1024xf32, #tpu.memory_space<vmem>>, vector<1x1x16xf32>,
        %get3A_624 = arith.constant 1 : i32
        %get3A_625 = arith.index_cast %get3A_624 : i32 to index
        %get3A_626 = arith.index_cast %scan3A_244 : i32 to index
        %get3A_627 = arith.constant 304 : index
        %get3A_628 = tpu.vector_load %arg10[%get3A_625, %get3A_626, %get3A_627] {strides = array<i32>} : memref<2x16x1024xf32, #tpu.memory_space<vmem>>, vector<1x1x16xf32>,
        %get3A_629 = vector.shape_cast %get3A_628 : vector<1x1x16xf32> to vector<16xf32>
        %get3A_630 = arith.constant 1 : i32
        %get3A_631 = arith.index_cast %get3A_630 : i32 to index
        %get3A_632 = arith.index_cast %scan3A_244 : i32 to index
        %get3A_633 = arith.constant 304 : index
        %get3A_634 = tpu.vector_load %arg11[%get3A_631, %get3A_632, %get3A_633] {strides = array<i32>} : memref<2x16x1024xf32, #tpu.memory_space<vmem>>, vector<1x1x16xf32>,
        %get3A_635 = vector.shape_cast %get3A_634 : vector<1x1x16xf32> to vector<16xf32>
        %add3A_636 = arith.addf %get3A_629, %get3A_635 : vector<16xf32>
        %swap3A_637 = arith.constant 1 : i32
        %swap3A_638 = arith.index_cast %swap3A_637 : i32 to index
        %swap3A_639 = arith.index_cast %scan3A_244 : i32 to index
        %swap3A_640 = arith.constant 304 : index
        %swap3A_641 = tpu.vector_load %arg12[%swap3A_638, %swap3A_639, %swap3A_640] {strides = array<i32>} : memref<2x16x1024xf32, #tpu.memory_space<vmem>>, vector<1x1x16xf32>,
        %swap3A_642 = vector.shape_cast %swap3A_641 : vector<1x1x16xf32> to vector<16xf32>
        %swap3A_643 = vector.shape_cast %add3A_636 : vector<16xf32> to vector<1x1x16xf32>
        tpu.vector_store %arg12[%swap3A_638, %swap3A_639, %swap3A_640], %swap3A_643 {strides = array<i32>} : memref<2x16x1024xf32, #tpu.memory_space<vmem>>, vector<1x1x16xf32>,
        %get3A_644 = arith.constant 1 : i32
        %get3A_645 = arith.index_cast %get3A_644 : i32 to index
        %get3A_646 = arith.index_cast %scan3A_244 : i32 to index
        %get3A_647 = arith.constant 320 : index
        %get3A_648 = tpu.vector_load %arg10[%get3A_645, %get3A_646, %get3A_647] {strides = array<i32>} : memref<2x16x1024xf32, #tpu.memory_space<vmem>>, vector<1x1x16xf32>,
        %get3A_649 = vector.shape_cast %get3A_648 : vector<1x1x16xf32> to vector<16xf32>
        %get3A_650 = arith.constant 1 : i32
        %get3A_651 = arith.index_cast %get3A_650 : i32 to index
        %get3A_652 = arith.index_cast %scan3A_244 : i32 to index
        %get3A_653 = arith.constant 320 : index
        %get3A_654 = tpu.vector_load %arg11[%get3A_651, %get3A_652, %get3A_653] {strides = array<i32>} : memref<2x16x1024xf32, #tpu.memory_space<vmem>>, vector<1x1x16xf32>,
        %get3A_655 = vector.shape_cast %get3A_654 : vector<1x1x16xf32> to vector<16xf32>
        %add3A_656 = arith.addf %get3A_649, %get3A_655 : vector<16xf32>
        %swap3A_657 = arith.constant 1 : i32
        %swap3A_658 = arith.index_cast %swap3A_657 : i32 to index
        %swap3A_659 = arith.index_cast %scan3A_244 : i32 to index
        %swap3A_660 = arith.constant 320 : index
        %swap3A_661 = tpu.vector_load %arg12[%swap3A_658, %swap3A_659, %swap3A_660] {strides = array<i32>} : memref<2x16x1024xf32, #tpu.memory_space<vmem>>, vector<1x1x16xf32>,
        %swap3A_662 = vector.shape_cast %swap3A_661 : vector<1x1x16xf32> to vector<16xf32>
        %swap3A_663 = vector.shape_cast %add3A_656 : vector<16xf32> to vector<1x1x16xf32>
        tpu.vector_store %arg12[%swap3A_658, %swap3A_659, %swap3A_660], %swap3A_663 {strides = array<i32>} : memref<2x16x1024xf32, #tpu.memory_space<vmem>>, vector<1x1x16xf32>,
        %get3A_664 = arith.constant 1 : i32
        %get3A_665 = arith.index_cast %get3A_664 : i32 to index
        %get3A_666 = arith.index_cast %scan3A_244 : i32 to index
        %get3A_667 = arith.constant 336 : index
        %get3A_668 = tpu.vector_load %arg10[%get3A_665, %get3A_666, %get3A_667] {strides = array<i32>} : memref<2x16x1024xf32, #tpu.memory_space<vmem>>, vector<1x1x16xf32>,
        %get3A_669 = vector.shape_cast %get3A_668 : vector<1x1x16xf32> to vector<16xf32>
        %get3A_670 = arith.constant 1 : i32
        %get3A_671 = arith.index_cast %get3A_670 : i32 to index
        %get3A_672 = arith.index_cast %scan3A_244 : i32 to index
        %get3A_673 = arith.constant 336 : index
        %get3A_674 = tpu.vector_load %arg11[%get3A_671, %get3A_672, %get3A_673] {strides = array<i32>} : memref<2x16x1024xf32, #tpu.memory_space<vmem>>, vector<1x1x16xf32>,
        %get3A_675 = vector.shape_cast %get3A_674 : vector<1x1x16xf32> to vector<16xf32>
        %add3A_676 = arith.addf %get3A_669, %get3A_675 : vector<16xf32>
        %swap3A_677 = arith.constant 1 : i32
        %swap3A_678 = arith.index_cast %swap3A_677 : i32 to index
        %swap3A_679 = arith.index_cast %scan3A_244 : i32 to index
        %swap3A_680 = arith.constant 336 : index
        %swap3A_681 = tpu.vector_load %arg12[%swap3A_678, %swap3A_679, %swap3A_680] {strides = array<i32>} : memref<2x16x1024xf32, #tpu.memory_space<vmem>>, vector<1x1x16xf32>,
        %swap3A_682 = vector.shape_cast %swap3A_681 : vector<1x1x16xf32> to vector<16xf32>
        %swap3A_683 = vector.shape_cast %add3A_676 : vector<16xf32> to vector<1x1x16xf32>
        tpu.vector_store %arg12[%swap3A_678, %swap3A_679, %swap3A_680], %swap3A_683 {strides = array<i32>} : memref<2x16x1024xf32, #tpu.memory_space<vmem>>, vector<1x1x16xf32>,
        %get3A_684 = arith.constant 1 : i32
        %get3A_685 = arith.index_cast %get3A_684 : i32 to index
        %get3A_686 = arith.index_cast %scan3A_244 : i32 to index
        %get3A_687 = arith.constant 352 : index
        %get3A_688 = tpu.vector_load %arg10[%get3A_685, %get3A_686, %get3A_687] {strides = array<i32>} : memref<2x16x1024xf32, #tpu.memory_space<vmem>>, vector<1x1x16xf32>,
        %get3A_689 = vector.shape_cast %get3A_688 : vector<1x1x16xf32> to vector<16xf32>
        %get3A_690 = arith.constant 1 : i32
        %get3A_691 = arith.index_cast %get3A_690 : i32 to index
        %get3A_692 = arith.index_cast %scan3A_244 : i32 to index
        %get3A_693 = arith.constant 352 : index
        %get3A_694 = tpu.vector_load %arg11[%get3A_691, %get3A_692, %get3A_693] {strides = array<i32>} : memref<2x16x1024xf32, #tpu.memory_space<vmem>>, vector<1x1x16xf32>,
        %get3A_695 = vector.shape_cast %get3A_694 : vector<1x1x16xf32> to vector<16xf32>
        %add3A_696 = arith.addf %get3A_689, %get3A_695 : vector<16xf32>
        %swap3A_697 = arith.constant 1 : i32
        %swap3A_698 = arith.index_cast %swap3A_697 : i32 to index
        %swap3A_699 = arith.index_cast %scan3A_244 : i32 to index
        %swap3A_700 = arith.constant 352 : index
        %swap3A_701 = tpu.vector_load %arg12[%swap3A_698, %swap3A_699, %swap3A_700] {strides = array<i32>} : memref<2x16x1024xf32, #tpu.memory_space<vmem>>, vector<1x1x16xf32>,
        %swap3A_702 = vector.shape_cast %swap3A_701 : vector<1x1x16xf32> to vector<16xf32>
        %swap3A_703 = vector.shape_cast %add3A_696 : vector<16xf32> to vector<1x1x16xf32>
        tpu.vector_store %arg12[%swap3A_698, %swap3A_699, %swap3A_700], %swap3A_703 {strides = array<i32>} : memref<2x16x1024xf32, #tpu.memory_space<vmem>>, vector<1x1x16xf32>,
        %get3A_704 = arith.constant 1 : i32
        %get3A_705 = arith.index_cast %get3A_704 : i32 to index
        %get3A_706 = arith.index_cast %scan3A_244 : i32 to index
        %get3A_707 = arith.constant 368 : index
        %get3A_708 = tpu.vector_load %arg10[%get3A_705, %get3A_706, %get3A_707] {strides = array<i32>} : memref<2x16x1024xf32, #tpu.memory_space<vmem>>, vector<1x1x16xf32>,
        %get3A_709 = vector.shape_cast %get3A_708 : vector<1x1x16xf32> to vector<16xf32>
        %get3A_710 = arith.constant 1 : i32
        %get3A_711 = arith.index_cast %get3A_710 : i32 to index
        %get3A_712 = arith.index_cast %scan3A_244 : i32 to index
        %get3A_713 = arith.constant 368 : index
        %get3A_714 = tpu.vector_load %arg11[%get3A_711, %get3A_712, %get3A_713] {strides = array<i32>} : memref<2x16x1024xf32, #tpu.memory_space<vmem>>, vector<1x1x16xf32>,
        %get3A_715 = vector.shape_cast %get3A_714 : vector<1x1x16xf32> to vector<16xf32>
        %add3A_716 = arith.addf %get3A_709, %get3A_715 : vector<16xf32>
        %swap3A_717 = arith.constant 1 : i32
        %swap3A_718 = arith.index_cast %swap3A_717 : i32 to index
        %swap3A_719 = arith.index_cast %scan3A_244 : i32 to index
        %swap3A_720 = arith.constant 368 : index
        %swap3A_721 = tpu.vector_load %arg12[%swap3A_718, %swap3A_719, %swap3A_720] {strides = array<i32>} : memref<2x16x1024xf32, #tpu.memory_space<vmem>>, vector<1x1x16xf32>,
        %swap3A_722 = vector.shape_cast %swap3A_721 : vector<1x1x16xf32> to vector<16xf32>
        %swap3A_723 = vector.shape_cast %add3A_716 : vector<16xf32> to vector<1x1x16xf32>
        tpu.vector_store %arg12[%swap3A_718, %swap3A_719, %swap3A_720], %swap3A_723 {strides = array<i32>} : memref<2x16x1024xf32, #tpu.memory_space<vmem>>, vector<1x1x16xf32>,
        %get3A_724 = arith.constant 1 : i32
        %get3A_725 = arith.index_cast %get3A_724 : i32 to index
        %get3A_726 = arith.index_cast %scan3A_244 : i32 to index
        %get3A_727 = arith.constant 384 : index
        %get3A_728 = tpu.vector_load %arg10[%get3A_725, %get3A_726, %get3A_727] {strides = array<i32>} : memref<2x16x1024xf32, #tpu.memory_space<vmem>>, vector<1x1x16xf32>,
        %get3A_729 = vector.shape_cast %get3A_728 : vector<1x1x16xf32> to vector<16xf32>
        %get3A_730 = arith.constant 1 : i32
        %get3A_731 = arith.index_cast %get3A_730 : i32 to index
        %get3A_732 = arith.index_cast %scan3A_244 : i32 to index
        %get3A_733 = arith.constant 384 : index
        %get3A_734 = tpu.vector_load %arg11[%get3A_731, %get3A_732, %get3A_733] {strides = array<i32>} : memref<2x16x1024xf32, #tpu.memory_space<vmem>>, vector<1x1x16xf32>,
        %get3A_735 = vector.shape_cast %get3A_734 : vector<1x1x16xf32> to vector<16xf32>
        %add3A_736 = arith.addf %get3A_729, %get3A_735 : vector<16xf32>
        %swap3A_737 = arith.constant 1 : i32
        %swap3A_738 = arith.index_cast %swap3A_737 : i32 to index
        %swap3A_739 = arith.index_cast %scan3A_244 : i32 to index
        %swap3A_740 = arith.constant 384 : index
        %swap3A_741 = tpu.vector_load %arg12[%swap3A_738, %swap3A_739, %swap3A_740] {strides = array<i32>} : memref<2x16x1024xf32, #tpu.memory_space<vmem>>, vector<1x1x16xf32>,
        %swap3A_742 = vector.shape_cast %swap3A_741 : vector<1x1x16xf32> to vector<16xf32>
        %swap3A_743 = vector.shape_cast %add3A_736 : vector<16xf32> to vector<1x1x16xf32>
        tpu.vector_store %arg12[%swap3A_738, %swap3A_739, %swap3A_740], %swap3A_743 {strides = array<i32>} : memref<2x16x1024xf32, #tpu.memory_space<vmem>>, vector<1x1x16xf32>,
        %get3A_744 = arith.constant 1 : i32
        %get3A_745 = arith.index_cast %get3A_744 : i32 to index
        %get3A_746 = arith.index_cast %scan3A_244 : i32 to index
        %get3A_747 = arith.constant 400 : index
        %get3A_748 = tpu.vector_load %arg10[%get3A_745, %get3A_746, %get3A_747] {strides = array<i32>} : memref<2x16x1024xf32, #tpu.memory_space<vmem>>, vector<1x1x16xf32>,
        %get3A_749 = vector.shape_cast %get3A_748 : vector<1x1x16xf32> to vector<16xf32>
        %get3A_750 = arith.constant 1 : i32
        %get3A_751 = arith.index_cast %get3A_750 : i32 to index
        %get3A_752 = arith.index_cast %scan3A_244 : i32 to index
        %get3A_753 = arith.constant 400 : index
        %get3A_754 = tpu.vector_load %arg11[%get3A_751, %get3A_752, %get3A_753] {strides = array<i32>} : memref<2x16x1024xf32, #tpu.memory_space<vmem>>, vector<1x1x16xf32>,
        %get3A_755 = vector.shape_cast %get3A_754 : vector<1x1x16xf32> to vector<16xf32>
        %add3A_756 = arith.addf %get3A_749, %get3A_755 : vector<16xf32>
        %swap3A_757 = arith.constant 1 : i32
        %swap3A_758 = arith.index_cast %swap3A_757 : i32 to index
        %swap3A_759 = arith.index_cast %scan3A_244 : i32 to index
        %swap3A_760 = arith.constant 400 : index
        %swap3A_761 = tpu.vector_load %arg12[%swap3A_758, %swap3A_759, %swap3A_760] {strides = array<i32>} : memref<2x16x1024xf32, #tpu.memory_space<vmem>>, vector<1x1x16xf32>,
        %swap3A_762 = vector.shape_cast %swap3A_761 : vector<1x1x16xf32> to vector<16xf32>
        %swap3A_763 = vector.shape_cast %add3A_756 : vector<16xf32> to vector<1x1x16xf32>
        tpu.vector_store %arg12[%swap3A_758, %swap3A_759, %swap3A_760], %swap3A_763 {strides = array<i32>} : memref<2x16x1024xf32, #tpu.memory_space<vmem>>, vector<1x1x16xf32>,
        %get3A_764 = arith.constant 1 : i32
        %get3A_765 = arith.index_cast %get3A_764 : i32 to index
        %get3A_766 = arith.index_cast %scan3A_244 : i32 to index
        %get3A_767 = arith.constant 416 : index
        %get3A_768 = tpu.vector_load %arg10[%get3A_765, %get3A_766, %get3A_767] {strides = array<i32>} : memref<2x16x1024xf32, #tpu.memory_space<vmem>>, vector<1x1x16xf32>,
        %get3A_769 = vector.shape_cast %get3A_768 : vector<1x1x16xf32> to vector<16xf32>
        %get3A_770 = arith.constant 1 : i32
        %get3A_771 = arith.index_cast %get3A_770 : i32 to index
        %get3A_772 = arith.index_cast %scan3A_244 : i32 to index
        %get3A_773 = arith.constant 416 : index
        %get3A_774 = tpu.vector_load %arg11[%get3A_771, %get3A_772, %get3A_773] {strides = array<i32>} : memref<2x16x1024xf32, #tpu.memory_space<vmem>>, vector<1x1x16xf32>,
        %get3A_775 = vector.shape_cast %get3A_774 : vector<1x1x16xf32> to vector<16xf32>
        %add3A_776 = arith.addf %get3A_769, %get3A_775 : vector<16xf32>
        %swap3A_777 = arith.constant 1 : i32
        %swap3A_778 = arith.index_cast %swap3A_777 : i32 to index
        %swap3A_779 = arith.index_cast %scan3A_244 : i32 to index
        %swap3A_780 = arith.constant 416 : index
        %swap3A_781 = tpu.vector_load %arg12[%swap3A_778, %swap3A_779, %swap3A_780] {strides = array<i32>} : memref<2x16x1024xf32, #tpu.memory_space<vmem>>, vector<1x1x16xf32>,
        %swap3A_782 = vector.shape_cast %swap3A_781 : vector<1x1x16xf32> to vector<16xf32>
        %swap3A_783 = vector.shape_cast %add3A_776 : vector<16xf32> to vector<1x1x16xf32>
        tpu.vector_store %arg12[%swap3A_778, %swap3A_779, %swap3A_780], %swap3A_783 {strides = array<i32>} : memref<2x16x1024xf32, #tpu.memory_space<vmem>>, vector<1x1x16xf32>,
        %get3A_784 = arith.constant 1 : i32
        %get3A_785 = arith.index_cast %get3A_784 : i32 to index
        %get3A_786 = arith.index_cast %scan3A_244 : i32 to index
        %get3A_787 = arith.constant 432 : index
        %get3A_788 = tpu.vector_load %arg10[%get3A_785, %get3A_786, %get3A_787] {strides = array<i32>} : memref<2x16x1024xf32, #tpu.memory_space<vmem>>, vector<1x1x16xf32>,
        %get3A_789 = vector.shape_cast %get3A_788 : vector<1x1x16xf32> to vector<16xf32>
        %get3A_790 = arith.constant 1 : i32
        %get3A_791 = arith.index_cast %get3A_790 : i32 to index
        %get3A_792 = arith.index_cast %scan3A_244 : i32 to index
        %get3A_793 = arith.constant 432 : index
        %get3A_794 = tpu.vector_load %arg11[%get3A_791, %get3A_792, %get3A_793] {strides = array<i32>} : memref<2x16x1024xf32, #tpu.memory_space<vmem>>, vector<1x1x16xf32>,
        %get3A_795 = vector.shape_cast %get3A_794 : vector<1x1x16xf32> to vector<16xf32>
        %add3A_796 = arith.addf %get3A_789, %get3A_795 : vector<16xf32>
        %swap3A_797 = arith.constant 1 : i32
        %swap3A_798 = arith.index_cast %swap3A_797 : i32 to index
        %swap3A_799 = arith.index_cast %scan3A_244 : i32 to index
        %swap3A_800 = arith.constant 432 : index
        %swap3A_801 = tpu.vector_load %arg12[%swap3A_798, %swap3A_799, %swap3A_800] {strides = array<i32>} : memref<2x16x1024xf32, #tpu.memory_space<vmem>>, vector<1x1x16xf32>,
        %swap3A_802 = vector.shape_cast %swap3A_801 : vector<1x1x16xf32> to vector<16xf32>
        %swap3A_803 = vector.shape_cast %add3A_796 : vector<16xf32> to vector<1x1x16xf32>
        tpu.vector_store %arg12[%swap3A_798, %swap3A_799, %swap3A_800], %swap3A_803 {strides = array<i32>} : memref<2x16x1024xf32, #tpu.memory_space<vmem>>, vector<1x1x16xf32>,
        %get3A_804 = arith.constant 1 : i32
        %get3A_805 = arith.index_cast %get3A_804 : i32 to index
        %get3A_806 = arith.index_cast %scan3A_244 : i32 to index
        %get3A_807 = arith.constant 448 : index
        %get3A_808 = tpu.vector_load %arg10[%get3A_805, %get3A_806, %get3A_807] {strides = array<i32>} : memref<2x16x1024xf32, #tpu.memory_space<vmem>>, vector<1x1x16xf32>,
        %get3A_809 = vector.shape_cast %get3A_808 : vector<1x1x16xf32> to vector<16xf32>
        %get3A_810 = arith.constant 1 : i32
        %get3A_811 = arith.index_cast %get3A_810 : i32 to index
        %get3A_812 = arith.index_cast %scan3A_244 : i32 to index
        %get3A_813 = arith.constant 448 : index
        %get3A_814 = tpu.vector_load %arg11[%get3A_811, %get3A_812, %get3A_813] {strides = array<i32>} : memref<2x16x1024xf32, #tpu.memory_space<vmem>>, vector<1x1x16xf32>,
        %get3A_815 = vector.shape_cast %get3A_814 : vector<1x1x16xf32> to vector<16xf32>
        %add3A_816 = arith.addf %get3A_809, %get3A_815 : vector<16xf32>
        %swap3A_817 = arith.constant 1 : i32
        %swap3A_818 = arith.index_cast %swap3A_817 : i32 to index
        %swap3A_819 = arith.index_cast %scan3A_244 : i32 to index
        %swap3A_820 = arith.constant 448 : index
        %swap3A_821 = tpu.vector_load %arg12[%swap3A_818, %swap3A_819, %swap3A_820] {strides = array<i32>} : memref<2x16x1024xf32, #tpu.memory_space<vmem>>, vector<1x1x16xf32>,
        %swap3A_822 = vector.shape_cast %swap3A_821 : vector<1x1x16xf32> to vector<16xf32>
        %swap3A_823 = vector.shape_cast %add3A_816 : vector<16xf32> to vector<1x1x16xf32>
        tpu.vector_store %arg12[%swap3A_818, %swap3A_819, %swap3A_820], %swap3A_823 {strides = array<i32>} : memref<2x16x1024xf32, #tpu.memory_space<vmem>>, vector<1x1x16xf32>,
        %get3A_824 = arith.constant 1 : i32
        %get3A_825 = arith.index_cast %get3A_824 : i32 to index
        %get3A_826 = arith.index_cast %scan3A_244 : i32 to index
        %get3A_827 = arith.constant 464 : index
        %get3A_828 = tpu.vector_load %arg10[%get3A_825, %get3A_826, %get3A_827] {strides = array<i32>} : memref<2x16x1024xf32, #tpu.memory_space<vmem>>, vector<1x1x16xf32>,
        %get3A_829 = vector.shape_cast %get3A_828 : vector<1x1x16xf32> to vector<16xf32>
        %get3A_830 = arith.constant 1 : i32
        %get3A_831 = arith.index_cast %get3A_830 : i32 to index
        %get3A_832 = arith.index_cast %scan3A_244 : i32 to index
        %get3A_833 = arith.constant 464 : index
        %get3A_834 = tpu.vector_load %arg11[%get3A_831, %get3A_832, %get3A_833] {strides = array<i32>} : memref<2x16x1024xf32, #tpu.memory_space<vmem>>, vector<1x1x16xf32>,
        %get3A_835 = vector.shape_cast %get3A_834 : vector<1x1x16xf32> to vector<16xf32>
        %add3A_836 = arith.addf %get3A_829, %get3A_835 : vector<16xf32>
        %swap3A_837 = arith.constant 1 : i32
        %swap3A_838 = arith.index_cast %swap3A_837 : i32 to index
        %swap3A_839 = arith.index_cast %scan3A_244 : i32 to index
        %swap3A_840 = arith.constant 464 : index
        %swap3A_841 = tpu.vector_load %arg12[%swap3A_838, %swap3A_839, %swap3A_840] {strides = array<i32>} : memref<2x16x1024xf32, #tpu.memory_space<vmem>>, vector<1x1x16xf32>,
        %swap3A_842 = vector.shape_cast %swap3A_841 : vector<1x1x16xf32> to vector<16xf32>
        %swap3A_843 = vector.shape_cast %add3A_836 : vector<16xf32> to vector<1x1x16xf32>
        tpu.vector_store %arg12[%swap3A_838, %swap3A_839, %swap3A_840], %swap3A_843 {strides = array<i32>} : memref<2x16x1024xf32, #tpu.memory_space<vmem>>, vector<1x1x16xf32>,
        %get3A_844 = arith.constant 1 : i32
        %get3A_845 = arith.index_cast %get3A_844 : i32 to index
        %get3A_846 = arith.index_cast %scan3A_244 : i32 to index
        %get3A_847 = arith.constant 480 : index
        %get3A_848 = tpu.vector_load %arg10[%get3A_845, %get3A_846, %get3A_847] {strides = array<i32>} : memref<2x16x1024xf32, #tpu.memory_space<vmem>>, vector<1x1x16xf32>,
        %get3A_849 = vector.shape_cast %get3A_848 : vector<1x1x16xf32> to vector<16xf32>
        %get3A_850 = arith.constant 1 : i32
        %get3A_851 = arith.index_cast %get3A_850 : i32 to index
        %get3A_852 = arith.index_cast %scan3A_244 : i32 to index
        %get3A_853 = arith.constant 480 : index
        %get3A_854 = tpu.vector_load %arg11[%get3A_851, %get3A_852, %get3A_853] {strides = array<i32>} : memref<2x16x1024xf32, #tpu.memory_space<vmem>>, vector<1x1x16xf32>,
        %get3A_855 = vector.shape_cast %get3A_854 : vector<1x1x16xf32> to vector<16xf32>
        %add3A_856 = arith.addf %get3A_849, %get3A_855 : vector<16xf32>
        %swap3A_857 = arith.constant 1 : i32
        %swap3A_858 = arith.index_cast %swap3A_857 : i32 to index
        %swap3A_859 = arith.index_cast %scan3A_244 : i32 to index
        %swap3A_860 = arith.constant 480 : index
        %swap3A_861 = tpu.vector_load %arg12[%swap3A_858, %swap3A_859, %swap3A_860] {strides = array<i32>} : memref<2x16x1024xf32, #tpu.memory_space<vmem>>, vector<1x1x16xf32>,
        %swap3A_862 = vector.shape_cast %swap3A_861 : vector<1x1x16xf32> to vector<16xf32>
        %swap3A_863 = vector.shape_cast %add3A_856 : vector<16xf32> to vector<1x1x16xf32>
        tpu.vector_store %arg12[%swap3A_858, %swap3A_859, %swap3A_860], %swap3A_863 {strides = array<i32>} : memref<2x16x1024xf32, #tpu.memory_space<vmem>>, vector<1x1x16xf32>,
        %get3A_864 = arith.constant 1 : i32
        %get3A_865 = arith.index_cast %get3A_864 : i32 to index
        %get3A_866 = arith.index_cast %scan3A_244 : i32 to index
        %get3A_867 = arith.constant 496 : index
        %get3A_868 = tpu.vector_load %arg10[%get3A_865, %get3A_866, %get3A_867] {strides = array<i32>} : memref<2x16x1024xf32, #tpu.memory_space<vmem>>, vector<1x1x16xf32>,
        %get3A_869 = vector.shape_cast %get3A_868 : vector<1x1x16xf32> to vector<16xf32>
        %get3A_870 = arith.constant 1 : i32
        %get3A_871 = arith.index_cast %get3A_870 : i32 to index
        %get3A_872 = arith.index_cast %scan3A_244 : i32 to index
        %get3A_873 = arith.constant 496 : index
        %get3A_874 = tpu.vector_load %arg11[%get3A_871, %get3A_872, %get3A_873] {strides = array<i32>} : memref<2x16x1024xf32, #tpu.memory_space<vmem>>, vector<1x1x16xf32>,
        %get3A_875 = vector.shape_cast %get3A_874 : vector<1x1x16xf32> to vector<16xf32>
        %add3A_876 = arith.addf %get3A_869, %get3A_875 : vector<16xf32>
        %swap3A_877 = arith.constant 1 : i32
        %swap3A_878 = arith.index_cast %swap3A_877 : i32 to index
        %swap3A_879 = arith.index_cast %scan3A_244 : i32 to index
        %swap3A_880 = arith.constant 496 : index
        %swap3A_881 = tpu.vector_load %arg12[%swap3A_878, %swap3A_879, %swap3A_880] {strides = array<i32>} : memref<2x16x1024xf32, #tpu.memory_space<vmem>>, vector<1x1x16xf32>,
        %swap3A_882 = vector.shape_cast %swap3A_881 : vector<1x1x16xf32> to vector<16xf32>
        %swap3A_883 = vector.shape_cast %add3A_876 : vector<16xf32> to vector<1x1x16xf32>
        tpu.vector_store %arg12[%swap3A_878, %swap3A_879, %swap3A_880], %swap3A_883 {strides = array<i32>} : memref<2x16x1024xf32, #tpu.memory_space<vmem>>, vector<1x1x16xf32>,
        %get3A_884 = arith.constant 1 : i32
        %get3A_885 = arith.index_cast %get3A_884 : i32 to index
        %get3A_886 = arith.index_cast %scan3A_244 : i32 to index
        %get3A_887 = arith.constant 512 : index
        %get3A_888 = tpu.vector_load %arg10[%get3A_885, %get3A_886, %get3A_887] {strides = array<i32>} : memref<2x16x1024xf32, #tpu.memory_space<vmem>>, vector<1x1x16xf32>,
        %get3A_889 = vector.shape_cast %get3A_888 : vector<1x1x16xf32> to vector<16xf32>
        %get3A_890 = arith.constant 1 : i32
        %get3A_891 = arith.index_cast %get3A_890 : i32 to index
        %get3A_892 = arith.index_cast %scan3A_244 : i32 to index
        %get3A_893 = arith.constant 512 : index
        %get3A_894 = tpu.vector_load %arg11[%get3A_891, %get3A_892, %get3A_893] {strides = array<i32>} : memref<2x16x1024xf32, #tpu.memory_space<vmem>>, vector<1x1x16xf32>,
        %get3A_895 = vector.shape_cast %get3A_894 : vector<1x1x16xf32> to vector<16xf32>
        %add3A_896 = arith.addf %get3A_889, %get3A_895 : vector<16xf32>
        %swap3A_897 = arith.constant 1 : i32
        %swap3A_898 = arith.index_cast %swap3A_897 : i32 to index
        %swap3A_899 = arith.index_cast %scan3A_244 : i32 to index
        %swap3A_900 = arith.constant 512 : index
        %swap3A_901 = tpu.vector_load %arg12[%swap3A_898, %swap3A_899, %swap3A_900] {strides = array<i32>} : memref<2x16x1024xf32, #tpu.memory_space<vmem>>, vector<1x1x16xf32>,
        %swap3A_902 = vector.shape_cast %swap3A_901 : vector<1x1x16xf32> to vector<16xf32>
        %swap3A_903 = vector.shape_cast %add3A_896 : vector<16xf32> to vector<1x1x16xf32>
        tpu.vector_store %arg12[%swap3A_898, %swap3A_899, %swap3A_900], %swap3A_903 {strides = array<i32>} : memref<2x16x1024xf32, #tpu.memory_space<vmem>>, vector<1x1x16xf32>,
        %get3A_904 = arith.constant 1 : i32
        %get3A_905 = arith.index_cast %get3A_904 : i32 to index
        %get3A_906 = arith.index_cast %scan3A_244 : i32 to index
        %get3A_907 = arith.constant 528 : index
        %get3A_908 = tpu.vector_load %arg10[%get3A_905, %get3A_906, %get3A_907] {strides = array<i32>} : memref<2x16x1024xf32, #tpu.memory_space<vmem>>, vector<1x1x16xf32>,
        %get3A_909 = vector.shape_cast %get3A_908 : vector<1x1x16xf32> to vector<16xf32>
        %get3A_910 = arith.constant 1 : i32
        %get3A_911 = arith.index_cast %get3A_910 : i32 to index
        %get3A_912 = arith.index_cast %scan3A_244 : i32 to index
        %get3A_913 = arith.constant 528 : index
        %get3A_914 = tpu.vector_load %arg11[%get3A_911, %get3A_912, %get3A_913] {strides = array<i32>} : memref<2x16x1024xf32, #tpu.memory_space<vmem>>, vector<1x1x16xf32>,
        %get3A_915 = vector.shape_cast %get3A_914 : vector<1x1x16xf32> to vector<16xf32>
        %add3A_916 = arith.addf %get3A_909, %get3A_915 : vector<16xf32>
        %swap3A_917 = arith.constant 1 : i32
        %swap3A_918 = arith.index_cast %swap3A_917 : i32 to index
        %swap3A_919 = arith.index_cast %scan3A_244 : i32 to index
        %swap3A_920 = arith.constant 528 : index
        %swap3A_921 = tpu.vector_load %arg12[%swap3A_918, %swap3A_919, %swap3A_920] {strides = array<i32>} : memref<2x16x1024xf32, #tpu.memory_space<vmem>>, vector<1x1x16xf32>,
        %swap3A_922 = vector.shape_cast %swap3A_921 : vector<1x1x16xf32> to vector<16xf32>
        %swap3A_923 = vector.shape_cast %add3A_916 : vector<16xf32> to vector<1x1x16xf32>
        tpu.vector_store %arg12[%swap3A_918, %swap3A_919, %swap3A_920], %swap3A_923 {strides = array<i32>} : memref<2x16x1024xf32, #tpu.memory_space<vmem>>, vector<1x1x16xf32>,
        %get3A_924 = arith.constant 1 : i32
        %get3A_925 = arith.index_cast %get3A_924 : i32 to index
        %get3A_926 = arith.index_cast %scan3A_244 : i32 to index
        %get3A_927 = arith.constant 544 : index
        %get3A_928 = tpu.vector_load %arg10[%get3A_925, %get3A_926, %get3A_927] {strides = array<i32>} : memref<2x16x1024xf32, #tpu.memory_space<vmem>>, vector<1x1x16xf32>,
        %get3A_929 = vector.shape_cast %get3A_928 : vector<1x1x16xf32> to vector<16xf32>
        %get3A_930 = arith.constant 1 : i32
        %get3A_931 = arith.index_cast %get3A_930 : i32 to index
        %get3A_932 = arith.index_cast %scan3A_244 : i32 to index
        %get3A_933 = arith.constant 544 : index
        %get3A_934 = tpu.vector_load %arg11[%get3A_931, %get3A_932, %get3A_933] {strides = array<i32>} : memref<2x16x1024xf32, #tpu.memory_space<vmem>>, vector<1x1x16xf32>,
        %get3A_935 = vector.shape_cast %get3A_934 : vector<1x1x16xf32> to vector<16xf32>
        %add3A_936 = arith.addf %get3A_929, %get3A_935 : vector<16xf32>
        %swap3A_937 = arith.constant 1 : i32
        %swap3A_938 = arith.index_cast %swap3A_937 : i32 to index
        %swap3A_939 = arith.index_cast %scan3A_244 : i32 to index
        %swap3A_940 = arith.constant 544 : index
        %swap3A_941 = tpu.vector_load %arg12[%swap3A_938, %swap3A_939, %swap3A_940] {strides = array<i32>} : memref<2x16x1024xf32, #tpu.memory_space<vmem>>, vector<1x1x16xf32>,
        %swap3A_942 = vector.shape_cast %swap3A_941 : vector<1x1x16xf32> to vector<16xf32>
        %swap3A_943 = vector.shape_cast %add3A_936 : vector<16xf32> to vector<1x1x16xf32>
        tpu.vector_store %arg12[%swap3A_938, %swap3A_939, %swap3A_940], %swap3A_943 {strides = array<i32>} : memref<2x16x1024xf32, #tpu.memory_space<vmem>>, vector<1x1x16xf32>,
        %get3A_944 = arith.constant 1 : i32
        %get3A_945 = arith.index_cast %get3A_944 : i32 to index
        %get3A_946 = arith.index_cast %scan3A_244 : i32 to index
        %get3A_947 = arith.constant 560 : index
        %get3A_948 = tpu.vector_load %arg10[%get3A_945, %get3A_946, %get3A_947] {strides = array<i32>} : memref<2x16x1024xf32, #tpu.memory_space<vmem>>, vector<1x1x16xf32>,
        %get3A_949 = vector.shape_cast %get3A_948 : vector<1x1x16xf32> to vector<16xf32>
        %get3A_950 = arith.constant 1 : i32
        %get3A_951 = arith.index_cast %get3A_950 : i32 to index
        %get3A_952 = arith.index_cast %scan3A_244 : i32 to index
        %get3A_953 = arith.constant 560 : index
        %get3A_954 = tpu.vector_load %arg11[%get3A_951, %get3A_952, %get3A_953] {strides = array<i32>} : memref<2x16x1024xf32, #tpu.memory_space<vmem>>, vector<1x1x16xf32>,
        %get3A_955 = vector.shape_cast %get3A_954 : vector<1x1x16xf32> to vector<16xf32>
        %add3A_956 = arith.addf %get3A_949, %get3A_955 : vector<16xf32>
        %swap3A_957 = arith.constant 1 : i32
        %swap3A_958 = arith.index_cast %swap3A_957 : i32 to index
        %swap3A_959 = arith.index_cast %scan3A_244 : i32 to index
        %swap3A_960 = arith.constant 560 : index
        %swap3A_961 = tpu.vector_load %arg12[%swap3A_958, %swap3A_959, %swap3A_960] {strides = array<i32>} : memref<2x16x1024xf32, #tpu.memory_space<vmem>>, vector<1x1x16xf32>,
        %swap3A_962 = vector.shape_cast %swap3A_961 : vector<1x1x16xf32> to vector<16xf32>
        %swap3A_963 = vector.shape_cast %add3A_956 : vector<16xf32> to vector<1x1x16xf32>
        tpu.vector_store %arg12[%swap3A_958, %swap3A_959, %swap3A_960], %swap3A_963 {strides = array<i32>} : memref<2x16x1024xf32, #tpu.memory_space<vmem>>, vector<1x1x16xf32>,
        %get3A_964 = arith.constant 1 : i32
        %get3A_965 = arith.index_cast %get3A_964 : i32 to index
        %get3A_966 = arith.index_cast %scan3A_244 : i32 to index
        %get3A_967 = arith.constant 576 : index
        %get3A_968 = tpu.vector_load %arg10[%get3A_965, %get3A_966, %get3A_967] {strides = array<i32>} : memref<2x16x1024xf32, #tpu.memory_space<vmem>>, vector<1x1x16xf32>,
        %get3A_969 = vector.shape_cast %get3A_968 : vector<1x1x16xf32> to vector<16xf32>
        %get3A_970 = arith.constant 1 : i32
        %get3A_971 = arith.index_cast %get3A_970 : i32 to index
        %get3A_972 = arith.index_cast %scan3A_244 : i32 to index
        %get3A_973 = arith.constant 576 : index
        %get3A_974 = tpu.vector_load %arg11[%get3A_971, %get3A_972, %get3A_973] {strides = array<i32>} : memref<2x16x1024xf32, #tpu.memory_space<vmem>>, vector<1x1x16xf32>,
        %get3A_975 = vector.shape_cast %get3A_974 : vector<1x1x16xf32> to vector<16xf32>
        %add3A_976 = arith.addf %get3A_969, %get3A_975 : vector<16xf32>
        %swap3A_977 = arith.constant 1 : i32
        %swap3A_978 = arith.index_cast %swap3A_977 : i32 to index
        %swap3A_979 = arith.index_cast %scan3A_244 : i32 to index
        %swap3A_980 = arith.constant 576 : index
        %swap3A_981 = tpu.vector_load %arg12[%swap3A_978, %swap3A_979, %swap3A_980] {strides = array<i32>} : memref<2x16x1024xf32, #tpu.memory_space<vmem>>, vector<1x1x16xf32>,
        %swap3A_982 = vector.shape_cast %swap3A_981 : vector<1x1x16xf32> to vector<16xf32>
        %swap3A_983 = vector.shape_cast %add3A_976 : vector<16xf32> to vector<1x1x16xf32>
        tpu.vector_store %arg12[%swap3A_978, %swap3A_979, %swap3A_980], %swap3A_983 {strides = array<i32>} : memref<2x16x1024xf32, #tpu.memory_space<vmem>>, vector<1x1x16xf32>,
        %get3A_984 = arith.constant 1 : i32
        %get3A_985 = arith.index_cast %get3A_984 : i32 to index
        %get3A_986 = arith.index_cast %scan3A_244 : i32 to index
        %get3A_987 = arith.constant 592 : index
        %get3A_988 = tpu.vector_load %arg10[%get3A_985, %get3A_986, %get3A_987] {strides = array<i32>} : memref<2x16x1024xf32, #tpu.memory_space<vmem>>, vector<1x1x16xf32>,
        %get3A_989 = vector.shape_cast %get3A_988 : vector<1x1x16xf32> to vector<16xf32>
        %get3A_990 = arith.constant 1 : i32
        %get3A_991 = arith.index_cast %get3A_990 : i32 to index
        %get3A_992 = arith.index_cast %scan3A_244 : i32 to index
        %get3A_993 = arith.constant 592 : index
        %get3A_994 = tpu.vector_load %arg11[%get3A_991, %get3A_992, %get3A_993] {strides = array<i32>} : memref<2x16x1024xf32, #tpu.memory_space<vmem>>, vector<1x1x16xf32>,
        %get3A_995 = vector.shape_cast %get3A_994 : vector<1x1x16xf32> to vector<16xf32>
        %add3A_996 = arith.addf %get3A_989, %get3A_995 : vector<16xf32>
        %swap3A_997 = arith.constant 1 : i32
        %swap3A_998 = arith.index_cast %swap3A_997 : i32 to index
        %swap3A_999 = arith.index_cast %scan3A_244 : i32 to index
        %swap3A_1000 = arith.constant 592 : index
        %swap3A_1001 = tpu.vector_load %arg12[%swap3A_998, %swap3A_999, %swap3A_1000] {strides = array<i32>} : memref<2x16x1024xf32, #tpu.memory_space<vmem>>, vector<1x1x16xf32>,
        %swap3A_1002 = vector.shape_cast %swap3A_1001 : vector<1x1x16xf32> to vector<16xf32>
        %swap3A_1003 = vector.shape_cast %add3A_996 : vector<16xf32> to vector<1x1x16xf32>
        tpu.vector_store %arg12[%swap3A_998, %swap3A_999, %swap3A_1000], %swap3A_1003 {strides = array<i32>} : memref<2x16x1024xf32, #tpu.memory_space<vmem>>, vector<1x1x16xf32>,
        %get3A_1004 = arith.constant 1 : i32
        %get3A_1005 = arith.index_cast %get3A_1004 : i32 to index
        %get3A_1006 = arith.index_cast %scan3A_244 : i32 to index
        %get3A_1007 = arith.constant 608 : index
        %get3A_1008 = tpu.vector_load %arg10[%get3A_1005, %get3A_1006, %get3A_1007] {strides = array<i32>} : memref<2x16x1024xf32, #tpu.memory_space<vmem>>, vector<1x1x16xf32>,
        %get3A_1009 = vector.shape_cast %get3A_1008 : vector<1x1x16xf32> to vector<16xf32>
        %get3A_1010 = arith.constant 1 : i32
        %get3A_1011 = arith.index_cast %get3A_1010 : i32 to index
        %get3A_1012 = arith.index_cast %scan3A_244 : i32 to index
        %get3A_1013 = arith.constant 608 : index
        %get3A_1014 = tpu.vector_load %arg11[%get3A_1011, %get3A_1012, %get3A_1013] {strides = array<i32>} : memref<2x16x1024xf32, #tpu.memory_space<vmem>>, vector<1x1x16xf32>,
        %get3A_1015 = vector.shape_cast %get3A_1014 : vector<1x1x16xf32> to vector<16xf32>
        %add3A_1016 = arith.addf %get3A_1009, %get3A_1015 : vector<16xf32>
        %swap3A_1017 = arith.constant 1 : i32
        %swap3A_1018 = arith.index_cast %swap3A_1017 : i32 to index
        %swap3A_1019 = arith.index_cast %scan3A_244 : i32 to index
        %swap3A_1020 = arith.constant 608 : index
        %swap3A_1021 = tpu.vector_load %arg12[%swap3A_1018, %swap3A_1019, %swap3A_1020] {strides = array<i32>} : memref<2x16x1024xf32, #tpu.memory_space<vmem>>, vector<1x1x16xf32>,
        %swap3A_1022 = vector.shape_cast %swap3A_1021 : vector<1x1x16xf32> to vector<16xf32>
        %swap3A_1023 = vector.shape_cast %add3A_1016 : vector<16xf32> to vector<1x1x16xf32>
        tpu.vector_store %arg12[%swap3A_1018, %swap3A_1019, %swap3A_1020], %swap3A_1023 {strides = array<i32>} : memref<2x16x1024xf32, #tpu.memory_space<vmem>>, vector<1x1x16xf32>,
        %get3A_1024 = arith.constant 1 : i32
        %get3A_1025 = arith.index_cast %get3A_1024 : i32 to index
        %get3A_1026 = arith.index_cast %scan3A_244 : i32 to index
        %get3A_1027 = arith.constant 624 : index
        %get3A_1028 = tpu.vector_load %arg10[%get3A_1025, %get3A_1026, %get3A_1027] {strides = array<i32>} : memref<2x16x1024xf32, #tpu.memory_space<vmem>>, vector<1x1x16xf32>,
        %get3A_1029 = vector.shape_cast %get3A_1028 : vector<1x1x16xf32> to vector<16xf32>
        %get3A_1030 = arith.constant 1 : i32
        %get3A_1031 = arith.index_cast %get3A_1030 : i32 to index
        %get3A_1032 = arith.index_cast %scan3A_244 : i32 to index
        %get3A_1033 = arith.constant 624 : index
        %get3A_1034 = tpu.vector_load %arg11[%get3A_1031, %get3A_1032, %get3A_1033] {strides = array<i32>} : memref<2x16x1024xf32, #tpu.memory_space<vmem>>, vector<1x1x16xf32>,
        %get3A_1035 = vector.shape_cast %get3A_1034 : vector<1x1x16xf32> to vector<16xf32>
        %add3A_1036 = arith.addf %get3A_1029, %get3A_1035 : vector<16xf32>
        %swap3A_1037 = arith.constant 1 : i32
        %swap3A_1038 = arith.index_cast %swap3A_1037 : i32 to index
        %swap3A_1039 = arith.index_cast %scan3A_244 : i32 to index
        %swap3A_1040 = arith.constant 624 : index
        %swap3A_1041 = tpu.vector_load %arg12[%swap3A_1038, %swap3A_1039, %swap3A_1040] {strides = array<i32>} : memref<2x16x1024xf32, #tpu.memory_space<vmem>>, vector<1x1x16xf32>,
        %swap3A_1042 = vector.shape_cast %swap3A_1041 : vector<1x1x16xf32> to vector<16xf32>
        %swap3A_1043 = vector.shape_cast %add3A_1036 : vector<16xf32> to vector<1x1x16xf32>
        tpu.vector_store %arg12[%swap3A_1038, %swap3A_1039, %swap3A_1040], %swap3A_1043 {strides = array<i32>} : memref<2x16x1024xf32, #tpu.memory_space<vmem>>, vector<1x1x16xf32>,
        %get3A_1044 = arith.constant 1 : i32
        %get3A_1045 = arith.index_cast %get3A_1044 : i32 to index
        %get3A_1046 = arith.index_cast %scan3A_244 : i32 to index
        %get3A_1047 = arith.constant 640 : index
        %get3A_1048 = tpu.vector_load %arg10[%get3A_1045, %get3A_1046, %get3A_1047] {strides = array<i32>} : memref<2x16x1024xf32, #tpu.memory_space<vmem>>, vector<1x1x16xf32>,
        %get3A_1049 = vector.shape_cast %get3A_1048 : vector<1x1x16xf32> to vector<16xf32>
        %get3A_1050 = arith.constant 1 : i32
        %get3A_1051 = arith.index_cast %get3A_1050 : i32 to index
        %get3A_1052 = arith.index_cast %scan3A_244 : i32 to index
        %get3A_1053 = arith.constant 640 : index
        %get3A_1054 = tpu.vector_load %arg11[%get3A_1051, %get3A_1052, %get3A_1053] {strides = array<i32>} : memref<2x16x1024xf32, #tpu.memory_space<vmem>>, vector<1x1x16xf32>,
        %get3A_1055 = vector.shape_cast %get3A_1054 : vector<1x1x16xf32> to vector<16xf32>
        %add3A_1056 = arith.addf %get3A_1049, %get3A_1055 : vector<16xf32>
        %swap3A_1057 = arith.constant 1 : i32
        %swap3A_1058 = arith.index_cast %swap3A_1057 : i32 to index
        %swap3A_1059 = arith.index_cast %scan3A_244 : i32 to index
        %swap3A_1060 = arith.constant 640 : index
        %swap3A_1061 = tpu.vector_load %arg12[%swap3A_1058, %swap3A_1059, %swap3A_1060] {strides = array<i32>} : memref<2x16x1024xf32, #tpu.memory_space<vmem>>, vector<1x1x16xf32>,
        %swap3A_1062 = vector.shape_cast %swap3A_1061 : vector<1x1x16xf32> to vector<16xf32>
        %swap3A_1063 = vector.shape_cast %add3A_1056 : vector<16xf32> to vector<1x1x16xf32>
        tpu.vector_store %arg12[%swap3A_1058, %swap3A_1059, %swap3A_1060], %swap3A_1063 {strides = array<i32>} : memref<2x16x1024xf32, #tpu.memory_space<vmem>>, vector<1x1x16xf32>,
        %get3A_1064 = arith.constant 1 : i32
        %get3A_1065 = arith.index_cast %get3A_1064 : i32 to index
        %get3A_1066 = arith.index_cast %scan3A_244 : i32 to index
        %get3A_1067 = arith.constant 656 : index
        %get3A_1068 = tpu.vector_load %arg10[%get3A_1065, %get3A_1066, %get3A_1067] {strides = array<i32>} : memref<2x16x1024xf32, #tpu.memory_space<vmem>>, vector<1x1x16xf32>,
        %get3A_1069 = vector.shape_cast %get3A_1068 : vector<1x1x16xf32> to vector<16xf32>
        %get3A_1070 = arith.constant 1 : i32
        %get3A_1071 = arith.index_cast %get3A_1070 : i32 to index
        %get3A_1072 = arith.index_cast %scan3A_244 : i32 to index
        %get3A_1073 = arith.constant 656 : index
        %get3A_1074 = tpu.vector_load %arg11[%get3A_1071, %get3A_1072, %get3A_1073] {strides = array<i32>} : memref<2x16x1024xf32, #tpu.memory_space<vmem>>, vector<1x1x16xf32>,
        %get3A_1075 = vector.shape_cast %get3A_1074 : vector<1x1x16xf32> to vector<16xf32>
        %add3A_1076 = arith.addf %get3A_1069, %get3A_1075 : vector<16xf32>
        %swap3A_1077 = arith.constant 1 : i32
        %swap3A_1078 = arith.index_cast %swap3A_1077 : i32 to index
        %swap3A_1079 = arith.index_cast %scan3A_244 : i32 to index
        %swap3A_1080 = arith.constant 656 : index
        %swap3A_1081 = tpu.vector_load %arg12[%swap3A_1078, %swap3A_1079, %swap3A_1080] {strides = array<i32>} : memref<2x16x1024xf32, #tpu.memory_space<vmem>>, vector<1x1x16xf32>,
        %swap3A_1082 = vector.shape_cast %swap3A_1081 : vector<1x1x16xf32> to vector<16xf32>
        %swap3A_1083 = vector.shape_cast %add3A_1076 : vector<16xf32> to vector<1x1x16xf32>
        tpu.vector_store %arg12[%swap3A_1078, %swap3A_1079, %swap3A_1080], %swap3A_1083 {strides = array<i32>} : memref<2x16x1024xf32, #tpu.memory_space<vmem>>, vector<1x1x16xf32>,
        %get3A_1084 = arith.constant 1 : i32
        %get3A_1085 = arith.index_cast %get3A_1084 : i32 to index
        %get3A_1086 = arith.index_cast %scan3A_244 : i32 to index
        %get3A_1087 = arith.constant 672 : index
        %get3A_1088 = tpu.vector_load %arg10[%get3A_1085, %get3A_1086, %get3A_1087] {strides = array<i32>} : memref<2x16x1024xf32, #tpu.memory_space<vmem>>, vector<1x1x16xf32>,
        %get3A_1089 = vector.shape_cast %get3A_1088 : vector<1x1x16xf32> to vector<16xf32>
        %get3A_1090 = arith.constant 1 : i32
        %get3A_1091 = arith.index_cast %get3A_1090 : i32 to index
        %get3A_1092 = arith.index_cast %scan3A_244 : i32 to index
        %get3A_1093 = arith.constant 672 : index
        %get3A_1094 = tpu.vector_load %arg11[%get3A_1091, %get3A_1092, %get3A_1093] {strides = array<i32>} : memref<2x16x1024xf32, #tpu.memory_space<vmem>>, vector<1x1x16xf32>,
        %get3A_1095 = vector.shape_cast %get3A_1094 : vector<1x1x16xf32> to vector<16xf32>
        %add3A_1096 = arith.addf %get3A_1089, %get3A_1095 : vector<16xf32>
        %swap3A_1097 = arith.constant 1 : i32
        %swap3A_1098 = arith.index_cast %swap3A_1097 : i32 to index
        %swap3A_1099 = arith.index_cast %scan3A_244 : i32 to index
        %swap3A_1100 = arith.constant 672 : index
        %swap3A_1101 = tpu.vector_load %arg12[%swap3A_1098, %swap3A_1099, %swap3A_1100] {strides = array<i32>} : memref<2x16x1024xf32, #tpu.memory_space<vmem>>, vector<1x1x16xf32>,
        %swap3A_1102 = vector.shape_cast %swap3A_1101 : vector<1x1x16xf32> to vector<16xf32>
        %swap3A_1103 = vector.shape_cast %add3A_1096 : vector<16xf32> to vector<1x1x16xf32>
        tpu.vector_store %arg12[%swap3A_1098, %swap3A_1099, %swap3A_1100], %swap3A_1103 {strides = array<i32>} : memref<2x16x1024xf32, #tpu.memory_space<vmem>>, vector<1x1x16xf32>,
        %get3A_1104 = arith.constant 1 : i32
        %get3A_1105 = arith.index_cast %get3A_1104 : i32 to index
        %get3A_1106 = arith.index_cast %scan3A_244 : i32 to index
        %get3A_1107 = arith.constant 688 : index
        %get3A_1108 = tpu.vector_load %arg10[%get3A_1105, %get3A_1106, %get3A_1107] {strides = array<i32>} : memref<2x16x1024xf32, #tpu.memory_space<vmem>>, vector<1x1x16xf32>,
        %get3A_1109 = vector.shape_cast %get3A_1108 : vector<1x1x16xf32> to vector<16xf32>
        %get3A_1110 = arith.constant 1 : i32
        %get3A_1111 = arith.index_cast %get3A_1110 : i32 to index
        %get3A_1112 = arith.index_cast %scan3A_244 : i32 to index
        %get3A_1113 = arith.constant 688 : index
        %get3A_1114 = tpu.vector_load %arg11[%get3A_1111, %get3A_1112, %get3A_1113] {strides = array<i32>} : memref<2x16x1024xf32, #tpu.memory_space<vmem>>, vector<1x1x16xf32>,
        %get3A_1115 = vector.shape_cast %get3A_1114 : vector<1x1x16xf32> to vector<16xf32>
        %add3A_1116 = arith.addf %get3A_1109, %get3A_1115 : vector<16xf32>
        %swap3A_1117 = arith.constant 1 : i32
        %swap3A_1118 = arith.index_cast %swap3A_1117 : i32 to index
        %swap3A_1119 = arith.index_cast %scan3A_244 : i32 to index
        %swap3A_1120 = arith.constant 688 : index
        %swap3A_1121 = tpu.vector_load %arg12[%swap3A_1118, %swap3A_1119, %swap3A_1120] {strides = array<i32>} : memref<2x16x1024xf32, #tpu.memory_space<vmem>>, vector<1x1x16xf32>,
        %swap3A_1122 = vector.shape_cast %swap3A_1121 : vector<1x1x16xf32> to vector<16xf32>
        %swap3A_1123 = vector.shape_cast %add3A_1116 : vector<16xf32> to vector<1x1x16xf32>
        tpu.vector_store %arg12[%swap3A_1118, %swap3A_1119, %swap3A_1120], %swap3A_1123 {strides = array<i32>} : memref<2x16x1024xf32, #tpu.memory_space<vmem>>, vector<1x1x16xf32>,
        %get3A_1124 = arith.constant 1 : i32
        %get3A_1125 = arith.index_cast %get3A_1124 : i32 to index
        %get3A_1126 = arith.index_cast %scan3A_244 : i32 to index
        %get3A_1127 = arith.constant 704 : index
        %get3A_1128 = tpu.vector_load %arg10[%get3A_1125, %get3A_1126, %get3A_1127] {strides = array<i32>} : memref<2x16x1024xf32, #tpu.memory_space<vmem>>, vector<1x1x16xf32>,
        %get3A_1129 = vector.shape_cast %get3A_1128 : vector<1x1x16xf32> to vector<16xf32>
        %get3A_1130 = arith.constant 1 : i32
        %get3A_1131 = arith.index_cast %get3A_1130 : i32 to index
        %get3A_1132 = arith.index_cast %scan3A_244 : i32 to index
        %get3A_1133 = arith.constant 704 : index
        %get3A_1134 = tpu.vector_load %arg11[%get3A_1131, %get3A_1132, %get3A_1133] {strides = array<i32>} : memref<2x16x1024xf32, #tpu.memory_space<vmem>>, vector<1x1x16xf32>,
        %get3A_1135 = vector.shape_cast %get3A_1134 : vector<1x1x16xf32> to vector<16xf32>
        %add3A_1136 = arith.addf %get3A_1129, %get3A_1135 : vector<16xf32>
        %swap3A_1137 = arith.constant 1 : i32
        %swap3A_1138 = arith.index_cast %swap3A_1137 : i32 to index
        %swap3A_1139 = arith.index_cast %scan3A_244 : i32 to index
        %swap3A_1140 = arith.constant 704 : index
        %swap3A_1141 = tpu.vector_load %arg12[%swap3A_1138, %swap3A_1139, %swap3A_1140] {strides = array<i32>} : memref<2x16x1024xf32, #tpu.memory_space<vmem>>, vector<1x1x16xf32>,
        %swap3A_1142 = vector.shape_cast %swap3A_1141 : vector<1x1x16xf32> to vector<16xf32>
        %swap3A_1143 = vector.shape_cast %add3A_1136 : vector<16xf32> to vector<1x1x16xf32>
        tpu.vector_store %arg12[%swap3A_1138, %swap3A_1139, %swap3A_1140], %swap3A_1143 {strides = array<i32>} : memref<2x16x1024xf32, #tpu.memory_space<vmem>>, vector<1x1x16xf32>,
        %get3A_1144 = arith.constant 1 : i32
        %get3A_1145 = arith.index_cast %get3A_1144 : i32 to index
        %get3A_1146 = arith.index_cast %scan3A_244 : i32 to index
        %get3A_1147 = arith.constant 720 : index
        %get3A_1148 = tpu.vector_load %arg10[%get3A_1145, %get3A_1146, %get3A_1147] {strides = array<i32>} : memref<2x16x1024xf32, #tpu.memory_space<vmem>>, vector<1x1x16xf32>,
        %get3A_1149 = vector.shape_cast %get3A_1148 : vector<1x1x16xf32> to vector<16xf32>
        %get3A_1150 = arith.constant 1 : i32
        %get3A_1151 = arith.index_cast %get3A_1150 : i32 to index
        %get3A_1152 = arith.index_cast %scan3A_244 : i32 to index
        %get3A_1153 = arith.constant 720 : index
        %get3A_1154 = tpu.vector_load %arg11[%get3A_1151, %get3A_1152, %get3A_1153] {strides = array<i32>} : memref<2x16x1024xf32, #tpu.memory_space<vmem>>, vector<1x1x16xf32>,
        %get3A_1155 = vector.shape_cast %get3A_1154 : vector<1x1x16xf32> to vector<16xf32>
        %add3A_1156 = arith.addf %get3A_1149, %get3A_1155 : vector<16xf32>
        %swap3A_1157 = arith.constant 1 : i32
        %swap3A_1158 = arith.index_cast %swap3A_1157 : i32 to index
        %swap3A_1159 = arith.index_cast %scan3A_244 : i32 to index
        %swap3A_1160 = arith.constant 720 : index
        %swap3A_1161 = tpu.vector_load %arg12[%swap3A_1158, %swap3A_1159, %swap3A_1160] {strides = array<i32>} : memref<2x16x1024xf32, #tpu.memory_space<vmem>>, vector<1x1x16xf32>,
        %swap3A_1162 = vector.shape_cast %swap3A_1161 : vector<1x1x16xf32> to vector<16xf32>
        %swap3A_1163 = vector.shape_cast %add3A_1156 : vector<16xf32> to vector<1x1x16xf32>
        tpu.vector_store %arg12[%swap3A_1158, %swap3A_1159, %swap3A_1160], %swap3A_1163 {strides = array<i32>} : memref<2x16x1024xf32, #tpu.memory_space<vmem>>, vector<1x1x16xf32>,
        %get3A_1164 = arith.constant 1 : i32
        %get3A_1165 = arith.index_cast %get3A_1164 : i32 to index
        %get3A_1166 = arith.index_cast %scan3A_244 : i32 to index
        %get3A_1167 = arith.constant 736 : index
        %get3A_1168 = tpu.vector_load %arg10[%get3A_1165, %get3A_1166, %get3A_1167] {strides = array<i32>} : memref<2x16x1024xf32, #tpu.memory_space<vmem>>, vector<1x1x16xf32>,
        %get3A_1169 = vector.shape_cast %get3A_1168 : vector<1x1x16xf32> to vector<16xf32>
        %get3A_1170 = arith.constant 1 : i32
        %get3A_1171 = arith.index_cast %get3A_1170 : i32 to index
        %get3A_1172 = arith.index_cast %scan3A_244 : i32 to index
        %get3A_1173 = arith.constant 736 : index
        %get3A_1174 = tpu.vector_load %arg11[%get3A_1171, %get3A_1172, %get3A_1173] {strides = array<i32>} : memref<2x16x1024xf32, #tpu.memory_space<vmem>>, vector<1x1x16xf32>,
        %get3A_1175 = vector.shape_cast %get3A_1174 : vector<1x1x16xf32> to vector<16xf32>
        %add3A_1176 = arith.addf %get3A_1169, %get3A_1175 : vector<16xf32>
        %swap3A_1177 = arith.constant 1 : i32
        %swap3A_1178 = arith.index_cast %swap3A_1177 : i32 to index
        %swap3A_1179 = arith.index_cast %scan3A_244 : i32 to index
        %swap3A_1180 = arith.constant 736 : index
        %swap3A_1181 = tpu.vector_load %arg12[%swap3A_1178, %swap3A_1179, %swap3A_1180] {strides = array<i32>} : memref<2x16x1024xf32, #tpu.memory_space<vmem>>, vector<1x1x16xf32>,
        %swap3A_1182 = vector.shape_cast %swap3A_1181 : vector<1x1x16xf32> to vector<16xf32>
        %swap3A_1183 = vector.shape_cast %add3A_1176 : vector<16xf32> to vector<1x1x16xf32>
        tpu.vector_store %arg12[%swap3A_1178, %swap3A_1179, %swap3A_1180], %swap3A_1183 {strides = array<i32>} : memref<2x16x1024xf32, #tpu.memory_space<vmem>>, vector<1x1x16xf32>,
        %get3A_1184 = arith.constant 1 : i32
        %get3A_1185 = arith.index_cast %get3A_1184 : i32 to index
        %get3A_1186 = arith.index_cast %scan3A_244 : i32 to index
        %get3A_1187 = arith.constant 752 : index
        %get3A_1188 = tpu.vector_load %arg10[%get3A_1185, %get3A_1186, %get3A_1187] {strides = array<i32>} : memref<2x16x1024xf32, #tpu.memory_space<vmem>>, vector<1x1x16xf32>,
        %get3A_1189 = vector.shape_cast %get3A_1188 : vector<1x1x16xf32> to vector<16xf32>
        %get3A_1190 = arith.constant 1 : i32
        %get3A_1191 = arith.index_cast %get3A_1190 : i32 to index
        %get3A_1192 = arith.index_cast %scan3A_244 : i32 to index
        %get3A_1193 = arith.constant 752 : index
        %get3A_1194 = tpu.vector_load %arg11[%get3A_1191, %get3A_1192, %get3A_1193] {strides = array<i32>} : memref<2x16x1024xf32, #tpu.memory_space<vmem>>, vector<1x1x16xf32>,
        %get3A_1195 = vector.shape_cast %get3A_1194 : vector<1x1x16xf32> to vector<16xf32>
        %add3A_1196 = arith.addf %get3A_1189, %get3A_1195 : vector<16xf32>
        %swap3A_1197 = arith.constant 1 : i32
        %swap3A_1198 = arith.index_cast %swap3A_1197 : i32 to index
        %swap3A_1199 = arith.index_cast %scan3A_244 : i32 to index
        %swap3A_1200 = arith.constant 752 : index
        %swap3A_1201 = tpu.vector_load %arg12[%swap3A_1198, %swap3A_1199, %swap3A_1200] {strides = array<i32>} : memref<2x16x1024xf32, #tpu.memory_space<vmem>>, vector<1x1x16xf32>,
        %swap3A_1202 = vector.shape_cast %swap3A_1201 : vector<1x1x16xf32> to vector<16xf32>
        %swap3A_1203 = vector.shape_cast %add3A_1196 : vector<16xf32> to vector<1x1x16xf32>
        tpu.vector_store %arg12[%swap3A_1198, %swap3A_1199, %swap3A_1200], %swap3A_1203 {strides = array<i32>} : memref<2x16x1024xf32, #tpu.memory_space<vmem>>, vector<1x1x16xf32>,
        %get3A_1204 = arith.constant 1 : i32
        %get3A_1205 = arith.index_cast %get3A_1204 : i32 to index
        %get3A_1206 = arith.index_cast %scan3A_244 : i32 to index
        %get3A_1207 = arith.constant 768 : index
        %get3A_1208 = tpu.vector_load %arg10[%get3A_1205, %get3A_1206, %get3A_1207] {strides = array<i32>} : memref<2x16x1024xf32, #tpu.memory_space<vmem>>, vector<1x1x16xf32>,
        %get3A_1209 = vector.shape_cast %get3A_1208 : vector<1x1x16xf32> to vector<16xf32>
        %get3A_1210 = arith.constant 1 : i32
        %get3A_1211 = arith.index_cast %get3A_1210 : i32 to index
        %get3A_1212 = arith.index_cast %scan3A_244 : i32 to index
        %get3A_1213 = arith.constant 768 : index
        %get3A_1214 = tpu.vector_load %arg11[%get3A_1211, %get3A_1212, %get3A_1213] {strides = array<i32>} : memref<2x16x1024xf32, #tpu.memory_space<vmem>>, vector<1x1x16xf32>,
        %get3A_1215 = vector.shape_cast %get3A_1214 : vector<1x1x16xf32> to vector<16xf32>
        %add3A_1216 = arith.addf %get3A_1209, %get3A_1215 : vector<16xf32>
        %swap3A_1217 = arith.constant 1 : i32
        %swap3A_1218 = arith.index_cast %swap3A_1217 : i32 to index
        %swap3A_1219 = arith.index_cast %scan3A_244 : i32 to index
        %swap3A_1220 = arith.constant 768 : index
        %swap3A_1221 = tpu.vector_load %arg12[%swap3A_1218, %swap3A_1219, %swap3A_1220] {strides = array<i32>} : memref<2x16x1024xf32, #tpu.memory_space<vmem>>, vector<1x1x16xf32>,
        %swap3A_1222 = vector.shape_cast %swap3A_1221 : vector<1x1x16xf32> to vector<16xf32>
        %swap3A_1223 = vector.shape_cast %add3A_1216 : vector<16xf32> to vector<1x1x16xf32>
        tpu.vector_store %arg12[%swap3A_1218, %swap3A_1219, %swap3A_1220], %swap3A_1223 {strides = array<i32>} : memref<2x16x1024xf32, #tpu.memory_space<vmem>>, vector<1x1x16xf32>,
        %get3A_1224 = arith.constant 1 : i32
        %get3A_1225 = arith.index_cast %get3A_1224 : i32 to index
        %get3A_1226 = arith.index_cast %scan3A_244 : i32 to index
        %get3A_1227 = arith.constant 784 : index
        %get3A_1228 = tpu.vector_load %arg10[%get3A_1225, %get3A_1226, %get3A_1227] {strides = array<i32>} : memref<2x16x1024xf32, #tpu.memory_space<vmem>>, vector<1x1x16xf32>,
        %get3A_1229 = vector.shape_cast %get3A_1228 : vector<1x1x16xf32> to vector<16xf32>
        %get3A_1230 = arith.constant 1 : i32
        %get3A_1231 = arith.index_cast %get3A_1230 : i32 to index
        %get3A_1232 = arith.index_cast %scan3A_244 : i32 to index
        %get3A_1233 = arith.constant 784 : index
        %get3A_1234 = tpu.vector_load %arg11[%get3A_1231, %get3A_1232, %get3A_1233] {strides = array<i32>} : memref<2x16x1024xf32, #tpu.memory_space<vmem>>, vector<1x1x16xf32>,
        %get3A_1235 = vector.shape_cast %get3A_1234 : vector<1x1x16xf32> to vector<16xf32>
        %add3A_1236 = arith.addf %get3A_1229, %get3A_1235 : vector<16xf32>
        %swap3A_1237 = arith.constant 1 : i32
        %swap3A_1238 = arith.index_cast %swap3A_1237 : i32 to index
        %swap3A_1239 = arith.index_cast %scan3A_244 : i32 to index
        %swap3A_1240 = arith.constant 784 : index
        %swap3A_1241 = tpu.vector_load %arg12[%swap3A_1238, %swap3A_1239, %swap3A_1240] {strides = array<i32>} : memref<2x16x1024xf32, #tpu.memory_space<vmem>>, vector<1x1x16xf32>,
        %swap3A_1242 = vector.shape_cast %swap3A_1241 : vector<1x1x16xf32> to vector<16xf32>
        %swap3A_1243 = vector.shape_cast %add3A_1236 : vector<16xf32> to vector<1x1x16xf32>
        tpu.vector_store %arg12[%swap3A_1238, %swap3A_1239, %swap3A_1240], %swap3A_1243 {strides = array<i32>} : memref<2x16x1024xf32, #tpu.memory_space<vmem>>, vector<1x1x16xf32>,
        %get3A_1244 = arith.constant 1 : i32
        %get3A_1245 = arith.index_cast %get3A_1244 : i32 to index
        %get3A_1246 = arith.index_cast %scan3A_244 : i32 to index
        %get3A_1247 = arith.constant 800 : index
        %get3A_1248 = tpu.vector_load %arg10[%get3A_1245, %get3A_1246, %get3A_1247] {strides = array<i32>} : memref<2x16x1024xf32, #tpu.memory_space<vmem>>, vector<1x1x16xf32>,
        %get3A_1249 = vector.shape_cast %get3A_1248 : vector<1x1x16xf32> to vector<16xf32>
        %get3A_1250 = arith.constant 1 : i32
        %get3A_1251 = arith.index_cast %get3A_1250 : i32 to index
        %get3A_1252 = arith.index_cast %scan3A_244 : i32 to index
        %get3A_1253 = arith.constant 800 : index
        %get3A_1254 = tpu.vector_load %arg11[%get3A_1251, %get3A_1252, %get3A_1253] {strides = array<i32>} : memref<2x16x1024xf32, #tpu.memory_space<vmem>>, vector<1x1x16xf32>,
        %get3A_1255 = vector.shape_cast %get3A_1254 : vector<1x1x16xf32> to vector<16xf32>
        %add3A_1256 = arith.addf %get3A_1249, %get3A_1255 : vector<16xf32>
        %swap3A_1257 = arith.constant 1 : i32
        %swap3A_1258 = arith.index_cast %swap3A_1257 : i32 to index
        %swap3A_1259 = arith.index_cast %scan3A_244 : i32 to index
        %swap3A_1260 = arith.constant 800 : index
        %swap3A_1261 = tpu.vector_load %arg12[%swap3A_1258, %swap3A_1259, %swap3A_1260] {strides = array<i32>} : memref<2x16x1024xf32, #tpu.memory_space<vmem>>, vector<1x1x16xf32>,
        %swap3A_1262 = vector.shape_cast %swap3A_1261 : vector<1x1x16xf32> to vector<16xf32>
        %swap3A_1263 = vector.shape_cast %add3A_1256 : vector<16xf32> to vector<1x1x16xf32>
        tpu.vector_store %arg12[%swap3A_1258, %swap3A_1259, %swap3A_1260], %swap3A_1263 {strides = array<i32>} : memref<2x16x1024xf32, #tpu.memory_space<vmem>>, vector<1x1x16xf32>,
        %get3A_1264 = arith.constant 1 : i32
        %get3A_1265 = arith.index_cast %get3A_1264 : i32 to index
        %get3A_1266 = arith.index_cast %scan3A_244 : i32 to index
        %get3A_1267 = arith.constant 816 : index
        %get3A_1268 = tpu.vector_load %arg10[%get3A_1265, %get3A_1266, %get3A_1267] {strides = array<i32>} : memref<2x16x1024xf32, #tpu.memory_space<vmem>>, vector<1x1x16xf32>,
        %get3A_1269 = vector.shape_cast %get3A_1268 : vector<1x1x16xf32> to vector<16xf32>
        %get3A_1270 = arith.constant 1 : i32
        %get3A_1271 = arith.index_cast %get3A_1270 : i32 to index
        %get3A_1272 = arith.index_cast %scan3A_244 : i32 to index
        %get3A_1273 = arith.constant 816 : index
        %get3A_1274 = tpu.vector_load %arg11[%get3A_1271, %get3A_1272, %get3A_1273] {strides = array<i32>} : memref<2x16x1024xf32, #tpu.memory_space<vmem>>, vector<1x1x16xf32>,
        %get3A_1275 = vector.shape_cast %get3A_1274 : vector<1x1x16xf32> to vector<16xf32>
        %add3A_1276 = arith.addf %get3A_1269, %get3A_1275 : vector<16xf32>
        %swap3A_1277 = arith.constant 1 : i32
        %swap3A_1278 = arith.index_cast %swap3A_1277 : i32 to index
        %swap3A_1279 = arith.index_cast %scan3A_244 : i32 to index
        %swap3A_1280 = arith.constant 816 : index
        %swap3A_1281 = tpu.vector_load %arg12[%swap3A_1278, %swap3A_1279, %swap3A_1280] {strides = array<i32>} : memref<2x16x1024xf32, #tpu.memory_space<vmem>>, vector<1x1x16xf32>,
        %swap3A_1282 = vector.shape_cast %swap3A_1281 : vector<1x1x16xf32> to vector<16xf32>
        %swap3A_1283 = vector.shape_cast %add3A_1276 : vector<16xf32> to vector<1x1x16xf32>
        tpu.vector_store %arg12[%swap3A_1278, %swap3A_1279, %swap3A_1280], %swap3A_1283 {strides = array<i32>} : memref<2x16x1024xf32, #tpu.memory_space<vmem>>, vector<1x1x16xf32>,
        %get3A_1284 = arith.constant 1 : i32
        %get3A_1285 = arith.index_cast %get3A_1284 : i32 to index
        %get3A_1286 = arith.index_cast %scan3A_244 : i32 to index
        %get3A_1287 = arith.constant 832 : index
        %get3A_1288 = tpu.vector_load %arg10[%get3A_1285, %get3A_1286, %get3A_1287] {strides = array<i32>} : memref<2x16x1024xf32, #tpu.memory_space<vmem>>, vector<1x1x16xf32>,
        %get3A_1289 = vector.shape_cast %get3A_1288 : vector<1x1x16xf32> to vector<16xf32>
        %get3A_1290 = arith.constant 1 : i32
        %get3A_1291 = arith.index_cast %get3A_1290 : i32 to index
        %get3A_1292 = arith.index_cast %scan3A_244 : i32 to index
        %get3A_1293 = arith.constant 832 : index
        %get3A_1294 = tpu.vector_load %arg11[%get3A_1291, %get3A_1292, %get3A_1293] {strides = array<i32>} : memref<2x16x1024xf32, #tpu.memory_space<vmem>>, vector<1x1x16xf32>,
        %get3A_1295 = vector.shape_cast %get3A_1294 : vector<1x1x16xf32> to vector<16xf32>
        %add3A_1296 = arith.addf %get3A_1289, %get3A_1295 : vector<16xf32>
        %swap3A_1297 = arith.constant 1 : i32
        %swap3A_1298 = arith.index_cast %swap3A_1297 : i32 to index
        %swap3A_1299 = arith.index_cast %scan3A_244 : i32 to index
        %swap3A_1300 = arith.constant 832 : index
        %swap3A_1301 = tpu.vector_load %arg12[%swap3A_1298, %swap3A_1299, %swap3A_1300] {strides = array<i32>} : memref<2x16x1024xf32, #tpu.memory_space<vmem>>, vector<1x1x16xf32>,
        %swap3A_1302 = vector.shape_cast %swap3A_1301 : vector<1x1x16xf32> to vector<16xf32>
        %swap3A_1303 = vector.shape_cast %add3A_1296 : vector<16xf32> to vector<1x1x16xf32>
        tpu.vector_store %arg12[%swap3A_1298, %swap3A_1299, %swap3A_1300], %swap3A_1303 {strides = array<i32>} : memref<2x16x1024xf32, #tpu.memory_space<vmem>>, vector<1x1x16xf32>,
        %get3A_1304 = arith.constant 1 : i32
        %get3A_1305 = arith.index_cast %get3A_1304 : i32 to index
        %get3A_1306 = arith.index_cast %scan3A_244 : i32 to index
        %get3A_1307 = arith.constant 848 : index
        %get3A_1308 = tpu.vector_load %arg10[%get3A_1305, %get3A_1306, %get3A_1307] {strides = array<i32>} : memref<2x16x1024xf32, #tpu.memory_space<vmem>>, vector<1x1x16xf32>,
        %get3A_1309 = vector.shape_cast %get3A_1308 : vector<1x1x16xf32> to vector<16xf32>
        %get3A_1310 = arith.constant 1 : i32
        %get3A_1311 = arith.index_cast %get3A_1310 : i32 to index
        %get3A_1312 = arith.index_cast %scan3A_244 : i32 to index
        %get3A_1313 = arith.constant 848 : index
        %get3A_1314 = tpu.vector_load %arg11[%get3A_1311, %get3A_1312, %get3A_1313] {strides = array<i32>} : memref<2x16x1024xf32, #tpu.memory_space<vmem>>, vector<1x1x16xf32>,
        %get3A_1315 = vector.shape_cast %get3A_1314 : vector<1x1x16xf32> to vector<16xf32>
        %add3A_1316 = arith.addf %get3A_1309, %get3A_1315 : vector<16xf32>
        %swap3A_1317 = arith.constant 1 : i32
        %swap3A_1318 = arith.index_cast %swap3A_1317 : i32 to index
        %swap3A_1319 = arith.index_cast %scan3A_244 : i32 to index
        %swap3A_1320 = arith.constant 848 : index
        %swap3A_1321 = tpu.vector_load %arg12[%swap3A_1318, %swap3A_1319, %swap3A_1320] {strides = array<i32>} : memref<2x16x1024xf32, #tpu.memory_space<vmem>>, vector<1x1x16xf32>,
        %swap3A_1322 = vector.shape_cast %swap3A_1321 : vector<1x1x16xf32> to vector<16xf32>
        %swap3A_1323 = vector.shape_cast %add3A_1316 : vector<16xf32> to vector<1x1x16xf32>
        tpu.vector_store %arg12[%swap3A_1318, %swap3A_1319, %swap3A_1320], %swap3A_1323 {strides = array<i32>} : memref<2x16x1024xf32, #tpu.memory_space<vmem>>, vector<1x1x16xf32>,
        %get3A_1324 = arith.constant 1 : i32
        %get3A_1325 = arith.index_cast %get3A_1324 : i32 to index
        %get3A_1326 = arith.index_cast %scan3A_244 : i32 to index
        %get3A_1327 = arith.constant 864 : index
        %get3A_1328 = tpu.vector_load %arg10[%get3A_1325, %get3A_1326, %get3A_1327] {strides = array<i32>} : memref<2x16x1024xf32, #tpu.memory_space<vmem>>, vector<1x1x16xf32>,
        %get3A_1329 = vector.shape_cast %get3A_1328 : vector<1x1x16xf32> to vector<16xf32>
        %get3A_1330 = arith.constant 1 : i32
        %get3A_1331 = arith.index_cast %get3A_1330 : i32 to index
        %get3A_1332 = arith.index_cast %scan3A_244 : i32 to index
        %get3A_1333 = arith.constant 864 : index
        %get3A_1334 = tpu.vector_load %arg11[%get3A_1331, %get3A_1332, %get3A_1333] {strides = array<i32>} : memref<2x16x1024xf32, #tpu.memory_space<vmem>>, vector<1x1x16xf32>,
        %get3A_1335 = vector.shape_cast %get3A_1334 : vector<1x1x16xf32> to vector<16xf32>
        %add3A_1336 = arith.addf %get3A_1329, %get3A_1335 : vector<16xf32>
        %swap3A_1337 = arith.constant 1 : i32
        %swap3A_1338 = arith.index_cast %swap3A_1337 : i32 to index
        %swap3A_1339 = arith.index_cast %scan3A_244 : i32 to index
        %swap3A_1340 = arith.constant 864 : index
        %swap3A_1341 = tpu.vector_load %arg12[%swap3A_1338, %swap3A_1339, %swap3A_1340] {strides = array<i32>} : memref<2x16x1024xf32, #tpu.memory_space<vmem>>, vector<1x1x16xf32>,
        %swap3A_1342 = vector.shape_cast %swap3A_1341 : vector<1x1x16xf32> to vector<16xf32>
        %swap3A_1343 = vector.shape_cast %add3A_1336 : vector<16xf32> to vector<1x1x16xf32>
        tpu.vector_store %arg12[%swap3A_1338, %swap3A_1339, %swap3A_1340], %swap3A_1343 {strides = array<i32>} : memref<2x16x1024xf32, #tpu.memory_space<vmem>>, vector<1x1x16xf32>,
        %get3A_1344 = arith.constant 1 : i32
        %get3A_1345 = arith.index_cast %get3A_1344 : i32 to index
        %get3A_1346 = arith.index_cast %scan3A_244 : i32 to index
        %get3A_1347 = arith.constant 880 : index
        %get3A_1348 = tpu.vector_load %arg10[%get3A_1345, %get3A_1346, %get3A_1347] {strides = array<i32>} : memref<2x16x1024xf32, #tpu.memory_space<vmem>>, vector<1x1x16xf32>,
        %get3A_1349 = vector.shape_cast %get3A_1348 : vector<1x1x16xf32> to vector<16xf32>
        %get3A_1350 = arith.constant 1 : i32
        %get3A_1351 = arith.index_cast %get3A_1350 : i32 to index
        %get3A_1352 = arith.index_cast %scan3A_244 : i32 to index
        %get3A_1353 = arith.constant 880 : index
        %get3A_1354 = tpu.vector_load %arg11[%get3A_1351, %get3A_1352, %get3A_1353] {strides = array<i32>} : memref<2x16x1024xf32, #tpu.memory_space<vmem>>, vector<1x1x16xf32>,
        %get3A_1355 = vector.shape_cast %get3A_1354 : vector<1x1x16xf32> to vector<16xf32>
        %add3A_1356 = arith.addf %get3A_1349, %get3A_1355 : vector<16xf32>
        %swap3A_1357 = arith.constant 1 : i32
        %swap3A_1358 = arith.index_cast %swap3A_1357 : i32 to index
        %swap3A_1359 = arith.index_cast %scan3A_244 : i32 to index
        %swap3A_1360 = arith.constant 880 : index
        %swap3A_1361 = tpu.vector_load %arg12[%swap3A_1358, %swap3A_1359, %swap3A_1360] {strides = array<i32>} : memref<2x16x1024xf32, #tpu.memory_space<vmem>>, vector<1x1x16xf32>,
        %swap3A_1362 = vector.shape_cast %swap3A_1361 : vector<1x1x16xf32> to vector<16xf32>
        %swap3A_1363 = vector.shape_cast %add3A_1356 : vector<16xf32> to vector<1x1x16xf32>
        tpu.vector_store %arg12[%swap3A_1358, %swap3A_1359, %swap3A_1360], %swap3A_1363 {strides = array<i32>} : memref<2x16x1024xf32, #tpu.memory_space<vmem>>, vector<1x1x16xf32>,
        %get3A_1364 = arith.constant 1 : i32
        %get3A_1365 = arith.index_cast %get3A_1364 : i32 to index
        %get3A_1366 = arith.index_cast %scan3A_244 : i32 to index
        %get3A_1367 = arith.constant 896 : index
        %get3A_1368 = tpu.vector_load %arg10[%get3A_1365, %get3A_1366, %get3A_1367] {strides = array<i32>} : memref<2x16x1024xf32, #tpu.memory_space<vmem>>, vector<1x1x16xf32>,
        %get3A_1369 = vector.shape_cast %get3A_1368 : vector<1x1x16xf32> to vector<16xf32>
        %get3A_1370 = arith.constant 1 : i32
        %get3A_1371 = arith.index_cast %get3A_1370 : i32 to index
        %get3A_1372 = arith.index_cast %scan3A_244 : i32 to index
        %get3A_1373 = arith.constant 896 : index
        %get3A_1374 = tpu.vector_load %arg11[%get3A_1371, %get3A_1372, %get3A_1373] {strides = array<i32>} : memref<2x16x1024xf32, #tpu.memory_space<vmem>>, vector<1x1x16xf32>,
        %get3A_1375 = vector.shape_cast %get3A_1374 : vector<1x1x16xf32> to vector<16xf32>
        %add3A_1376 = arith.addf %get3A_1369, %get3A_1375 : vector<16xf32>
        %swap3A_1377 = arith.constant 1 : i32
        %swap3A_1378 = arith.index_cast %swap3A_1377 : i32 to index
        %swap3A_1379 = arith.index_cast %scan3A_244 : i32 to index
        %swap3A_1380 = arith.constant 896 : index
        %swap3A_1381 = tpu.vector_load %arg12[%swap3A_1378, %swap3A_1379, %swap3A_1380] {strides = array<i32>} : memref<2x16x1024xf32, #tpu.memory_space<vmem>>, vector<1x1x16xf32>,
        %swap3A_1382 = vector.shape_cast %swap3A_1381 : vector<1x1x16xf32> to vector<16xf32>
        %swap3A_1383 = vector.shape_cast %add3A_1376 : vector<16xf32> to vector<1x1x16xf32>
        tpu.vector_store %arg12[%swap3A_1378, %swap3A_1379, %swap3A_1380], %swap3A_1383 {strides = array<i32>} : memref<2x16x1024xf32, #tpu.memory_space<vmem>>, vector<1x1x16xf32>,
        %get3A_1384 = arith.constant 1 : i32
        %get3A_1385 = arith.index_cast %get3A_1384 : i32 to index
        %get3A_1386 = arith.index_cast %scan3A_244 : i32 to index
        %get3A_1387 = arith.constant 912 : index
        %get3A_1388 = tpu.vector_load %arg10[%get3A_1385, %get3A_1386, %get3A_1387] {strides = array<i32>} : memref<2x16x1024xf32, #tpu.memory_space<vmem>>, vector<1x1x16xf32>,
        %get3A_1389 = vector.shape_cast %get3A_1388 : vector<1x1x16xf32> to vector<16xf32>
        %get3A_1390 = arith.constant 1 : i32
        %get3A_1391 = arith.index_cast %get3A_1390 : i32 to index
        %get3A_1392 = arith.index_cast %scan3A_244 : i32 to index
        %get3A_1393 = arith.constant 912 : index
        %get3A_1394 = tpu.vector_load %arg11[%get3A_1391, %get3A_1392, %get3A_1393] {strides = array<i32>} : memref<2x16x1024xf32, #tpu.memory_space<vmem>>, vector<1x1x16xf32>,
        %get3A_1395 = vector.shape_cast %get3A_1394 : vector<1x1x16xf32> to vector<16xf32>
        %add3A_1396 = arith.addf %get3A_1389, %get3A_1395 : vector<16xf32>
        %swap3A_1397 = arith.constant 1 : i32
        %swap3A_1398 = arith.index_cast %swap3A_1397 : i32 to index
        %swap3A_1399 = arith.index_cast %scan3A_244 : i32 to index
        %swap3A_1400 = arith.constant 912 : index
        %swap3A_1401 = tpu.vector_load %arg12[%swap3A_1398, %swap3A_1399, %swap3A_1400] {strides = array<i32>} : memref<2x16x1024xf32, #tpu.memory_space<vmem>>, vector<1x1x16xf32>,
        %swap3A_1402 = vector.shape_cast %swap3A_1401 : vector<1x1x16xf32> to vector<16xf32>
        %swap3A_1403 = vector.shape_cast %add3A_1396 : vector<16xf32> to vector<1x1x16xf32>
        tpu.vector_store %arg12[%swap3A_1398, %swap3A_1399, %swap3A_1400], %swap3A_1403 {strides = array<i32>} : memref<2x16x1024xf32, #tpu.memory_space<vmem>>, vector<1x1x16xf32>,
        %get3A_1404 = arith.constant 1 : i32
        %get3A_1405 = arith.index_cast %get3A_1404 : i32 to index
        %get3A_1406 = arith.index_cast %scan3A_244 : i32 to index
        %get3A_1407 = arith.constant 928 : index
        %get3A_1408 = tpu.vector_load %arg10[%get3A_1405, %get3A_1406, %get3A_1407] {strides = array<i32>} : memref<2x16x1024xf32, #tpu.memory_space<vmem>>, vector<1x1x16xf32>,
        %get3A_1409 = vector.shape_cast %get3A_1408 : vector<1x1x16xf32> to vector<16xf32>
        %get3A_1410 = arith.constant 1 : i32
        %get3A_1411 = arith.index_cast %get3A_1410 : i32 to index
        %get3A_1412 = arith.index_cast %scan3A_244 : i32 to index
        %get3A_1413 = arith.constant 928 : index
        %get3A_1414 = tpu.vector_load %arg11[%get3A_1411, %get3A_1412, %get3A_1413] {strides = array<i32>} : memref<2x16x1024xf32, #tpu.memory_space<vmem>>, vector<1x1x16xf32>,
        %get3A_1415 = vector.shape_cast %get3A_1414 : vector<1x1x16xf32> to vector<16xf32>
        %add3A_1416 = arith.addf %get3A_1409, %get3A_1415 : vector<16xf32>
        %swap3A_1417 = arith.constant 1 : i32
        %swap3A_1418 = arith.index_cast %swap3A_1417 : i32 to index
        %swap3A_1419 = arith.index_cast %scan3A_244 : i32 to index
        %swap3A_1420 = arith.constant 928 : index
        %swap3A_1421 = tpu.vector_load %arg12[%swap3A_1418, %swap3A_1419, %swap3A_1420] {strides = array<i32>} : memref<2x16x1024xf32, #tpu.memory_space<vmem>>, vector<1x1x16xf32>,
        %swap3A_1422 = vector.shape_cast %swap3A_1421 : vector<1x1x16xf32> to vector<16xf32>
        %swap3A_1423 = vector.shape_cast %add3A_1416 : vector<16xf32> to vector<1x1x16xf32>
        tpu.vector_store %arg12[%swap3A_1418, %swap3A_1419, %swap3A_1420], %swap3A_1423 {strides = array<i32>} : memref<2x16x1024xf32, #tpu.memory_space<vmem>>, vector<1x1x16xf32>,
        %get3A_1424 = arith.constant 1 : i32
        %get3A_1425 = arith.index_cast %get3A_1424 : i32 to index
        %get3A_1426 = arith.index_cast %scan3A_244 : i32 to index
        %get3A_1427 = arith.constant 944 : index
        %get3A_1428 = tpu.vector_load %arg10[%get3A_1425, %get3A_1426, %get3A_1427] {strides = array<i32>} : memref<2x16x1024xf32, #tpu.memory_space<vmem>>, vector<1x1x16xf32>,
        %get3A_1429 = vector.shape_cast %get3A_1428 : vector<1x1x16xf32> to vector<16xf32>
        %get3A_1430 = arith.constant 1 : i32
        %get3A_1431 = arith.index_cast %get3A_1430 : i32 to index
        %get3A_1432 = arith.index_cast %scan3A_244 : i32 to index
        %get3A_1433 = arith.constant 944 : index
        %get3A_1434 = tpu.vector_load %arg11[%get3A_1431, %get3A_1432, %get3A_1433] {strides = array<i32>} : memref<2x16x1024xf32, #tpu.memory_space<vmem>>, vector<1x1x16xf32>,
        %get3A_1435 = vector.shape_cast %get3A_1434 : vector<1x1x16xf32> to vector<16xf32>
        %add3A_1436 = arith.addf %get3A_1429, %get3A_1435 : vector<16xf32>
        %swap3A_1437 = arith.constant 1 : i32
        %swap3A_1438 = arith.index_cast %swap3A_1437 : i32 to index
        %swap3A_1439 = arith.index_cast %scan3A_244 : i32 to index
        %swap3A_1440 = arith.constant 944 : index
        %swap3A_1441 = tpu.vector_load %arg12[%swap3A_1438, %swap3A_1439, %swap3A_1440] {strides = array<i32>} : memref<2x16x1024xf32, #tpu.memory_space<vmem>>, vector<1x1x16xf32>,
        %swap3A_1442 = vector.shape_cast %swap3A_1441 : vector<1x1x16xf32> to vector<16xf32>
        %swap3A_1443 = vector.shape_cast %add3A_1436 : vector<16xf32> to vector<1x1x16xf32>
        tpu.vector_store %arg12[%swap3A_1438, %swap3A_1439, %swap3A_1440], %swap3A_1443 {strides = array<i32>} : memref<2x16x1024xf32, #tpu.memory_space<vmem>>, vector<1x1x16xf32>,
        %get3A_1444 = arith.constant 1 : i32
        %get3A_1445 = arith.index_cast %get3A_1444 : i32 to index
        %get3A_1446 = arith.index_cast %scan3A_244 : i32 to index
        %get3A_1447 = arith.constant 960 : index
        %get3A_1448 = tpu.vector_load %arg10[%get3A_1445, %get3A_1446, %get3A_1447] {strides = array<i32>} : memref<2x16x1024xf32, #tpu.memory_space<vmem>>, vector<1x1x16xf32>,
        %get3A_1449 = vector.shape_cast %get3A_1448 : vector<1x1x16xf32> to vector<16xf32>
        %get3A_1450 = arith.constant 1 : i32
        %get3A_1451 = arith.index_cast %get3A_1450 : i32 to index
        %get3A_1452 = arith.index_cast %scan3A_244 : i32 to index
        %get3A_1453 = arith.constant 960 : index
        %get3A_1454 = tpu.vector_load %arg11[%get3A_1451, %get3A_1452, %get3A_1453] {strides = array<i32>} : memref<2x16x1024xf32, #tpu.memory_space<vmem>>, vector<1x1x16xf32>,
        %get3A_1455 = vector.shape_cast %get3A_1454 : vector<1x1x16xf32> to vector<16xf32>
        %add3A_1456 = arith.addf %get3A_1449, %get3A_1455 : vector<16xf32>
        %swap3A_1457 = arith.constant 1 : i32
        %swap3A_1458 = arith.index_cast %swap3A_1457 : i32 to index
        %swap3A_1459 = arith.index_cast %scan3A_244 : i32 to index
        %swap3A_1460 = arith.constant 960 : index
        %swap3A_1461 = tpu.vector_load %arg12[%swap3A_1458, %swap3A_1459, %swap3A_1460] {strides = array<i32>} : memref<2x16x1024xf32, #tpu.memory_space<vmem>>, vector<1x1x16xf32>,
        %swap3A_1462 = vector.shape_cast %swap3A_1461 : vector<1x1x16xf32> to vector<16xf32>
        %swap3A_1463 = vector.shape_cast %add3A_1456 : vector<16xf32> to vector<1x1x16xf32>
        tpu.vector_store %arg12[%swap3A_1458, %swap3A_1459, %swap3A_1460], %swap3A_1463 {strides = array<i32>} : memref<2x16x1024xf32, #tpu.memory_space<vmem>>, vector<1x1x16xf32>,
        %get3A_1464 = arith.constant 1 : i32
        %get3A_1465 = arith.index_cast %get3A_1464 : i32 to index
        %get3A_1466 = arith.index_cast %scan3A_244 : i32 to index
        %get3A_1467 = arith.constant 976 : index
        %get3A_1468 = tpu.vector_load %arg10[%get3A_1465, %get3A_1466, %get3A_1467] {strides = array<i32>} : memref<2x16x1024xf32, #tpu.memory_space<vmem>>, vector<1x1x16xf32>,
        %get3A_1469 = vector.shape_cast %get3A_1468 : vector<1x1x16xf32> to vector<16xf32>
        %get3A_1470 = arith.constant 1 : i32
        %get3A_1471 = arith.index_cast %get3A_1470 : i32 to index
        %get3A_1472 = arith.index_cast %scan3A_244 : i32 to index
        %get3A_1473 = arith.constant 976 : index
        %get3A_1474 = tpu.vector_load %arg11[%get3A_1471, %get3A_1472, %get3A_1473] {strides = array<i32>} : memref<2x16x1024xf32, #tpu.memory_space<vmem>>, vector<1x1x16xf32>,
        %get3A_1475 = vector.shape_cast %get3A_1474 : vector<1x1x16xf32> to vector<16xf32>
        %add3A_1476 = arith.addf %get3A_1469, %get3A_1475 : vector<16xf32>
        %swap3A_1477 = arith.constant 1 : i32
        %swap3A_1478 = arith.index_cast %swap3A_1477 : i32 to index
        %swap3A_1479 = arith.index_cast %scan3A_244 : i32 to index
        %swap3A_1480 = arith.constant 976 : index
        %swap3A_1481 = tpu.vector_load %arg12[%swap3A_1478, %swap3A_1479, %swap3A_1480] {strides = array<i32>} : memref<2x16x1024xf32, #tpu.memory_space<vmem>>, vector<1x1x16xf32>,
        %swap3A_1482 = vector.shape_cast %swap3A_1481 : vector<1x1x16xf32> to vector<16xf32>
        %swap3A_1483 = vector.shape_cast %add3A_1476 : vector<16xf32> to vector<1x1x16xf32>
        tpu.vector_store %arg12[%swap3A_1478, %swap3A_1479, %swap3A_1480], %swap3A_1483 {strides = array<i32>} : memref<2x16x1024xf32, #tpu.memory_space<vmem>>, vector<1x1x16xf32>,
        %get3A_1484 = arith.constant 1 : i32
        %get3A_1485 = arith.index_cast %get3A_1484 : i32 to index
        %get3A_1486 = arith.index_cast %scan3A_244 : i32 to index
        %get3A_1487 = arith.constant 992 : index
        %get3A_1488 = tpu.vector_load %arg10[%get3A_1485, %get3A_1486, %get3A_1487] {strides = array<i32>} : memref<2x16x1024xf32, #tpu.memory_space<vmem>>, vector<1x1x16xf32>,
        %get3A_1489 = vector.shape_cast %get3A_1488 : vector<1x1x16xf32> to vector<16xf32>
        %get3A_1490 = arith.constant 1 : i32
        %get3A_1491 = arith.index_cast %get3A_1490 : i32 to index
        %get3A_1492 = arith.index_cast %scan3A_244 : i32 to index
        %get3A_1493 = arith.constant 992 : index
        %get3A_1494 = tpu.vector_load %arg11[%get3A_1491, %get3A_1492, %get3A_1493] {strides = array<i32>} : memref<2x16x1024xf32, #tpu.memory_space<vmem>>, vector<1x1x16xf32>,
        %get3A_1495 = vector.shape_cast %get3A_1494 : vector<1x1x16xf32> to vector<16xf32>
        %add3A_1496 = arith.addf %get3A_1489, %get3A_1495 : vector<16xf32>
        %swap3A_1497 = arith.constant 1 : i32
        %swap3A_1498 = arith.index_cast %swap3A_1497 : i32 to index
        %swap3A_1499 = arith.index_cast %scan3A_244 : i32 to index
        %swap3A_1500 = arith.constant 992 : index
        %swap3A_1501 = tpu.vector_load %arg12[%swap3A_1498, %swap3A_1499, %swap3A_1500] {strides = array<i32>} : memref<2x16x1024xf32, #tpu.memory_space<vmem>>, vector<1x1x16xf32>,
        %swap3A_1502 = vector.shape_cast %swap3A_1501 : vector<1x1x16xf32> to vector<16xf32>
        %swap3A_1503 = vector.shape_cast %add3A_1496 : vector<16xf32> to vector<1x1x16xf32>
        tpu.vector_store %arg12[%swap3A_1498, %swap3A_1499, %swap3A_1500], %swap3A_1503 {strides = array<i32>} : memref<2x16x1024xf32, #tpu.memory_space<vmem>>, vector<1x1x16xf32>,
        %get3A_1504 = arith.constant 1 : i32
        %get3A_1505 = arith.index_cast %get3A_1504 : i32 to index
        %get3A_1506 = arith.index_cast %scan3A_244 : i32 to index
        %get3A_1507 = arith.constant 1008 : index
        %get3A_1508 = tpu.vector_load %arg10[%get3A_1505, %get3A_1506, %get3A_1507] {strides = array<i32>} : memref<2x16x1024xf32, #tpu.memory_space<vmem>>, vector<1x1x16xf32>,
        %get3A_1509 = vector.shape_cast %get3A_1508 : vector<1x1x16xf32> to vector<16xf32>
        %get3A_1510 = arith.constant 1 : i32
        %get3A_1511 = arith.index_cast %get3A_1510 : i32 to index
        %get3A_1512 = arith.index_cast %scan3A_244 : i32 to index
        %get3A_1513 = arith.constant 1008 : index
        %get3A_1514 = tpu.vector_load %arg11[%get3A_1511, %get3A_1512, %get3A_1513] {strides = array<i32>} : memref<2x16x1024xf32, #tpu.memory_space<vmem>>, vector<1x1x16xf32>,
        %get3A_1515 = vector.shape_cast %get3A_1514 : vector<1x1x16xf32> to vector<16xf32>
        %add3A_1516 = arith.addf %get3A_1509, %get3A_1515 : vector<16xf32>
        %swap3A_1517 = arith.constant 1 : i32
        %swap3A_1518 = arith.index_cast %swap3A_1517 : i32 to index
        %swap3A_1519 = arith.index_cast %scan3A_244 : i32 to index
        %swap3A_1520 = arith.constant 1008 : index
        %swap3A_1521 = tpu.vector_load %arg12[%swap3A_1518, %swap3A_1519, %swap3A_1520] {strides = array<i32>} : memref<2x16x1024xf32, #tpu.memory_space<vmem>>, vector<1x1x16xf32>,
        %swap3A_1522 = vector.shape_cast %swap3A_1521 : vector<1x1x16xf32> to vector<16xf32>
        %swap3A_1523 = vector.shape_cast %add3A_1516 : vector<16xf32> to vector<1x1x16xf32>
        tpu.vector_store %arg12[%swap3A_1518, %swap3A_1519, %swap3A_1520], %swap3A_1523 {strides = array<i32>} : memref<2x16x1024xf32, #tpu.memory_space<vmem>>, vector<1x1x16xf32>,
      }
      %scan3A_210 = arith.constant 16 : i32
      %mul3A_211 = arith.constant 16 : i32
      %mul3A_212 = arith.muli %add3A_178, %mul3A_211 : i32
      %add3A_213 = arith.addi %add3A_34, %mul3A_212 : i32
      %add3A_214 = arith.constant 0 : i32
      %add3A_215 = arith.addi %add3A_213, %add3A_214 : i32
      %mul3A_216 = arith.constant 16 : i32
      %mul3A_217 = arith.muli %add3A_215, %mul3A_216 : i32
      %add3A_218 = arith.addi %mul3A_217, %select_n3A : i32
      %iota3A_219 = tpu.iota {dimensions = array<i32: 0>} : vector<16xi32>
      %mul3A_220 = arith.constant 16 : i32
      %mul3A_221 = vector.broadcast %mul3A_220 : i32 to vector<16xi32>
      %mul3A_222 = arith.muli %iota3A_219, %mul3A_221 : vector<16xi32>
      %add3A_223 = vector.broadcast %add3A_218 : i32 to vector<16xi32>
      %add3A_224 = arith.addi %add3A_223, %mul3A_222 : vector<16xi32>
      %swap3A_225 = arith.constant 0 : index
      %swap3A_226 = tpu.vector_load %arg14[%swap3A_225] {strides = array<i32>} : memref<16xi32, #tpu.memory_space<vmem>>, vector<16xi32>,
      %swap3A_227 = vector.shape_cast %swap3A_226 : vector<16xi32> to vector<16xi32>
      %swap3A_228 = vector.shape_cast %add3A_224 : vector<16xi32> to vector<16xi32>
      tpu.vector_store %arg14[%swap3A_225], %swap3A_228 {strides = array<i32>} : memref<16xi32, #tpu.memory_space<vmem>>, vector<16xi32>,
      %dma_start3A_229 = arith.constant 1 : i32
      %dma_start3A_230 = arith.constant 0 : i32
      %dma_start3A_231 = arith.constant 0 : i32
      %dma_start3A_232 = tpu.memref_slice %arg12[%dma_start3A_229, %dma_start3A_230, %dma_start3A_231] : memref<2x16x1024xf32, #tpu.memory_space<vmem>> -> memref<1x16x1024xf32, #tpu.memory_space<vmem>>
      %dma_start3A_233 = tpu.memref_squeeze %dma_start3A_232 : memref<1x16x1024xf32, #tpu.memory_space<vmem>> -> memref<16x1024xf32, #tpu.memory_space<vmem>>
      %dma_start3A_234 = arith.constant 0 : i32
      %dma_start3A_235 = arith.constant 0 : i32
      %dma_start3A_236 = tpu.memref_slice %arg6[%dma_start3A_234, %dma_start3A_235] : memref<16400x1024xf32, #tpu.memory_space<hbm>> -> memref<16400x1024xf32, #tpu.memory_space<hbm>>
      tpu.enqueue_indirect_dma source(%dma_start3A_233 : memref<16x1024xf32, #tpu.memory_space<vmem>>) target(%dma_start3A_236 : memref<16400x1024xf32, #tpu.memory_space<hbm>>) offsets(%arg14 : memref<16xi32, #tpu.memory_space<vmem>>) semaphore(%arg24 : memref<!tpu.dma_semaphore, #tpu.memory_space<semaphore_mem>>)
      %add3A_237 = arith.constant 2 : i32
      %add3A_238 = arith.addi %add3A_178, %add3A_237 : i32
      %lt3A_239 = arith.constant 32 : i32
      %lt3A_240 = arith.cmpi slt, %add3A_238, %lt3A_239 : i32
      %convert_element_type3A_241 = arith.extui %lt3A_240 : i1 to i32
      %cond3A_242 = arith.constant 0 : i32
      %cond3A_243 = arith.cmpi ne, %convert_element_type3A_241, %cond3A_242 : i32
      scf.if %cond3A_243 {
        %add3A_244 = arith.constant 2 : i32
        %add3A_245 = arith.addi %add3A_178, %add3A_244 : i32
        %mul3A_246 = arith.constant 16 : i32
        %mul3A_247 = arith.muli %add3A_245, %mul3A_246 : i32
        %dma_start3A_248 = arith.constant 1 : i32
        %dma_start3A_249 = arith.constant 0 : i32
        %dma_start3A_250 = arith.constant 0 : i32
        %dma_start3A_251 = tpu.memref_slice %arg10[%dma_start3A_248, %dma_start3A_249, %dma_start3A_250] : memref<2x16x1024xf32, #tpu.memory_space<vmem>> -> memref<1x16x1024xf32, #tpu.memory_space<vmem>>
        %dma_start3A_252 = tpu.memref_squeeze %dma_start3A_251 : memref<1x16x1024xf32, #tpu.memory_space<vmem>> -> memref<16x1024xf32, #tpu.memory_space<vmem>>
        %dma_start3A_253 = tpu.memref_slice %arg8[%mul3A_247] : memref<512xi32, #tpu.memory_space<vmem>> -> memref<16xi32, #tpu.memory_space<vmem>>
        %dma_start3A_254 = arith.constant 0 : i32
        %dma_start3A_255 = arith.constant 0 : i32
        %dma_start3A_256 = tpu.memref_slice %arg2[%dma_start3A_254, %dma_start3A_255] : memref<32768x1024xf32, #tpu.memory_space<hbm>> -> memref<32768x1024xf32, #tpu.memory_space<hbm>>
        tpu.enqueue_indirect_dma source(%dma_start3A_256 : memref<32768x1024xf32, #tpu.memory_space<hbm>>) target(%dma_start3A_252 : memref<16x1024xf32, #tpu.memory_space<vmem>>) offsets(%dma_start3A_253 : memref<16xi32, #tpu.memory_space<vmem>>) semaphore(%arg20 : memref<!tpu.dma_semaphore, #tpu.memory_space<semaphore_mem>>)
        %mul3A_257 = arith.constant 16 : i32
        %mul3A_258 = arith.muli %add3A_245, %mul3A_257 : i32
        %dma_start3A_259 = arith.constant 1 : i32
        %dma_start3A_260 = arith.constant 0 : i32
        %dma_start3A_261 = arith.constant 0 : i32
        %dma_start3A_262 = tpu.memref_slice %arg11[%dma_start3A_259, %dma_start3A_260, %dma_start3A_261] : memref<2x16x1024xf32, #tpu.memory_space<vmem>> -> memref<1x16x1024xf32, #tpu.memory_space<vmem>>
        %dma_start3A_263 = tpu.memref_squeeze %dma_start3A_262 : memref<1x16x1024xf32, #tpu.memory_space<vmem>> -> memref<16x1024xf32, #tpu.memory_space<vmem>>
        %dma_start3A_264 = tpu.memref_slice %arg9[%mul3A_258] : memref<512xi32, #tpu.memory_space<vmem>> -> memref<16xi32, #tpu.memory_space<vmem>>
        %dma_start3A_265 = arith.constant 0 : i32
        %dma_start3A_266 = arith.constant 0 : i32
        %dma_start3A_267 = tpu.memref_slice %arg3[%dma_start3A_265, %dma_start3A_266] : memref<2049x1024xf32, #tpu.memory_space<hbm>> -> memref<2049x1024xf32, #tpu.memory_space<hbm>>
        tpu.enqueue_indirect_dma source(%dma_start3A_267 : memref<2049x1024xf32, #tpu.memory_space<hbm>>) target(%dma_start3A_263 : memref<16x1024xf32, #tpu.memory_space<vmem>>) offsets(%dma_start3A_264 : memref<16xi32, #tpu.memory_space<vmem>>) semaphore(%arg22 : memref<!tpu.dma_semaphore, #tpu.memory_space<semaphore_mem>>)
      } else {
      }
    }
    %scan3A_87 = arith.constant 16 : i32
    %dma_wait3A = arith.constant 0 : i32
    %dma_wait3A_88 = arith.constant 0 : i32
    %dma_wait3A_89 = arith.constant 0 : i32
    %dma_wait3A_90 = tpu.memref_slice %arg12[%dma_wait3A, %dma_wait3A_88, %dma_wait3A_89] : memref<2x16x1024xf32, #tpu.memory_space<vmem>> -> memref<1x16x1024xf32, #tpu.memory_space<vmem>>
    %dma_wait3A_91 = tpu.memref_squeeze %dma_wait3A_90 : memref<1x16x1024xf32, #tpu.memory_space<vmem>> -> memref<16x1024xf32, #tpu.memory_space<vmem>>
    %dma_wait3A_92 = arith.constant 0 : i32
    %dma_wait3A_93 = arith.constant 0 : i32
    %dma_wait3A_94 = tpu.memref_slice %arg6[%dma_wait3A_92, %dma_wait3A_93] : memref<16400x1024xf32, #tpu.memory_space<hbm>> -> memref<16400x1024xf32, #tpu.memory_space<hbm>>
    tpu.wait_indirect_dma semaphore(%arg23 : memref<!tpu.dma_semaphore, #tpu.memory_space<semaphore_mem>>) src(%dma_wait3A_91 : memref<16x1024xf32, #tpu.memory_space<vmem>>) dst(%dma_wait3A_94 : memref<16400x1024xf32, #tpu.memory_space<hbm>>)
    %dma_wait3A_95 = arith.constant 1 : i32
    %dma_wait3A_96 = arith.constant 0 : i32
    %dma_wait3A_97 = arith.constant 0 : i32
    %dma_wait3A_98 = tpu.memref_slice %arg12[%dma_wait3A_95, %dma_wait3A_96, %dma_wait3A_97] : memref<2x16x1024xf32, #tpu.memory_space<vmem>> -> memref<1x16x1024xf32, #tpu.memory_space<vmem>>
    %dma_wait3A_99 = tpu.memref_squeeze %dma_wait3A_98 : memref<1x16x1024xf32, #tpu.memory_space<vmem>> -> memref<16x1024xf32, #tpu.memory_space<vmem>>
    %dma_wait3A_100 = arith.constant 0 : i32
    %dma_wait3A_101 = arith.constant 0 : i32
    %dma_wait3A_102 = tpu.memref_slice %arg6[%dma_wait3A_100, %dma_wait3A_101] : memref<16400x1024xf32, #tpu.memory_space<hbm>> -> memref<16400x1024xf32, #tpu.memory_space<hbm>>
    tpu.wait_indirect_dma semaphore(%arg24 : memref<!tpu.dma_semaphore, #tpu.memory_space<semaphore_mem>>) src(%dma_wait3A_99 : memref<16x1024xf32, #tpu.memory_space<vmem>>) dst(%dma_wait3A_102 : memref<16400x1024xf32, #tpu.memory_space<hbm>>)
    %eq3A_103 = arith.constant 0 : i32
    %eq3A_104 = arith.cmpi eq, %select_n3A_30, %eq3A_103 : i32
    %convert_element_type3A_105 = arith.extui %eq3A_104 : i1 to i32
    %cond3A_106 = arith.constant 0 : i32
    %cond3A_107 = arith.cmpi ne, %convert_element_type3A_105, %cond3A_106 : i32
    scf.if %cond3A_107 {
      %dma_wait3A_108 = arith.constant 0 : i32
      %dma_wait3A_109 = arith.constant 0 : i32
      %dma_wait3A_110 = tpu.memref_slice %arg6[%dma_wait3A_108, %dma_wait3A_109] : memref<16400x1024xf32, #tpu.memory_space<hbm>> -> memref<16400x1024xf32, #tpu.memory_space<hbm>>
      tpu.wait_indirect_dma semaphore(%arg25 : memref<!tpu.dma_semaphore, #tpu.memory_space<semaphore_mem>>) src(%arg16 : memref<16x1024xf32, #tpu.memory_space<vmem>>) dst(%dma_wait3A_110 : memref<16400x1024xf32, #tpu.memory_space<hbm>>)
    } else {
    }
    return
  }
}

</mosaic_0001>

<sc_bundles>
// kernel: kernel.3.cloned.1.call-start
scs
__scs_entry_jumppad:
0x0: {  	(pc) =	sbr.rel $0x88, $3  }
0x1: {  	(tag) =	ssettag $0x0;
	lr =	simm.s32 $0x1  }
0x2: {  	[smem:$0x3F9D] =	sst lr;
	_ =	strace $0xD0000000  }
0x3: {  	_ = 	snop  }
0x4: {  	_ = 	snop  }
0x5: {  	_ = 	snop  }
0x6: {  	_ = 	snop  }
0x7: {  	_ = 	snop  }
__scs_overlays_trampoline_lowered:
0x8: {  	[smem:$0x3FAC] =	sst s0  }
0x9: {  	[smem:$0x3FAD] =	sst s1  }
0xa: {  	[smem:$0x3FAE] =	sst s2  }
0xb: {  	[smem:$0x3FAF] =	sst s3  }
0xc: {  	[smem:$0x3FB0] =	sst s4  }
0xd: {  	[smem:$0x3FB1] =	sst s5  }
0xe: {  	[smem:$0x3FB2] =	sst s6  }
0xf: {  	[smem:$0x3FB3] =	sst s7  }
0x10: {  	[smem:$0x3FB4] =	sst s8  }
0x11: {  	[smem:$0x3FB5] =	sst s9;
	s0 =	simm.s32 @!p0 $0x0  }
0x12: {  	s1 =	sld [smem:$0x3F9B];
	s0 =	simm.s32 @p0 $0x1  }
0x13: {  	[smem:$0x3FB6] =	sst s0;
	s0 =	simm.s32 @!p1 $0x0  }
0x14: {  	s2 =	sld [smem:$0x3F9A];
	s0 =	simm.s32 @p1 $0x1  }
0x15: {  	[smem:$0x3FB7] =	sst s0;
	s0 =	simm.s32 @!p2 $0x0  }
0x16: {  	s3 =	sld [smem:$0x3FDB];
	s0 =	simm.s32 @p2 $0x1  }
0x17: {  	s4 =	simm.s32 $0x1BF5;
	[smem:$0x3FB9] =	sst s0  }
0x18: {  	s0 =	sld [smem:$0x3F9C];
	_ =	swait.ge [sflag:s4], $0x0  }
0x19: {  	s7 =	sld [smem:$0x3F9D]  }
0x1a: {  	s8 =	sadd.s32 $0xFFFFE003, lr  }
0x1b: {  	s9 =	sadd.s32 $0xFFFFFEF7, lr;
	s5 =	simm.s32 $0xFFFFFFFF;
	p2 =	slt.u32 s8, $0xFFFFF086  }
0x1c: {  	p1 =	slt.u32 s9, $0xF7A;
	s5 =	simm.s32 @!p2 $0x0  }
0x1d: {  	s5 =	simm.s32 @p1 $0x1;
	p0 =	seq.s32 s7, s2  }
0x1e: {  	s7 =	smul.u32 @!p0 $0xF7A, s2;
	p2 =	seq.s32 @!p0 s5, $0x0  }
0x1f: {  	s9 =	smul.u32 $0xF7A, s1;
	s8 =	simm.s32 @!p0 $0x1BF5;
	p2 =	por !p2, p0  }
0x20: {  	[sflag:s8] =	ssyncset.s32 @!p0 $0xFFFFF086;
	s6 =	sadd.s32 @!p0 s3, s7;
	s7 =	simm.s32 @!p0 $0x108  }
0x21: {  	s3 =	sadd.s32 s3, s9;
	s6 =	sadd.s32 @!p0 $0x88, s6;
	s7 =	simm.s32 @p2 $0x1082  }
0x22: {  	[simem:s7], [sflag:s8] =	dma.local @!p0 [hbm:s6], $0xF7A  }
0x23: {  	s9 =	sor.u32 $0xD0000000, s2;
	s6 =	simm.s32 $0x108;
	_ =	swait.ge @!p0 [sflag:s8], $0x0  }
0x24: {  	s3 =	sadd.s32 $0x88, s3;
	s6 =	simm.s32 @!p1 $0x1082;
	[sflag:s4] =	ssyncset.s32 $0xFFFFF086  }
0x25: {  	[simem:s6], [sflag:s4] =	dma.local [hbm:s3], $0xF7A  }
0x26: {  	[smem:$0x3F9D] =	sst s1;
	(tag) =	ssettag s2;
	_ =	strace s9  }
0x27: {  	s1 =	sld [smem:$0x3FAD]  }
0x28: {  	s2 =	sld [smem:$0x3FAE]  }
0x29: {  	s4 =	sld [smem:$0x3FB0]  }
0x2a: {  	p0 =	seq.s32 s5, $0x0;
	s5 =	sld [smem:$0x3FB1]  }
0x2b: {  	s6 =	sld [smem:$0x3FB2]  }
0x2c: {  	s7 =	sld [smem:$0x3FB3]  }
0x2d: {  	s3 =	simm.s32 $0x108;
	s8 =	sld [smem:$0x3FB4]  }
0x2e: {  	s3 =	simm.s32 @!p0 $0x1082;
	s9 =	sld [smem:$0x3FB5]  }
0x2f: {  	lr =	sadd.s32 s0, s3;
	s0 =	sld [smem:$0x3FAC]  }
0x30: {  	s3 =	sld [smem:$0x3FAF]  }
0x31: {  	[smem:$0x3FB8] =	sst s10  }
0x32: {  	s10 =	sld [smem:$0x3FB6];
	_ =	sdelay $0x3  }
0x33: {  	p0 =	seq.s32 s10, $0x1;
	s10 =	sld [smem:$0x3FB8];
	_ =	sdelay $0x3  }
0x34: {  	[smem:$0x3FB8] =	sst s10  }
0x35: {  	s10 =	sld [smem:$0x3FB7];
	_ =	sdelay $0x3  }
0x36: {  	p1 =	seq.s32 s10, $0x1;
	s10 =	sld [smem:$0x3FB8];
	_ =	sdelay $0x3  }
0x37: {  	[smem:$0x3FB8] =	sst s10  }
0x38: {  	s10 =	sld [smem:$0x3FB9]  }
0x39: {  	_ = 	snop;
	(pc) =	sbr.ind lr, $3  }
0x3a: {  	_ = 	snop  }
0x3b: {  	_ = 	snop  }
0x3c: {  	p2 =	seq.s32 s10, $0x1;
	s10 =	sld [smem:$0x3FB8]  }
0x3d: {  	_ =	shalt  }
0x3e: {  	_ =	shalt  }
0x3f: {  	_ =	shalt  }
0x40: {  	_ =	shalt  }
0x41: {  	_ =	shalt  }
0x42: {  	_ =	shalt  }
0x43: {  	_ =	shalt  }
0x44: {  	_ =	shalt  }
0x45: {  	_ =	shalt  }
0x46: {  	_ =	shalt  }
0x47: {  	_ =	shalt  }
0x48: {  	_ =	shalt  }
0x49: {  	_ =	shalt  }
0x4a: {  	_ =	shalt  }
0x4b: {  	_ =	shalt  }
0x4c: {  	_ =	shalt  }
0x4d: {  	_ =	shalt  }
0x4e: {  	_ =	shalt  }
0x4f: {  	_ =	shalt  }
0x50: {  	_ =	shalt  }
0x51: {  	_ =	shalt  }
0x52: {  	_ =	shalt  }
0x53: {  	_ =	shalt  }
0x54: {  	_ =	shalt  }
0x55: {  	_ =	shalt  }
0x56: {  	_ =	shalt  }
0x57: {  	_ =	shalt  }
0x58: {  	_ =	shalt  }
0x59: {  	_ =	shalt  }
0x5a: {  	_ =	shalt  }
0x5b: {  	_ =	shalt  }
0x5c: {  	_ =	shalt  }
0x5d: {  	_ =	shalt  }
0x5e: {  	_ =	shalt  }
0x5f: {  	_ =	shalt  }
0x60: {  	_ =	shalt  }
0x61: {  	_ =	shalt  }
0x62: {  	_ =	shalt  }
0x63: {  	_ =	shalt  }
0x64: {  	_ =	shalt  }
0x65: {  	_ =	shalt  }
0x66: {  	_ =	shalt  }
0x67: {  	_ =	shalt  }
0x68: {  	_ =	shalt  }
0x69: {  	_ =	shalt  }
0x6a: {  	_ =	shalt  }
0x6b: {  	_ =	shalt  }
0x6c: {  	_ =	shalt  }
0x6d: {  	_ =	shalt  }
0x6e: {  	_ =	shalt  }
0x6f: {  	_ =	shalt  }
0x70: {  	_ =	shalt  }
0x71: {  	_ =	shalt  }
0x72: {  	_ =	shalt  }
0x73: {  	_ =	shalt  }
0x74: {  	_ =	shalt  }
0x75: {  	_ =	shalt  }
0x76: {  	_ =	shalt  }
0x77: {  	_ =	shalt  }
0x78: {  	_ =	shalt  }
0x79: {  	_ =	shalt  }
0x7a: {  	_ =	shalt  }
0x7b: {  	_ =	shalt  }
0x7c: {  	_ =	shalt  }
0x7d: {  	_ =	shalt  }
0x7e: {  	_ =	shalt  }
0x7f: {  	_ =	shalt  }
0x80: {  	_ =	shalt  }
0x81: {  	_ =	shalt  }
0x82: {  	_ =	shalt  }
0x83: {  	_ =	shalt  }
0x84: {  	_ =	shalt  }
0x85: {  	_ =	shalt  }
0x86: {  	_ =	shalt  }
0x87: {  	_ =	shalt  }
.Lfunc_end0:
.L_simem_size_0:
called_computation_lowered:
.L_overlay_start_0:
0x88: {  	s2 =	sld [smem:$0x3FD9]  }
0x89: {  	s3 =	sld [smem:$0x3FFE];
	_ =	sdelay $0x1  }
0x8a: {  	s1 =	srdreg.scid  }
0x8b: {  	s0 =	sand.u32 $0x1, s1  }
0x8c: {  	s18 =	sshll.u32 s0, $0xA;
	s2 =	sadd.s32 s3, s2  }
0x8d: {  	s2 =	sadd.s32 s2, s18  }
0x8e: {  	[smem:$0x3FC4] =	sst s2  }
0x8f: {  	_ = 	snop  }
0x90: {  	s2 =	sld [smem:$0x3FC9]  }
0x91: {  	s19 =	sld [smem:$0x3FC8]  }
0x92: {  	s4 =	sld [smem:$0x3FC7]  }
0x93: {  	s5 =	sld [smem:$0x3FC6]  }
0x94: {  	s6 =	sld [smem:$0x3FD0];
	(tm) =	ssettm $0x1  }
0x95: {  	s7 =	sld [smem:$0x3FFB];
	_ =	sdelay $0x3  }
0x96: {  	_ =	strace s7  }
0x97: {  	s7 =	sld [smem:$0x3FFC];
	_ =	sdelay $0x3  }
0x98: {  	_ =	strace s7  }
0x99: {  	s7 =	sld [smem:$0x3FFD];
	_ =	sdelay $0x3  }
0x9a: {  	_ =	strace s7  }
0x9b: {  	_ =	strace $0x8FFFFFFF  }
0x9c: {  	s20 =	sld [smem:$0x3FDB];
	_ =	sdelay $0x1  }
0x9d: {  	s8 =	simm.s32 $_scs_section_size  }
0x9e: {  	s9 =	simm.s32 $_size__tile_overlayer_lowered;
	s10 =	simm.s32 $_tile_overlayer_lowered  }
0x9f: {  	s23 =	simm.s32 $0x1BFF;
	s22 =	sshll.u32 s10, $0x1;
	s7 =	sadd.s32 s8, s20  }
0xa0: {  	s11 =	simm.s32 $0x0;
	s21 =	sshll.u32 s9, $0x1;
	s9 =	sadd.s32 s22, s7  }
0xa1: {  	[timem:s11], [sflag:s23] =	dma.local [hbm:s9], s21  }
0xa2: {  	_ =	swait.ge [sflag:s23], s21  }
0xa3: {  	s8 =	ssub.s32 $0x0, s21;
	[sflag:s23] =	ssyncset.done $0x0  }
0xa4: {  	[sflag:s23] =	ssyncadd.s32 s8;
	_ =	sdelay $0x1  }
0xa5: {  	s24 =	simm.s32 $0x1B8B  }
0xa6: {  	_ =	swait.ge [sflag:s24], $0x1  }
0xa7: {  	[sflag:s24] =	ssyncset.done $0x0  }
0xa8: {  	s25 =	simm.s32 $0x1B8E;
	[sflag:s24] =	ssyncadd.s32 $0xFFFFFFFF  }
0xa9: {  	s26 =	simm.s32 $execute0_lowered;
	[smem:$0x3FD2] =	sst s25  }
0xaa: {  	s8 =	sshll.u32 s26, $0x1;
	_ =	strace $0x80000046;
	[dreg:$0x1] =	wrdreg $0xFFFFFFFF  }
0xab: {  	s28 =	simm.s32 $_size_execute0_lowered;
	s7 =	sadd.s32 s7, s8;
	[dreg:$0x0] =	wrdreg $0x0  }
0xac: {  	s8 =	sshll.u32 s28, $0x1;
	[dreg:$0x2] =	wrdreg s7  }
0xad: {  	[dreg:$0x3] =	wrdreg s8  }
0xae: {  	[dreg:$0x4] =	wrdreg $0xC0  }
0xaf: {  	_ =	task [dreg:s11], $0x5FFFF  }
0xb0: {  	[dreg:$0x1] =	wrdreg $0xFFFFFFFF  }
0xb1: {  	[dreg:$0x0] =	wrdreg $0x60  }
0xb2: {  	[dreg:$0x2] =	wrdreg s2  }
0xb3: {  	[dreg:$0x3] =	wrdreg s19  }
0xb4: {  	[dreg:$0x4] =	wrdreg s4  }
0xb5: {  	[dreg:$0x5] =	wrdreg s5  }
0xb6: {  	[dreg:$0x6] =	wrdreg s6  }
0xb7: {  	[dreg:$0x7] =	wrdreg $0x9  }
0xb8: {  	_ =	task.clear_ibuf [dreg:s11], $0x8FFFF;
	_ =	strace $0x90000046  }
0xb9: {  	s29 =	simm.s32 $0x9;
	_ =	strace $0x80000048  }
0xba: {  	_ =	swait.ge [sflag:s29], $0x1  }
0xbb: {  	[sflag:s29] =	ssyncadd.s32 $0xFFFFFFFF  }
0xbc: {  	_ =	strace $0x90000048  }
0xbd: {  	_ =	sfence  }
0xbe: {  	s30 =	sld [smem:$0x0];
	_ =	sdelay $0x2  }
0xbf: {  	s31 =	sshll.u32 s1, $0xD;
	s1 =	sshrl.u32 s1, $0x2  }
0xc0: {  	s3 =	sand.u32 $0x4000, s31;
	s1 =	sadd.s32 s1, s30  }
0xc1: {  	s0 =	sor.u32 s3, s0;
	s1 =	sshll.u32 s1, $0x11  }
0xc2: {  	s0 =	sor.u32 s1, s0  }
0xc3: {  	s0 =	sadd.s32 $0x8F2B, s0  }
0xc4: {  	[sflag:s0] =	ssyncadd.remote.s32 $0x1  }
0xc5: {  	_ =	sfence.sel $0xFFFF  }
0xc6: {  	[dreg:$0x0] =	wrdreg $0xFFFFFFFF;
	(pc) =	sbr.abs _section_cstart, $3  }
0xc7: {  	[dreg:$0x1] =	wrdreg $0xFFFFFFFF  }
0xc8: {  	_ =	task.clear_ibuf [dreg:s11], $0x2FFFF;
	_ =	strace $0x9FFFFFFF  }
0xc9: {  	(tm) =	ssettm $0x7FFFFFFF  }
tec
execute0_lowered:
.L_overlay_start_1:
0x0: {  	(tag) =	ssettag $0x1  }
0x1: {  	s1 =	rddreg [dreg:$0x0]  }
0x2: {  	s0 =	srdreg.scid;
	s2 =	rddreg [dreg:$0x1]  }
0x3: {  	s7 =	stileid.u32;
	s21 =	rddreg [dreg:$0x2];
	s4 =	simm.s32 $0x1  }
0x4: {  	s5 =	rddreg [dreg:$0x4];
	s6 =	simm.s32 $0x0;
	s26 =	simm.s32 $0x3  }
0x5: {  	s30 =	simm.s32 $0x16E00;
	s31 =	simm.s32 $0x17600;
	s3 =	sand.u32 $0x1, s0  }
0x6: {  	[smem:$0x7FF] =	sst s6;
	s11 =	sadd.s32 $0x100, s5;
	s12 =	sadd.s32 $0x200, s5  }
0x7: {  	s13 =	sadd.s32 $0x300, s5;
	s14 =	sadd.s32 $0x100, s1;
	s15 =	sadd.s32 $0x200, s1  }
0x8: {  	s16 =	sadd.s32 $0x300, s1;
	s17 =	sadd.s32 $0x100, s2;
	s0 =	sor.u32 s3, s7  }
0x9: {  	s18 =	sadd.s32 $0x200, s2;
	p1 =	seq.s32 s3, $0x1;
	p0 =	seq.s32 s0, $0x0  }
0xa: {  	s19 =	sadd.s32 $0x300, s2;
	s10 =	ssub.s32 $0x2, s3;
	p0 =	por !p0, !p1  }
0xb: {  	s8 =	sshll.u32 s3, $0xC;
	s23 =	sshrl.u32 s10, $0x1;
	p0 =	por !p0, !p0  }
0xc: {  	_ =	strace $0x80000047;
	s10 =	ssub.s32 s10, s23;
	s4 =	simm.s32 @!p0 $0x0  }
0xd: {  	s24 =	sshll.u32 s3, $0x9;
	s29 =	smax.u32 s10, $0x1;
	s7 =	ssub.s32 s7, s4  }
0xe: {  	s10 =	simm.s32 $0x2;
	[dreg:$0x7] =	wrdreg s29;
	s4 =	sshll.u32 s7, $0xA  }
0xf: {  	p0 =	sne.s32 s3, $0x0;
	s9 =	sshll.u32 s7, $0x7;
	s4 =	sand.u32 $0xFFFFE000, s4  }
.Ltmp0:
0x10: {  	v5 =	vlaneseq.u32;
	s22 =	sand.u32 $0x380, s9;
	s4 =	sor.u32 s8, s4;
	(pc) =	sbr.rel .LBB2_1-.Ltmp0, $4  }
0x11: {  	v16 =	vand.u32 $0x7, v5;
	v17 =	vmul.u32 $0x10, v5;
	s3 =	simm.s32 $0x17E00;
	s9 =	sor.u32 $0x1, s24;
	s4 =	sor.u32 s22, s4  }
0x12: {  	[tilespmem:$0x1FFE0] =	vst v16;
	s25 =	sshll.u32 s7, $0xB;
	s28 =	sshll.u32 s9, $0x4;
	s4 =	sshrl.u32 s4, $0x3  }
0x13: {  	vm0 =	vmmov $0xffff;
	v3 =	vshrl.u32 v5, $0x3;
	[tilespmem:$0x1FFF0] =	vst v17;
	v1 =	vmov s7;
	s8 =	simm.s32 $0x1;
	s20 =	sadd.s32 s28, s7;
	s0 =	sadd.s32 s21, s4  }
0x14: {  	v4 =	vor.u32 $0x8, v5;
	v3 =	vmul.u32 $0x8, v3;
	v0 =	vmov s25;
	[tilespmem:$0x1FFD0] =	vst v1;
	s22 =	simm.s32 $0x0;
	s21 =	simm.s32 $0x4;
	[dreg:$0x6] =	wrdreg s0  }
.LBB2_14:
0x15: {  	s0 =	simm.s32 $0x5  }
0x16: {  	_ =	swait.ge [sflag:s0], $0x4000  }
0x17: {  	[sflag:s0] =	ssyncset.done $0x0  }
0x18: {  	s29 =	simm.s32 $0x6;
	[sflag:s0] =	ssyncadd.s32 $0xFFFFC000  }
0x19: {  	_ =	swait.ge [sflag:s29], $0x4000  }
0x1a: {  	[sflag:s29] =	ssyncset.done $0x0  }
0x1b: {  	s0 =	simm.s32 @!p0 $0x7;
	[sflag:s29] =	ssyncadd.s32 $0xFFFFC000  }
0x1c: {  	_ =	swait.ge @!p0 [sflag:s0], $0x4000  }
0x1d: {  	s22 =	rddreg [dreg:$0x8]  }
0x1e: {  	s4 =	rddreg [dreg:$0x7];
	s22 =	sadd.s32 $0x1, s22  }
0x1f: {  	p1 =	sne.s32 s22, s4  }
.Ltmp1:
0x20: {  	_ = 	snop;
	(pc) =	sbr.rel @!p1 .LBB2_15-.Ltmp1, $3  }
0x21: {  	_ =	sdelay $0x1  }
0x22: {  	[sflag:s0] =	ssyncset.done @!p0 $0x0  }
0x23: {  	[sflag:s0] =	ssyncadd.s32 @!p0 $0xFFFFC000  }
.LBB2_1:
0x24: {  	[dreg:$0x8] =	wrdreg s22  }
0x25: {  	s0 =	rddreg [dreg:$0x6]  }
0x26: {  	s4 =	simm.s32 $0x80;
	s28 =	simm.s32 $0x400;
	s29 =	simm.s32 $0x8  }
0x27: {  	[tilespmem:s6], [sflag:$0x8] =	stream.strided.gather [hbm4b:s0+s4], $0x200, s28, s4, $0x38;
	[tilespmem:$0x1CF80] =	vst v63  }
0x28: {  	_ =	swait.ge [sflag:s29], $0x200  }
0x29: {  	[sflag:s29] =	ssyncset.done $0x0  }
0x2a: {  	s0 =	simm.s32 $0x0;
	[sflag:s29] =	ssyncadd.s32 $0xFFFFFE00  }
0x2b: {  	v6 =	vld [tilespmem:s0+$0x0]  }
0x2c: {  	s4 =	simm.s32 $0x40  }
.LBB2_2:
0x2d: {  	p1 =	sne.s32 s4, $0x7C0  }
.Ltmp2:
0x2e: {  	_ = 	snop;
	(pc) =	sbr.rel @p1 .LBB2_2-.Ltmp2, $4  }
0x2f: {  	_ = 	snop  }
0x30: {  	s22 =	sshra.s32 s4, $0x2;
	s4 =	sadd.s32 $0x40, s4;
	v7 =	vadd.s32 v0, v6;
	v8 =	vadd.s32 $0x1, v6  }
0x31: {  	v6 =	vld [tilespmem:s22+$0x0];
	[tilespmem:s0+$0x400] =	vst v8  }
0x32: {  	[tilespmem:s0+$0x200] =	vst v7;
	s0 =	smov.u32 s22  }
0x33: {  	_ = 	snop  }
.Ltmp3:
0x34: {  	_ = 	snop;
	(pc) =	sbr.rel @p0 .LBB2_7-.Ltmp3, $4  }
0x35: {  	_ = 	snop  }
0x36: {  	v7 =	vadd.s32 $0x1, v6  }
0x37: {  	v6 =	vadd.s32 v0, v6;
	[tilespmem:s0+$0x400] =	vst v7  }
0x38: {  	[tilespmem:s0+$0x200] =	vst v6  }
0x39: {  	s0 =	simm.s32 $0x0  }
0x3a: {  	s4 =	rddreg [dreg:$0x3];
	s22 =	simm.s32 $0x1C780;
	s23 =	simm.s32 $0x8  }
0x3b: {  	[tilespmem:s22], [sflag:$0x8] =	stream.linear.gather [hbm4b:s4+s0], $0x400, $0x38;
	[tilespmem:$0x1CF80] =	vst v63  }
0x3c: {  	_ =	swait.ge [sflag:s23], $0x400  }
0x3d: {  	s28 =	simm.s32 $0x80;
	[sflag:s23] =	ssyncset.done $0x0  }
0x3e: {  	s29 =	simm.s32 $0x400;
	s24 =	simm.s32 $0x1CB80;
	[sflag:s23] =	ssyncadd.s32 $0xFFFFFC00  }
0x3f: {  	[tilespmem:s24], [sflag:$0x8] =	stream.strided.gather [hbm4b:s2+s28], $0x400, s29, s28, $0x38;
	[tilespmem:$0x1CF80] =	vst v63  }
0x40: {  	_ =	swait.ge [sflag:s23], $0x400  }
0x41: {  	v1 =	vld [tilespmem:$0x1FFD0];
	_ =	sdelay $0x2  }
0x42: {  	[sflag:s23] =	ssyncset.done $0x0  }
0x43: {  	[sflag:s23] =	ssyncadd.s32 $0xFFFFFC00  }
0x44: {  	s22 =	simm.s32 $0xFFFFC000;
	s24 =	simm.s32 $0x0;
	s23 =	simm.s32 $0x0;
	[tilespmem:$0x18700] =	vst v1  }
.LBB2_5:
0x45: {  	v6 =	vld [tilespmem:$0x1C780]  }
0x46: {  	v7 =	vld [tilespmem:$0x1CB80];
	_ =	sdelay $0x3  }
0x47: {  	s4 =	sadd.s32 $0x4000, s22  }
0x48: {  	s25 =	sand.u32 $0x380, s24;
	s4 =	sand.u32 $0x2000, s4;
	v6 =	vadd.f32 v7, v6  }
0x49: {  	s4 =	sor.u32 s25, s4  }
0x4a: {  	[tilespmem:s4+$0x18780] =	vst v6  }
0x4b: {  	v6 =	vld [tilespmem:$0x1C790]  }
0x4c: {  	v7 =	vld [tilespmem:$0x1CB90];
	_ =	sdelay $0x4  }
0x4d: {  	v6 =	vadd.f32 v7, v6  }
0x4e: {  	s4 =	sadd.s32 $0x18780, s4  }
0x4f: {  	[tilespmem:s4+$0x10] =	vst v6  }
0x50: {  	v6 =	vld [tilespmem:$0x1C7A0]  }
0x51: {  	v7 =	vld [tilespmem:$0x1CBA0];
	_ =	sdelay $0x4  }
0x52: {  	v6 =	vadd.f32 v7, v6;
	_ =	sdelay $0x1  }
0x53: {  	[tilespmem:s4+$0x20] =	vst v6  }
0x54: {  	v6 =	vld [tilespmem:$0x1C7B0]  }
0x55: {  	v7 =	vld [tilespmem:$0x1CBB0];
	_ =	sdelay $0x4  }
0x56: {  	v6 =	vadd.f32 v7, v6;
	_ =	sdelay $0x1  }
0x57: {  	[tilespmem:s4+$0x30] =	vst v6  }
0x58: {  	v6 =	vld [tilespmem:$0x1C7C0]  }
0x59: {  	v7 =	vld [tilespmem:$0x1CBC0];
	_ =	sdelay $0x4  }
0x5a: {  	v6 =	vadd.f32 v7, v6;
	_ =	sdelay $0x1  }
0x5b: {  	[tilespmem:s4+$0x40] =	vst v6  }
0x5c: {  	v6 =	vld [tilespmem:$0x1C7D0]  }
0x5d: {  	v7 =	vld [tilespmem:$0x1CBD0];
	_ =	sdelay $0x4  }
0x5e: {  	v6 =	vadd.f32 v7, v6;
	_ =	sdelay $0x1  }
0x5f: {  	[tilespmem:s4+$0x50] =	vst v6  }
0x60: {  	v6 =	vld [tilespmem:$0x1C7E0]  }
0x61: {  	v7 =	vld [tilespmem:$0x1CBE0];
	_ =	sdelay $0x4  }
0x62: {  	v6 =	vadd.f32 v7, v6;
	_ =	sdelay $0x1  }
0x63: {  	[tilespmem:s4+$0x60] =	vst v6  }
0x64: {  	v6 =	vld [tilespmem:$0x1C7F0]  }
0x65: {  	v7 =	vld [tilespmem:$0x1CBF0];
	_ =	sdelay $0x4  }
0x66: {  	v6 =	vadd.f32 v7, v6;
	_ =	sdelay $0x1  }
0x67: {  	[tilespmem:s4+$0x70] =	vst v6  }
0x68: {  	v6 =	vld [tilespmem:$0x1C800]  }
0x69: {  	v7 =	vld [tilespmem:$0x1CC00];
	_ =	sdelay $0x4  }
0x6a: {  	v6 =	vadd.f32 v7, v6;
	_ =	sdelay $0x1  }
0x6b: {  	[tilespmem:s4+$0x400] =	vst v6  }
0x6c: {  	v6 =	vld [tilespmem:$0x1C810]  }
0x6d: {  	v7 =	vld [tilespmem:$0x1CC10];
	_ =	sdelay $0x4  }
0x6e: {  	v6 =	vadd.f32 v7, v6;
	_ =	sdelay $0x1  }
0x6f: {  	[tilespmem:s4+$0x410] =	vst v6  }
0x70: {  	v6 =	vld [tilespmem:$0x1C820]  }
0x71: {  	v7 =	vld [tilespmem:$0x1CC20];
	_ =	sdelay $0x4  }
0x72: {  	v6 =	vadd.f32 v7, v6;
	_ =	sdelay $0x1  }
0x73: {  	[tilespmem:s4+$0x420] =	vst v6  }
0x74: {  	v6 =	vld [tilespmem:$0x1C830]  }
0x75: {  	v7 =	vld [tilespmem:$0x1CC30];
	_ =	sdelay $0x4  }
0x76: {  	v6 =	vadd.f32 v7, v6;
	_ =	sdelay $0x1  }
0x77: {  	[tilespmem:s4+$0x430] =	vst v6  }
0x78: {  	v6 =	vld [tilespmem:$0x1C840]  }
0x79: {  	v7 =	vld [tilespmem:$0x1CC40];
	_ =	sdelay $0x4  }
0x7a: {  	v6 =	vadd.f32 v7, v6;
	_ =	sdelay $0x1  }
0x7b: {  	[tilespmem:s4+$0x440] =	vst v6  }
0x7c: {  	v6 =	vld [tilespmem:$0x1C850]  }
0x7d: {  	v7 =	vld [tilespmem:$0x1CC50];
	_ =	sdelay $0x4  }
0x7e: {  	v6 =	vadd.f32 v7, v6;
	_ =	sdelay $0x1  }
0x7f: {  	[tilespmem:s4+$0x450] =	vst v6  }
0x80: {  	v6 =	vld [tilespmem:$0x1C860]  }
0x81: {  	v7 =	vld [tilespmem:$0x1CC60];
	_ =	sdelay $0x4  }
0x82: {  	v6 =	vadd.f32 v7, v6;
	_ =	sdelay $0x1  }
0x83: {  	[tilespmem:s4+$0x460] =	vst v6  }
0x84: {  	v6 =	vld [tilespmem:$0x1C870]  }
0x85: {  	v7 =	vld [tilespmem:$0x1CC70];
	_ =	sdelay $0x4  }
0x86: {  	v6 =	vadd.f32 v7, v6;
	_ =	sdelay $0x1  }
0x87: {  	[tilespmem:s4+$0x470] =	vst v6  }
0x88: {  	v6 =	vld [tilespmem:$0x1C880]  }
0x89: {  	v7 =	vld [tilespmem:$0x1CC80];
	_ =	sdelay $0x4  }
0x8a: {  	v6 =	vadd.f32 v7, v6;
	_ =	sdelay $0x1  }
0x8b: {  	[tilespmem:s4+$0x800] =	vst v6  }
0x8c: {  	v6 =	vld [tilespmem:$0x1C890]  }
0x8d: {  	v7 =	vld [tilespmem:$0x1CC90];
	_ =	sdelay $0x4  }
0x8e: {  	v6 =	vadd.f32 v7, v6;
	_ =	sdelay $0x1  }
0x8f: {  	[tilespmem:s4+$0x810] =	vst v6  }
0x90: {  	v6 =	vld [tilespmem:$0x1C8A0]  }
0x91: {  	v7 =	vld [tilespmem:$0x1CCA0];
	_ =	sdelay $0x4  }
0x92: {  	v6 =	vadd.f32 v7, v6;
	_ =	sdelay $0x1  }
0x93: {  	[tilespmem:s4+$0x820] =	vst v6  }
0x94: {  	v6 =	vld [tilespmem:$0x1C8B0]  }
0x95: {  	v7 =	vld [tilespmem:$0x1CCB0];
	_ =	sdelay $0x4  }
0x96: {  	v6 =	vadd.f32 v7, v6;
	_ =	sdelay $0x1  }
0x97: {  	[tilespmem:s4+$0x830] =	vst v6  }
0x98: {  	v6 =	vld [tilespmem:$0x1C8C0]  }
0x99: {  	v7 =	vld [tilespmem:$0x1CCC0];
	_ =	sdelay $0x4  }
0x9a: {  	v6 =	vadd.f32 v7, v6;
	_ =	sdelay $0x1  }
0x9b: {  	[tilespmem:s4+$0x840] =	vst v6  }
0x9c: {  	v6 =	vld [tilespmem:$0x1C8D0]  }
0x9d: {  	v7 =	vld [tilespmem:$0x1CCD0];
	_ =	sdelay $0x4  }
0x9e: {  	v6 =	vadd.f32 v7, v6;
	_ =	sdelay $0x1  }
0x9f: {  	[tilespmem:s4+$0x850] =	vst v6  }
0xa0: {  	v6 =	vld [tilespmem:$0x1C8E0]  }
0xa1: {  	v7 =	vld [tilespmem:$0x1CCE0];
	_ =	sdelay $0x4  }
0xa2: {  	v6 =	vadd.f32 v7, v6;
	_ =	sdelay $0x1  }
0xa3: {  	[tilespmem:s4+$0x860] =	vst v6  }
0xa4: {  	v6 =	vld [tilespmem:$0x1C8F0]  }
0xa5: {  	v7 =	vld [tilespmem:$0x1CCF0];
	_ =	sdelay $0x4  }
0xa6: {  	v6 =	vadd.f32 v7, v6;
	_ =	sdelay $0x1  }
0xa7: {  	[tilespmem:s4+$0x870] =	vst v6  }
0xa8: {  	v6 =	vld [tilespmem:$0x1C900]  }
0xa9: {  	v7 =	vld [tilespmem:$0x1CD00];
	_ =	sdelay $0x4  }
0xaa: {  	v6 =	vadd.f32 v7, v6;
	_ =	sdelay $0x1  }
0xab: {  	[tilespmem:s4+$0xC00] =	vst v6  }
0xac: {  	v6 =	vld [tilespmem:$0x1C910]  }
0xad: {  	v7 =	vld [tilespmem:$0x1CD10];
	_ =	sdelay $0x4  }
0xae: {  	v6 =	vadd.f32 v7, v6;
	_ =	sdelay $0x1  }
0xaf: {  	[tilespmem:s4+$0xC10] =	vst v6  }
0xb0: {  	v6 =	vld [tilespmem:$0x1C920]  }
0xb1: {  	v7 =	vld [tilespmem:$0x1CD20];
	_ =	sdelay $0x4  }
0xb2: {  	v6 =	vadd.f32 v7, v6;
	_ =	sdelay $0x1  }
0xb3: {  	[tilespmem:s4+$0xC20] =	vst v6  }
0xb4: {  	v6 =	vld [tilespmem:$0x1C930]  }
0xb5: {  	v7 =	vld [tilespmem:$0x1CD30];
	_ =	sdelay $0x4  }
0xb6: {  	v6 =	vadd.f32 v7, v6;
	_ =	sdelay $0x1  }
0xb7: {  	[tilespmem:s4+$0xC30] =	vst v6  }
0xb8: {  	v6 =	vld [tilespmem:$0x1C940]  }
0xb9: {  	v7 =	vld [tilespmem:$0x1CD40];
	_ =	sdelay $0x4  }
0xba: {  	v6 =	vadd.f32 v7, v6;
	_ =	sdelay $0x1  }
0xbb: {  	[tilespmem:s4+$0xC40] =	vst v6  }
0xbc: {  	v6 =	vld [tilespmem:$0x1C950]  }
0xbd: {  	v7 =	vld [tilespmem:$0x1CD50];
	_ =	sdelay $0x4  }
0xbe: {  	v6 =	vadd.f32 v7, v6;
	_ =	sdelay $0x1  }
0xbf: {  	[tilespmem:s4+$0xC50] =	vst v6  }
0xc0: {  	v6 =	vld [tilespmem:$0x1C960]  }
0xc1: {  	v7 =	vld [tilespmem:$0x1CD60];
	_ =	sdelay $0x4  }
0xc2: {  	v6 =	vadd.f32 v7, v6;
	_ =	sdelay $0x1  }
0xc3: {  	[tilespmem:s4+$0xC60] =	vst v6  }
0xc4: {  	v6 =	vld [tilespmem:$0x1C970]  }
0xc5: {  	v7 =	vld [tilespmem:$0x1CD70];
	_ =	sdelay $0x4  }
0xc6: {  	v6 =	vadd.f32 v7, v6;
	_ =	sdelay $0x1  }
0xc7: {  	[tilespmem:s4+$0xC70] =	vst v6  }
0xc8: {  	v6 =	vld [tilespmem:$0x1C980]  }
0xc9: {  	v7 =	vld [tilespmem:$0x1CD80];
	_ =	sdelay $0x4  }
0xca: {  	v6 =	vadd.f32 v7, v6;
	_ =	sdelay $0x1  }
0xcb: {  	[tilespmem:s4+$0x1000] =	vst v6  }
0xcc: {  	v6 =	vld [tilespmem:$0x1C990]  }
0xcd: {  	v7 =	vld [tilespmem:$0x1CD90];
	_ =	sdelay $0x4  }
0xce: {  	v6 =	vadd.f32 v7, v6;
	_ =	sdelay $0x1  }
0xcf: {  	[tilespmem:s4+$0x1010] =	vst v6  }
0xd0: {  	v6 =	vld [tilespmem:$0x1C9A0]  }
0xd1: {  	v7 =	vld [tilespmem:$0x1CDA0];
	_ =	sdelay $0x4  }
0xd2: {  	v6 =	vadd.f32 v7, v6;
	_ =	sdelay $0x1  }
0xd3: {  	[tilespmem:s4+$0x1020] =	vst v6  }
0xd4: {  	v6 =	vld [tilespmem:$0x1C9B0]  }
0xd5: {  	v7 =	vld [tilespmem:$0x1CDB0];
	_ =	sdelay $0x4  }
0xd6: {  	v6 =	vadd.f32 v7, v6;
	_ =	sdelay $0x1  }
0xd7: {  	[tilespmem:s4+$0x1030] =	vst v6  }
0xd8: {  	v6 =	vld [tilespmem:$0x1C9C0]  }
0xd9: {  	v7 =	vld [tilespmem:$0x1CDC0];
	_ =	sdelay $0x4  }
0xda: {  	v6 =	vadd.f32 v7, v6;
	_ =	sdelay $0x1  }
0xdb: {  	[tilespmem:s4+$0x1040] =	vst v6  }
0xdc: {  	v6 =	vld [tilespmem:$0x1C9D0]  }
0xdd: {  	v7 =	vld [tilespmem:$0x1CDD0];
	_ =	sdelay $0x4  }
0xde: {  	v6 =	vadd.f32 v7, v6;
	_ =	sdelay $0x1  }
0xdf: {  	[tilespmem:s4+$0x1050] =	vst v6  }
0xe0: {  	v6 =	vld [tilespmem:$0x1C9E0]  }
0xe1: {  	v7 =	vld [tilespmem:$0x1CDE0];
	_ =	sdelay $0x4  }
0xe2: {  	v6 =	vadd.f32 v7, v6;
	_ =	sdelay $0x1  }
0xe3: {  	[tilespmem:s4+$0x1060] =	vst v6  }
0xe4: {  	v6 =	vld [tilespmem:$0x1C9F0]  }
0xe5: {  	v7 =	vld [tilespmem:$0x1CDF0];
	_ =	sdelay $0x4  }
0xe6: {  	v6 =	vadd.f32 v7, v6;
	_ =	sdelay $0x1  }
0xe7: {  	[tilespmem:s4+$0x1070] =	vst v6  }
0xe8: {  	v6 =	vld [tilespmem:$0x1CA00]  }
0xe9: {  	v7 =	vld [tilespmem:$0x1CE00];
	_ =	sdelay $0x4  }
0xea: {  	v6 =	vadd.f32 v7, v6;
	_ =	sdelay $0x1  }
0xeb: {  	[tilespmem:s4+$0x1400] =	vst v6  }
0xec: {  	v6 =	vld [tilespmem:$0x1CA10]  }
0xed: {  	v7 =	vld [tilespmem:$0x1CE10];
	_ =	sdelay $0x4  }
0xee: {  	v6 =	vadd.f32 v7, v6;
	_ =	sdelay $0x1  }
0xef: {  	[tilespmem:s4+$0x1410] =	vst v6  }
0xf0: {  	v6 =	vld [tilespmem:$0x1CA20]  }
0xf1: {  	v7 =	vld [tilespmem:$0x1CE20];
	_ =	sdelay $0x4  }
0xf2: {  	v6 =	vadd.f32 v7, v6;
	_ =	sdelay $0x1  }
0xf3: {  	[tilespmem:s4+$0x1420] =	vst v6  }
0xf4: {  	v6 =	vld [tilespmem:$0x1CA30]  }
0xf5: {  	v7 =	vld [tilespmem:$0x1CE30];
	_ =	sdelay $0x4  }
0xf6: {  	v6 =	vadd.f32 v7, v6;
	_ =	sdelay $0x1  }
0xf7: {  	[tilespmem:s4+$0x1430] =	vst v6  }
0xf8: {  	v6 =	vld [tilespmem:$0x1CA40]  }
0xf9: {  	v7 =	vld [tilespmem:$0x1CE40];
	_ =	sdelay $0x4  }
0xfa: {  	v6 =	vadd.f32 v7, v6;
	_ =	sdelay $0x1  }
0xfb: {  	[tilespmem:s4+$0x1440] =	vst v6  }
0xfc: {  	v6 =	vld [tilespmem:$0x1CA50]  }
0xfd: {  	v7 =	vld [tilespmem:$0x1CE50];
	_ =	sdelay $0x4  }
0xfe: {  	v6 =	vadd.f32 v7, v6;
	_ =	sdelay $0x1  }
0xff: {  	[tilespmem:s4+$0x1450] =	vst v6  }
0x100: {  	v6 =	vld [tilespmem:$0x1CA60]  }
0x101: {  	v7 =	vld [tilespmem:$0x1CE60];
	_ =	sdelay $0x4  }
0x102: {  	v6 =	vadd.f32 v7, v6;
	_ =	sdelay $0x1  }
0x103: {  	[tilespmem:s4+$0x1460] =	vst v6  }
0x104: {  	v6 =	vld [tilespmem:$0x1CA70]  }
0x105: {  	v7 =	vld [tilespmem:$0x1CE70];
	_ =	sdelay $0x4  }
0x106: {  	v6 =	vadd.f32 v7, v6;
	_ =	sdelay $0x1  }
0x107: {  	[tilespmem:s4+$0x1470] =	vst v6  }
0x108: {  	v6 =	vld [tilespmem:$0x1CA80]  }
0x109: {  	v7 =	vld [tilespmem:$0x1CE80];
	_ =	sdelay $0x4  }
0x10a: {  	v6 =	vadd.f32 v7, v6;
	_ =	sdelay $0x1  }
0x10b: {  	[tilespmem:s4+$0x1800] =	vst v6  }
0x10c: {  	v6 =	vld [tilespmem:$0x1CA90]  }
0x10d: {  	v7 =	vld [tilespmem:$0x1CE90];
	_ =	sdelay $0x4  }
0x10e: {  	v6 =	vadd.f32 v7, v6;
	_ =	sdelay $0x1  }
0x10f: {  	[tilespmem:s4+$0x1810] =	vst v6  }
0x110: {  	v6 =	vld [tilespmem:$0x1CAA0]  }
0x111: {  	v7 =	vld [tilespmem:$0x1CEA0];
	_ =	sdelay $0x4  }
0x112: {  	v6 =	vadd.f32 v7, v6;
	_ =	sdelay $0x1  }
0x113: {  	[tilespmem:s4+$0x1820] =	vst v6  }
0x114: {  	v6 =	vld [tilespmem:$0x1CAB0]  }
0x115: {  	v7 =	vld [tilespmem:$0x1CEB0];
	_ =	sdelay $0x4  }
0x116: {  	v6 =	vadd.f32 v7, v6;
	_ =	sdelay $0x1  }
0x117: {  	[tilespmem:s4+$0x1830] =	vst v6  }
0x118: {  	v6 =	vld [tilespmem:$0x1CAC0]  }
0x119: {  	v7 =	vld [tilespmem:$0x1CEC0];
	_ =	sdelay $0x4  }
0x11a: {  	v6 =	vadd.f32 v7, v6;
	_ =	sdelay $0x1  }
0x11b: {  	[tilespmem:s4+$0x1840] =	vst v6  }
0x11c: {  	v6 =	vld [tilespmem:$0x1CAD0]  }
0x11d: {  	v7 =	vld [tilespmem:$0x1CED0];
	_ =	sdelay $0x4  }
0x11e: {  	v6 =	vadd.f32 v7, v6;
	_ =	sdelay $0x1  }
0x11f: {  	[tilespmem:s4+$0x1850] =	vst v6  }
0x120: {  	v6 =	vld [tilespmem:$0x1CAE0]  }
0x121: {  	v7 =	vld [tilespmem:$0x1CEE0];
	_ =	sdelay $0x4  }
0x122: {  	v6 =	vadd.f32 v7, v6;
	_ =	sdelay $0x1  }
0x123: {  	[tilespmem:s4+$0x1860] =	vst v6  }
0x124: {  	v6 =	vld [tilespmem:$0x1CAF0]  }
0x125: {  	v7 =	vld [tilespmem:$0x1CEF0];
	_ =	sdelay $0x4  }
0x126: {  	v6 =	vadd.f32 v7, v6;
	_ =	sdelay $0x1  }
0x127: {  	[tilespmem:s4+$0x1870] =	vst v6  }
0x128: {  	v6 =	vld [tilespmem:$0x1CB00]  }
0x129: {  	v7 =	vld [tilespmem:$0x1CF00];
	_ =	sdelay $0x2  }
0x12a: {  	s28 =	sand.u32 $0x7, s0  }
0x12b: {  	s4 =	sshll.u32 s28, $0x7  }
0x12c: {  	s4 =	sadd.s32 s4, s23;
	v6 =	vadd.f32 v7, v6  }
0x12d: {  	s29 =	sor.u32 $0x1C00, s4  }
0x12e: {  	[tilespmem:s29+$0x18780] =	vst v6  }
0x12f: {  	v6 =	vld [tilespmem:$0x1CB10]  }
0x130: {  	v7 =	vld [tilespmem:$0x1CF10];
	_ =	sdelay $0x4  }
0x131: {  	v6 =	vadd.f32 v7, v6  }
0x132: {  	s28 =	sor.u32 $0x1C10, s4  }
0x133: {  	[tilespmem:s28+$0x18780] =	vst v6  }
0x134: {  	v6 =	vld [tilespmem:$0x1CB20]  }
0x135: {  	v7 =	vld [tilespmem:$0x1CF20];
	_ =	sdelay $0x4  }
0x136: {  	v6 =	vadd.f32 v7, v6  }
0x137: {  	s29 =	sor.u32 $0x1C20, s4  }
0x138: {  	[tilespmem:s29+$0x18780] =	vst v6  }
0x139: {  	v6 =	vld [tilespmem:$0x1CB30]  }
0x13a: {  	v7 =	vld [tilespmem:$0x1CF30];
	_ =	sdelay $0x4  }
0x13b: {  	v6 =	vadd.f32 v7, v6  }
0x13c: {  	s28 =	sor.u32 $0x1C30, s4  }
0x13d: {  	[tilespmem:s28+$0x18780] =	vst v6  }
0x13e: {  	v6 =	vld [tilespmem:$0x1CB40]  }
0x13f: {  	v7 =	vld [tilespmem:$0x1CF40];
	_ =	sdelay $0x4  }
0x140: {  	v6 =	vadd.f32 v7, v6  }
0x141: {  	s29 =	sor.u32 $0x1C40, s4  }
0x142: {  	[tilespmem:s29+$0x18780] =	vst v6  }
0x143: {  	v6 =	vld [tilespmem:$0x1CB50]  }
0x144: {  	v7 =	vld [tilespmem:$0x1CF50];
	_ =	sdelay $0x4  }
0x145: {  	v6 =	vadd.f32 v7, v6  }
0x146: {  	s28 =	sor.u32 $0x1C50, s4  }
0x147: {  	[tilespmem:s28+$0x18780] =	vst v6  }
0x148: {  	v6 =	vld [tilespmem:$0x1CB60]  }
0x149: {  	v7 =	vld [tilespmem:$0x1CF60];
	_ =	sdelay $0x4  }
0x14a: {  	v6 =	vadd.f32 v7, v6  }
0x14b: {  	s29 =	sor.u32 $0x1C60, s4  }
0x14c: {  	[tilespmem:s29+$0x18780] =	vst v6  }
0x14d: {  	v6 =	vld [tilespmem:$0x1CB70]  }
0x14e: {  	v7 =	vld [tilespmem:$0x1CF70];
	_ =	sdelay $0x1  }
0x14f: {  	p1 =	sne.s32 s24, $0x780  }
.Ltmp4:
0x150: {  	_ = 	snop;
	(pc) =	sbr.rel @p1 .LBB2_5-.Ltmp4, $4  }
0x151: {  	_ = 	snop  }
0x152: {  	v6 =	vadd.f32 v7, v6  }
0x153: {  	s0 =	sadd.s32 $0x1, s0;
	s4 =	sor.u32 $0x1C70, s4  }
0x154: {  	s22 =	sadd.s32 $0x400, s22;
	s24 =	sadd.s32 $0x80, s24;
	s23 =	sadd.s32 $0x400, s23;
	[tilespmem:s4+$0x18780] =	vst v6  }
0x155: {  	v6 =	vld [tilespmem:$0x18700];
	_ =	sdelay $0x4  }
0x156: {  	v7 =	vshll.u32 v6, $0x3  }
0x157: {  	v6 =	vand.u32 $0x7, v6;
	v7 =	vand.u32 $0xFFFFFFC0, v7  }
0x158: {  	v6 =	vor.u32 v6, v7  }
0x159: {  	v7 =	vperm.xlane v6, v16;
	_ =	sdelay $0x1  }
0x15a: {  	v7 =	vadd.s32 v3, v7;
	_ =	sdelay $0x3  }
0x15b: {  	s0 =	simm.s32 $0x18780  }
0x15c: {  	[hbm4b:s5+s6] =	stream.indirect_vreg.scatter [tilespmem:s0], [sflag:$0x7], $0x80, v7, vm0, $0xb8;
	[tilespmem:$0x1CF80] =	vst v63  }
0x15d: {  	s4 =	simm.s32 $0x18F80;
	v6 =	vperm.xlane v6, v4  }
0x15e: {  	[hbm4b:s11+s6] =	stream.indirect_vreg.scatter [tilespmem:s4], [sflag:$0x7], $0x80, v7, vm0, $0xb8;
	[tilespmem:$0x1CF80] =	vst v63  }
0x15f: {  	s22 =	simm.s32 $0x19780;
	v6 =	vadd.s32 v3, v6  }
0x160: {  	[hbm4b:s12+s6] =	stream.indirect_vreg.scatter [tilespmem:s22], [sflag:$0x7], $0x80, v7, vm0, $0xb8;
	[tilespmem:$0x1CF80] =	vst v63  }
0x161: {  	s23 =	simm.s32 $0x19F80  }
0x162: {  	[hbm4b:s13+s6] =	stream.indirect_vreg.scatter [tilespmem:s23], [sflag:$0x7], $0x80, v7, vm0, $0xb8;
	[tilespmem:$0x1CF80] =	vst v63  }
0x163: {  	s24 =	simm.s32 $0x1A780  }
0x164: {  	[hbm4b:s5+s6] =	stream.indirect_vreg.scatter [tilespmem:s24], [sflag:$0x7], $0x80, v6, vm0, $0xb8;
	[tilespmem:$0x1CF80] =	vst v63  }
0x165: {  	s25 =	simm.s32 $0x1AF80  }
0x166: {  	[hbm4b:s11+s6] =	stream.indirect_vreg.scatter [tilespmem:s25], [sflag:$0x7], $0x80, v6, vm0, $0xb8;
	[tilespmem:$0x1CF80] =	vst v63  }
0x167: {  	s28 =	simm.s32 $0x1B780  }
0x168: {  	[hbm4b:s12+s6] =	stream.indirect_vreg.scatter [tilespmem:s28], [sflag:$0x7], $0x80, v6, vm0, $0xb8;
	[tilespmem:$0x1CF80] =	vst v63  }
0x169: {  	s29 =	simm.s32 $0x1BF80  }
0x16a: {  	[hbm4b:s13+s6] =	stream.indirect_vreg.scatter [tilespmem:s29], [sflag:$0x7], $0x80, v6, vm0, $0xb8;
	[tilespmem:$0x1CF80] =	vst v63  }
.LBB2_7:
0x16b: {  	v6 =	vld [tilespmem:$0x200];
	_ =	sdelay $0x4  }
0x16c: {  	v7 =	vshll.u32 v6, $0x3  }
0x16d: {  	v6 =	vand.u32 $0x7, v6;
	v7 =	vand.u32 $0xFFFFFFC0, v7  }
0x16e: {  	v6 =	vor.u32 v6, v7  }
0x16f: {  	v7 =	vperm.xlane v6, v16;
	_ =	sdelay $0x1  }
0x170: {  	v7 =	vadd.s32 v3, v7;
	_ =	sdelay $0x3  }
0x171: {  	s0 =	simm.s32 $0x0;
	s4 =	simm.s32 $0x600  }
0x172: {  	[tilespmem:s4], [sflag:$0x1] =	stream.indirect_vreg.gather [hbm4b:s1+s0], $0x80, v7, vm0, $0xb8;
	[tilespmem:$0x1CF80] =	vst v63  }
0x173: {  	s29 =	simm.s32 $0xE00;
	v6 =	vperm.xlane v6, v4  }
0x174: {  	[tilespmem:s29], [sflag:$0x1] =	stream.indirect_vreg.gather [hbm4b:s14+s0], $0x80, v7, vm0, $0xb8;
	[tilespmem:$0x1CF80] =	vst v63  }
0x175: {  	s22 =	simm.s32 $0x1600;
	v6 =	vadd.s32 v3, v6  }
0x176: {  	[tilespmem:s22], [sflag:$0x1] =	stream.indirect_vreg.gather [hbm4b:s15+s0], $0x80, v7, vm0, $0xb8;
	[tilespmem:$0x1CF80] =	vst v63  }
0x177: {  	s23 =	simm.s32 $0x1E00  }
0x178: {  	[tilespmem:s23], [sflag:$0x1] =	stream.indirect_vreg.gather [hbm4b:s16+s0], $0x80, v7, vm0, $0xb8;
	[tilespmem:$0x1CF80] =	vst v63  }
0x179: {  	s24 =	simm.s32 $0x2600  }
0x17a: {  	[tilespmem:s24], [sflag:$0x1] =	stream.indirect_vreg.gather [hbm4b:s1+s0], $0x80, v6, vm0, $0xb8;
	[tilespmem:$0x1CF80] =	vst v63  }
0x17b: {  	s25 =	simm.s32 $0x2E00  }
0x17c: {  	[tilespmem:s25], [sflag:$0x1] =	stream.indirect_vreg.gather [hbm4b:s14+s0], $0x80, v6, vm0, $0xb8;
	[tilespmem:$0x1CF80] =	vst v63  }
0x17d: {  	s28 =	simm.s32 $0x3600  }
0x17e: {  	[tilespmem:s28], [sflag:$0x1] =	stream.indirect_vreg.gather [hbm4b:s15+s0], $0x80, v6, vm0, $0xb8;
	[tilespmem:$0x1CF80] =	vst v63  }
0x17f: {  	s29 =	simm.s32 $0x3E00  }
0x180: {  	[tilespmem:s29], [sflag:$0x1] =	stream.indirect_vreg.gather [hbm4b:s16+s0], $0x80, v6, vm0, $0xb8;
	[tilespmem:$0x1CF80] =	vst v63  }
0x181: {  	v6 =	vld [tilespmem:$0x400];
	_ =	sdelay $0x4  }
0x182: {  	v7 =	vshll.u32 v6, $0x3  }
0x183: {  	v6 =	vand.u32 $0x7, v6;
	v7 =	vand.u32 $0xFFFFFFC0, v7  }
0x184: {  	v6 =	vor.u32 v6, v7  }
0x185: {  	v7 =	vperm.xlane v6, v16;
	_ =	sdelay $0x1  }
0x186: {  	v7 =	vadd.s32 v3, v7;
	_ =	sdelay $0x3  }
0x187: {  	s22 =	simm.s32 $0x8600  }
0x188: {  	[tilespmem:s22], [sflag:$0x3] =	stream.indirect_vreg.gather [hbm4b:s2+s0], $0x80, v7, vm0, $0xb8;
	[tilespmem:$0x1CF80] =	vst v63  }
0x189: {  	s23 =	simm.s32 $0x8E00;
	v6 =	vperm.xlane v6, v4  }
0x18a: {  	[tilespmem:s23], [sflag:$0x3] =	stream.indirect_vreg.gather [hbm4b:s17+s0], $0x80, v7, vm0, $0xb8;
	[tilespmem:$0x1CF80] =	vst v63  }
0x18b: {  	s24 =	simm.s32 $0x9600;
	v6 =	vadd.s32 v3, v6  }
0x18c: {  	[tilespmem:s24], [sflag:$0x3] =	stream.indirect_vreg.gather [hbm4b:s18+s0], $0x80, v7, vm0, $0xb8;
	[tilespmem:$0x1CF80] =	vst v63  }
0x18d: {  	s25 =	simm.s32 $0x9E00  }
0x18e: {  	[tilespmem:s25], [sflag:$0x3] =	stream.indirect_vreg.gather [hbm4b:s19+s0], $0x80, v7, vm0, $0xb8;
	[tilespmem:$0x1CF80] =	vst v63  }
0x18f: {  	s28 =	simm.s32 $0xA600  }
0x190: {  	[tilespmem:s28], [sflag:$0x3] =	stream.indirect_vreg.gather [hbm4b:s2+s0], $0x80, v6, vm0, $0xb8;
	[tilespmem:$0x1CF80] =	vst v63  }
0x191: {  	s29 =	simm.s32 $0xAE00  }
0x192: {  	[tilespmem:s29], [sflag:$0x3] =	stream.indirect_vreg.gather [hbm4b:s17+s0], $0x80, v6, vm0, $0xb8;
	[tilespmem:$0x1CF80] =	vst v63  }
0x193: {  	s22 =	simm.s32 $0xB600  }
0x194: {  	[tilespmem:s22], [sflag:$0x3] =	stream.indirect_vreg.gather [hbm4b:s18+s0], $0x80, v6, vm0, $0xb8;
	[tilespmem:$0x1CF80] =	vst v63  }
0x195: {  	s23 =	simm.s32 $0xBE00  }
0x196: {  	[tilespmem:s23], [sflag:$0x3] =	stream.indirect_vreg.gather [hbm4b:s19+s0], $0x80, v6, vm0, $0xb8;
	[tilespmem:$0x1CF80] =	vst v63  }
0x197: {  	v6 =	vld [tilespmem:$0x210];
	_ =	sdelay $0x4  }
0x198: {  	v7 =	vshll.u32 v6, $0x3  }
0x199: {  	v6 =	vand.u32 $0x7, v6;
	v7 =	vand.u32 $0xFFFFFFC0, v7  }
0x19a: {  	v6 =	vor.u32 v6, v7  }
0x19b: {  	v7 =	vperm.xlane v6, v16;
	_ =	sdelay $0x1  }
0x19c: {  	v7 =	vadd.s32 v3, v7;
	_ =	sdelay $0x3  }
0x19d: {  	s24 =	simm.s32 $0x4600  }
0x19e: {  	[tilespmem:s24], [sflag:$0x2] =	stream.indirect_vreg.gather [hbm4b:s1+s0], $0x80, v7, vm0, $0xb8;
	[tilespmem:$0x1CF80] =	vst v63  }
0x19f: {  	s25 =	simm.s32 $0x4E00;
	v6 =	vperm.xlane v6, v4  }
0x1a0: {  	[tilespmem:s25], [sflag:$0x2] =	stream.indirect_vreg.gather [hbm4b:s14+s0], $0x80, v7, vm0, $0xb8;
	[tilespmem:$0x1CF80] =	vst v63  }
0x1a1: {  	s28 =	simm.s32 $0x5600;
	v6 =	vadd.s32 v3, v6  }
0x1a2: {  	[tilespmem:s28], [sflag:$0x2] =	stream.indirect_vreg.gather [hbm4b:s15+s0], $0x80, v7, vm0, $0xb8;
	[tilespmem:$0x1CF80] =	vst v63  }
0x1a3: {  	s29 =	simm.s32 $0x5E00  }
0x1a4: {  	[tilespmem:s29], [sflag:$0x2] =	stream.indirect_vreg.gather [hbm4b:s16+s0], $0x80, v7, vm0, $0xb8;
	[tilespmem:$0x1CF80] =	vst v63  }
0x1a5: {  	s22 =	simm.s32 $0x6600  }
0x1a6: {  	[tilespmem:s22], [sflag:$0x2] =	stream.indirect_vreg.gather [hbm4b:s1+s0], $0x80, v6, vm0, $0xb8;
	[tilespmem:$0x1CF80] =	vst v63  }
0x1a7: {  	s23 =	simm.s32 $0x6E00  }
0x1a8: {  	[tilespmem:s23], [sflag:$0x2] =	stream.indirect_vreg.gather [hbm4b:s14+s0], $0x80, v6, vm0, $0xb8;
	[tilespmem:$0x1CF80] =	vst v63  }
0x1a9: {  	s24 =	simm.s32 $0x7600  }
0x1aa: {  	[tilespmem:s24], [sflag:$0x2] =	stream.indirect_vreg.gather [hbm4b:s15+s0], $0x80, v6, vm0, $0xb8;
	[tilespmem:$0x1CF80] =	vst v63  }
0x1ab: {  	s25 =	simm.s32 $0x7E00  }
0x1ac: {  	[tilespmem:s25], [sflag:$0x2] =	stream.indirect_vreg.gather [hbm4b:s16+s0], $0x80, v6, vm0, $0xb8;
	[tilespmem:$0x1CF80] =	vst v63  }
0x1ad: {  	v6 =	vld [tilespmem:$0x410];
	_ =	sdelay $0x4  }
0x1ae: {  	v7 =	vshll.u32 v6, $0x3  }
0x1af: {  	v6 =	vand.u32 $0x7, v6;
	v7 =	vand.u32 $0xFFFFFFC0, v7  }
0x1b0: {  	v6 =	vor.u32 v6, v7  }
0x1b1: {  	v7 =	vperm.xlane v6, v16;
	_ =	sdelay $0x1  }
0x1b2: {  	v7 =	vadd.s32 v3, v7;
	_ =	sdelay $0x3  }
0x1b3: {  	s28 =	simm.s32 $0xC600  }
0x1b4: {  	[tilespmem:s28], [sflag:$0x4] =	stream.indirect_vreg.gather [hbm4b:s2+s0], $0x80, v7, vm0, $0xb8;
	[tilespmem:$0x1CF80] =	vst v63  }
0x1b5: {  	s29 =	simm.s32 $0xCE00;
	v6 =	vperm.xlane v6, v4  }
0x1b6: {  	[tilespmem:s29], [sflag:$0x4] =	stream.indirect_vreg.gather [hbm4b:s17+s0], $0x80, v7, vm0, $0xb8;
	[tilespmem:$0x1CF80] =	vst v63  }
0x1b7: {  	s22 =	simm.s32 $0xD600;
	v6 =	vadd.s32 v3, v6  }
0x1b8: {  	[tilespmem:s22], [sflag:$0x4] =	stream.indirect_vreg.gather [hbm4b:s18+s0], $0x80, v7, vm0, $0xb8;
	[tilespmem:$0x1CF80] =	vst v63  }
0x1b9: {  	s23 =	simm.s32 $0xDE00  }
0x1ba: {  	[tilespmem:s23], [sflag:$0x4] =	stream.indirect_vreg.gather [hbm4b:s19+s0], $0x80, v7, vm0, $0xb8;
	[tilespmem:$0x1CF80] =	vst v63  }
0x1bb: {  	s24 =	simm.s32 $0xE600  }
0x1bc: {  	[tilespmem:s24], [sflag:$0x4] =	stream.indirect_vreg.gather [hbm4b:s2+s0], $0x80, v6, vm0, $0xb8;
	[tilespmem:$0x1CF80] =	vst v63  }
0x1bd: {  	s25 =	simm.s32 $0xEE00  }
0x1be: {  	[tilespmem:s25], [sflag:$0x4] =	stream.indirect_vreg.gather [hbm4b:s17+s0], $0x80, v6, vm0, $0xb8;
	[tilespmem:$0x1CF80] =	vst v63  }
0x1bf: {  	s28 =	simm.s32 $0xF600  }
0x1c0: {  	[tilespmem:s28], [sflag:$0x4] =	stream.indirect_vreg.gather [hbm4b:s18+s0], $0x80, v6, vm0, $0xb8;
	[tilespmem:$0x1CF80] =	vst v63  }
0x1c1: {  	s29 =	simm.s32 $0xFE00  }
0x1c2: {  	[tilespmem:s29], [sflag:$0x4] =	stream.indirect_vreg.gather [hbm4b:s19+s0], $0x80, v6, vm0, $0xb8;
	[tilespmem:$0x1CF80] =	vst v63  }
.LBB2_8:
0x1c3: {  	_ =	swait.ge [sflag:s8], $0x4000  }
0x1c4: {  	[sflag:s8] =	ssyncset.done $0x0  }
0x1c5: {  	[sflag:s8] =	ssyncadd.s32 $0xFFFFC000  }
0x1c6: {  	_ =	swait.ge [sflag:s26], $0x4000  }
0x1c7: {  	p2 =	seq.s32 s0, $0x0;
	[sflag:s26] =	ssyncset.done $0x0  }
0x1c8: {  	s4 =	simm.s32 @!p2 $0x5;
	[sflag:s26] =	ssyncadd.s32 $0xFFFFC000  }
0x1c9: {  	s22 =	sshll.u32 s0, $0x5;
	_ =	swait.ge @!p2 [sflag:s4], $0x4000  }
0x1ca: {  	s23 =	simm.s32 $0xFFFFC000;
	s24 =	simm.s32 $0x0;
	[sflag:s4] =	ssyncset.done @!p2 $0x0  }
0x1cb: {  	s25 =	simm.s32 $0x0;
	[sflag:s4] =	ssyncadd.s32 @!p2 $0xFFFFC000;
	s4 =	simm.s32 $0x0  }
.LBB2_9:
0x1cc: {  	s28 =	sadd.s32 $0x4000, s23  }
0x1cd: {  	s29 =	sand.u32 $0x380, s25;
	s28 =	sand.u32 $0x2000, s28  }
0x1ce: {  	s28 =	sor.u32 s29, s28  }
0x1cf: {  	v6 =	vld [tilespmem:s28+$0x600]  }
0x1d0: {  	v7 =	vld [tilespmem:s28+$0x8600]  }
0x1d1: {  	v8 =	vld [tilespmem:s28+$0x610]  }
0x1d2: {  	v9 =	vld [tilespmem:s28+$0x8610]  }
0x1d3: {  	v10 =	vld [tilespmem:s28+$0x620]  }
0x1d4: {  	v11 =	vld [tilespmem:s28+$0x8620]  }
0x1d5: {  	v12 =	vld [tilespmem:s28+$0x630]  }
0x1d6: {  	v13 =	vld [tilespmem:s28+$0x8630]  }
0x1d7: {  	v14 =	vld [tilespmem:s28+$0x640]  }
0x1d8: {  	v15 =	vld [tilespmem:s28+$0x8640]  }
0x1d9: {  	v16 =	vld [tilespmem:s28+$0x650]  }
0x1da: {  	v17 =	vld [tilespmem:s28+$0x8650]  }
0x1db: {  	v18 =	vld [tilespmem:s28+$0x660]  }
0x1dc: {  	v19 =	vld [tilespmem:s28+$0x8660]  }
0x1dd: {  	v20 =	vld [tilespmem:s28+$0x670]  }
0x1de: {  	v21 =	vld [tilespmem:s28+$0x8670]  }
0x1df: {  	v22 =	vld [tilespmem:s28+$0xA00]  }
0x1e0: {  	v23 =	vld [tilespmem:s28+$0x8A00]  }
0x1e1: {  	v24 =	vld [tilespmem:s28+$0xA10]  }
0x1e2: {  	v25 =	vld [tilespmem:s28+$0x8A10]  }
0x1e3: {  	v26 =	vld [tilespmem:s28+$0xA20]  }
0x1e4: {  	v27 =	vld [tilespmem:s28+$0x8A20]  }
0x1e5: {  	v28 =	vld [tilespmem:s28+$0xA30]  }
0x1e6: {  	v29 =	vld [tilespmem:s28+$0x8A30]  }
0x1e7: {  	v30 =	vld [tilespmem:s28+$0xA40]  }
0x1e8: {  	v31 =	vld [tilespmem:s28+$0x8A40]  }
0x1e9: {  	v32 =	vld [tilespmem:s28+$0xA50]  }
0x1ea: {  	v33 =	vld [tilespmem:s28+$0x8A50]  }
0x1eb: {  	v34 =	vld [tilespmem:s28+$0xA60]  }
0x1ec: {  	v35 =	vld [tilespmem:s28+$0x8A60]  }
0x1ed: {  	v36 =	vld [tilespmem:s28+$0xA70]  }
0x1ee: {  	v37 =	vld [tilespmem:s28+$0x8A70]  }
0x1ef: {  	v38 =	vld [tilespmem:s28+$0xE00]  }
0x1f0: {  	v39 =	vld [tilespmem:s28+$0x8E00]  }
0x1f1: {  	v40 =	vld [tilespmem:s28+$0xE10]  }
0x1f2: {  	v41 =	vld [tilespmem:s28+$0x8E10]  }
0x1f3: {  	v42 =	vld [tilespmem:s28+$0xE20]  }
0x1f4: {  	v43 =	vld [tilespmem:s28+$0x8E20]  }
0x1f5: {  	v44 =	vld [tilespmem:s28+$0xE30]  }
0x1f6: {  	v45 =	vld [tilespmem:s28+$0x8E30]  }
0x1f7: {  	v46 =	vld [tilespmem:s28+$0xE40]  }
0x1f8: {  	v47 =	vld [tilespmem:s28+$0x8E40]  }
0x1f9: {  	v48 =	vld [tilespmem:s28+$0xE50]  }
0x1fa: {  	v49 =	vld [tilespmem:s28+$0x8E50]  }
0x1fb: {  	v50 =	vld [tilespmem:s28+$0xE60]  }
0x1fc: {  	v51 =	vld [tilespmem:s28+$0x8E60]  }
0x1fd: {  	v52 =	vld [tilespmem:s28+$0xE70]  }
0x1fe: {  	v53 =	vld [tilespmem:s28+$0x8E70]  }
0x1ff: {  	v54 =	vld [tilespmem:s28+$0x1200]  }
0x200: {  	v55 =	vld [tilespmem:s28+$0x9200]  }
0x201: {  	v56 =	vld [tilespmem:s28+$0x1210]  }
0x202: {  	v57 =	vld [tilespmem:s28+$0x9210]  }
0x203: {  	v58 =	vld [tilespmem:s28+$0x1220]  }
0x204: {  	v59 =	vld [tilespmem:s28+$0x9220]  }
0x205: {  	v60 =	vld [tilespmem:s28+$0x1230]  }
0x206: {  	v61 =	vld [tilespmem:s28+$0x9230]  }
0x207: {  	v62 =	vld [tilespmem:s28+$0x1240]  }
0x208: {  	v63 =	vld [tilespmem:s28+$0x9240]  }
0x209: {  	v1 =	vld [tilespmem:s28+$0x1250]  }
0x20a: {  	v5 =	vld [tilespmem:s28+$0x9250]  }
0x20b: {  	v2 =	vld [tilespmem:s28+$0x1260]  }
0x20c: {  	v6 =	vadd.f32 v7, v6;
	v7 =	vld [tilespmem:s28+$0x9260]  }
0x20d: {  	v8 =	vadd.f32 v9, v8;
	v9 =	vld [tilespmem:s28+$0x1270]  }
0x20e: {  	v17 =	vadd.f32 v17, v16;
	v16 =	vld [tilespmem:s28+$0x9620];
	[tilespmem:s28+$0x10600] =	vst v6  }
0x20f: {  	v21 =	vadd.f32 v21, v20;
	v20 =	vld [tilespmem:s28+$0x9640];
	[tilespmem:s28+$0x10610] =	vst v8  }
0x210: {  	v25 =	vadd.f32 v25, v24;
	v24 =	vld [tilespmem:s28+$0x9660];
	[tilespmem:s28+$0x10650] =	vst v17  }
0x211: {  	v29 =	vadd.f32 v29, v28;
	v28 =	vld [tilespmem:s28+$0x9A00];
	[tilespmem:s28+$0x10670] =	vst v21  }
0x212: {  	v33 =	vadd.f32 v33, v32;
	v1 =	vadd.f32 v5, v1;
	v5 =	vld [tilespmem:s28+$0x1A50];
	[tilespmem:s28+$0x10A10] =	vst v25  }
0x213: {  	v6 =	vadd.f32 v11, v10;
	v10 =	vld [tilespmem:s28+$0x9270];
	[tilespmem:s28+$0x10A30] =	vst v29  }
0x214: {  	v11 =	vld [tilespmem:s28+$0x1600];
	[tilespmem:s28+$0x10A50] =	vst v33  }
0x215: {  	v8 =	vadd.f32 v13, v12;
	v12 =	vld [tilespmem:s28+$0x9600];
	[tilespmem:s28+$0x11250] =	vst v1  }
0x216: {  	v13 =	vld [tilespmem:s28+$0x1610];
	[tilespmem:s28+$0x10620] =	vst v6;
	v6 =	vadd.f32 v15, v14  }
0x217: {  	[tilespmem:s28+$0x10630] =	vst v8;
	v14 =	vld [tilespmem:s28+$0x9610];
	v2 =	vadd.f32 v7, v2  }
0x218: {  	v15 =	vld [tilespmem:s28+$0x1620];
	[tilespmem:s28+$0x10640] =	vst v6;
	v6 =	vadd.f32 v19, v18  }
0x219: {  	v17 =	vld [tilespmem:s28+$0x1630];
	v1 =	vadd.f32 v10, v9;
	[tilespmem:s28+$0x11260] =	vst v2  }
0x21a: {  	v18 =	vld [tilespmem:s28+$0x9630];
	v2 =	vadd.f32 v12, v11;
	[tilespmem:s28+$0x10660] =	vst v6  }
0x21b: {  	v19 =	vld [tilespmem:s28+$0x1640];
	v6 =	vadd.f32 v23, v22;
	[tilespmem:s28+$0x11270] =	vst v1  }
0x21c: {  	v21 =	vld [tilespmem:s28+$0x1650];
	v1 =	vadd.f32 v14, v13;
	[tilespmem:s28+$0x11600] =	vst v2  }
0x21d: {  	v22 =	vld [tilespmem:s28+$0x9650];
	v2 =	vadd.f32 v16, v15;
	[tilespmem:s28+$0x10A00] =	vst v6  }
0x21e: {  	v23 =	vld [tilespmem:s28+$0x1660];
	v6 =	vadd.f32 v27, v26;
	[tilespmem:s28+$0x11610] =	vst v1  }
0x21f: {  	v25 =	vld [tilespmem:s28+$0x1670];
	v1 =	vadd.f32 v18, v17;
	[tilespmem:s28+$0x11620] =	vst v2  }
0x220: {  	v29 =	vld [tilespmem:s28+$0x1A10];
	v2 =	vadd.f32 v20, v19;
	[tilespmem:s28+$0x10A20] =	vst v6  }
0x221: {  	v7 =	vld [tilespmem:s28+$0x1A60];
	v6 =	vadd.f32 v31, v30;
	[tilespmem:s28+$0x11630] =	vst v1  }
0x222: {  	v26 =	vld [tilespmem:s28+$0x9670];
	v1 =	vadd.f32 v22, v21;
	[tilespmem:s28+$0x11640] =	vst v2  }
0x223: {  	v27 =	vld [tilespmem:s28+$0x1A00];
	v2 =	vadd.f32 v24, v23;
	[tilespmem:s28+$0x10A40] =	vst v6  }
0x224: {  	v30 =	vld [tilespmem:s28+$0x9A10];
	v6 =	vadd.f32 v35, v34;
	[tilespmem:s28+$0x11650] =	vst v1  }
0x225: {  	v35 =	vadd.f32 v37, v36;
	v36 =	vadd.f32 v41, v40;
	v40 =	vld [tilespmem:s28+$0x1A20];
	[tilespmem:s28+$0x11660] =	vst v2  }
0x226: {  	v41 =	vld [tilespmem:s28+$0x9A20];
	[tilespmem:s28+$0x10A60] =	vst v6;
	v6 =	vadd.f32 v39, v38  }
0x227: {  	v37 =	vadd.f32 v45, v44;
	v44 =	vld [tilespmem:s28+$0x9A30];
	[tilespmem:s28+$0x10A70] =	vst v35  }
0x228: {  	v45 =	vadd.f32 v61, v60;
	v60 =	vld [tilespmem:s28+$0x9E40];
	[tilespmem:s28+$0x10E00] =	vst v6;
	v6 =	vadd.f32 v43, v42  }
0x229: {  	v61 =	vld [tilespmem:s28+$0x9E60];
	[tilespmem:s28+$0x10E10] =	vst v36  }
0x22a: {  	v38 =	vadd.f32 v49, v48;
	v48 =	vld [tilespmem:s28+$0x9A60];
	[tilespmem:s28+$0x10E20] =	vst v6;
	v6 =	vadd.f32 v47, v46  }
0x22b: {  	[tilespmem:s28+$0x10E30] =	vst v37;
	v49 =	vld [tilespmem:s28+$0x1A70]  }
0x22c: {  	v39 =	vadd.f32 v53, v52;
	v52 =	vld [tilespmem:s28+$0x9E00];
	[tilespmem:s28+$0x10E40] =	vst v6;
	v6 =	vadd.f32 v51, v50  }
0x22d: {  	v1 =	vadd.f32 v26, v25;
	[tilespmem:s28+$0x11230] =	vst v45;
	v53 =	vld [tilespmem:s28+$0x1E10]  }
0x22e: {  	v43 =	vld [tilespmem:s28+$0x1A30];
	[tilespmem:s28+$0x10E60] =	vst v6;
	v6 =	vadd.f32 v55, v54  }
0x22f: {  	v2 =	vadd.f32 v28, v27;
	[tilespmem:s28+$0x11670] =	vst v1;
	v42 =	vadd.f32 v57, v56;
	v56 =	vld [tilespmem:s28+$0x9E20]  }
0x230: {  	v57 =	vld [tilespmem:s28+$0x1E30];
	[tilespmem:s28+$0x11200] =	vst v6;
	v6 =	vadd.f32 v59, v58  }
0x231: {  	[tilespmem:s28+$0x11A00] =	vst v2;
	v46 =	vld [tilespmem:s28+$0x1A40]  }
0x232: {  	v47 =	vld [tilespmem:s28+$0x9A40];
	[tilespmem:s28+$0x11220] =	vst v6;
	v6 =	vadd.f32 v63, v62  }
0x233: {  	[tilespmem:s28+$0x10E50] =	vst v38;
	v50 =	vld [tilespmem:s28+$0x9A70]  }
0x234: {  	v1 =	vadd.f32 v30, v29;
	[tilespmem:s28+$0x11240] =	vst v6;
	v6 =	vld [tilespmem:s28+$0x9A50]  }
0x235: {  	[tilespmem:s28+$0x10E70] =	vst v39;
	v51 =	vld [tilespmem:s28+$0x1E00]  }
0x236: {  	v2 =	vadd.f32 v41, v40;
	[tilespmem:s28+$0x11A10] =	vst v1;
	v54 =	vld [tilespmem:s28+$0x9E10]  }
0x237: {  	[tilespmem:s28+$0x11210] =	vst v42;
	v1 =	vadd.f32 v44, v43;
	v55 =	vld [tilespmem:s28+$0x1E20]  }
0x238: {  	[tilespmem:s28+$0x11A20] =	vst v2;
	v2 =	vadd.f32 v47, v46;
	v58 =	vld [tilespmem:s28+$0x9E30]  }
0x239: {  	[tilespmem:s28+$0x11A30] =	vst v1;
	v59 =	vld [tilespmem:s28+$0x1E40];
	v1 =	vadd.f32 v6, v5  }
0x23a: {  	[tilespmem:s28+$0x11A40] =	vst v2;
	v2 =	vadd.f32 v48, v7;
	v7 =	vld [tilespmem:s28+$0x1E60]  }
0x23b: {  	v5 =	vld [tilespmem:s28+$0x1E50];
	[tilespmem:s28+$0x11A50] =	vst v1;
	v1 =	vadd.f32 v50, v49  }
0x23c: {  	[tilespmem:s28+$0x11A60] =	vst v2;
	v2 =	vadd.f32 v52, v51;
	v6 =	vld [tilespmem:s28+$0x9E50]  }
0x23d: {  	v62 =	vld [tilespmem:s28+$0x1E70];
	[tilespmem:s28+$0x11A70] =	vst v1;
	v1 =	vadd.f32 v54, v53  }
0x23e: {  	v63 =	vld [tilespmem:s28+$0x9E70];
	[tilespmem:s28+$0x11E00] =	vst v2;
	v2 =	vadd.f32 v56, v55  }
0x23f: {  	[tilespmem:s28+$0x11E10] =	vst v1;
	v1 =	vadd.f32 v58, v57  }
0x240: {  	[tilespmem:s28+$0x11E20] =	vst v2;
	v2 =	vadd.f32 v60, v59  }
0x241: {  	[tilespmem:s28+$0x11E30] =	vst v1;
	v1 =	vadd.f32 v6, v5  }
0x242: {  	s29 =	sand.u32 $0x7, s24;
	[tilespmem:s28+$0x11E40] =	vst v2;
	v2 =	vadd.f32 v61, v7  }
0x243: {  	s29 =	sshll.u32 s29, $0x7;
	[tilespmem:s28+$0x11E50] =	vst v1;
	v1 =	vadd.f32 v63, v62  }
0x244: {  	s29 =	sadd.s32 s29, s4;
	[tilespmem:s28+$0x11E60] =	vst v2  }
0x245: {  	[tilespmem:s28+$0x11E70] =	vst v1;
	s28 =	sor.u32 $0x1C00, s29  }
0x246: {  	v1 =	vld [tilespmem:s28+$0x600]  }
0x247: {  	v2 =	vld [tilespmem:s28+$0x8600];
	_ =	sdelay $0x4  }
0x248: {  	v1 =	vadd.f32 v2, v1;
	_ =	sdelay $0x1  }
0x249: {  	[tilespmem:s28+$0x10600] =	vst v1;
	s28 =	sor.u32 $0x1C10, s29  }
0x24a: {  	v1 =	vld [tilespmem:s28+$0x600]  }
0x24b: {  	v2 =	vld [tilespmem:s28+$0x8600];
	_ =	sdelay $0x4  }
0x24c: {  	v1 =	vadd.f32 v2, v1;
	_ =	sdelay $0x1  }
0x24d: {  	[tilespmem:s28+$0x10600] =	vst v1;
	s28 =	sor.u32 $0x1C20, s29  }
0x24e: {  	v1 =	vld [tilespmem:s28+$0x600]  }
0x24f: {  	v2 =	vld [tilespmem:s28+$0x8600];
	_ =	sdelay $0x4  }
0x250: {  	v1 =	vadd.f32 v2, v1;
	_ =	sdelay $0x1  }
0x251: {  	[tilespmem:s28+$0x10600] =	vst v1;
	s28 =	sor.u32 $0x1C30, s29  }
0x252: {  	v1 =	vld [tilespmem:s28+$0x600]  }
0x253: {  	v2 =	vld [tilespmem:s28+$0x8600];
	_ =	sdelay $0x4  }
0x254: {  	v1 =	vadd.f32 v2, v1;
	_ =	sdelay $0x1  }
0x255: {  	[tilespmem:s28+$0x10600] =	vst v1;
	s28 =	sor.u32 $0x1C40, s29  }
0x256: {  	v1 =	vld [tilespmem:s28+$0x600]  }
0x257: {  	v2 =	vld [tilespmem:s28+$0x8600];
	_ =	sdelay $0x4  }
0x258: {  	v1 =	vadd.f32 v2, v1;
	_ =	sdelay $0x1  }
0x259: {  	[tilespmem:s28+$0x10600] =	vst v1;
	s28 =	sor.u32 $0x1C50, s29  }
0x25a: {  	v1 =	vld [tilespmem:s28+$0x600]  }
0x25b: {  	v2 =	vld [tilespmem:s28+$0x8600];
	_ =	sdelay $0x4  }
0x25c: {  	v1 =	vadd.f32 v2, v1;
	_ =	sdelay $0x1  }
0x25d: {  	[tilespmem:s28+$0x10600] =	vst v1;
	s28 =	sor.u32 $0x1C60, s29  }
0x25e: {  	v1 =	vld [tilespmem:s28+$0x600]  }
0x25f: {  	v2 =	vld [tilespmem:s28+$0x8600];
	_ =	sdelay $0x4  }
0x260: {  	v1 =	vadd.f32 v2, v1;
	_ =	sdelay $0x1  }
0x261: {  	s29 =	sor.u32 $0x1C70, s29;
	[tilespmem:s28+$0x10600] =	vst v1  }
0x262: {  	v1 =	vld [tilespmem:s29+$0x600]  }
0x263: {  	v2 =	vld [tilespmem:s29+$0x8600];
	_ =	sdelay $0x1  }
0x264: {  	p1 =	sne.s32 s25, $0x780  }
.Ltmp5:
0x265: {  	_ = 	snop;
	(pc) =	sbr.rel @p1 .LBB2_9-.Ltmp5, $4  }
0x266: {  	_ = 	snop  }
0x267: {  	v1 =	vadd.f32 v2, v1  }
0x268: {  	s23 =	sadd.s32 $0x400, s23  }
0x269: {  	s25 =	sadd.s32 $0x80, s25;
	s24 =	sadd.s32 $0x1, s24;
	s4 =	sadd.s32 $0x400, s4;
	[tilespmem:s29+$0x10600] =	vst v1  }
0x26a: {  	v17 =	vld [tilespmem:$0x1FFF0];
	_ =	sdelay $0x2  }
0x26b: {  	s4 =	sshll.u32 s0, $0x9  }
0x26c: {  	v16 =	vld [tilespmem:$0x1FFE0];
	s4 =	sadd.s32 s4, s20  }
0x26d: {  	v1 =	vadd.s32 s4, v17  }
0x26e: {  	v2 =	vmov s4;
	v5 =	vshll.u32 v1, $0x3  }
0x26f: {  	v2 =	vand.u32 $0x7, v2;
	v5 =	vand.u32 $0xFFFFFFC0, v5  }
0x270: {  	v2 =	vor.u32 v2, v5  }
0x271: {  	v5 =	vperm.xlane v2, v16;
	_ =	sdelay $0x1  }
0x272: {  	v5 =	vadd.s32 v3, v5;
	_ =	sdelay $0x3  }
0x273: {  	s25 =	simm.s32 $0x10600;
	[tilespmem:$0x18600] =	vst v1  }
0x274: {  	[hbm4b:s5+s6] =	stream.indirect_vreg.scatter [tilespmem:s25], [sflag:$0x5], $0x80, v5, vm0, $0xb8;
	[tilespmem:$0x1CF80] =	vst v63  }
0x275: {  	s28 =	simm.s32 $0x10E00;
	v1 =	vperm.xlane v2, v4  }
0x276: {  	[hbm4b:s11+s6] =	stream.indirect_vreg.scatter [tilespmem:s28], [sflag:$0x5], $0x80, v5, vm0, $0xb8;
	[tilespmem:$0x1CF80] =	vst v63  }
0x277: {  	s29 =	simm.s32 $0x11600;
	v1 =	vadd.s32 v3, v1  }
0x278: {  	[hbm4b:s12+s6] =	stream.indirect_vreg.scatter [tilespmem:s29], [sflag:$0x5], $0x80, v5, vm0, $0xb8;
	[tilespmem:$0x1CF80] =	vst v63  }
0x279: {  	s23 =	simm.s32 $0x11E00  }
0x27a: {  	[hbm4b:s13+s6] =	stream.indirect_vreg.scatter [tilespmem:s23], [sflag:$0x5], $0x80, v5, vm0, $0xb8;
	[tilespmem:$0x1CF80] =	vst v63  }
0x27b: {  	s24 =	simm.s32 $0x12600  }
0x27c: {  	[hbm4b:s5+s6] =	stream.indirect_vreg.scatter [tilespmem:s24], [sflag:$0x5], $0x80, v1, vm0, $0xb8;
	[tilespmem:$0x1CF80] =	vst v63  }
0x27d: {  	s25 =	simm.s32 $0x12E00  }
0x27e: {  	[hbm4b:s11+s6] =	stream.indirect_vreg.scatter [tilespmem:s25], [sflag:$0x5], $0x80, v1, vm0, $0xb8;
	[tilespmem:$0x1CF80] =	vst v63  }
0x27f: {  	s28 =	simm.s32 $0x13600  }
0x280: {  	[hbm4b:s12+s6] =	stream.indirect_vreg.scatter [tilespmem:s28], [sflag:$0x5], $0x80, v1, vm0, $0xb8;
	[tilespmem:$0x1CF80] =	vst v63  }
0x281: {  	p1 =	seq.s32 s0, $0xF;
	s29 =	simm.s32 $0x13E00  }
0x282: {  	[hbm4b:s13+s6] =	stream.indirect_vreg.scatter [tilespmem:s29], [sflag:$0x5], $0x80, v1, vm0, $0xb8;
	[tilespmem:$0x1CF80] =	vst v63  }
0x283: {  	v1 =	vld @!p1 [tilespmem:s22+$0x220];
	_ =	sdelay $0x4  }
0x284: {  	v2 =	vshll.u32 @!p1 v1, $0x3  }
0x285: {  	v5 =	vlaneseq.u32 @!p1;
	v1 =	vand.u32 @!p1 $0x7, v1;
	v2 =	vand.u32 @!p1 $0xFFFFFFC0, v2  }
0x286: {  	v6 =	vshrl.u32 @!p1 v5, $0x3;
	v1 =	vor.u32 @!p1 v1, v2;
	v2 =	vand.u32 @!p1 $0x7, v5  }
0x287: {  	v6 =	vmul.u32 @!p1 $0x8, v6;
	v7 =	vperm.xlane @!p1 v1, v2;
	_ =	sdelay $0x1  }
0x288: {  	v7 =	vadd.s32 @!p1 v6, v7;
	_ =	sdelay $0x3  }
0x289: {  	vm1 =	vmmov @!p1 $0xffff;
	s4 =	simm.s32 @!p1 $0x0;
	s23 =	simm.s32 @!p1 $0x600  }
0x28a: {  	v5 =	vor.u32 @!p1 $0x8, v5;
	[tilespmem:s23], [sflag:$0x1] =	stream.indirect_vreg.gather @!p1 [hbm4b:s1+s4], $0x80, v7, vm1, $0xb8;
	[tilespmem:$0x1CF80] =	vst v63  }
0x28b: {  	v1 =	vperm.xlane @!p1 v1, v5;
	s23 =	simm.s32 @!p1 $0xE00  }
0x28c: {  	[tilespmem:s23], [sflag:$0x1] =	stream.indirect_vreg.gather @!p1 [hbm4b:s14+s4], $0x80, v7, vm1, $0xb8;
	[tilespmem:$0x1CF80] =	vst v63  }
0x28d: {  	v1 =	vadd.s32 @!p1 v6, v1;
	s23 =	simm.s32 @!p1 $0x1600  }
0x28e: {  	[tilespmem:s23], [sflag:$0x1] =	stream.indirect_vreg.gather @!p1 [hbm4b:s15+s4], $0x80, v7, vm1, $0xb8;
	[tilespmem:$0x1CF80] =	vst v63  }
0x28f: {  	s23 =	simm.s32 @!p1 $0x1E00  }
0x290: {  	[tilespmem:s23], [sflag:$0x1] =	stream.indirect_vreg.gather @!p1 [hbm4b:s16+s4], $0x80, v7, vm1, $0xb8;
	[tilespmem:$0x1CF80] =	vst v63  }
0x291: {  	s23 =	simm.s32 @!p1 $0x2600  }
0x292: {  	[tilespmem:s23], [sflag:$0x1] =	stream.indirect_vreg.gather @!p1 [hbm4b:s1+s4], $0x80, v1, vm1, $0xb8;
	[tilespmem:$0x1CF80] =	vst v63  }
0x293: {  	s23 =	simm.s32 @!p1 $0x2E00  }
0x294: {  	[tilespmem:s23], [sflag:$0x1] =	stream.indirect_vreg.gather @!p1 [hbm4b:s14+s4], $0x80, v1, vm1, $0xb8;
	[tilespmem:$0x1CF80] =	vst v63  }
0x295: {  	s23 =	simm.s32 @!p1 $0x3600  }
0x296: {  	[tilespmem:s23], [sflag:$0x1] =	stream.indirect_vreg.gather @!p1 [hbm4b:s15+s4], $0x80, v1, vm1, $0xb8;
	[tilespmem:$0x1CF80] =	vst v63  }
0x297: {  	s23 =	simm.s32 @!p1 $0x3E00  }
0x298: {  	[tilespmem:s23], [sflag:$0x1] =	stream.indirect_vreg.gather @!p1 [hbm4b:s16+s4], $0x80, v1, vm1, $0xb8;
	[tilespmem:$0x1CF80] =	vst v63  }
0x299: {  	v1 =	vld @!p1 [tilespmem:s22+$0x420];
	_ =	sdelay $0x4  }
0x29a: {  	v7 =	vshll.u32 @!p1 v1, $0x3  }
0x29b: {  	v1 =	vand.u32 @!p1 $0x7, v1;
	v7 =	vand.u32 @!p1 $0xFFFFFFC0, v7  }
0x29c: {  	v1 =	vor.u32 @!p1 v1, v7  }
0x29d: {  	v2 =	vperm.xlane @!p1 v1, v2;
	_ =	sdelay $0x1  }
0x29e: {  	v2 =	vadd.s32 @!p1 v6, v2;
	_ =	sdelay $0x3  }
0x29f: {  	s23 =	simm.s32 @!p1 $0x8600  }
0x2a0: {  	[tilespmem:s23], [sflag:$0x3] =	stream.indirect_vreg.gather @!p1 [hbm4b:s2+s4], $0x80, v2, vm1, $0xb8;
	[tilespmem:$0x1CF80] =	vst v63  }
0x2a1: {  	v1 =	vperm.xlane @!p1 v1, v5;
	s23 =	simm.s32 @!p1 $0x8E00  }
0x2a2: {  	[tilespmem:s23], [sflag:$0x3] =	stream.indirect_vreg.gather @!p1 [hbm4b:s17+s4], $0x80, v2, vm1, $0xb8;
	[tilespmem:$0x1CF80] =	vst v63  }
0x2a3: {  	v1 =	vadd.s32 @!p1 v6, v1;
	s23 =	simm.s32 @!p1 $0x9600  }
0x2a4: {  	[tilespmem:s23], [sflag:$0x3] =	stream.indirect_vreg.gather @!p1 [hbm4b:s18+s4], $0x80, v2, vm1, $0xb8;
	[tilespmem:$0x1CF80] =	vst v63  }
0x2a5: {  	s23 =	simm.s32 @!p1 $0x9E00  }
0x2a6: {  	[tilespmem:s23], [sflag:$0x3] =	stream.indirect_vreg.gather @!p1 [hbm4b:s19+s4], $0x80, v2, vm1, $0xb8;
	[tilespmem:$0x1CF80] =	vst v63  }
0x2a7: {  	s23 =	simm.s32 @!p1 $0xA600  }
0x2a8: {  	[tilespmem:s23], [sflag:$0x3] =	stream.indirect_vreg.gather @!p1 [hbm4b:s2+s4], $0x80, v1, vm1, $0xb8;
	[tilespmem:$0x1CF80] =	vst v63  }
0x2a9: {  	s23 =	simm.s32 @!p1 $0xAE00  }
0x2aa: {  	[tilespmem:s23], [sflag:$0x3] =	stream.indirect_vreg.gather @!p1 [hbm4b:s17+s4], $0x80, v1, vm1, $0xb8;
	[tilespmem:$0x1CF80] =	vst v63  }
0x2ab: {  	s23 =	simm.s32 @!p1 $0xB600  }
0x2ac: {  	[tilespmem:s23], [sflag:$0x3] =	stream.indirect_vreg.gather @!p1 [hbm4b:s18+s4], $0x80, v1, vm1, $0xb8;
	[tilespmem:$0x1CF80] =	vst v63  }
0x2ad: {  	s23 =	simm.s32 @!p1 $0xBE00  }
0x2ae: {  	[tilespmem:s23], [sflag:$0x3] =	stream.indirect_vreg.gather @!p1 [hbm4b:s19+s4], $0x80, v1, vm1, $0xb8;
	[tilespmem:$0x1CF80] =	vst v63  }
0x2af: {  	_ =	swait.ge [sflag:s10], $0x4000  }
0x2b0: {  	[sflag:s10] =	ssyncset.done $0x0  }
0x2b1: {  	[sflag:s10] =	ssyncadd.s32 $0xFFFFC000  }
0x2b2: {  	_ =	swait.ge [sflag:s21], $0x4000  }
0x2b3: {  	[sflag:s21] =	ssyncset.done $0x0  }
0x2b4: {  	s4 =	simm.s32 @!p2 $0x6;
	[sflag:s21] =	ssyncadd.s32 $0xFFFFC000  }
0x2b5: {  	_ =	swait.ge @!p2 [sflag:s4], $0x4000  }
0x2b6: {  	[sflag:s4] =	ssyncset.done @!p2 $0x0  }
0x2b7: {  	s24 =	simm.s32 $0x0;
	s23 =	simm.s32 $0x0;
	[sflag:s4] =	ssyncadd.s32 @!p2 $0xFFFFC000  }
.LBB2_11:
0x2b8: {  	s4 =	sand.u32 $0x2000, s24;
	s25 =	sand.u32 $0x380, s23  }
0x2b9: {  	s4 =	sor.u32 s25, s4  }
0x2ba: {  	v1 =	vld [tilespmem:s4+$0x4600]  }
0x2bb: {  	v2 =	vld [tilespmem:s4+$0xC600]  }
0x2bc: {  	v5 =	vld [tilespmem:s4+$0x4610]  }
0x2bd: {  	v6 =	vld [tilespmem:s4+$0xC610]  }
0x2be: {  	v7 =	vld [tilespmem:s4+$0x4620]  }
0x2bf: {  	v8 =	vld [tilespmem:s4+$0xC620]  }
0x2c0: {  	v9 =	vld [tilespmem:s4+$0x4630]  }
0x2c1: {  	v10 =	vld [tilespmem:s4+$0xC630]  }
0x2c2: {  	v11 =	vld [tilespmem:s4+$0x4640]  }
0x2c3: {  	v12 =	vld [tilespmem:s4+$0xC640]  }
0x2c4: {  	v13 =	vld [tilespmem:s4+$0x4650]  }
0x2c5: {  	v14 =	vld [tilespmem:s4+$0xC650]  }
0x2c6: {  	v15 =	vld [tilespmem:s4+$0x4660]  }
0x2c7: {  	v1 =	vadd.f32 v2, v1;
	v2 =	vld [tilespmem:s4+$0xC660]  }
0x2c8: {  	v5 =	vadd.f32 v6, v5;
	v6 =	vld [tilespmem:s4+$0x4670]  }
0x2c9: {  	[tilespmem:s4+$0x14600] =	vst v1;
	v1 =	vadd.f32 v8, v7;
	v7 =	vld [tilespmem:s4+$0xC670]  }
0x2ca: {  	[tilespmem:s4+$0x14610] =	vst v5;
	v5 =	vadd.f32 v10, v9  }
0x2cb: {  	[tilespmem:s4+$0x14620] =	vst v1;
	v1 =	vadd.f32 v12, v11  }
0x2cc: {  	[tilespmem:s4+$0x14630] =	vst v5;
	v5 =	vadd.f32 v14, v13  }
0x2cd: {  	[tilespmem:s4+$0x14640] =	vst v1;
	v1 =	vadd.f32 v2, v15  }
0x2ce: {  	s28 =	sand.u32 $0xFFFFE000, s24;
	[tilespmem:s4+$0x14650] =	vst v5;
	v2 =	vadd.f32 v7, v6  }
0x2cf: {  	s25 =	sadd.s32 s28, s23;
	[tilespmem:s4+$0x14660] =	vst v1  }
0x2d0: {  	s28 =	sor.u32 $0x4400, s25;
	[tilespmem:s4+$0x14670] =	vst v2  }
0x2d1: {  	v1 =	vld [tilespmem:s28+$0x600]  }
0x2d2: {  	v2 =	vld [tilespmem:s28+$0x8600];
	_ =	sdelay $0x4  }
0x2d3: {  	v1 =	vadd.f32 v2, v1;
	_ =	sdelay $0x1  }
0x2d4: {  	s29 =	sor.u32 $0x4410, s25;
	[tilespmem:s28+$0x10600] =	vst v1  }
0x2d5: {  	v1 =	vld [tilespmem:s29+$0x600]  }
0x2d6: {  	v2 =	vld [tilespmem:s29+$0x8600];
	_ =	sdelay $0x4  }
0x2d7: {  	v1 =	vadd.f32 v2, v1;
	_ =	sdelay $0x1  }
0x2d8: {  	[tilespmem:s29+$0x10600] =	vst v1;
	s29 =	sor.u32 $0x4420, s25  }
0x2d9: {  	v1 =	vld [tilespmem:s29+$0x600]  }
0x2da: {  	v2 =	vld [tilespmem:s29+$0x8600];
	_ =	sdelay $0x4  }
0x2db: {  	v1 =	vadd.f32 v2, v1;
	_ =	sdelay $0x1  }
0x2dc: {  	[tilespmem:s29+$0x10600] =	vst v1;
	s29 =	sor.u32 $0x4430, s25  }
0x2dd: {  	v1 =	vld [tilespmem:s29+$0x600]  }
0x2de: {  	v2 =	vld [tilespmem:s29+$0x8600];
	_ =	sdelay $0x4  }
0x2df: {  	v1 =	vadd.f32 v2, v1;
	_ =	sdelay $0x1  }
0x2e0: {  	[tilespmem:s29+$0x10600] =	vst v1;
	s29 =	sor.u32 $0x4440, s25  }
0x2e1: {  	v1 =	vld [tilespmem:s29+$0x600]  }
0x2e2: {  	v2 =	vld [tilespmem:s29+$0x8600];
	_ =	sdelay $0x4  }
0x2e3: {  	v1 =	vadd.f32 v2, v1;
	_ =	sdelay $0x1  }
0x2e4: {  	[tilespmem:s29+$0x10600] =	vst v1;
	s29 =	sor.u32 $0x4450, s25  }
0x2e5: {  	v1 =	vld [tilespmem:s29+$0x600]  }
0x2e6: {  	v2 =	vld [tilespmem:s29+$0x8600];
	_ =	sdelay $0x4  }
0x2e7: {  	v1 =	vadd.f32 v2, v1;
	_ =	sdelay $0x1  }
0x2e8: {  	[tilespmem:s29+$0x10600] =	vst v1;
	s29 =	sor.u32 $0x4460, s25  }
0x2e9: {  	v1 =	vld [tilespmem:s29+$0x600]  }
0x2ea: {  	v2 =	vld [tilespmem:s29+$0x8600];
	_ =	sdelay $0x4  }
0x2eb: {  	v1 =	vadd.f32 v2, v1;
	_ =	sdelay $0x1  }
0x2ec: {  	[tilespmem:s29+$0x10600] =	vst v1;
	s29 =	sor.u32 $0x4470, s25  }
0x2ed: {  	v1 =	vld [tilespmem:s29+$0x600]  }
0x2ee: {  	v2 =	vld [tilespmem:s29+$0x8600];
	_ =	sdelay $0x4  }
0x2ef: {  	v1 =	vadd.f32 v2, v1;
	_ =	sdelay $0x1  }
0x2f0: {  	[tilespmem:s29+$0x10600] =	vst v1  }
0x2f1: {  	v1 =	vld [tilespmem:s4+$0x4E00]  }
0x2f2: {  	v2 =	vld [tilespmem:s4+$0xCE00]  }
0x2f3: {  	v5 =	vld [tilespmem:s4+$0x4E10]  }
0x2f4: {  	v6 =	vld [tilespmem:s4+$0xCE10]  }
0x2f5: {  	v7 =	vld [tilespmem:s4+$0x4E20]  }
0x2f6: {  	v43 =	vld [tilespmem:s4+$0xCE20]  }
0x2f7: {  	v44 =	vld [tilespmem:s4+$0x4E30]  }
0x2f8: {  	v45 =	vld [tilespmem:s4+$0xCE30]  }
0x2f9: {  	v46 =	vld [tilespmem:s4+$0x4E40]  }
0x2fa: {  	v47 =	vld [tilespmem:s4+$0xCE40]  }
0x2fb: {  	v48 =	vld [tilespmem:s4+$0x4E50]  }
0x2fc: {  	v49 =	vld [tilespmem:s4+$0xCE50]  }
0x2fd: {  	v15 =	vld [tilespmem:s4+$0x4E60]  }
0x2fe: {  	v1 =	vadd.f32 v2, v1;
	v2 =	vld [tilespmem:s4+$0xCE60]  }
0x2ff: {  	v5 =	vadd.f32 v6, v5;
	v6 =	vld [tilespmem:s4+$0x4E70]  }
0x300: {  	[tilespmem:s4+$0x14E00] =	vst v1;
	v1 =	vadd.f32 v43, v7;
	v7 =	vld [tilespmem:s4+$0xCE70]  }
0x301: {  	[tilespmem:s4+$0x14E10] =	vst v5;
	v5 =	vadd.f32 v45, v44  }
0x302: {  	[tilespmem:s4+$0x14E20] =	vst v1;
	v1 =	vadd.f32 v47, v46  }
0x303: {  	[tilespmem:s4+$0x14E30] =	vst v5;
	v5 =	vadd.f32 v49, v48  }
0x304: {  	[tilespmem:s4+$0x14E40] =	vst v1;
	v1 =	vadd.f32 v2, v15  }
0x305: {  	[tilespmem:s4+$0x14E50] =	vst v5;
	v2 =	vadd.f32 v7, v6  }
0x306: {  	[tilespmem:s4+$0x14E60] =	vst v1  }
0x307: {  	s29 =	sor.u32 $0x4C00, s25;
	[tilespmem:s4+$0x14E70] =	vst v2  }
0x308: {  	v1 =	vld [tilespmem:s29+$0x600]  }
0x309: {  	v2 =	vld [tilespmem:s29+$0x8600];
	_ =	sdelay $0x4  }
0x30a: {  	v1 =	vadd.f32 v2, v1;
	_ =	sdelay $0x1  }
0x30b: {  	[tilespmem:s29+$0x10600] =	vst v1;
	s29 =	sor.u32 $0x4C10, s25  }
0x30c: {  	v1 =	vld [tilespmem:s29+$0x600]  }
0x30d: {  	v2 =	vld [tilespmem:s29+$0x8600];
	_ =	sdelay $0x4  }
0x30e: {  	v1 =	vadd.f32 v2, v1;
	_ =	sdelay $0x1  }
0x30f: {  	[tilespmem:s29+$0x10600] =	vst v1;
	s29 =	sor.u32 $0x4C20, s25  }
0x310: {  	v1 =	vld [tilespmem:s29+$0x600]  }
0x311: {  	v2 =	vld [tilespmem:s29+$0x8600];
	_ =	sdelay $0x4  }
0x312: {  	v1 =	vadd.f32 v2, v1;
	_ =	sdelay $0x1  }
0x313: {  	[tilespmem:s29+$0x10600] =	vst v1;
	s29 =	sor.u32 $0x4C30, s25  }
0x314: {  	v1 =	vld [tilespmem:s29+$0x600]  }
0x315: {  	v2 =	vld [tilespmem:s29+$0x8600];
	_ =	sdelay $0x4  }
0x316: {  	v1 =	vadd.f32 v2, v1;
	_ =	sdelay $0x1  }
0x317: {  	[tilespmem:s29+$0x10600] =	vst v1;
	s29 =	sor.u32 $0x4C40, s25  }
0x318: {  	v1 =	vld [tilespmem:s29+$0x600]  }
0x319: {  	v2 =	vld [tilespmem:s29+$0x8600];
	_ =	sdelay $0x4  }
0x31a: {  	v1 =	vadd.f32 v2, v1;
	_ =	sdelay $0x1  }
0x31b: {  	[tilespmem:s29+$0x10600] =	vst v1;
	s29 =	sor.u32 $0x4C50, s25  }
0x31c: {  	v1 =	vld [tilespmem:s29+$0x600]  }
0x31d: {  	v2 =	vld [tilespmem:s29+$0x8600];
	_ =	sdelay $0x4  }
0x31e: {  	v1 =	vadd.f32 v2, v1;
	_ =	sdelay $0x1  }
0x31f: {  	[tilespmem:s29+$0x10600] =	vst v1;
	s29 =	sor.u32 $0x4C60, s25  }
0x320: {  	v1 =	vld [tilespmem:s29+$0x600]  }
0x321: {  	v2 =	vld [tilespmem:s29+$0x8600];
	_ =	sdelay $0x4  }
0x322: {  	v1 =	vadd.f32 v2, v1;
	_ =	sdelay $0x1  }
0x323: {  	[tilespmem:s29+$0x10600] =	vst v1;
	s29 =	sor.u32 $0x4C70, s25  }
0x324: {  	v1 =	vld [tilespmem:s29+$0x600]  }
0x325: {  	v2 =	vld [tilespmem:s29+$0x8600];
	_ =	sdelay $0x4  }
0x326: {  	v1 =	vadd.f32 v2, v1;
	_ =	sdelay $0x1  }
0x327: {  	[tilespmem:s29+$0x10600] =	vst v1  }
0x328: {  	v1 =	vld [tilespmem:s4+$0x5600]  }
0x329: {  	v2 =	vld [tilespmem:s4+$0xD600]  }
0x32a: {  	v5 =	vld [tilespmem:s4+$0x5610]  }
0x32b: {  	v6 =	vld [tilespmem:s4+$0xD610]  }
0x32c: {  	v7 =	vld [tilespmem:s4+$0x5620]  }
0x32d: {  	v50 =	vld [tilespmem:s4+$0xD620]  }
0x32e: {  	v51 =	vld [tilespmem:s4+$0x5630]  }
0x32f: {  	v52 =	vld [tilespmem:s4+$0xD630]  }
0x330: {  	v53 =	vld [tilespmem:s4+$0x5640]  }
0x331: {  	v54 =	vld [tilespmem:s4+$0xD640]  }
0x332: {  	v55 =	vld [tilespmem:s4+$0x5650]  }
0x333: {  	v56 =	vld [tilespmem:s4+$0xD650]  }
0x334: {  	v15 =	vld [tilespmem:s4+$0x5660]  }
0x335: {  	v1 =	vadd.f32 v2, v1;
	v2 =	vld [tilespmem:s4+$0xD660]  }
0x336: {  	v5 =	vadd.f32 v6, v5;
	v6 =	vld [tilespmem:s4+$0x5670]  }
0x337: {  	[tilespmem:s4+$0x15600] =	vst v1;
	v1 =	vadd.f32 v50, v7;
	v7 =	vld [tilespmem:s4+$0xD670]  }
0x338: {  	[tilespmem:s4+$0x15610] =	vst v5;
	v5 =	vadd.f32 v52, v51  }
0x339: {  	[tilespmem:s4+$0x15620] =	vst v1;
	v1 =	vadd.f32 v54, v53  }
0x33a: {  	[tilespmem:s4+$0x15630] =	vst v5;
	v5 =	vadd.f32 v56, v55  }
0x33b: {  	[tilespmem:s4+$0x15640] =	vst v1;
	v1 =	vadd.f32 v2, v15  }
0x33c: {  	[tilespmem:s4+$0x15650] =	vst v5;
	v2 =	vadd.f32 v7, v6  }
0x33d: {  	[tilespmem:s4+$0x15660] =	vst v1  }
0x33e: {  	s29 =	sor.u32 $0x5400, s25;
	[tilespmem:s4+$0x15670] =	vst v2  }
0x33f: {  	v1 =	vld [tilespmem:s29+$0x600]  }
0x340: {  	v2 =	vld [tilespmem:s29+$0x8600];
	_ =	sdelay $0x4  }
0x341: {  	v1 =	vadd.f32 v2, v1;
	_ =	sdelay $0x1  }
0x342: {  	[tilespmem:s29+$0x10600] =	vst v1;
	s29 =	sor.u32 $0x5410, s25  }
0x343: {  	v1 =	vld [tilespmem:s29+$0x600]  }
0x344: {  	v2 =	vld [tilespmem:s29+$0x8600];
	_ =	sdelay $0x4  }
0x345: {  	v1 =	vadd.f32 v2, v1;
	_ =	sdelay $0x1  }
0x346: {  	[tilespmem:s29+$0x10600] =	vst v1;
	s29 =	sor.u32 $0x5420, s25  }
0x347: {  	v1 =	vld [tilespmem:s29+$0x600]  }
0x348: {  	v2 =	vld [tilespmem:s29+$0x8600];
	_ =	sdelay $0x4  }
0x349: {  	v1 =	vadd.f32 v2, v1;
	_ =	sdelay $0x1  }
0x34a: {  	[tilespmem:s29+$0x10600] =	vst v1;
	s29 =	sor.u32 $0x5430, s25  }
0x34b: {  	v1 =	vld [tilespmem:s29+$0x600]  }
0x34c: {  	v2 =	vld [tilespmem:s29+$0x8600];
	_ =	sdelay $0x4  }
0x34d: {  	v1 =	vadd.f32 v2, v1;
	_ =	sdelay $0x1  }
0x34e: {  	[tilespmem:s29+$0x10600] =	vst v1;
	s29 =	sor.u32 $0x5440, s25  }
0x34f: {  	v1 =	vld [tilespmem:s29+$0x600]  }
0x350: {  	v2 =	vld [tilespmem:s29+$0x8600];
	_ =	sdelay $0x4  }
0x351: {  	v1 =	vadd.f32 v2, v1;
	_ =	sdelay $0x1  }
0x352: {  	[tilespmem:s29+$0x10600] =	vst v1;
	s29 =	sor.u32 $0x5450, s25  }
0x353: {  	v1 =	vld [tilespmem:s29+$0x600]  }
0x354: {  	v2 =	vld [tilespmem:s29+$0x8600];
	_ =	sdelay $0x4  }
0x355: {  	v1 =	vadd.f32 v2, v1;
	_ =	sdelay $0x1  }
0x356: {  	[tilespmem:s29+$0x10600] =	vst v1;
	s29 =	sor.u32 $0x5460, s25  }
0x357: {  	v1 =	vld [tilespmem:s29+$0x600]  }
0x358: {  	v2 =	vld [tilespmem:s29+$0x8600];
	_ =	sdelay $0x4  }
0x359: {  	v1 =	vadd.f32 v2, v1;
	_ =	sdelay $0x1  }
0x35a: {  	s25 =	sor.u32 $0x5470, s25;
	[tilespmem:s29+$0x10600] =	vst v1  }
0x35b: {  	v1 =	vld [tilespmem:s25+$0x600]  }
0x35c: {  	v2 =	vld [tilespmem:s25+$0x8600];
	_ =	sdelay $0x4  }
0x35d: {  	v1 =	vadd.f32 v2, v1;
	_ =	sdelay $0x1  }
0x35e: {  	[tilespmem:s25+$0x10600] =	vst v1  }
0x35f: {  	v1 =	vld [tilespmem:s4+$0x5E00]  }
0x360: {  	v2 =	vld [tilespmem:s4+$0xDE00]  }
0x361: {  	v5 =	vld [tilespmem:s4+$0x5E10]  }
0x362: {  	v6 =	vld [tilespmem:s4+$0xDE10]  }
0x363: {  	v7 =	vld [tilespmem:s4+$0x5E20]  }
0x364: {  	v57 =	vld [tilespmem:s4+$0xDE20]  }
0x365: {  	v58 =	vld [tilespmem:s4+$0x5E30]  }
0x366: {  	v59 =	vld [tilespmem:s4+$0xDE30]  }
0x367: {  	v60 =	vld [tilespmem:s4+$0x5E40]  }
0x368: {  	v61 =	vld [tilespmem:s4+$0xDE40]  }
0x369: {  	v62 =	vld [tilespmem:s4+$0x5E50]  }
0x36a: {  	v63 =	vld [tilespmem:s4+$0xDE50]  }
0x36b: {  	v15 =	vld [tilespmem:s4+$0x5E60]  }
0x36c: {  	v1 =	vadd.f32 v2, v1;
	v2 =	vld [tilespmem:s4+$0xDE60]  }
0x36d: {  	v5 =	vadd.f32 v6, v5;
	v6 =	vld [tilespmem:s4+$0x5E70]  }
0x36e: {  	[tilespmem:s4+$0x15E00] =	vst v1;
	v1 =	vadd.f32 v57, v7;
	v7 =	vld [tilespmem:s4+$0xDE70]  }
0x36f: {  	[tilespmem:s4+$0x15E10] =	vst v5;
	v5 =	vadd.f32 v59, v58  }
0x370: {  	[tilespmem:s4+$0x15E20] =	vst v1;
	v1 =	vadd.f32 v61, v60  }
0x371: {  	[tilespmem:s4+$0x15E30] =	vst v5;
	v5 =	vadd.f32 v63, v62  }
0x372: {  	[tilespmem:s4+$0x15E40] =	vst v1;
	v1 =	vadd.f32 v2, v15  }
0x373: {  	[tilespmem:s4+$0x15E50] =	vst v5;
	v2 =	vadd.f32 v7, v6  }
0x374: {  	s25 =	sor.u32 s23, s24;
	[tilespmem:s4+$0x15E60] =	vst v1  }
0x375: {  	s28 =	sor.u32 $0x5C00, s25;
	[tilespmem:s4+$0x15E70] =	vst v2  }
0x376: {  	v1 =	vld [tilespmem:s28+$0x600]  }
0x377: {  	v2 =	vld [tilespmem:s28+$0x8600];
	_ =	sdelay $0x4  }
0x378: {  	v1 =	vadd.f32 v2, v1;
	_ =	sdelay $0x1  }
0x379: {  	s29 =	sor.u32 $0x5C10, s25;
	[tilespmem:s28+$0x10600] =	vst v1  }
0x37a: {  	v1 =	vld [tilespmem:s29+$0x600]  }
0x37b: {  	v2 =	vld [tilespmem:s29+$0x8600];
	_ =	sdelay $0x4  }
0x37c: {  	v1 =	vadd.f32 v2, v1;
	_ =	sdelay $0x1  }
0x37d: {  	s28 =	sor.u32 $0x5C20, s25;
	[tilespmem:s29+$0x10600] =	vst v1  }
0x37e: {  	v1 =	vld [tilespmem:s28+$0x600]  }
0x37f: {  	v2 =	vld [tilespmem:s28+$0x8600];
	_ =	sdelay $0x4  }
0x380: {  	v1 =	vadd.f32 v2, v1;
	_ =	sdelay $0x1  }
0x381: {  	s29 =	sor.u32 $0x5C30, s25;
	[tilespmem:s28+$0x10600] =	vst v1  }
0x382: {  	v1 =	vld [tilespmem:s29+$0x600]  }
0x383: {  	v2 =	vld [tilespmem:s29+$0x8600];
	_ =	sdelay $0x4  }
0x384: {  	v1 =	vadd.f32 v2, v1;
	_ =	sdelay $0x1  }
0x385: {  	s28 =	sor.u32 $0x5C40, s25;
	[tilespmem:s29+$0x10600] =	vst v1  }
0x386: {  	v1 =	vld [tilespmem:s28+$0x600]  }
0x387: {  	v2 =	vld [tilespmem:s28+$0x8600];
	_ =	sdelay $0x4  }
0x388: {  	v1 =	vadd.f32 v2, v1;
	_ =	sdelay $0x1  }
0x389: {  	s29 =	sor.u32 $0x5C50, s25;
	[tilespmem:s28+$0x10600] =	vst v1  }
0x38a: {  	v1 =	vld [tilespmem:s29+$0x600]  }
0x38b: {  	v2 =	vld [tilespmem:s29+$0x8600];
	_ =	sdelay $0x4  }
0x38c: {  	v1 =	vadd.f32 v2, v1;
	_ =	sdelay $0x1  }
0x38d: {  	s28 =	sor.u32 $0x5C60, s25;
	[tilespmem:s29+$0x10600] =	vst v1  }
0x38e: {  	v1 =	vld [tilespmem:s28+$0x600]  }
0x38f: {  	v2 =	vld [tilespmem:s28+$0x8600];
	_ =	sdelay $0x4  }
0x390: {  	v1 =	vadd.f32 v2, v1;
	_ =	sdelay $0x1  }
0x391: {  	s29 =	sor.u32 $0x5C70, s25;
	[tilespmem:s28+$0x10600] =	vst v1  }
0x392: {  	v1 =	vld [tilespmem:s29+$0x600]  }
0x393: {  	v2 =	vld [tilespmem:s29+$0x8600];
	_ =	sdelay $0x1  }
0x394: {  	p2 =	sne.s32 s24, $0x3C00  }
.Ltmp6:
0x395: {  	_ = 	snop;
	(pc) =	sbr.rel @p2 .LBB2_11-.Ltmp6, $3  }
0x396: {  	_ = 	snop  }
0x397: {  	v1 =	vadd.f32 v2, v1;
	_ =	sdelay $0x1  }
0x398: {  	s23 =	sadd.s32 $0x80, s23;
	s24 =	sadd.s32 $0x400, s24;
	[tilespmem:s29+$0x10600] =	vst v1  }
0x399: {  	s4 =	sadd.s32 s22, s9  }
0x39a: {  	s4 =	sshll.u32 s4, $0x4  }
0x39b: {  	s4 =	sadd.s32 s7, s4  }
0x39c: {  	s4 =	sadd.s32 $0x100, s4  }
0x39d: {  	v1 =	vadd.s32 s4, v17  }
0x39e: {  	v2 =	vmov s4;
	v5 =	vshll.u32 v1, $0x3  }
0x39f: {  	v2 =	vand.u32 $0x7, v2;
	v5 =	vand.u32 $0xFFFFFFC0, v5  }
0x3a0: {  	v2 =	vor.u32 v2, v5  }
0x3a1: {  	v5 =	vperm.xlane v2, v16;
	_ =	sdelay $0x1  }
0x3a2: {  	v5 =	vadd.s32 v3, v5;
	_ =	sdelay $0x3  }
0x3a3: {  	s23 =	simm.s32 $0x14600;
	[tilespmem:$0x18680] =	vst v1  }
0x3a4: {  	[hbm4b:s5+s6] =	stream.indirect_vreg.scatter [tilespmem:s23], [sflag:$0x6], $0x80, v5, vm0, $0xb8;
	[tilespmem:$0x1CF80] =	vst v63  }
0x3a5: {  	s24 =	simm.s32 $0x14E00;
	v1 =	vperm.xlane v2, v4  }
0x3a6: {  	[hbm4b:s11+s6] =	stream.indirect_vreg.scatter [tilespmem:s24], [sflag:$0x6], $0x80, v5, vm0, $0xb8;
	[tilespmem:$0x1CF80] =	vst v63  }
0x3a7: {  	s25 =	simm.s32 $0x15600;
	v1 =	vadd.s32 v3, v1  }
0x3a8: {  	[hbm4b:s12+s6] =	stream.indirect_vreg.scatter [tilespmem:s25], [sflag:$0x6], $0x80, v5, vm0, $0xb8;
	[tilespmem:$0x1CF80] =	vst v63  }
0x3a9: {  	s28 =	simm.s32 $0x15E00  }
0x3aa: {  	[hbm4b:s13+s6] =	stream.indirect_vreg.scatter [tilespmem:s28], [sflag:$0x6], $0x80, v5, vm0, $0xb8;
	[tilespmem:$0x1CF80] =	vst v63  }
0x3ab: {  	s29 =	simm.s32 $0x16600  }
0x3ac: {  	[hbm4b:s5+s6] =	stream.indirect_vreg.scatter [tilespmem:s29], [sflag:$0x6], $0x80, v1, vm0, $0xb8;
	[tilespmem:$0x1CF80] =	vst v63  }
0x3ad: {  	_ = 	snop  }
0x3ae: {  	[hbm4b:s11+s6] =	stream.indirect_vreg.scatter [tilespmem:s30], [sflag:$0x6], $0x80, v1, vm0, $0xb8;
	[tilespmem:$0x1CF80] =	vst v63  }
.Ltmp7:
0x3af: {  	_ = 	snop;
	(pc) =	sbr.rel @p1 .LBB2_14-.Ltmp7, $4  }
0x3b0: {  	_ = 	snop  }
0x3b1: {  	[hbm4b:s12+s6] =	stream.indirect_vreg.scatter [tilespmem:s31], [sflag:$0x6], $0x80, v1, vm0, $0xb8;
	[tilespmem:$0x1CF80] =	vst v63  }
0x3b2: {  	_ = 	snop  }
0x3b3: {  	[hbm4b:s13+s6] =	stream.indirect_vreg.scatter [tilespmem:s3], [sflag:$0x6], $0x80, v1, vm0, $0xb8;
	[tilespmem:$0x1CF80] =	vst v63  }
0x3b4: {  	v1 =	vld [tilespmem:s22+$0x230];
	_ =	sdelay $0x4  }
0x3b5: {  	v2 =	vshll.u32 v1, $0x3  }
0x3b6: {  	v1 =	vand.u32 $0x7, v1;
	v2 =	vand.u32 $0xFFFFFFC0, v2  }
0x3b7: {  	v1 =	vor.u32 v1, v2  }
0x3b8: {  	v2 =	vperm.xlane v1, v16;
	_ =	sdelay $0x1  }
0x3b9: {  	v2 =	vadd.s32 v3, v2;
	_ =	sdelay $0x3  }
0x3ba: {  	s4 =	simm.s32 $0x4600  }
0x3bb: {  	[tilespmem:s4], [sflag:$0x2] =	stream.indirect_vreg.gather [hbm4b:s1+s6], $0x80, v2, vm0, $0xb8;
	[tilespmem:$0x1CF80] =	vst v63  }
0x3bc: {  	s24 =	simm.s32 $0x4E00;
	v1 =	vperm.xlane v1, v4  }
0x3bd: {  	[tilespmem:s24], [sflag:$0x2] =	stream.indirect_vreg.gather [hbm4b:s14+s6], $0x80, v2, vm0, $0xb8;
	[tilespmem:$0x1CF80] =	vst v63  }
0x3be: {  	s25 =	simm.s32 $0x5600;
	v1 =	vadd.s32 v3, v1  }
0x3bf: {  	[tilespmem:s25], [sflag:$0x2] =	stream.indirect_vreg.gather [hbm4b:s15+s6], $0x80, v2, vm0, $0xb8;
	[tilespmem:$0x1CF80] =	vst v63  }
0x3c0: {  	s28 =	simm.s32 $0x5E00  }
0x3c1: {  	[tilespmem:s28], [sflag:$0x2] =	stream.indirect_vreg.gather [hbm4b:s16+s6], $0x80, v2, vm0, $0xb8;
	[tilespmem:$0x1CF80] =	vst v63  }
0x3c2: {  	s29 =	simm.s32 $0x6600  }
0x3c3: {  	[tilespmem:s29], [sflag:$0x2] =	stream.indirect_vreg.gather [hbm4b:s1+s6], $0x80, v1, vm0, $0xb8;
	[tilespmem:$0x1CF80] =	vst v63  }
0x3c4: {  	s23 =	simm.s32 $0x6E00  }
0x3c5: {  	[tilespmem:s23], [sflag:$0x2] =	stream.indirect_vreg.gather [hbm4b:s14+s6], $0x80, v1, vm0, $0xb8;
	[tilespmem:$0x1CF80] =	vst v63  }
0x3c6: {  	s24 =	simm.s32 $0x7600  }
0x3c7: {  	[tilespmem:s24], [sflag:$0x2] =	stream.indirect_vreg.gather [hbm4b:s15+s6], $0x80, v1, vm0, $0xb8;
	[tilespmem:$0x1CF80] =	vst v63  }
0x3c8: {  	s25 =	simm.s32 $0x7E00  }
0x3c9: {  	[tilespmem:s25], [sflag:$0x2] =	stream.indirect_vreg.gather [hbm4b:s16+s6], $0x80, v1, vm0, $0xb8;
	[tilespmem:$0x1CF80] =	vst v63  }
0x3ca: {  	v1 =	vld [tilespmem:s22+$0x430];
	_ =	sdelay $0x4  }
0x3cb: {  	v2 =	vshll.u32 v1, $0x3  }
0x3cc: {  	v1 =	vand.u32 $0x7, v1;
	v2 =	vand.u32 $0xFFFFFFC0, v2  }
0x3cd: {  	v1 =	vor.u32 v1, v2  }
0x3ce: {  	v2 =	vperm.xlane v1, v16;
	_ =	sdelay $0x1  }
0x3cf: {  	v2 =	vadd.s32 v3, v2;
	_ =	sdelay $0x3  }
0x3d0: {  	s28 =	simm.s32 $0xC600  }
0x3d1: {  	[tilespmem:s28], [sflag:$0x4] =	stream.indirect_vreg.gather [hbm4b:s2+s6], $0x80, v2, vm0, $0xb8;
	[tilespmem:$0x1CF80] =	vst v63  }
0x3d2: {  	s29 =	simm.s32 $0xCE00;
	v1 =	vperm.xlane v1, v4  }
0x3d3: {  	[tilespmem:s29], [sflag:$0x4] =	stream.indirect_vreg.gather [hbm4b:s17+s6], $0x80, v2, vm0, $0xb8;
	[tilespmem:$0x1CF80] =	vst v63  }
0x3d4: {  	s22 =	simm.s32 $0xD600;
	v1 =	vadd.s32 v3, v1  }
0x3d5: {  	[tilespmem:s22], [sflag:$0x4] =	stream.indirect_vreg.gather [hbm4b:s18+s6], $0x80, v2, vm0, $0xb8;
	[tilespmem:$0x1CF80] =	vst v63  }
0x3d6: {  	s23 =	simm.s32 $0xDE00  }
0x3d7: {  	[tilespmem:s23], [sflag:$0x4] =	stream.indirect_vreg.gather [hbm4b:s19+s6], $0x80, v2, vm0, $0xb8;
	[tilespmem:$0x1CF80] =	vst v63  }
0x3d8: {  	s24 =	simm.s32 $0xE600  }
0x3d9: {  	[tilespmem:s24], [sflag:$0x4] =	stream.indirect_vreg.gather [hbm4b:s2+s6], $0x80, v1, vm0, $0xb8;
	[tilespmem:$0x1CF80] =	vst v63  }
0x3da: {  	s25 =	simm.s32 $0xEE00  }
0x3db: {  	[tilespmem:s25], [sflag:$0x4] =	stream.indirect_vreg.gather [hbm4b:s17+s6], $0x80, v1, vm0, $0xb8;
	[tilespmem:$0x1CF80] =	vst v63  }
.Ltmp8:
0x3dc: {  	_ = 	snop;
	(pc) =	sbr.rel .LBB2_8-.Ltmp8, $4  }
0x3dd: {  	s28 =	simm.s32 $0xF600  }
0x3de: {  	[tilespmem:s28], [sflag:$0x4] =	stream.indirect_vreg.gather [hbm4b:s18+s6], $0x80, v1, vm0, $0xb8;
	[tilespmem:$0x1CF80] =	vst v63  }
0x3df: {  	s0 =	sadd.s32 $0x1, s0;
	s29 =	simm.s32 $0xFE00  }
0x3e0: {  	[tilespmem:s29], [sflag:$0x4] =	stream.indirect_vreg.gather [hbm4b:s19+s6], $0x80, v1, vm0, $0xb8;
	[tilespmem:$0x1CF80] =	vst v63  }
.LBB2_15:
0x3e1: {  	_ =	sfence.sel $0x180000  }
0x3e2: {  	[bflag:$0x0] =	sbarrier.arrive $0xFFFF  }
0x3e3: {  	_ =	strace $0x90000047  }
0x3e4: {  	s0 =	stileid.u32;
	[bflag:$0x2] =	sbarrier.arrive $0xFFFF  }
0x3e5: {  	p0 =	sne.s32 s0, $0x0;
	s0 =	rddreg [dreg:$0x5]  }
0x3e6: {  	s0 =	sadd.s32 @!p0 $0x100000, s0  }
0x3e7: {  	[sflag:s0] =	ssyncadd.tile.s32 @!p0 $0x1;
	_ =	shalt  }
.Lfunc_end2:
_tile_overlayer_lowered:
.L_overlay_start_2:
0x3e8: {  	(tag) =	ssettag $0x2  }
0x3e9: {  	s0 =	rddreg [dreg:$0x0];
	s2 =	stileid.u32  }
0x3ea: {  	s1 =	rddreg [dreg:$0x1];
	p0 =	sne.s32 s2, $0x0  }
0x3eb: {  	s3 =	rddreg [dreg:$0x2];
	[bflag:$0x3] =	sbarrier.arrive $0xFFFF;
	s2 =	simm.s32 @!p0 $0x1C08  }
0x3ec: {  	[timem:s3], [sflag:s2] =	dma.local @!p0 [hbm:s0], s1  }
0x3ed: {  	s0 =	simm.s32 @!p0 $0x8  }
0x3ee: {  	_ =	swait.ge @!p0 [sflag:s0], s1  }
0x3ef: {  	s1 =	ssub.s32 @!p0 $0x0, s1;
	[sflag:s0] =	ssyncset.done @!p0 $0x0  }
0x3f0: {  	[sflag:s0] =	ssyncadd.s32 @!p0 s1  }
0x3f1: {  	[bflag:$0x3] =	sbarrier.arrive $0xFFFF  }
0x3f2: {  	_ =	shalt  }

</sc_bundles>
